<compile_context>
chip_gen: v7x
topology: tpu7x:2x2x1
jax: 0.10.2.dev20260603
libtpu: 0.0.44.dev20260713+nightly
codegen_flags: <defaults>
</compile_context>

<pallas_src>
import functools

import jax
import jax.numpy as jnp
from jax import lax
from jax.experimental import pallas as pl
from jax.experimental.pallas import tpu as pltpu
from jax.experimental.pallas import tpu_sc as plsc

N = 16384
V = 1000000
DIM = 64
SEL = 2
OUT_W = DIM + SEL
PAD_W = 128

NC = 2
NS = 16
L = 16
NW = NC * NS

WIN = 256
NWIN_TOT = V // WIN
TAIL_BASE = NWIN_TOT * WIN
TAIL_W = V - TAIL_BASE
WPW = NWIN_TOT // NW

CAP = 672
DUMP = N
OUT_ROWS = N + 8

IDX_CHUNK = 1024


def _make_sc_gather():
    mesh = plsc.VectorSubcoreMesh(core_axis_name="c", subcore_axis_name="s")

    @functools.partial(
        pl.kernel,
        mesh=mesh,
        out_type=jax.ShapeDtypeStruct((OUT_ROWS, PAD_W), jnp.float32),
        compiler_params=pltpu.CompilerParams(needs_layout_passes=False),
        scratch_types=[
            pltpu.VMEM((IDX_CHUNK,), jnp.int32),
            pltpu.VMEM((CAP,), jnp.int32),
            pltpu.VMEM((CAP,), jnp.int32),
            pltpu.VMEM((CAP,), jnp.int32),
            pltpu.VMEM((2, 64, WIN), jnp.float32),
            pltpu.VMEM((64, PAD_W), jnp.float32),
            pltpu.VMEM((CAP, PAD_W), jnp.float32),
            pltpu.SemaphoreType.DMA,
            pltpu.SemaphoreType.DMA,
            pltpu.SemaphoreType.DMA,
        ],
    )
    def k(vocab_hbm, tab_hbm, tail_hbm, out_hbm,
          idx_v, myv, myn, nlist, stage, tailst, rows, sem0, sem1, sem2):
        cid = lax.axis_index("c")
        scid = lax.axis_index("s")
        wid = scid * NC + cid
        is_last = wid == NW - 1
        nwin = WPW + jnp.where(is_last, NWIN_TOT - NW * WPW, 0)
        lo = wid * (WPW * WIN)
        hi = jnp.where(is_last, V, lo + WPW * WIN)

        lanes = lax.iota(jnp.int32, L)
        zeros = jnp.zeros((L,), jnp.int32)

        def bin_outer(s, cnt):
            pltpu.sync_copy(vocab_hbm.at[pl.ds(s * IDX_CHUNK, IDX_CHUNK)],
                            idx_v)

            def bin_inner(c, cnt):
                v = idx_v[pl.ds(c * L, L)]
                m = (v >= lo) & (v < hi)
                slot = jnp.minimum(cnt, CAP - L)
                plsc.store_compressed(myv.at[pl.ds(slot, L)], v, mask=m)
                n = lanes + (s * IDX_CHUNK + c * L)
                plsc.store_compressed(myn.at[pl.ds(slot, L)], n, mask=m)
                return cnt + jnp.sum(m.astype(jnp.int32))

            return lax.fori_loop(0, IDX_CHUNK // L, bin_inner, cnt)

        cnt = lax.fori_loop(0, N // IDX_CHUNK, bin_outer, 0)
        nchunk = (cnt + L - 1) // L

        def dump_body(c, _):
            nlist[pl.ds(c * L, L)] = jnp.full((L,), DUMP, jnp.int32)
            return 0

        lax.fori_loop(0, CAP // L, dump_body, 0)

        def extract(st_ref, st_w, win_lo, win_w, c, _):
            gpos = lanes + c * L
            v = myv[pl.ds(c * L, L)]
            m = (v >= win_lo) & (v < win_lo + win_w) & (gpos < cnt)
            km = jnp.sum(m.astype(jnp.int32))

            @pl.when(km > 0)
            def _():
                n = myn[pl.ds(c * L, L)]
                cols = jnp.where(m, v - win_lo, 0)
                slotv = gpos
                plsc.store_scatter(nlist, [slotv], n, mask=m)
                for dd in range(DIM):
                    vals = plsc.load_gather(
                        st_ref, [zeros + dd, cols], mask=m)
                    plsc.store_scatter(
                        rows, [slotv, zeros + dd], vals, mask=m)
            return 0

        bufs = (stage.at[0], stage.at[1])
        sems = (sem0, sem1)

        def start(g, b):
            @pl.when(g < nwin)
            def _():
                pltpu.async_copy(
                    tab_hbm.at[:, pl.ds(lo + g * WIN, WIN)], bufs[b], sems[b])

        def wait_extract(g, b):
            @pl.when(g < nwin)
            def _():
                pltpu.make_async_copy(
                    tab_hbm.at[:, pl.ds(lo + g * WIN, WIN)],
                    bufs[b], sems[b]).wait()
                lax.fori_loop(
                    0, nchunk,
                    functools.partial(extract, bufs[b], WIN, lo + g * WIN,
                                      WIN), 0)

        start(0, 0)
        start(1, 1)

        def pair_body(p, _):
            g = 2 * p
            wait_extract(g, 0)
            start(g + 2, 0)
            wait_extract(g + 1, 1)
            start(g + 3, 1)
            return 0

        max_pairs = (WPW + (NWIN_TOT - NW * WPW) + 1) // 2
        lax.fori_loop(0, max_pairs, pair_body, 0)

        @pl.when(is_last)
        def _():
            tail_buf = tailst
            pltpu.sync_copy(tail_hbm, tail_buf)
            lax.fori_loop(
                0, nchunk,
                functools.partial(extract, tail_buf, PAD_W, TAIL_BASE,
                                  TAIL_W), 0)

        pltpu.async_copy(rows, out_hbm.at[nlist], sem2).wait()

    return k


TC_ROWS = 1024


def _tc_finish(rows_ref, sid_ref, st_ref, o_ref):
    emb = rows_ref[:, :DIM]
    pick0 = sid_ref[...] == 0
    selrow = jnp.where(pick0, st_ref[0:1, :], st_ref[1:2, :])
    o_ref[...] = jnp.concatenate([emb, selrow], axis=1)


def _make_tc_finish():
    return pl.pallas_call(
        _tc_finish,
        grid=(N // TC_ROWS,),
        in_specs=[
            pl.BlockSpec((TC_ROWS, PAD_W), lambda i: (i, 0)),
            pl.BlockSpec((TC_ROWS, 1), lambda i: (i, 0)),
            pl.BlockSpec((2, SEL), lambda i: (0, 0)),
        ],
        out_specs=pl.BlockSpec((TC_ROWS, OUT_W), lambda i: (i, 0)),
        out_shape=jax.ShapeDtypeStruct((N, OUT_W), jnp.float32),
    )


@jax.jit
def kernel(vocab_ids, selector_ids, table, selector_table):
    vocab_ids = vocab_ids.astype(jnp.int32)
    selector_ids = selector_ids.astype(jnp.int32)
    tab_t = table.T
    tail = jnp.pad(tab_t[:, TAIL_BASE:], ((0, 0), (0, PAD_W - TAIL_W)))
    rows = _make_sc_gather()(vocab_ids, tab_t, tail)
    return _make_tc_finish()(rows,
                             selector_ids.reshape(N, 1),
                             selector_table.astype(jnp.float32))

# --- scband reference (transcript-rebuilt; emitter-appended) ---
"""Pipeline reference for scband-node-embeddings-16492674417500 (READ-ONLY COPY).

The authoritative reference and input builder live on the scoring server;
editing this copy changes nothing except your own understanding.
"""

import jax, jax.numpy as jnp
import numpy as np

VOCAB = 1000000
DIM = 64
N = 16384
SELECTOR_VALUE = 50.0


def setup_inputs(seed: int = 0) -> dict:
    key = jax.random.key(seed)
    k1, k2, k3 = jax.random.split(key, 3)
    vocab_ids = jax.random.randint(k1, (N,), 0, VOCAB)
    selector_ids = jax.random.randint(k2, (N,), 0, 2)
    # nn.Embedding default init is N(0,1)
    table = jax.random.normal(k3, (VOCAB, DIM), dtype=jnp.float32)
    selector_table = jnp.array([[SELECTOR_VALUE, 0.0], [0.0, SELECTOR_VALUE]], dtype=jnp.float32)
    return {"vocab_ids": vocab_ids, "selector_ids": selector_ids, "table": table, "selector_table": selector_table}


def reference(vocab_ids, selector_ids, table, selector_table):
    embeddings = jnp.take(table, vocab_ids, axis=0)            # [N, DIM]
    selector_embeddings = jnp.take(selector_table, selector_ids, axis=0)  # [N, 2]
    return jnp.concatenate((embeddings, selector_embeddings), axis=1)     # [N, DIM + 2]

if __name__ == "__main__":
    import jax
    _d = setup_inputs()
    print(jax.jit(kernel)(*tuple(_d.values())))

</pallas_src>

<mosaic_0001>
#map = affine_map<(d0, d1) -> (0)>
#map1 = affine_map<(d0, d1) -> (0, 0)>
module attributes {stable_mosaic.version = 14 : i64} {
  func.func @k(%arg0: i32, %arg1: i32, %arg2: memref<16384xi32, #tpu.memory_space<hbm>>, %arg3: memref<64x1000000xf32, #tpu.memory_space<hbm>>, %arg4: memref<64x128xf32, #tpu.memory_space<hbm>>, %arg5: memref<16392x128xf32, #tpu.memory_space<hbm>>, %arg6: memref<1024xi32, #tpu.memory_space<vmem>>, %arg7: memref<672xi32, #tpu.memory_space<vmem>>, %arg8: memref<672xi32, #tpu.memory_space<vmem>>, %arg9: memref<672xi32, #tpu.memory_space<vmem>>, %arg10: memref<2x64x256xf32, #tpu.memory_space<vmem>>, %arg11: memref<64x128xf32, #tpu.memory_space<vmem>>, %arg12: memref<672x128xf32, #tpu.memory_space<vmem>>, %arg13: memref<!tpu.dma_semaphore, #tpu.memory_space<semaphore_mem>>, %arg14: memref<!tpu.dma_semaphore, #tpu.memory_space<semaphore_mem>>, %arg15: memref<!tpu.dma_semaphore, #tpu.memory_space<semaphore_mem>>) attributes {dimension_semantics = [#tpu.dimension_semantics<core_parallel>, #tpu.dimension_semantics<subcore_parallel>], iteration_bounds = array<i64: 2, 16>, scalar_prefetch = 0 : i64, scratch_operands = 10 : i64, tpu.core_type = #tpu.core_type<sc_vector_subcore>, window_params = [{transform_indices = #map}, {transform_indices = #map1}, {transform_indices = #map1}, {transform_indices = #map1}]} {
    %mul3A = arith.constant 2 : i32
    %mul3A_0 = arith.muli %arg1, %mul3A : i32
    %add3A = arith.addi %mul3A_0, %arg0 : i32
    %eq3A = arith.constant 31 : i32
    %eq3A_1 = arith.cmpi eq, %add3A, %eq3A : i32
    %jit3A = arith.constant 2 : i32
    %jit3A_2 = arith.constant 0 : i32
    %select_n3A = arith.select %eq3A_1, %jit3A, %jit3A_2 : i32
    %add3A_3 = arith.constant 122 : i32
    %add3A_4 = arith.addi %add3A_3, %select_n3A : i32
    %mul3A_5 = arith.constant 31232 : i32
    %mul3A_6 = arith.muli %add3A, %mul3A_5 : i32
    %add3A_7 = arith.constant 31232 : i32
    %add3A_8 = arith.addi %mul3A_6, %add3A_7 : i32
    %jit3A_9 = arith.constant 1000000 : i32
    %select_n3A_10 = arith.select %eq3A_1, %jit3A_9, %add3A_8 : i32
    %iota3A = tpu.iota {dimensions = array<i32: 0>} : vector<16xi32>
    %broadcast_in_dim3A = arith.constant 0 : i32
    %broadcast_in_dim3A_11 = vector.broadcast %broadcast_in_dim3A : i32 to vector<16xi32>
    %scan3A = arith.constant 0 : i32
    %scan3A_12 = arith.constant 0 : i32
    %scan3A_13 = arith.constant 16 : i32
    %scan3A_14 = arith.addi %scan3A_12, %scan3A_13 : i32
    %scan3A_15 = arith.constant 1 : i32
    %scan3A_16 = scf.for %scan3A_72 = %scan3A_12 to %scan3A_14 step %scan3A_15 iter_args(%scan3A_73 = %scan3A) -> (i32)  : i32 {
      %mul3A_74 = arith.constant 1024 : i32
      %mul3A_75 = arith.muli %scan3A_72, %mul3A_74 : i32
      "tpu.region"() ({
        %run_scoped3A = tpu.sem_alloc : memref<!tpu.dma_semaphore, #tpu.memory_space<semaphore_mem>>
        %dma_start3A_82 = tpu.memref_slice %arg2[%mul3A_75] : memref<16384xi32, #tpu.memory_space<hbm>> -> memref<1024xi32, #tpu.memory_space<hbm>>
        %dma_start3A_83 = tpu.memref_slice %arg2[%mul3A_75] : memref<16384xi32, #tpu.memory_space<hbm>> -> memref<1024xi32, #tpu.memory_space<hbm>>
        tpu.enqueue_dma source(%dma_start3A_83 : memref<1024xi32, #tpu.memory_space<hbm>>) target(%arg6 : memref<1024xi32, #tpu.memory_space<vmem>>) target_semaphore(%run_scoped3A : memref<!tpu.dma_semaphore, #tpu.memory_space<semaphore_mem>>)
        %dma_wait3A_84 = tpu.memref_slice %arg2[%mul3A_75] : memref<16384xi32, #tpu.memory_space<hbm>> -> memref<1024xi32, #tpu.memory_space<hbm>>
        %dma_wait3A_85 = tpu.memref_slice %arg2[%mul3A_75] : memref<16384xi32, #tpu.memory_space<hbm>> -> memref<1024xi32, #tpu.memory_space<hbm>>
        tpu.wait_dma2 semaphore(%run_scoped3A : memref<!tpu.dma_semaphore, #tpu.memory_space<semaphore_mem>>) src(%dma_wait3A_85 : memref<1024xi32, #tpu.memory_space<hbm>>) dst(%arg6 : memref<1024xi32, #tpu.memory_space<vmem>>)
        tpu.yield
      }) : () -> ()
      %scan3A_76 = arith.constant 0 : i32
      %scan3A_77 = arith.constant 64 : i32
      %scan3A_78 = arith.addi %scan3A_76, %scan3A_77 : i32
      %scan3A_79 = arith.constant 1 : i32
      %scan3A_80 = scf.for %scan3A_82 = %scan3A_76 to %scan3A_78 step %scan3A_79 iter_args(%scan3A_83 = %scan3A_73) -> (i32)  : i32 {
        %mul3A_84 = arith.constant 16 : i32
        %mul3A_85 = arith.muli %scan3A_82, %mul3A_84 : i32
        %get3A = arith.index_cast %mul3A_85 : i32 to index
        %get3A_86 = tpu.vector_load %arg6[%get3A] {strides = array<i32>} : memref<1024xi32, #tpu.memory_space<vmem>>, vector<16xi32>,
        %ge3A = vector.broadcast %mul3A_6 : i32 to vector<16xi32>
        %ge3A_87 = arith.cmpi sge, %get3A_86, %ge3A : vector<16xi32>
        %lt3A = vector.broadcast %select_n3A_10 : i32 to vector<16xi32>
        %lt3A_88 = arith.cmpi slt, %get3A_86, %lt3A : vector<16xi32>
        %and3A_89 = arith.andi %ge3A_87, %lt3A_88 : vector<16xi1>
        %min3A = arith.constant 656 : i32
        %min3A_90 = arith.minsi %scan3A_83, %min3A : i32
        %swap3A = arith.index_cast %min3A_90 : i32 to index
        %swap3A_91 = tpu.vector_load %arg7[%swap3A] masked %and3A_89 {strides = array<i32>} : memref<672xi32, #tpu.memory_space<vmem>>, vector<16xi32>, vector<16xi1>
        tpu.vector_store %arg7[%swap3A], %get3A_86 masked %and3A_89 {strides = array<i32>} : memref<672xi32, #tpu.memory_space<vmem>>, vector<16xi32>, vector<16xi1>
        %mul3A_92 = arith.constant 1024 : i32
        %mul3A_93 = arith.muli %scan3A_72, %mul3A_92 : i32
        %mul3A_94 = arith.constant 16 : i32
        %mul3A_95 = arith.muli %scan3A_82, %mul3A_94 : i32
        %add3A_96 = arith.addi %mul3A_93, %mul3A_95 : i32
        %add3A_97 = vector.broadcast %add3A_96 : i32 to vector<16xi32>
        %add3A_98 = arith.addi %iota3A, %add3A_97 : vector<16xi32>
        %swap3A_99 = arith.index_cast %min3A_90 : i32 to index
        %swap3A_100 = tpu.vector_load %arg8[%swap3A_99] masked %and3A_89 {strides = array<i32>} : memref<672xi32, #tpu.memory_space<vmem>>, vector<16xi32>, vector<16xi1>
        tpu.vector_store %arg8[%swap3A_99], %add3A_98 masked %and3A_89 {strides = array<i32>} : memref<672xi32, #tpu.memory_space<vmem>>, vector<16xi32>, vector<16xi1>
        %convert_element_type3A_101 = arith.extui %and3A_89 : vector<16xi1> to vector<16xi32>
        %reduce_sum3A = arith.constant true
        %reduce_sum3A_102 = vector.broadcast %reduce_sum3A : i1 to vector<16xi1>
        %reduce_sum3A_103 = tpu.scan <sum>, %convert_element_type3A_101 masked %reduce_sum3A_102 : vector<16xi32>, vector<16xi1> -> vector<16xi32>
        %reduce_sum3A_104 = vector.extract %reduce_sum3A_103[15] : i32 from vector<16xi32>
        %add3A_105 = arith.addi %scan3A_83, %reduce_sum3A_104 : i32
        scf.yield %add3A_105 : i32
      }
      %scan3A_81 = arith.constant 64 : i32
      scf.yield %scan3A_80 : i32
    }
    %scan3A_17 = arith.constant 16 : i32
    %add3A_18 = arith.constant 16 : i32
    %add3A_19 = arith.addi %scan3A_16, %add3A_18 : i32
    %sub3A = arith.constant 1 : i32
    %sub3A_20 = arith.subi %add3A_19, %sub3A : i32
    %jit3A_21 = arith.constant 16 : i32
    %div3A = arith.divsi %sub3A_20, %jit3A_21 : i32
    %sign3A = arith.constant 0 : i32
    %sign3A_22 = arith.cmpi sgt, %sub3A_20, %sign3A : i32
    %sign3A_23 = arith.extui %sign3A_22 : i1 to i32
    %sign3A_24 = arith.constant 0 : i32
    %sign3A_25 = arith.cmpi slt, %sub3A_20, %sign3A_24 : i32
    %sign3A_26 = arith.extui %sign3A_25 : i1 to i32
    %sign3A_27 = arith.subi %sign3A_23, %sign3A_26 : i32
    %sign3A_28 = arith.constant 0 : i32
    %sign3A_29 = arith.cmpi sgt, %jit3A_21, %sign3A_28 : i32
    %sign3A_30 = arith.extui %sign3A_29 : i1 to i32
    %sign3A_31 = arith.constant 0 : i32
    %sign3A_32 = arith.cmpi slt, %jit3A_21, %sign3A_31 : i32
    %sign3A_33 = arith.extui %sign3A_32 : i1 to i32
    %sign3A_34 = arith.subi %sign3A_30, %sign3A_33 : i32
    %ne3A = arith.cmpi ne, %sign3A_27, %sign3A_34 : i32
    %rem3A = arith.remsi %sub3A_20, %jit3A_21 : i32
    %ne3A_35 = arith.constant 0 : i32
    %ne3A_36 = arith.cmpi ne, %rem3A, %ne3A_35 : i32
    %and3A = arith.andi %ne3A, %ne3A_36 : i1
    %sub3A_37 = arith.constant 1 : i32
    %sub3A_38 = arith.subi %div3A, %sub3A_37 : i32
    %select_n3A_39 = arith.select %and3A, %sub3A_38, %div3A : i32
    %scan3A_40 = arith.constant 0 : i32
    %scan3A_41 = arith.constant 0 : i32
    %scan3A_42 = arith.constant 42 : i32
    %scan3A_43 = arith.addi %scan3A_41, %scan3A_42 : i32
    %scan3A_44 = arith.constant 1 : i32
    %scan3A_45 = scf.for %scan3A_72 = %scan3A_41 to %scan3A_43 step %scan3A_44 iter_args(%scan3A_73 = %scan3A_40) -> (i32)  : i32 {
      %broadcast_in_dim3A_74 = arith.constant 16384 : i32
      %broadcast_in_dim3A_75 = vector.broadcast %broadcast_in_dim3A_74 : i32 to vector<16xi32>
      %mul3A_76 = arith.constant 16 : i32
      %mul3A_77 = arith.muli %scan3A_72, %mul3A_76 : i32
      %swap3A = arith.index_cast %mul3A_77 : i32 to index
      %swap3A_78 = tpu.vector_load %arg9[%swap3A] {strides = array<i32>} : memref<672xi32, #tpu.memory_space<vmem>>, vector<16xi32>,
      tpu.vector_store %arg9[%swap3A], %broadcast_in_dim3A_75 {strides = array<i32>} : memref<672xi32, #tpu.memory_space<vmem>>, vector<16xi32>,
      %scan3A_79 = arith.constant 0 : i32
      scf.yield %scan3A_79 : i32
    }
    %scan3A_46 = arith.constant 42 : i32
    %gt3A = arith.constant 0 : i32
    %gt3A_47 = arith.cmpi sgt, %add3A_4, %gt3A : i32
    %convert_element_type3A = arith.extui %gt3A_47 : i1 to i32
    %cond3A = arith.constant 0 : i32
    %cond3A_48 = arith.constant 0 : i32
    %cond3A_49 = arith.cmpi ne, %convert_element_type3A, %cond3A_48 : i32
    scf.if %cond3A_49 {
      %add3A_72 = arith.constant 0 : i32
      %add3A_73 = arith.addi %mul3A_6, %add3A_72 : i32
      %dma_start3A_74 = arith.constant 0 : i32
      %dma_start3A_75 = arith.constant 0 : i32
      %dma_start3A_76 = tpu.memref_slice %arg10[%cond3A, %dma_start3A_74, %dma_start3A_75] : memref<2x64x256xf32, #tpu.memory_space<vmem>> -> memref<1x64x256xf32, #tpu.memory_space<vmem>>
      %dma_start3A_77 = tpu.memref_squeeze %dma_start3A_76 : memref<1x64x256xf32, #tpu.memory_space<vmem>> -> memref<64x256xf32, #tpu.memory_space<vmem>>
      %dma_start3A_78 = arith.constant 0 : i32
      %dma_start3A_79 = tpu.memref_slice %arg3[%dma_start3A_78, %add3A_73] : memref<64x1000000xf32, #tpu.memory_space<hbm>> -> memref<64x256xf32, #tpu.memory_space<hbm>>
      %dma_start3A_80 = arith.constant 0 : i32
      %dma_start3A_81 = arith.constant 0 : i32
      %dma_start3A_82 = tpu.memref_slice %arg10[%cond3A, %dma_start3A_80, %dma_start3A_81] : memref<2x64x256xf32, #tpu.memory_space<vmem>> -> memref<1x64x256xf32, #tpu.memory_space<vmem>>
      %dma_start3A_83 = tpu.memref_squeeze %dma_start3A_82 : memref<1x64x256xf32, #tpu.memory_space<vmem>> -> memref<64x256xf32, #tpu.memory_space<vmem>>
      %dma_start3A_84 = arith.constant 0 : i32
      %dma_start3A_85 = tpu.memref_slice %arg3[%dma_start3A_84, %add3A_73] : memref<64x1000000xf32, #tpu.memory_space<hbm>> -> memref<64x256xf32, #tpu.memory_space<hbm>>
      tpu.enqueue_dma source(%dma_start3A_85 : memref<64x256xf32, #tpu.memory_space<hbm>>) target(%dma_start3A_83 : memref<64x256xf32, #tpu.memory_space<vmem>>) target_semaphore(%arg13 : memref<!tpu.dma_semaphore, #tpu.memory_space<semaphore_mem>>)
    } else {
    }
    %gt3A_50 = arith.constant 1 : i32
    %gt3A_51 = arith.cmpi sgt, %add3A_4, %gt3A_50 : i32
    %convert_element_type3A_52 = arith.extui %gt3A_51 : i1 to i32
    %cond3A_53 = arith.constant 1 : i32
    %cond3A_54 = arith.constant 0 : i32
    %cond3A_55 = arith.cmpi ne, %convert_element_type3A_52, %cond3A_54 : i32
    scf.if %cond3A_55 {
      %add3A_72 = arith.constant 256 : i32
      %add3A_73 = arith.addi %mul3A_6, %add3A_72 : i32
      %dma_start3A_74 = arith.constant 0 : i32
      %dma_start3A_75 = arith.constant 0 : i32
      %dma_start3A_76 = tpu.memref_slice %arg10[%cond3A_53, %dma_start3A_74, %dma_start3A_75] : memref<2x64x256xf32, #tpu.memory_space<vmem>> -> memref<1x64x256xf32, #tpu.memory_space<vmem>>
      %dma_start3A_77 = tpu.memref_squeeze %dma_start3A_76 : memref<1x64x256xf32, #tpu.memory_space<vmem>> -> memref<64x256xf32, #tpu.memory_space<vmem>>
      %dma_start3A_78 = arith.constant 0 : i32
      %dma_start3A_79 = tpu.memref_slice %arg3[%dma_start3A_78, %add3A_73] : memref<64x1000000xf32, #tpu.memory_space<hbm>> -> memref<64x256xf32, #tpu.memory_space<hbm>>
      %dma_start3A_80 = arith.constant 0 : i32
      %dma_start3A_81 = arith.constant 0 : i32
      %dma_start3A_82 = tpu.memref_slice %arg10[%cond3A_53, %dma_start3A_80, %dma_start3A_81] : memref<2x64x256xf32, #tpu.memory_space<vmem>> -> memref<1x64x256xf32, #tpu.memory_space<vmem>>
      %dma_start3A_83 = tpu.memref_squeeze %dma_start3A_82 : memref<1x64x256xf32, #tpu.memory_space<vmem>> -> memref<64x256xf32, #tpu.memory_space<vmem>>
      %dma_start3A_84 = arith.constant 0 : i32
      %dma_start3A_85 = tpu.memref_slice %arg3[%dma_start3A_84, %add3A_73] : memref<64x1000000xf32, #tpu.memory_space<hbm>> -> memref<64x256xf32, #tpu.memory_space<hbm>>
      tpu.enqueue_dma source(%dma_start3A_85 : memref<64x256xf32, #tpu.memory_space<hbm>>) target(%dma_start3A_83 : memref<64x256xf32, #tpu.memory_space<vmem>>) target_semaphore(%arg14 : memref<!tpu.dma_semaphore, #tpu.memory_space<semaphore_mem>>)
    } else {
    }
    %scan3A_56 = arith.constant 0 : i32
    %scan3A_57 = arith.constant 1 : i32
    %scan3A_58 = arith.constant 0 : i32
    %scan3A_59 = arith.constant 0 : i32
    %scan3A_60 = arith.constant 62 : i32
    %scan3A_61 = arith.addi %scan3A_59, %scan3A_60 : i32
    %scan3A_62 = arith.constant 1 : i32
    %scan3A_63 = scf.for %scan3A_72 = %scan3A_59 to %scan3A_61 step %scan3A_62 iter_args(%scan3A_73 = %scan3A_58) -> (i32)  : i32 {
      %mul3A_74 = arith.constant 2 : i32
      %mul3A_75 = arith.muli %mul3A_74, %scan3A_72 : i32
      %lt3A = arith.cmpi slt, %mul3A_75, %add3A_4 : i32
      %convert_element_type3A_76 = arith.extui %lt3A : i1 to i32
      %cond3A_77 = arith.constant 0 : i32
      %cond3A_78 = arith.cmpi ne, %convert_element_type3A_76, %cond3A_77 : i32
      scf.if %cond3A_78 {
        %mul3A_98 = arith.constant 256 : i32
        %mul3A_99 = arith.muli %mul3A_75, %mul3A_98 : i32
        %add3A_100 = arith.addi %mul3A_6, %mul3A_99 : i32
        %dma_wait3A_101 = arith.constant 0 : i32
        %dma_wait3A_102 = arith.constant 0 : i32
        %dma_wait3A_103 = tpu.memref_slice %arg10[%scan3A_56, %dma_wait3A_101, %dma_wait3A_102] : memref<2x64x256xf32, #tpu.memory_space<vmem>> -> memref<1x64x256xf32, #tpu.memory_space<vmem>>
        %dma_wait3A_104 = tpu.memref_squeeze %dma_wait3A_103 : memref<1x64x256xf32, #tpu.memory_space<vmem>> -> memref<64x256xf32, #tpu.memory_space<vmem>>
        %dma_wait3A_105 = arith.constant 0 : i32
        %dma_wait3A_106 = tpu.memref_slice %arg3[%dma_wait3A_105, %add3A_100] : memref<64x1000000xf32, #tpu.memory_space<hbm>> -> memref<64x256xf32, #tpu.memory_space<hbm>>
        %dma_wait3A_107 = arith.constant 0 : i32
        %dma_wait3A_108 = arith.constant 0 : i32
        %dma_wait3A_109 = tpu.memref_slice %arg10[%scan3A_56, %dma_wait3A_107, %dma_wait3A_108] : memref<2x64x256xf32, #tpu.memory_space<vmem>> -> memref<1x64x256xf32, #tpu.memory_space<vmem>>
        %dma_wait3A_110 = tpu.memref_squeeze %dma_wait3A_109 : memref<1x64x256xf32, #tpu.memory_space<vmem>> -> memref<64x256xf32, #tpu.memory_space<vmem>>
        %dma_wait3A_111 = arith.constant 0 : i32
        %dma_wait3A_112 = tpu.memref_slice %arg3[%dma_wait3A_111, %add3A_100] : memref<64x1000000xf32, #tpu.memory_space<hbm>> -> memref<64x256xf32, #tpu.memory_space<hbm>>
        tpu.wait_dma2 semaphore(%arg13 : memref<!tpu.dma_semaphore, #tpu.memory_space<semaphore_mem>>) src(%dma_wait3A_112 : memref<64x256xf32, #tpu.memory_space<hbm>>) dst(%dma_wait3A_110 : memref<64x256xf32, #tpu.memory_space<vmem>>)
        %mul3A_113 = arith.constant 256 : i32
        %mul3A_114 = arith.muli %mul3A_75, %mul3A_113 : i32
        %add3A_115 = arith.addi %mul3A_6, %mul3A_114 : i32
        %while3A = arith.constant 0 : i32
        %while3A_116 = arith.constant 0 : i32
        %while3A_117 = arith.subi %select_n3A_39, %while3A : i32
        %while3A_118 = arith.addi %while3A, %while3A_117 : i32
        %while3A_119 = arith.constant 1 : i32
        %while3A_120 = arith.divsi %while3A_117, %while3A_119 : i32
        %while3A_121 = arith.muli %while3A_120, %while3A_119 : i32
        %while3A_122 = arith.addi %while3A, %while3A_121 : i32
        %while3A_123 = arith.constant 1 : i32
        %while3A_124 = scf.for %while3A_127 = %while3A to %while3A_122 step %while3A_123 iter_args(%while3A_128 = %while3A_116) -> (i32)  : i32 {
          %mul3A_129 = arith.constant 16 : i32
          %mul3A_130 = arith.muli %while3A_127, %mul3A_129 : i32
          %add3A_131 = vector.broadcast %mul3A_130 : i32 to vector<16xi32>
          %add3A_132 = arith.addi %iota3A, %add3A_131 : vector<16xi32>
          %mul3A_133 = arith.constant 16 : i32
          %mul3A_134 = arith.muli %while3A_127, %mul3A_133 : i32
          %get3A = arith.index_cast %mul3A_134 : i32 to index
          %get3A_135 = tpu.vector_load %arg7[%get3A] {strides = array<i32>} : memref<672xi32, #tpu.memory_space<vmem>>, vector<16xi32>,
          %ge3A = vector.broadcast %add3A_115 : i32 to vector<16xi32>
          %ge3A_136 = arith.cmpi sge, %get3A_135, %ge3A : vector<16xi32>
          %add3A_137 = arith.constant 256 : i32
          %add3A_138 = arith.addi %add3A_115, %add3A_137 : i32
          %lt3A_139 = vector.broadcast %add3A_138 : i32 to vector<16xi32>
          %lt3A_140 = arith.cmpi slt, %get3A_135, %lt3A_139 : vector<16xi32>
          %and3A_141 = arith.andi %ge3A_136, %lt3A_140 : vector<16xi1>
          %lt3A_142 = vector.broadcast %scan3A_16 : i32 to vector<16xi32>
          %lt3A_143 = arith.cmpi slt, %add3A_132, %lt3A_142 : vector<16xi32>
          %and3A_144 = arith.andi %and3A_141, %lt3A_143 : vector<16xi1>
          %convert_element_type3A_145 = arith.extui %and3A_144 : vector<16xi1> to vector<16xi32>
          %reduce_sum3A = arith.constant true
          %reduce_sum3A_146 = vector.broadcast %reduce_sum3A : i1 to vector<16xi1>
          %reduce_sum3A_147 = tpu.scan <sum>, %convert_element_type3A_145 masked %reduce_sum3A_146 : vector<16xi32>, vector<16xi1> -> vector<16xi32>
          %reduce_sum3A_148 = vector.extract %reduce_sum3A_147[15] : i32 from vector<16xi32>
          %gt3A_149 = arith.constant 0 : i32
          %gt3A_150 = arith.cmpi sgt, %reduce_sum3A_148, %gt3A_149 : i32
          %convert_element_type3A_151 = arith.extui %gt3A_150 : i1 to i32
          %cond3A_152 = arith.constant 0 : i32
          %cond3A_153 = arith.cmpi ne, %convert_element_type3A_151, %cond3A_152 : i32
          scf.if %cond3A_153 {
            %mul3A_155 = arith.constant 16 : i32
            %mul3A_156 = arith.muli %while3A_127, %mul3A_155 : i32
            %get3A_157 = arith.index_cast %mul3A_156 : i32 to index
            %get3A_158 = tpu.vector_load %arg8[%get3A_157] {strides = array<i32>} : memref<672xi32, #tpu.memory_space<vmem>>, vector<16xi32>,
            %sub3A_159 = vector.broadcast %add3A_115 : i32 to vector<16xi32>
            %sub3A_160 = arith.subi %get3A_135, %sub3A_159 : vector<16xi32>
            %jit3A_161 = arith.constant 0 : i32
            %broadcast_in_dim3A_162 = vector.broadcast %jit3A_161 : i32 to vector<16xi32>
            %select_n3A_163 = arith.select %and3A_144, %sub3A_160, %broadcast_in_dim3A_162 : vector<16xi1>, vector<16xi32>
            tpu.vector_store_idx %arg9[%add3A_132], %get3A_158 masked %and3A_144 : memref<672xi32, #tpu.memory_space<vmem>>[vector<16xi32>], vector<16xi32>, vector<16xi1>
            %add3A_164 = arith.constant 0 : i32
            %add3A_165 = vector.broadcast %add3A_164 : i32 to vector<16xi32>
            %add3A_166 = arith.addi %broadcast_in_dim3A_11, %add3A_165 : vector<16xi32>
            %gather3A = arith.constant 0 : i32
            %gather3A_167 = arith.constant 0 : i32
            %gather3A_168 = tpu.memref_slice %arg10[%scan3A_56, %gather3A, %gather3A_167] : memref<2x64x256xf32, #tpu.memory_space<vmem>> -> memref<1x64x256xf32, #tpu.memory_space<vmem>>
            %gather3A_169 = tpu.memref_squeeze %gather3A_168 : memref<1x64x256xf32, #tpu.memory_space<vmem>> -> memref<64x256xf32, #tpu.memory_space<vmem>>
            %gather3A_170 = tpu.vector_load_idx %gather3A_169[%add3A_166, %select_n3A_163] masked %and3A_144 : memref<64x256xf32, #tpu.memory_space<vmem>>[vector<16xi32>, vector<16xi32>], vector<16xf32>, vector<16xi1>
            %add3A_171 = arith.constant 0 : i32
            %add3A_172 = vector.broadcast %add3A_171 : i32 to vector<16xi32>
            %add3A_173 = arith.addi %broadcast_in_dim3A_11, %add3A_172 : vector<16xi32>
            tpu.vector_store_idx %arg12[%add3A_132, %add3A_173], %gather3A_170 masked %and3A_144 : memref<672x128xf32, #tpu.memory_space<vmem>>[vector<16xi32>, vector<16xi32>], vector<16xf32>, vector<16xi1>
            %add3A_174 = arith.constant 1 : i32
            %add3A_175 = vector.broadcast %add3A_174 : i32 to vector<16xi32>
            %add3A_176 = arith.addi %broadcast_in_dim3A_11, %add3A_175 : vector<16xi32>
            %gather3A_177 = arith.constant 0 : i32
            %gather3A_178 = arith.constant 0 : i32
            %gather3A_179 = tpu.memref_slice %arg10[%scan3A_56, %gather3A_177, %gather3A_178] : memref<2x64x256xf32, #tpu.memory_space<vmem>> -> memref<1x64x256xf32, #tpu.memory_space<vmem>>
            %gather3A_180 = tpu.memref_squeeze %gather3A_179 : memref<1x64x256xf32, #tpu.memory_space<vmem>> -> memref<64x256xf32, #tpu.memory_space<vmem>>
            %gather3A_181 = tpu.vector_load_idx %gather3A_180[%add3A_176, %select_n3A_163] masked %and3A_144 : memref<64x256xf32, #tpu.memory_space<vmem>>[vector<16xi32>, vector<16xi32>], vector<16xf32>, vector<16xi1>
            %add3A_182 = arith.constant 1 : i32
            %add3A_183 = vector.broadcast %add3A_182 : i32 to vector<16xi32>
            %add3A_184 = arith.addi %broadcast_in_dim3A_11, %add3A_183 : vector<16xi32>
            tpu.vector_store_idx %arg12[%add3A_132, %add3A_184], %gather3A_181 masked %and3A_144 : memref<672x128xf32, #tpu.memory_space<vmem>>[vector<16xi32>, vector<16xi32>], vector<16xf32>, vector<16xi1>
            %add3A_185 = arith.constant 2 : i32
            %add3A_186 = vector.broadcast %add3A_185 : i32 to vector<16xi32>
            %add3A_187 = arith.addi %broadcast_in_dim3A_11, %add3A_186 : vector<16xi32>
            %gather3A_188 = arith.constant 0 : i32
            %gather3A_189 = arith.constant 0 : i32
            %gather3A_190 = tpu.memref_slice %arg10[%scan3A_56, %gather3A_188, %gather3A_189] : memref<2x64x256xf32, #tpu.memory_space<vmem>> -> memref<1x64x256xf32, #tpu.memory_space<vmem>>
            %gather3A_191 = tpu.memref_squeeze %gather3A_190 : memref<1x64x256xf32, #tpu.memory_space<vmem>> -> memref<64x256xf32, #tpu.memory_space<vmem>>
            %gather3A_192 = tpu.vector_load_idx %gather3A_191[%add3A_187, %select_n3A_163] masked %and3A_144 : memref<64x256xf32, #tpu.memory_space<vmem>>[vector<16xi32>, vector<16xi32>], vector<16xf32>, vector<16xi1>
            %add3A_193 = arith.constant 2 : i32
            %add3A_194 = vector.broadcast %add3A_193 : i32 to vector<16xi32>
            %add3A_195 = arith.addi %broadcast_in_dim3A_11, %add3A_194 : vector<16xi32>
            tpu.vector_store_idx %arg12[%add3A_132, %add3A_195], %gather3A_192 masked %and3A_144 : memref<672x128xf32, #tpu.memory_space<vmem>>[vector<16xi32>, vector<16xi32>], vector<16xf32>, vector<16xi1>
            %add3A_196 = arith.constant 3 : i32
            %add3A_197 = vector.broadcast %add3A_196 : i32 to vector<16xi32>
            %add3A_198 = arith.addi %broadcast_in_dim3A_11, %add3A_197 : vector<16xi32>
            %gather3A_199 = arith.constant 0 : i32
            %gather3A_200 = arith.constant 0 : i32
            %gather3A_201 = tpu.memref_slice %arg10[%scan3A_56, %gather3A_199, %gather3A_200] : memref<2x64x256xf32, #tpu.memory_space<vmem>> -> memref<1x64x256xf32, #tpu.memory_space<vmem>>
            %gather3A_202 = tpu.memref_squeeze %gather3A_201 : memref<1x64x256xf32, #tpu.memory_space<vmem>> -> memref<64x256xf32, #tpu.memory_space<vmem>>
            %gather3A_203 = tpu.vector_load_idx %gather3A_202[%add3A_198, %select_n3A_163] masked %and3A_144 : memref<64x256xf32, #tpu.memory_space<vmem>>[vector<16xi32>, vector<16xi32>], vector<16xf32>, vector<16xi1>
            %add3A_204 = arith.constant 3 : i32
            %add3A_205 = vector.broadcast %add3A_204 : i32 to vector<16xi32>
            %add3A_206 = arith.addi %broadcast_in_dim3A_11, %add3A_205 : vector<16xi32>
            tpu.vector_store_idx %arg12[%add3A_132, %add3A_206], %gather3A_203 masked %and3A_144 : memref<672x128xf32, #tpu.memory_space<vmem>>[vector<16xi32>, vector<16xi32>], vector<16xf32>, vector<16xi1>
            %add3A_207 = arith.constant 4 : i32
            %add3A_208 = vector.broadcast %add3A_207 : i32 to vector<16xi32>
            %add3A_209 = arith.addi %broadcast_in_dim3A_11, %add3A_208 : vector<16xi32>
            %gather3A_210 = arith.constant 0 : i32
            %gather3A_211 = arith.constant 0 : i32
            %gather3A_212 = tpu.memref_slice %arg10[%scan3A_56, %gather3A_210, %gather3A_211] : memref<2x64x256xf32, #tpu.memory_space<vmem>> -> memref<1x64x256xf32, #tpu.memory_space<vmem>>
            %gather3A_213 = tpu.memref_squeeze %gather3A_212 : memref<1x64x256xf32, #tpu.memory_space<vmem>> -> memref<64x256xf32, #tpu.memory_space<vmem>>
            %gather3A_214 = tpu.vector_load_idx %gather3A_213[%add3A_209, %select_n3A_163] masked %and3A_144 : memref<64x256xf32, #tpu.memory_space<vmem>>[vector<16xi32>, vector<16xi32>], vector<16xf32>, vector<16xi1>
            %add3A_215 = arith.constant 4 : i32
            %add3A_216 = vector.broadcast %add3A_215 : i32 to vector<16xi32>
            %add3A_217 = arith.addi %broadcast_in_dim3A_11, %add3A_216 : vector<16xi32>
            tpu.vector_store_idx %arg12[%add3A_132, %add3A_217], %gather3A_214 masked %and3A_144 : memref<672x128xf32, #tpu.memory_space<vmem>>[vector<16xi32>, vector<16xi32>], vector<16xf32>, vector<16xi1>
            %add3A_218 = arith.constant 5 : i32
            %add3A_219 = vector.broadcast %add3A_218 : i32 to vector<16xi32>
            %add3A_220 = arith.addi %broadcast_in_dim3A_11, %add3A_219 : vector<16xi32>
            %gather3A_221 = arith.constant 0 : i32
            %gather3A_222 = arith.constant 0 : i32
            %gather3A_223 = tpu.memref_slice %arg10[%scan3A_56, %gather3A_221, %gather3A_222] : memref<2x64x256xf32, #tpu.memory_space<vmem>> -> memref<1x64x256xf32, #tpu.memory_space<vmem>>
            %gather3A_224 = tpu.memref_squeeze %gather3A_223 : memref<1x64x256xf32, #tpu.memory_space<vmem>> -> memref<64x256xf32, #tpu.memory_space<vmem>>
            %gather3A_225 = tpu.vector_load_idx %gather3A_224[%add3A_220, %select_n3A_163] masked %and3A_144 : memref<64x256xf32, #tpu.memory_space<vmem>>[vector<16xi32>, vector<16xi32>], vector<16xf32>, vector<16xi1>
            %add3A_226 = arith.constant 5 : i32
            %add3A_227 = vector.broadcast %add3A_226 : i32 to vector<16xi32>
            %add3A_228 = arith.addi %broadcast_in_dim3A_11, %add3A_227 : vector<16xi32>
            tpu.vector_store_idx %arg12[%add3A_132, %add3A_228], %gather3A_225 masked %and3A_144 : memref<672x128xf32, #tpu.memory_space<vmem>>[vector<16xi32>, vector<16xi32>], vector<16xf32>, vector<16xi1>
            %add3A_229 = arith.constant 6 : i32
            %add3A_230 = vector.broadcast %add3A_229 : i32 to vector<16xi32>
            %add3A_231 = arith.addi %broadcast_in_dim3A_11, %add3A_230 : vector<16xi32>
            %gather3A_232 = arith.constant 0 : i32
            %gather3A_233 = arith.constant 0 : i32
            %gather3A_234 = tpu.memref_slice %arg10[%scan3A_56, %gather3A_232, %gather3A_233] : memref<2x64x256xf32, #tpu.memory_space<vmem>> -> memref<1x64x256xf32, #tpu.memory_space<vmem>>
            %gather3A_235 = tpu.memref_squeeze %gather3A_234 : memref<1x64x256xf32, #tpu.memory_space<vmem>> -> memref<64x256xf32, #tpu.memory_space<vmem>>
            %gather3A_236 = tpu.vector_load_idx %gather3A_235[%add3A_231, %select_n3A_163] masked %and3A_144 : memref<64x256xf32, #tpu.memory_space<vmem>>[vector<16xi32>, vector<16xi32>], vector<16xf32>, vector<16xi1>
            %add3A_237 = arith.constant 6 : i32
            %add3A_238 = vector.broadcast %add3A_237 : i32 to vector<16xi32>
            %add3A_239 = arith.addi %broadcast_in_dim3A_11, %add3A_238 : vector<16xi32>
            tpu.vector_store_idx %arg12[%add3A_132, %add3A_239], %gather3A_236 masked %and3A_144 : memref<672x128xf32, #tpu.memory_space<vmem>>[vector<16xi32>, vector<16xi32>], vector<16xf32>, vector<16xi1>
            %add3A_240 = arith.constant 7 : i32
            %add3A_241 = vector.broadcast %add3A_240 : i32 to vector<16xi32>
            %add3A_242 = arith.addi %broadcast_in_dim3A_11, %add3A_241 : vector<16xi32>
            %gather3A_243 = arith.constant 0 : i32
            %gather3A_244 = arith.constant 0 : i32
            %gather3A_245 = tpu.memref_slice %arg10[%scan3A_56, %gather3A_243, %gather3A_244] : memref<2x64x256xf32, #tpu.memory_space<vmem>> -> memref<1x64x256xf32, #tpu.memory_space<vmem>>
            %gather3A_246 = tpu.memref_squeeze %gather3A_245 : memref<1x64x256xf32, #tpu.memory_space<vmem>> -> memref<64x256xf32, #tpu.memory_space<vmem>>
            %gather3A_247 = tpu.vector_load_idx %gather3A_246[%add3A_242, %select_n3A_163] masked %and3A_144 : memref<64x256xf32, #tpu.memory_space<vmem>>[vector<16xi32>, vector<16xi32>], vector<16xf32>, vector<16xi1>
            %add3A_248 = arith.constant 7 : i32
            %add3A_249 = vector.broadcast %add3A_248 : i32 to vector<16xi32>
            %add3A_250 = arith.addi %broadcast_in_dim3A_11, %add3A_249 : vector<16xi32>
            tpu.vector_store_idx %arg12[%add3A_132, %add3A_250], %gather3A_247 masked %and3A_144 : memref<672x128xf32, #tpu.memory_space<vmem>>[vector<16xi32>, vector<16xi32>], vector<16xf32>, vector<16xi1>
            %add3A_251 = arith.constant 8 : i32
            %add3A_252 = vector.broadcast %add3A_251 : i32 to vector<16xi32>
            %add3A_253 = arith.addi %broadcast_in_dim3A_11, %add3A_252 : vector<16xi32>
            %gather3A_254 = arith.constant 0 : i32
            %gather3A_255 = arith.constant 0 : i32
            %gather3A_256 = tpu.memref_slice %arg10[%scan3A_56, %gather3A_254, %gather3A_255] : memref<2x64x256xf32, #tpu.memory_space<vmem>> -> memref<1x64x256xf32, #tpu.memory_space<vmem>>
            %gather3A_257 = tpu.memref_squeeze %gather3A_256 : memref<1x64x256xf32, #tpu.memory_space<vmem>> -> memref<64x256xf32, #tpu.memory_space<vmem>>
            %gather3A_258 = tpu.vector_load_idx %gather3A_257[%add3A_253, %select_n3A_163] masked %and3A_144 : memref<64x256xf32, #tpu.memory_space<vmem>>[vector<16xi32>, vector<16xi32>], vector<16xf32>, vector<16xi1>
            %add3A_259 = arith.constant 8 : i32
            %add3A_260 = vector.broadcast %add3A_259 : i32 to vector<16xi32>
            %add3A_261 = arith.addi %broadcast_in_dim3A_11, %add3A_260 : vector<16xi32>
            tpu.vector_store_idx %arg12[%add3A_132, %add3A_261], %gather3A_258 masked %and3A_144 : memref<672x128xf32, #tpu.memory_space<vmem>>[vector<16xi32>, vector<16xi32>], vector<16xf32>, vector<16xi1>
            %add3A_262 = arith.constant 9 : i32
            %add3A_263 = vector.broadcast %add3A_262 : i32 to vector<16xi32>
            %add3A_264 = arith.addi %broadcast_in_dim3A_11, %add3A_263 : vector<16xi32>
            %gather3A_265 = arith.constant 0 : i32
            %gather3A_266 = arith.constant 0 : i32
            %gather3A_267 = tpu.memref_slice %arg10[%scan3A_56, %gather3A_265, %gather3A_266] : memref<2x64x256xf32, #tpu.memory_space<vmem>> -> memref<1x64x256xf32, #tpu.memory_space<vmem>>
            %gather3A_268 = tpu.memref_squeeze %gather3A_267 : memref<1x64x256xf32, #tpu.memory_space<vmem>> -> memref<64x256xf32, #tpu.memory_space<vmem>>
            %gather3A_269 = tpu.vector_load_idx %gather3A_268[%add3A_264, %select_n3A_163] masked %and3A_144 : memref<64x256xf32, #tpu.memory_space<vmem>>[vector<16xi32>, vector<16xi32>], vector<16xf32>, vector<16xi1>
            %add3A_270 = arith.constant 9 : i32
            %add3A_271 = vector.broadcast %add3A_270 : i32 to vector<16xi32>
            %add3A_272 = arith.addi %broadcast_in_dim3A_11, %add3A_271 : vector<16xi32>
            tpu.vector_store_idx %arg12[%add3A_132, %add3A_272], %gather3A_269 masked %and3A_144 : memref<672x128xf32, #tpu.memory_space<vmem>>[vector<16xi32>, vector<16xi32>], vector<16xf32>, vector<16xi1>
            %add3A_273 = arith.constant 10 : i32
            %add3A_274 = vector.broadcast %add3A_273 : i32 to vector<16xi32>
            %add3A_275 = arith.addi %broadcast_in_dim3A_11, %add3A_274 : vector<16xi32>
            %gather3A_276 = arith.constant 0 : i32
            %gather3A_277 = arith.constant 0 : i32
            %gather3A_278 = tpu.memref_slice %arg10[%scan3A_56, %gather3A_276, %gather3A_277] : memref<2x64x256xf32, #tpu.memory_space<vmem>> -> memref<1x64x256xf32, #tpu.memory_space<vmem>>
            %gather3A_279 = tpu.memref_squeeze %gather3A_278 : memref<1x64x256xf32, #tpu.memory_space<vmem>> -> memref<64x256xf32, #tpu.memory_space<vmem>>
            %gather3A_280 = tpu.vector_load_idx %gather3A_279[%add3A_275, %select_n3A_163] masked %and3A_144 : memref<64x256xf32, #tpu.memory_space<vmem>>[vector<16xi32>, vector<16xi32>], vector<16xf32>, vector<16xi1>
            %add3A_281 = arith.constant 10 : i32
            %add3A_282 = vector.broadcast %add3A_281 : i32 to vector<16xi32>
            %add3A_283 = arith.addi %broadcast_in_dim3A_11, %add3A_282 : vector<16xi32>
            tpu.vector_store_idx %arg12[%add3A_132, %add3A_283], %gather3A_280 masked %and3A_144 : memref<672x128xf32, #tpu.memory_space<vmem>>[vector<16xi32>, vector<16xi32>], vector<16xf32>, vector<16xi1>
            %add3A_284 = arith.constant 11 : i32
            %add3A_285 = vector.broadcast %add3A_284 : i32 to vector<16xi32>
            %add3A_286 = arith.addi %broadcast_in_dim3A_11, %add3A_285 : vector<16xi32>
            %gather3A_287 = arith.constant 0 : i32
            %gather3A_288 = arith.constant 0 : i32
            %gather3A_289 = tpu.memref_slice %arg10[%scan3A_56, %gather3A_287, %gather3A_288] : memref<2x64x256xf32, #tpu.memory_space<vmem>> -> memref<1x64x256xf32, #tpu.memory_space<vmem>>
            %gather3A_290 = tpu.memref_squeeze %gather3A_289 : memref<1x64x256xf32, #tpu.memory_space<vmem>> -> memref<64x256xf32, #tpu.memory_space<vmem>>
            %gather3A_291 = tpu.vector_load_idx %gather3A_290[%add3A_286, %select_n3A_163] masked %and3A_144 : memref<64x256xf32, #tpu.memory_space<vmem>>[vector<16xi32>, vector<16xi32>], vector<16xf32>, vector<16xi1>
            %add3A_292 = arith.constant 11 : i32
            %add3A_293 = vector.broadcast %add3A_292 : i32 to vector<16xi32>
            %add3A_294 = arith.addi %broadcast_in_dim3A_11, %add3A_293 : vector<16xi32>
            tpu.vector_store_idx %arg12[%add3A_132, %add3A_294], %gather3A_291 masked %and3A_144 : memref<672x128xf32, #tpu.memory_space<vmem>>[vector<16xi32>, vector<16xi32>], vector<16xf32>, vector<16xi1>
            %add3A_295 = arith.constant 12 : i32
            %add3A_296 = vector.broadcast %add3A_295 : i32 to vector<16xi32>
            %add3A_297 = arith.addi %broadcast_in_dim3A_11, %add3A_296 : vector<16xi32>
            %gather3A_298 = arith.constant 0 : i32
            %gather3A_299 = arith.constant 0 : i32
            %gather3A_300 = tpu.memref_slice %arg10[%scan3A_56, %gather3A_298, %gather3A_299] : memref<2x64x256xf32, #tpu.memory_space<vmem>> -> memref<1x64x256xf32, #tpu.memory_space<vmem>>
            %gather3A_301 = tpu.memref_squeeze %gather3A_300 : memref<1x64x256xf32, #tpu.memory_space<vmem>> -> memref<64x256xf32, #tpu.memory_space<vmem>>
            %gather3A_302 = tpu.vector_load_idx %gather3A_301[%add3A_297, %select_n3A_163] masked %and3A_144 : memref<64x256xf32, #tpu.memory_space<vmem>>[vector<16xi32>, vector<16xi32>], vector<16xf32>, vector<16xi1>
            %add3A_303 = arith.constant 12 : i32
            %add3A_304 = vector.broadcast %add3A_303 : i32 to vector<16xi32>
            %add3A_305 = arith.addi %broadcast_in_dim3A_11, %add3A_304 : vector<16xi32>
            tpu.vector_store_idx %arg12[%add3A_132, %add3A_305], %gather3A_302 masked %and3A_144 : memref<672x128xf32, #tpu.memory_space<vmem>>[vector<16xi32>, vector<16xi32>], vector<16xf32>, vector<16xi1>
            %add3A_306 = arith.constant 13 : i32
            %add3A_307 = vector.broadcast %add3A_306 : i32 to vector<16xi32>
            %add3A_308 = arith.addi %broadcast_in_dim3A_11, %add3A_307 : vector<16xi32>
            %gather3A_309 = arith.constant 0 : i32
            %gather3A_310 = arith.constant 0 : i32
            %gather3A_311 = tpu.memref_slice %arg10[%scan3A_56, %gather3A_309, %gather3A_310] : memref<2x64x256xf32, #tpu.memory_space<vmem>> -> memref<1x64x256xf32, #tpu.memory_space<vmem>>
            %gather3A_312 = tpu.memref_squeeze %gather3A_311 : memref<1x64x256xf32, #tpu.memory_space<vmem>> -> memref<64x256xf32, #tpu.memory_space<vmem>>
            %gather3A_313 = tpu.vector_load_idx %gather3A_312[%add3A_308, %select_n3A_163] masked %and3A_144 : memref<64x256xf32, #tpu.memory_space<vmem>>[vector<16xi32>, vector<16xi32>], vector<16xf32>, vector<16xi1>
            %add3A_314 = arith.constant 13 : i32
            %add3A_315 = vector.broadcast %add3A_314 : i32 to vector<16xi32>
            %add3A_316 = arith.addi %broadcast_in_dim3A_11, %add3A_315 : vector<16xi32>
            tpu.vector_store_idx %arg12[%add3A_132, %add3A_316], %gather3A_313 masked %and3A_144 : memref<672x128xf32, #tpu.memory_space<vmem>>[vector<16xi32>, vector<16xi32>], vector<16xf32>, vector<16xi1>
            %add3A_317 = arith.constant 14 : i32
            %add3A_318 = vector.broadcast %add3A_317 : i32 to vector<16xi32>
            %add3A_319 = arith.addi %broadcast_in_dim3A_11, %add3A_318 : vector<16xi32>
            %gather3A_320 = arith.constant 0 : i32
            %gather3A_321 = arith.constant 0 : i32
            %gather3A_322 = tpu.memref_slice %arg10[%scan3A_56, %gather3A_320, %gather3A_321] : memref<2x64x256xf32, #tpu.memory_space<vmem>> -> memref<1x64x256xf32, #tpu.memory_space<vmem>>
            %gather3A_323 = tpu.memref_squeeze %gather3A_322 : memref<1x64x256xf32, #tpu.memory_space<vmem>> -> memref<64x256xf32, #tpu.memory_space<vmem>>
            %gather3A_324 = tpu.vector_load_idx %gather3A_323[%add3A_319, %select_n3A_163] masked %and3A_144 : memref<64x256xf32, #tpu.memory_space<vmem>>[vector<16xi32>, vector<16xi32>], vector<16xf32>, vector<16xi1>
            %add3A_325 = arith.constant 14 : i32
            %add3A_326 = vector.broadcast %add3A_325 : i32 to vector<16xi32>
            %add3A_327 = arith.addi %broadcast_in_dim3A_11, %add3A_326 : vector<16xi32>
            tpu.vector_store_idx %arg12[%add3A_132, %add3A_327], %gather3A_324 masked %and3A_144 : memref<672x128xf32, #tpu.memory_space<vmem>>[vector<16xi32>, vector<16xi32>], vector<16xf32>, vector<16xi1>
            %add3A_328 = arith.constant 15 : i32
            %add3A_329 = vector.broadcast %add3A_328 : i32 to vector<16xi32>
            %add3A_330 = arith.addi %broadcast_in_dim3A_11, %add3A_329 : vector<16xi32>
            %gather3A_331 = arith.constant 0 : i32
            %gather3A_332 = arith.constant 0 : i32
            %gather3A_333 = tpu.memref_slice %arg10[%scan3A_56, %gather3A_331, %gather3A_332] : memref<2x64x256xf32, #tpu.memory_space<vmem>> -> memref<1x64x256xf32, #tpu.memory_space<vmem>>
            %gather3A_334 = tpu.memref_squeeze %gather3A_333 : memref<1x64x256xf32, #tpu.memory_space<vmem>> -> memref<64x256xf32, #tpu.memory_space<vmem>>
            %gather3A_335 = tpu.vector_load_idx %gather3A_334[%add3A_330, %select_n3A_163] masked %and3A_144 : memref<64x256xf32, #tpu.memory_space<vmem>>[vector<16xi32>, vector<16xi32>], vector<16xf32>, vector<16xi1>
            %add3A_336 = arith.constant 15 : i32
            %add3A_337 = vector.broadcast %add3A_336 : i32 to vector<16xi32>
            %add3A_338 = arith.addi %broadcast_in_dim3A_11, %add3A_337 : vector<16xi32>
            tpu.vector_store_idx %arg12[%add3A_132, %add3A_338], %gather3A_335 masked %and3A_144 : memref<672x128xf32, #tpu.memory_space<vmem>>[vector<16xi32>, vector<16xi32>], vector<16xf32>, vector<16xi1>
            %add3A_339 = arith.constant 16 : i32
            %add3A_340 = vector.broadcast %add3A_339 : i32 to vector<16xi32>
            %add3A_341 = arith.addi %broadcast_in_dim3A_11, %add3A_340 : vector<16xi32>
            %gather3A_342 = arith.constant 0 : i32
            %gather3A_343 = arith.constant 0 : i32
            %gather3A_344 = tpu.memref_slice %arg10[%scan3A_56, %gather3A_342, %gather3A_343] : memref<2x64x256xf32, #tpu.memory_space<vmem>> -> memref<1x64x256xf32, #tpu.memory_space<vmem>>
            %gather3A_345 = tpu.memref_squeeze %gather3A_344 : memref<1x64x256xf32, #tpu.memory_space<vmem>> -> memref<64x256xf32, #tpu.memory_space<vmem>>
            %gather3A_346 = tpu.vector_load_idx %gather3A_345[%add3A_341, %select_n3A_163] masked %and3A_144 : memref<64x256xf32, #tpu.memory_space<vmem>>[vector<16xi32>, vector<16xi32>], vector<16xf32>, vector<16xi1>
            %add3A_347 = arith.constant 16 : i32
            %add3A_348 = vector.broadcast %add3A_347 : i32 to vector<16xi32>
            %add3A_349 = arith.addi %broadcast_in_dim3A_11, %add3A_348 : vector<16xi32>
            tpu.vector_store_idx %arg12[%add3A_132, %add3A_349], %gather3A_346 masked %and3A_144 : memref<672x128xf32, #tpu.memory_space<vmem>>[vector<16xi32>, vector<16xi32>], vector<16xf32>, vector<16xi1>
            %add3A_350 = arith.constant 17 : i32
            %add3A_351 = vector.broadcast %add3A_350 : i32 to vector<16xi32>
            %add3A_352 = arith.addi %broadcast_in_dim3A_11, %add3A_351 : vector<16xi32>
            %gather3A_353 = arith.constant 0 : i32
            %gather3A_354 = arith.constant 0 : i32
            %gather3A_355 = tpu.memref_slice %arg10[%scan3A_56, %gather3A_353, %gather3A_354] : memref<2x64x256xf32, #tpu.memory_space<vmem>> -> memref<1x64x256xf32, #tpu.memory_space<vmem>>
            %gather3A_356 = tpu.memref_squeeze %gather3A_355 : memref<1x64x256xf32, #tpu.memory_space<vmem>> -> memref<64x256xf32, #tpu.memory_space<vmem>>
            %gather3A_357 = tpu.vector_load_idx %gather3A_356[%add3A_352, %select_n3A_163] masked %and3A_144 : memref<64x256xf32, #tpu.memory_space<vmem>>[vector<16xi32>, vector<16xi32>], vector<16xf32>, vector<16xi1>
            %add3A_358 = arith.constant 17 : i32
            %add3A_359 = vector.broadcast %add3A_358 : i32 to vector<16xi32>
            %add3A_360 = arith.addi %broadcast_in_dim3A_11, %add3A_359 : vector<16xi32>
            tpu.vector_store_idx %arg12[%add3A_132, %add3A_360], %gather3A_357 masked %and3A_144 : memref<672x128xf32, #tpu.memory_space<vmem>>[vector<16xi32>, vector<16xi32>], vector<16xf32>, vector<16xi1>
            %add3A_361 = arith.constant 18 : i32
            %add3A_362 = vector.broadcast %add3A_361 : i32 to vector<16xi32>
            %add3A_363 = arith.addi %broadcast_in_dim3A_11, %add3A_362 : vector<16xi32>
            %gather3A_364 = arith.constant 0 : i32
            %gather3A_365 = arith.constant 0 : i32
            %gather3A_366 = tpu.memref_slice %arg10[%scan3A_56, %gather3A_364, %gather3A_365] : memref<2x64x256xf32, #tpu.memory_space<vmem>> -> memref<1x64x256xf32, #tpu.memory_space<vmem>>
            %gather3A_367 = tpu.memref_squeeze %gather3A_366 : memref<1x64x256xf32, #tpu.memory_space<vmem>> -> memref<64x256xf32, #tpu.memory_space<vmem>>
            %gather3A_368 = tpu.vector_load_idx %gather3A_367[%add3A_363, %select_n3A_163] masked %and3A_144 : memref<64x256xf32, #tpu.memory_space<vmem>>[vector<16xi32>, vector<16xi32>], vector<16xf32>, vector<16xi1>
            %add3A_369 = arith.constant 18 : i32
            %add3A_370 = vector.broadcast %add3A_369 : i32 to vector<16xi32>
            %add3A_371 = arith.addi %broadcast_in_dim3A_11, %add3A_370 : vector<16xi32>
            tpu.vector_store_idx %arg12[%add3A_132, %add3A_371], %gather3A_368 masked %and3A_144 : memref<672x128xf32, #tpu.memory_space<vmem>>[vector<16xi32>, vector<16xi32>], vector<16xf32>, vector<16xi1>
            %add3A_372 = arith.constant 19 : i32
            %add3A_373 = vector.broadcast %add3A_372 : i32 to vector<16xi32>
            %add3A_374 = arith.addi %broadcast_in_dim3A_11, %add3A_373 : vector<16xi32>
            %gather3A_375 = arith.constant 0 : i32
            %gather3A_376 = arith.constant 0 : i32
            %gather3A_377 = tpu.memref_slice %arg10[%scan3A_56, %gather3A_375, %gather3A_376] : memref<2x64x256xf32, #tpu.memory_space<vmem>> -> memref<1x64x256xf32, #tpu.memory_space<vmem>>
            %gather3A_378 = tpu.memref_squeeze %gather3A_377 : memref<1x64x256xf32, #tpu.memory_space<vmem>> -> memref<64x256xf32, #tpu.memory_space<vmem>>
            %gather3A_379 = tpu.vector_load_idx %gather3A_378[%add3A_374, %select_n3A_163] masked %and3A_144 : memref<64x256xf32, #tpu.memory_space<vmem>>[vector<16xi32>, vector<16xi32>], vector<16xf32>, vector<16xi1>
            %add3A_380 = arith.constant 19 : i32
            %add3A_381 = vector.broadcast %add3A_380 : i32 to vector<16xi32>
            %add3A_382 = arith.addi %broadcast_in_dim3A_11, %add3A_381 : vector<16xi32>
            tpu.vector_store_idx %arg12[%add3A_132, %add3A_382], %gather3A_379 masked %and3A_144 : memref<672x128xf32, #tpu.memory_space<vmem>>[vector<16xi32>, vector<16xi32>], vector<16xf32>, vector<16xi1>
            %add3A_383 = arith.constant 20 : i32
            %add3A_384 = vector.broadcast %add3A_383 : i32 to vector<16xi32>
            %add3A_385 = arith.addi %broadcast_in_dim3A_11, %add3A_384 : vector<16xi32>
            %gather3A_386 = arith.constant 0 : i32
            %gather3A_387 = arith.constant 0 : i32
            %gather3A_388 = tpu.memref_slice %arg10[%scan3A_56, %gather3A_386, %gather3A_387] : memref<2x64x256xf32, #tpu.memory_space<vmem>> -> memref<1x64x256xf32, #tpu.memory_space<vmem>>
            %gather3A_389 = tpu.memref_squeeze %gather3A_388 : memref<1x64x256xf32, #tpu.memory_space<vmem>> -> memref<64x256xf32, #tpu.memory_space<vmem>>
            %gather3A_390 = tpu.vector_load_idx %gather3A_389[%add3A_385, %select_n3A_163] masked %and3A_144 : memref<64x256xf32, #tpu.memory_space<vmem>>[vector<16xi32>, vector<16xi32>], vector<16xf32>, vector<16xi1>
            %add3A_391 = arith.constant 20 : i32
            %add3A_392 = vector.broadcast %add3A_391 : i32 to vector<16xi32>
            %add3A_393 = arith.addi %broadcast_in_dim3A_11, %add3A_392 : vector<16xi32>
            tpu.vector_store_idx %arg12[%add3A_132, %add3A_393], %gather3A_390 masked %and3A_144 : memref<672x128xf32, #tpu.memory_space<vmem>>[vector<16xi32>, vector<16xi32>], vector<16xf32>, vector<16xi1>
            %add3A_394 = arith.constant 21 : i32
            %add3A_395 = vector.broadcast %add3A_394 : i32 to vector<16xi32>
            %add3A_396 = arith.addi %broadcast_in_dim3A_11, %add3A_395 : vector<16xi32>
            %gather3A_397 = arith.constant 0 : i32
            %gather3A_398 = arith.constant 0 : i32
            %gather3A_399 = tpu.memref_slice %arg10[%scan3A_56, %gather3A_397, %gather3A_398] : memref<2x64x256xf32, #tpu.memory_space<vmem>> -> memref<1x64x256xf32, #tpu.memory_space<vmem>>
            %gather3A_400 = tpu.memref_squeeze %gather3A_399 : memref<1x64x256xf32, #tpu.memory_space<vmem>> -> memref<64x256xf32, #tpu.memory_space<vmem>>
            %gather3A_401 = tpu.vector_load_idx %gather3A_400[%add3A_396, %select_n3A_163] masked %and3A_144 : memref<64x256xf32, #tpu.memory_space<vmem>>[vector<16xi32>, vector<16xi32>], vector<16xf32>, vector<16xi1>
            %add3A_402 = arith.constant 21 : i32
            %add3A_403 = vector.broadcast %add3A_402 : i32 to vector<16xi32>
            %add3A_404 = arith.addi %broadcast_in_dim3A_11, %add3A_403 : vector<16xi32>
            tpu.vector_store_idx %arg12[%add3A_132, %add3A_404], %gather3A_401 masked %and3A_144 : memref<672x128xf32, #tpu.memory_space<vmem>>[vector<16xi32>, vector<16xi32>], vector<16xf32>, vector<16xi1>
            %add3A_405 = arith.constant 22 : i32
            %add3A_406 = vector.broadcast %add3A_405 : i32 to vector<16xi32>
            %add3A_407 = arith.addi %broadcast_in_dim3A_11, %add3A_406 : vector<16xi32>
            %gather3A_408 = arith.constant 0 : i32
            %gather3A_409 = arith.constant 0 : i32
            %gather3A_410 = tpu.memref_slice %arg10[%scan3A_56, %gather3A_408, %gather3A_409] : memref<2x64x256xf32, #tpu.memory_space<vmem>> -> memref<1x64x256xf32, #tpu.memory_space<vmem>>
            %gather3A_411 = tpu.memref_squeeze %gather3A_410 : memref<1x64x256xf32, #tpu.memory_space<vmem>> -> memref<64x256xf32, #tpu.memory_space<vmem>>
            %gather3A_412 = tpu.vector_load_idx %gather3A_411[%add3A_407, %select_n3A_163] masked %and3A_144 : memref<64x256xf32, #tpu.memory_space<vmem>>[vector<16xi32>, vector<16xi32>], vector<16xf32>, vector<16xi1>
            %add3A_413 = arith.constant 22 : i32
            %add3A_414 = vector.broadcast %add3A_413 : i32 to vector<16xi32>
            %add3A_415 = arith.addi %broadcast_in_dim3A_11, %add3A_414 : vector<16xi32>
            tpu.vector_store_idx %arg12[%add3A_132, %add3A_415], %gather3A_412 masked %and3A_144 : memref<672x128xf32, #tpu.memory_space<vmem>>[vector<16xi32>, vector<16xi32>], vector<16xf32>, vector<16xi1>
            %add3A_416 = arith.constant 23 : i32
            %add3A_417 = vector.broadcast %add3A_416 : i32 to vector<16xi32>
            %add3A_418 = arith.addi %broadcast_in_dim3A_11, %add3A_417 : vector<16xi32>
            %gather3A_419 = arith.constant 0 : i32
            %gather3A_420 = arith.constant 0 : i32
            %gather3A_421 = tpu.memref_slice %arg10[%scan3A_56, %gather3A_419, %gather3A_420] : memref<2x64x256xf32, #tpu.memory_space<vmem>> -> memref<1x64x256xf32, #tpu.memory_space<vmem>>
            %gather3A_422 = tpu.memref_squeeze %gather3A_421 : memref<1x64x256xf32, #tpu.memory_space<vmem>> -> memref<64x256xf32, #tpu.memory_space<vmem>>
            %gather3A_423 = tpu.vector_load_idx %gather3A_422[%add3A_418, %select_n3A_163] masked %and3A_144 : memref<64x256xf32, #tpu.memory_space<vmem>>[vector<16xi32>, vector<16xi32>], vector<16xf32>, vector<16xi1>
            %add3A_424 = arith.constant 23 : i32
            %add3A_425 = vector.broadcast %add3A_424 : i32 to vector<16xi32>
            %add3A_426 = arith.addi %broadcast_in_dim3A_11, %add3A_425 : vector<16xi32>
            tpu.vector_store_idx %arg12[%add3A_132, %add3A_426], %gather3A_423 masked %and3A_144 : memref<672x128xf32, #tpu.memory_space<vmem>>[vector<16xi32>, vector<16xi32>], vector<16xf32>, vector<16xi1>
            %add3A_427 = arith.constant 24 : i32
            %add3A_428 = vector.broadcast %add3A_427 : i32 to vector<16xi32>
            %add3A_429 = arith.addi %broadcast_in_dim3A_11, %add3A_428 : vector<16xi32>
            %gather3A_430 = arith.constant 0 : i32
            %gather3A_431 = arith.constant 0 : i32
            %gather3A_432 = tpu.memref_slice %arg10[%scan3A_56, %gather3A_430, %gather3A_431] : memref<2x64x256xf32, #tpu.memory_space<vmem>> -> memref<1x64x256xf32, #tpu.memory_space<vmem>>
            %gather3A_433 = tpu.memref_squeeze %gather3A_432 : memref<1x64x256xf32, #tpu.memory_space<vmem>> -> memref<64x256xf32, #tpu.memory_space<vmem>>
            %gather3A_434 = tpu.vector_load_idx %gather3A_433[%add3A_429, %select_n3A_163] masked %and3A_144 : memref<64x256xf32, #tpu.memory_space<vmem>>[vector<16xi32>, vector<16xi32>], vector<16xf32>, vector<16xi1>
            %add3A_435 = arith.constant 24 : i32
            %add3A_436 = vector.broadcast %add3A_435 : i32 to vector<16xi32>
            %add3A_437 = arith.addi %broadcast_in_dim3A_11, %add3A_436 : vector<16xi32>
            tpu.vector_store_idx %arg12[%add3A_132, %add3A_437], %gather3A_434 masked %and3A_144 : memref<672x128xf32, #tpu.memory_space<vmem>>[vector<16xi32>, vector<16xi32>], vector<16xf32>, vector<16xi1>
            %add3A_438 = arith.constant 25 : i32
            %add3A_439 = vector.broadcast %add3A_438 : i32 to vector<16xi32>
            %add3A_440 = arith.addi %broadcast_in_dim3A_11, %add3A_439 : vector<16xi32>
            %gather3A_441 = arith.constant 0 : i32
            %gather3A_442 = arith.constant 0 : i32
            %gather3A_443 = tpu.memref_slice %arg10[%scan3A_56, %gather3A_441, %gather3A_442] : memref<2x64x256xf32, #tpu.memory_space<vmem>> -> memref<1x64x256xf32, #tpu.memory_space<vmem>>
            %gather3A_444 = tpu.memref_squeeze %gather3A_443 : memref<1x64x256xf32, #tpu.memory_space<vmem>> -> memref<64x256xf32, #tpu.memory_space<vmem>>
            %gather3A_445 = tpu.vector_load_idx %gather3A_444[%add3A_440, %select_n3A_163] masked %and3A_144 : memref<64x256xf32, #tpu.memory_space<vmem>>[vector<16xi32>, vector<16xi32>], vector<16xf32>, vector<16xi1>
            %add3A_446 = arith.constant 25 : i32
            %add3A_447 = vector.broadcast %add3A_446 : i32 to vector<16xi32>
            %add3A_448 = arith.addi %broadcast_in_dim3A_11, %add3A_447 : vector<16xi32>
            tpu.vector_store_idx %arg12[%add3A_132, %add3A_448], %gather3A_445 masked %and3A_144 : memref<672x128xf32, #tpu.memory_space<vmem>>[vector<16xi32>, vector<16xi32>], vector<16xf32>, vector<16xi1>
            %add3A_449 = arith.constant 26 : i32
            %add3A_450 = vector.broadcast %add3A_449 : i32 to vector<16xi32>
            %add3A_451 = arith.addi %broadcast_in_dim3A_11, %add3A_450 : vector<16xi32>
            %gather3A_452 = arith.constant 0 : i32
            %gather3A_453 = arith.constant 0 : i32
            %gather3A_454 = tpu.memref_slice %arg10[%scan3A_56, %gather3A_452, %gather3A_453] : memref<2x64x256xf32, #tpu.memory_space<vmem>> -> memref<1x64x256xf32, #tpu.memory_space<vmem>>
            %gather3A_455 = tpu.memref_squeeze %gather3A_454 : memref<1x64x256xf32, #tpu.memory_space<vmem>> -> memref<64x256xf32, #tpu.memory_space<vmem>>
            %gather3A_456 = tpu.vector_load_idx %gather3A_455[%add3A_451, %select_n3A_163] masked %and3A_144 : memref<64x256xf32, #tpu.memory_space<vmem>>[vector<16xi32>, vector<16xi32>], vector<16xf32>, vector<16xi1>
            %add3A_457 = arith.constant 26 : i32
            %add3A_458 = vector.broadcast %add3A_457 : i32 to vector<16xi32>
            %add3A_459 = arith.addi %broadcast_in_dim3A_11, %add3A_458 : vector<16xi32>
            tpu.vector_store_idx %arg12[%add3A_132, %add3A_459], %gather3A_456 masked %and3A_144 : memref<672x128xf32, #tpu.memory_space<vmem>>[vector<16xi32>, vector<16xi32>], vector<16xf32>, vector<16xi1>
            %add3A_460 = arith.constant 27 : i32
            %add3A_461 = vector.broadcast %add3A_460 : i32 to vector<16xi32>
            %add3A_462 = arith.addi %broadcast_in_dim3A_11, %add3A_461 : vector<16xi32>
            %gather3A_463 = arith.constant 0 : i32
            %gather3A_464 = arith.constant 0 : i32
            %gather3A_465 = tpu.memref_slice %arg10[%scan3A_56, %gather3A_463, %gather3A_464] : memref<2x64x256xf32, #tpu.memory_space<vmem>> -> memref<1x64x256xf32, #tpu.memory_space<vmem>>
            %gather3A_466 = tpu.memref_squeeze %gather3A_465 : memref<1x64x256xf32, #tpu.memory_space<vmem>> -> memref<64x256xf32, #tpu.memory_space<vmem>>
            %gather3A_467 = tpu.vector_load_idx %gather3A_466[%add3A_462, %select_n3A_163] masked %and3A_144 : memref<64x256xf32, #tpu.memory_space<vmem>>[vector<16xi32>, vector<16xi32>], vector<16xf32>, vector<16xi1>
            %add3A_468 = arith.constant 27 : i32
            %add3A_469 = vector.broadcast %add3A_468 : i32 to vector<16xi32>
            %add3A_470 = arith.addi %broadcast_in_dim3A_11, %add3A_469 : vector<16xi32>
            tpu.vector_store_idx %arg12[%add3A_132, %add3A_470], %gather3A_467 masked %and3A_144 : memref<672x128xf32, #tpu.memory_space<vmem>>[vector<16xi32>, vector<16xi32>], vector<16xf32>, vector<16xi1>
            %add3A_471 = arith.constant 28 : i32
            %add3A_472 = vector.broadcast %add3A_471 : i32 to vector<16xi32>
            %add3A_473 = arith.addi %broadcast_in_dim3A_11, %add3A_472 : vector<16xi32>
            %gather3A_474 = arith.constant 0 : i32
            %gather3A_475 = arith.constant 0 : i32
            %gather3A_476 = tpu.memref_slice %arg10[%scan3A_56, %gather3A_474, %gather3A_475] : memref<2x64x256xf32, #tpu.memory_space<vmem>> -> memref<1x64x256xf32, #tpu.memory_space<vmem>>
            %gather3A_477 = tpu.memref_squeeze %gather3A_476 : memref<1x64x256xf32, #tpu.memory_space<vmem>> -> memref<64x256xf32, #tpu.memory_space<vmem>>
            %gather3A_478 = tpu.vector_load_idx %gather3A_477[%add3A_473, %select_n3A_163] masked %and3A_144 : memref<64x256xf32, #tpu.memory_space<vmem>>[vector<16xi32>, vector<16xi32>], vector<16xf32>, vector<16xi1>
            %add3A_479 = arith.constant 28 : i32
            %add3A_480 = vector.broadcast %add3A_479 : i32 to vector<16xi32>
            %add3A_481 = arith.addi %broadcast_in_dim3A_11, %add3A_480 : vector<16xi32>
            tpu.vector_store_idx %arg12[%add3A_132, %add3A_481], %gather3A_478 masked %and3A_144 : memref<672x128xf32, #tpu.memory_space<vmem>>[vector<16xi32>, vector<16xi32>], vector<16xf32>, vector<16xi1>
            %add3A_482 = arith.constant 29 : i32
            %add3A_483 = vector.broadcast %add3A_482 : i32 to vector<16xi32>
            %add3A_484 = arith.addi %broadcast_in_dim3A_11, %add3A_483 : vector<16xi32>
            %gather3A_485 = arith.constant 0 : i32
            %gather3A_486 = arith.constant 0 : i32
            %gather3A_487 = tpu.memref_slice %arg10[%scan3A_56, %gather3A_485, %gather3A_486] : memref<2x64x256xf32, #tpu.memory_space<vmem>> -> memref<1x64x256xf32, #tpu.memory_space<vmem>>
            %gather3A_488 = tpu.memref_squeeze %gather3A_487 : memref<1x64x256xf32, #tpu.memory_space<vmem>> -> memref<64x256xf32, #tpu.memory_space<vmem>>
            %gather3A_489 = tpu.vector_load_idx %gather3A_488[%add3A_484, %select_n3A_163] masked %and3A_144 : memref<64x256xf32, #tpu.memory_space<vmem>>[vector<16xi32>, vector<16xi32>], vector<16xf32>, vector<16xi1>
            %add3A_490 = arith.constant 29 : i32
            %add3A_491 = vector.broadcast %add3A_490 : i32 to vector<16xi32>
            %add3A_492 = arith.addi %broadcast_in_dim3A_11, %add3A_491 : vector<16xi32>
            tpu.vector_store_idx %arg12[%add3A_132, %add3A_492], %gather3A_489 masked %and3A_144 : memref<672x128xf32, #tpu.memory_space<vmem>>[vector<16xi32>, vector<16xi32>], vector<16xf32>, vector<16xi1>
            %add3A_493 = arith.constant 30 : i32
            %add3A_494 = vector.broadcast %add3A_493 : i32 to vector<16xi32>
            %add3A_495 = arith.addi %broadcast_in_dim3A_11, %add3A_494 : vector<16xi32>
            %gather3A_496 = arith.constant 0 : i32
            %gather3A_497 = arith.constant 0 : i32
            %gather3A_498 = tpu.memref_slice %arg10[%scan3A_56, %gather3A_496, %gather3A_497] : memref<2x64x256xf32, #tpu.memory_space<vmem>> -> memref<1x64x256xf32, #tpu.memory_space<vmem>>
            %gather3A_499 = tpu.memref_squeeze %gather3A_498 : memref<1x64x256xf32, #tpu.memory_space<vmem>> -> memref<64x256xf32, #tpu.memory_space<vmem>>
            %gather3A_500 = tpu.vector_load_idx %gather3A_499[%add3A_495, %select_n3A_163] masked %and3A_144 : memref<64x256xf32, #tpu.memory_space<vmem>>[vector<16xi32>, vector<16xi32>], vector<16xf32>, vector<16xi1>
            %add3A_501 = arith.constant 30 : i32
            %add3A_502 = vector.broadcast %add3A_501 : i32 to vector<16xi32>
            %add3A_503 = arith.addi %broadcast_in_dim3A_11, %add3A_502 : vector<16xi32>
            tpu.vector_store_idx %arg12[%add3A_132, %add3A_503], %gather3A_500 masked %and3A_144 : memref<672x128xf32, #tpu.memory_space<vmem>>[vector<16xi32>, vector<16xi32>], vector<16xf32>, vector<16xi1>
            %add3A_504 = arith.constant 31 : i32
            %add3A_505 = vector.broadcast %add3A_504 : i32 to vector<16xi32>
            %add3A_506 = arith.addi %broadcast_in_dim3A_11, %add3A_505 : vector<16xi32>
            %gather3A_507 = arith.constant 0 : i32
            %gather3A_508 = arith.constant 0 : i32
            %gather3A_509 = tpu.memref_slice %arg10[%scan3A_56, %gather3A_507, %gather3A_508] : memref<2x64x256xf32, #tpu.memory_space<vmem>> -> memref<1x64x256xf32, #tpu.memory_space<vmem>>
            %gather3A_510 = tpu.memref_squeeze %gather3A_509 : memref<1x64x256xf32, #tpu.memory_space<vmem>> -> memref<64x256xf32, #tpu.memory_space<vmem>>
            %gather3A_511 = tpu.vector_load_idx %gather3A_510[%add3A_506, %select_n3A_163] masked %and3A_144 : memref<64x256xf32, #tpu.memory_space<vmem>>[vector<16xi32>, vector<16xi32>], vector<16xf32>, vector<16xi1>
            %add3A_512 = arith.constant 31 : i32
            %add3A_513 = vector.broadcast %add3A_512 : i32 to vector<16xi32>
            %add3A_514 = arith.addi %broadcast_in_dim3A_11, %add3A_513 : vector<16xi32>
            tpu.vector_store_idx %arg12[%add3A_132, %add3A_514], %gather3A_511 masked %and3A_144 : memref<672x128xf32, #tpu.memory_space<vmem>>[vector<16xi32>, vector<16xi32>], vector<16xf32>, vector<16xi1>
            %add3A_515 = arith.constant 32 : i32
            %add3A_516 = vector.broadcast %add3A_515 : i32 to vector<16xi32>
            %add3A_517 = arith.addi %broadcast_in_dim3A_11, %add3A_516 : vector<16xi32>
            %gather3A_518 = arith.constant 0 : i32
            %gather3A_519 = arith.constant 0 : i32
            %gather3A_520 = tpu.memref_slice %arg10[%scan3A_56, %gather3A_518, %gather3A_519] : memref<2x64x256xf32, #tpu.memory_space<vmem>> -> memref<1x64x256xf32, #tpu.memory_space<vmem>>
            %gather3A_521 = tpu.memref_squeeze %gather3A_520 : memref<1x64x256xf32, #tpu.memory_space<vmem>> -> memref<64x256xf32, #tpu.memory_space<vmem>>
            %gather3A_522 = tpu.vector_load_idx %gather3A_521[%add3A_517, %select_n3A_163] masked %and3A_144 : memref<64x256xf32, #tpu.memory_space<vmem>>[vector<16xi32>, vector<16xi32>], vector<16xf32>, vector<16xi1>
            %add3A_523 = arith.constant 32 : i32
            %add3A_524 = vector.broadcast %add3A_523 : i32 to vector<16xi32>
            %add3A_525 = arith.addi %broadcast_in_dim3A_11, %add3A_524 : vector<16xi32>
            tpu.vector_store_idx %arg12[%add3A_132, %add3A_525], %gather3A_522 masked %and3A_144 : memref<672x128xf32, #tpu.memory_space<vmem>>[vector<16xi32>, vector<16xi32>], vector<16xf32>, vector<16xi1>
            %add3A_526 = arith.constant 33 : i32
            %add3A_527 = vector.broadcast %add3A_526 : i32 to vector<16xi32>
            %add3A_528 = arith.addi %broadcast_in_dim3A_11, %add3A_527 : vector<16xi32>
            %gather3A_529 = arith.constant 0 : i32
            %gather3A_530 = arith.constant 0 : i32
            %gather3A_531 = tpu.memref_slice %arg10[%scan3A_56, %gather3A_529, %gather3A_530] : memref<2x64x256xf32, #tpu.memory_space<vmem>> -> memref<1x64x256xf32, #tpu.memory_space<vmem>>
            %gather3A_532 = tpu.memref_squeeze %gather3A_531 : memref<1x64x256xf32, #tpu.memory_space<vmem>> -> memref<64x256xf32, #tpu.memory_space<vmem>>
            %gather3A_533 = tpu.vector_load_idx %gather3A_532[%add3A_528, %select_n3A_163] masked %and3A_144 : memref<64x256xf32, #tpu.memory_space<vmem>>[vector<16xi32>, vector<16xi32>], vector<16xf32>, vector<16xi1>
            %add3A_534 = arith.constant 33 : i32
            %add3A_535 = vector.broadcast %add3A_534 : i32 to vector<16xi32>
            %add3A_536 = arith.addi %broadcast_in_dim3A_11, %add3A_535 : vector<16xi32>
            tpu.vector_store_idx %arg12[%add3A_132, %add3A_536], %gather3A_533 masked %and3A_144 : memref<672x128xf32, #tpu.memory_space<vmem>>[vector<16xi32>, vector<16xi32>], vector<16xf32>, vector<16xi1>
            %add3A_537 = arith.constant 34 : i32
            %add3A_538 = vector.broadcast %add3A_537 : i32 to vector<16xi32>
            %add3A_539 = arith.addi %broadcast_in_dim3A_11, %add3A_538 : vector<16xi32>
            %gather3A_540 = arith.constant 0 : i32
            %gather3A_541 = arith.constant 0 : i32
            %gather3A_542 = tpu.memref_slice %arg10[%scan3A_56, %gather3A_540, %gather3A_541] : memref<2x64x256xf32, #tpu.memory_space<vmem>> -> memref<1x64x256xf32, #tpu.memory_space<vmem>>
            %gather3A_543 = tpu.memref_squeeze %gather3A_542 : memref<1x64x256xf32, #tpu.memory_space<vmem>> -> memref<64x256xf32, #tpu.memory_space<vmem>>
            %gather3A_544 = tpu.vector_load_idx %gather3A_543[%add3A_539, %select_n3A_163] masked %and3A_144 : memref<64x256xf32, #tpu.memory_space<vmem>>[vector<16xi32>, vector<16xi32>], vector<16xf32>, vector<16xi1>
            %add3A_545 = arith.constant 34 : i32
            %add3A_546 = vector.broadcast %add3A_545 : i32 to vector<16xi32>
            %add3A_547 = arith.addi %broadcast_in_dim3A_11, %add3A_546 : vector<16xi32>
            tpu.vector_store_idx %arg12[%add3A_132, %add3A_547], %gather3A_544 masked %and3A_144 : memref<672x128xf32, #tpu.memory_space<vmem>>[vector<16xi32>, vector<16xi32>], vector<16xf32>, vector<16xi1>
            %add3A_548 = arith.constant 35 : i32
            %add3A_549 = vector.broadcast %add3A_548 : i32 to vector<16xi32>
            %add3A_550 = arith.addi %broadcast_in_dim3A_11, %add3A_549 : vector<16xi32>
            %gather3A_551 = arith.constant 0 : i32
            %gather3A_552 = arith.constant 0 : i32
            %gather3A_553 = tpu.memref_slice %arg10[%scan3A_56, %gather3A_551, %gather3A_552] : memref<2x64x256xf32, #tpu.memory_space<vmem>> -> memref<1x64x256xf32, #tpu.memory_space<vmem>>
            %gather3A_554 = tpu.memref_squeeze %gather3A_553 : memref<1x64x256xf32, #tpu.memory_space<vmem>> -> memref<64x256xf32, #tpu.memory_space<vmem>>
            %gather3A_555 = tpu.vector_load_idx %gather3A_554[%add3A_550, %select_n3A_163] masked %and3A_144 : memref<64x256xf32, #tpu.memory_space<vmem>>[vector<16xi32>, vector<16xi32>], vector<16xf32>, vector<16xi1>
            %add3A_556 = arith.constant 35 : i32
            %add3A_557 = vector.broadcast %add3A_556 : i32 to vector<16xi32>
            %add3A_558 = arith.addi %broadcast_in_dim3A_11, %add3A_557 : vector<16xi32>
            tpu.vector_store_idx %arg12[%add3A_132, %add3A_558], %gather3A_555 masked %and3A_144 : memref<672x128xf32, #tpu.memory_space<vmem>>[vector<16xi32>, vector<16xi32>], vector<16xf32>, vector<16xi1>
            %add3A_559 = arith.constant 36 : i32
            %add3A_560 = vector.broadcast %add3A_559 : i32 to vector<16xi32>
            %add3A_561 = arith.addi %broadcast_in_dim3A_11, %add3A_560 : vector<16xi32>
            %gather3A_562 = arith.constant 0 : i32
            %gather3A_563 = arith.constant 0 : i32
            %gather3A_564 = tpu.memref_slice %arg10[%scan3A_56, %gather3A_562, %gather3A_563] : memref<2x64x256xf32, #tpu.memory_space<vmem>> -> memref<1x64x256xf32, #tpu.memory_space<vmem>>
            %gather3A_565 = tpu.memref_squeeze %gather3A_564 : memref<1x64x256xf32, #tpu.memory_space<vmem>> -> memref<64x256xf32, #tpu.memory_space<vmem>>
            %gather3A_566 = tpu.vector_load_idx %gather3A_565[%add3A_561, %select_n3A_163] masked %and3A_144 : memref<64x256xf32, #tpu.memory_space<vmem>>[vector<16xi32>, vector<16xi32>], vector<16xf32>, vector<16xi1>
            %add3A_567 = arith.constant 36 : i32
            %add3A_568 = vector.broadcast %add3A_567 : i32 to vector<16xi32>
            %add3A_569 = arith.addi %broadcast_in_dim3A_11, %add3A_568 : vector<16xi32>
            tpu.vector_store_idx %arg12[%add3A_132, %add3A_569], %gather3A_566 masked %and3A_144 : memref<672x128xf32, #tpu.memory_space<vmem>>[vector<16xi32>, vector<16xi32>], vector<16xf32>, vector<16xi1>
            %add3A_570 = arith.constant 37 : i32
            %add3A_571 = vector.broadcast %add3A_570 : i32 to vector<16xi32>
            %add3A_572 = arith.addi %broadcast_in_dim3A_11, %add3A_571 : vector<16xi32>
            %gather3A_573 = arith.constant 0 : i32
            %gather3A_574 = arith.constant 0 : i32
            %gather3A_575 = tpu.memref_slice %arg10[%scan3A_56, %gather3A_573, %gather3A_574] : memref<2x64x256xf32, #tpu.memory_space<vmem>> -> memref<1x64x256xf32, #tpu.memory_space<vmem>>
            %gather3A_576 = tpu.memref_squeeze %gather3A_575 : memref<1x64x256xf32, #tpu.memory_space<vmem>> -> memref<64x256xf32, #tpu.memory_space<vmem>>
            %gather3A_577 = tpu.vector_load_idx %gather3A_576[%add3A_572, %select_n3A_163] masked %and3A_144 : memref<64x256xf32, #tpu.memory_space<vmem>>[vector<16xi32>, vector<16xi32>], vector<16xf32>, vector<16xi1>
            %add3A_578 = arith.constant 37 : i32
            %add3A_579 = vector.broadcast %add3A_578 : i32 to vector<16xi32>
            %add3A_580 = arith.addi %broadcast_in_dim3A_11, %add3A_579 : vector<16xi32>
            tpu.vector_store_idx %arg12[%add3A_132, %add3A_580], %gather3A_577 masked %and3A_144 : memref<672x128xf32, #tpu.memory_space<vmem>>[vector<16xi32>, vector<16xi32>], vector<16xf32>, vector<16xi1>
            %add3A_581 = arith.constant 38 : i32
            %add3A_582 = vector.broadcast %add3A_581 : i32 to vector<16xi32>
            %add3A_583 = arith.addi %broadcast_in_dim3A_11, %add3A_582 : vector<16xi32>
            %gather3A_584 = arith.constant 0 : i32
            %gather3A_585 = arith.constant 0 : i32
            %gather3A_586 = tpu.memref_slice %arg10[%scan3A_56, %gather3A_584, %gather3A_585] : memref<2x64x256xf32, #tpu.memory_space<vmem>> -> memref<1x64x256xf32, #tpu.memory_space<vmem>>
            %gather3A_587 = tpu.memref_squeeze %gather3A_586 : memref<1x64x256xf32, #tpu.memory_space<vmem>> -> memref<64x256xf32, #tpu.memory_space<vmem>>
            %gather3A_588 = tpu.vector_load_idx %gather3A_587[%add3A_583, %select_n3A_163] masked %and3A_144 : memref<64x256xf32, #tpu.memory_space<vmem>>[vector<16xi32>, vector<16xi32>], vector<16xf32>, vector<16xi1>
            %add3A_589 = arith.constant 38 : i32
            %add3A_590 = vector.broadcast %add3A_589 : i32 to vector<16xi32>
            %add3A_591 = arith.addi %broadcast_in_dim3A_11, %add3A_590 : vector<16xi32>
            tpu.vector_store_idx %arg12[%add3A_132, %add3A_591], %gather3A_588 masked %and3A_144 : memref<672x128xf32, #tpu.memory_space<vmem>>[vector<16xi32>, vector<16xi32>], vector<16xf32>, vector<16xi1>
            %add3A_592 = arith.constant 39 : i32
            %add3A_593 = vector.broadcast %add3A_592 : i32 to vector<16xi32>
            %add3A_594 = arith.addi %broadcast_in_dim3A_11, %add3A_593 : vector<16xi32>
            %gather3A_595 = arith.constant 0 : i32
            %gather3A_596 = arith.constant 0 : i32
            %gather3A_597 = tpu.memref_slice %arg10[%scan3A_56, %gather3A_595, %gather3A_596] : memref<2x64x256xf32, #tpu.memory_space<vmem>> -> memref<1x64x256xf32, #tpu.memory_space<vmem>>
            %gather3A_598 = tpu.memref_squeeze %gather3A_597 : memref<1x64x256xf32, #tpu.memory_space<vmem>> -> memref<64x256xf32, #tpu.memory_space<vmem>>
            %gather3A_599 = tpu.vector_load_idx %gather3A_598[%add3A_594, %select_n3A_163] masked %and3A_144 : memref<64x256xf32, #tpu.memory_space<vmem>>[vector<16xi32>, vector<16xi32>], vector<16xf32>, vector<16xi1>
            %add3A_600 = arith.constant 39 : i32
            %add3A_601 = vector.broadcast %add3A_600 : i32 to vector<16xi32>
            %add3A_602 = arith.addi %broadcast_in_dim3A_11, %add3A_601 : vector<16xi32>
            tpu.vector_store_idx %arg12[%add3A_132, %add3A_602], %gather3A_599 masked %and3A_144 : memref<672x128xf32, #tpu.memory_space<vmem>>[vector<16xi32>, vector<16xi32>], vector<16xf32>, vector<16xi1>
            %add3A_603 = arith.constant 40 : i32
            %add3A_604 = vector.broadcast %add3A_603 : i32 to vector<16xi32>
            %add3A_605 = arith.addi %broadcast_in_dim3A_11, %add3A_604 : vector<16xi32>
            %gather3A_606 = arith.constant 0 : i32
            %gather3A_607 = arith.constant 0 : i32
            %gather3A_608 = tpu.memref_slice %arg10[%scan3A_56, %gather3A_606, %gather3A_607] : memref<2x64x256xf32, #tpu.memory_space<vmem>> -> memref<1x64x256xf32, #tpu.memory_space<vmem>>
            %gather3A_609 = tpu.memref_squeeze %gather3A_608 : memref<1x64x256xf32, #tpu.memory_space<vmem>> -> memref<64x256xf32, #tpu.memory_space<vmem>>
            %gather3A_610 = tpu.vector_load_idx %gather3A_609[%add3A_605, %select_n3A_163] masked %and3A_144 : memref<64x256xf32, #tpu.memory_space<vmem>>[vector<16xi32>, vector<16xi32>], vector<16xf32>, vector<16xi1>
            %add3A_611 = arith.constant 40 : i32
            %add3A_612 = vector.broadcast %add3A_611 : i32 to vector<16xi32>
            %add3A_613 = arith.addi %broadcast_in_dim3A_11, %add3A_612 : vector<16xi32>
            tpu.vector_store_idx %arg12[%add3A_132, %add3A_613], %gather3A_610 masked %and3A_144 : memref<672x128xf32, #tpu.memory_space<vmem>>[vector<16xi32>, vector<16xi32>], vector<16xf32>, vector<16xi1>
            %add3A_614 = arith.constant 41 : i32
            %add3A_615 = vector.broadcast %add3A_614 : i32 to vector<16xi32>
            %add3A_616 = arith.addi %broadcast_in_dim3A_11, %add3A_615 : vector<16xi32>
            %gather3A_617 = arith.constant 0 : i32
            %gather3A_618 = arith.constant 0 : i32
            %gather3A_619 = tpu.memref_slice %arg10[%scan3A_56, %gather3A_617, %gather3A_618] : memref<2x64x256xf32, #tpu.memory_space<vmem>> -> memref<1x64x256xf32, #tpu.memory_space<vmem>>
            %gather3A_620 = tpu.memref_squeeze %gather3A_619 : memref<1x64x256xf32, #tpu.memory_space<vmem>> -> memref<64x256xf32, #tpu.memory_space<vmem>>
            %gather3A_621 = tpu.vector_load_idx %gather3A_620[%add3A_616, %select_n3A_163] masked %and3A_144 : memref<64x256xf32, #tpu.memory_space<vmem>>[vector<16xi32>, vector<16xi32>], vector<16xf32>, vector<16xi1>
            %add3A_622 = arith.constant 41 : i32
            %add3A_623 = vector.broadcast %add3A_622 : i32 to vector<16xi32>
            %add3A_624 = arith.addi %broadcast_in_dim3A_11, %add3A_623 : vector<16xi32>
            tpu.vector_store_idx %arg12[%add3A_132, %add3A_624], %gather3A_621 masked %and3A_144 : memref<672x128xf32, #tpu.memory_space<vmem>>[vector<16xi32>, vector<16xi32>], vector<16xf32>, vector<16xi1>
            %add3A_625 = arith.constant 42 : i32
            %add3A_626 = vector.broadcast %add3A_625 : i32 to vector<16xi32>
            %add3A_627 = arith.addi %broadcast_in_dim3A_11, %add3A_626 : vector<16xi32>
            %gather3A_628 = arith.constant 0 : i32
            %gather3A_629 = arith.constant 0 : i32
            %gather3A_630 = tpu.memref_slice %arg10[%scan3A_56, %gather3A_628, %gather3A_629] : memref<2x64x256xf32, #tpu.memory_space<vmem>> -> memref<1x64x256xf32, #tpu.memory_space<vmem>>
            %gather3A_631 = tpu.memref_squeeze %gather3A_630 : memref<1x64x256xf32, #tpu.memory_space<vmem>> -> memref<64x256xf32, #tpu.memory_space<vmem>>
            %gather3A_632 = tpu.vector_load_idx %gather3A_631[%add3A_627, %select_n3A_163] masked %and3A_144 : memref<64x256xf32, #tpu.memory_space<vmem>>[vector<16xi32>, vector<16xi32>], vector<16xf32>, vector<16xi1>
            %add3A_633 = arith.constant 42 : i32
            %add3A_634 = vector.broadcast %add3A_633 : i32 to vector<16xi32>
            %add3A_635 = arith.addi %broadcast_in_dim3A_11, %add3A_634 : vector<16xi32>
            tpu.vector_store_idx %arg12[%add3A_132, %add3A_635], %gather3A_632 masked %and3A_144 : memref<672x128xf32, #tpu.memory_space<vmem>>[vector<16xi32>, vector<16xi32>], vector<16xf32>, vector<16xi1>
            %add3A_636 = arith.constant 43 : i32
            %add3A_637 = vector.broadcast %add3A_636 : i32 to vector<16xi32>
            %add3A_638 = arith.addi %broadcast_in_dim3A_11, %add3A_637 : vector<16xi32>
            %gather3A_639 = arith.constant 0 : i32
            %gather3A_640 = arith.constant 0 : i32
            %gather3A_641 = tpu.memref_slice %arg10[%scan3A_56, %gather3A_639, %gather3A_640] : memref<2x64x256xf32, #tpu.memory_space<vmem>> -> memref<1x64x256xf32, #tpu.memory_space<vmem>>
            %gather3A_642 = tpu.memref_squeeze %gather3A_641 : memref<1x64x256xf32, #tpu.memory_space<vmem>> -> memref<64x256xf32, #tpu.memory_space<vmem>>
            %gather3A_643 = tpu.vector_load_idx %gather3A_642[%add3A_638, %select_n3A_163] masked %and3A_144 : memref<64x256xf32, #tpu.memory_space<vmem>>[vector<16xi32>, vector<16xi32>], vector<16xf32>, vector<16xi1>
            %add3A_644 = arith.constant 43 : i32
            %add3A_645 = vector.broadcast %add3A_644 : i32 to vector<16xi32>
            %add3A_646 = arith.addi %broadcast_in_dim3A_11, %add3A_645 : vector<16xi32>
            tpu.vector_store_idx %arg12[%add3A_132, %add3A_646], %gather3A_643 masked %and3A_144 : memref<672x128xf32, #tpu.memory_space<vmem>>[vector<16xi32>, vector<16xi32>], vector<16xf32>, vector<16xi1>
            %add3A_647 = arith.constant 44 : i32
            %add3A_648 = vector.broadcast %add3A_647 : i32 to vector<16xi32>
            %add3A_649 = arith.addi %broadcast_in_dim3A_11, %add3A_648 : vector<16xi32>
            %gather3A_650 = arith.constant 0 : i32
            %gather3A_651 = arith.constant 0 : i32
            %gather3A_652 = tpu.memref_slice %arg10[%scan3A_56, %gather3A_650, %gather3A_651] : memref<2x64x256xf32, #tpu.memory_space<vmem>> -> memref<1x64x256xf32, #tpu.memory_space<vmem>>
            %gather3A_653 = tpu.memref_squeeze %gather3A_652 : memref<1x64x256xf32, #tpu.memory_space<vmem>> -> memref<64x256xf32, #tpu.memory_space<vmem>>
            %gather3A_654 = tpu.vector_load_idx %gather3A_653[%add3A_649, %select_n3A_163] masked %and3A_144 : memref<64x256xf32, #tpu.memory_space<vmem>>[vector<16xi32>, vector<16xi32>], vector<16xf32>, vector<16xi1>
            %add3A_655 = arith.constant 44 : i32
            %add3A_656 = vector.broadcast %add3A_655 : i32 to vector<16xi32>
            %add3A_657 = arith.addi %broadcast_in_dim3A_11, %add3A_656 : vector<16xi32>
            tpu.vector_store_idx %arg12[%add3A_132, %add3A_657], %gather3A_654 masked %and3A_144 : memref<672x128xf32, #tpu.memory_space<vmem>>[vector<16xi32>, vector<16xi32>], vector<16xf32>, vector<16xi1>
            %add3A_658 = arith.constant 45 : i32
            %add3A_659 = vector.broadcast %add3A_658 : i32 to vector<16xi32>
            %add3A_660 = arith.addi %broadcast_in_dim3A_11, %add3A_659 : vector<16xi32>
            %gather3A_661 = arith.constant 0 : i32
            %gather3A_662 = arith.constant 0 : i32
            %gather3A_663 = tpu.memref_slice %arg10[%scan3A_56, %gather3A_661, %gather3A_662] : memref<2x64x256xf32, #tpu.memory_space<vmem>> -> memref<1x64x256xf32, #tpu.memory_space<vmem>>
            %gather3A_664 = tpu.memref_squeeze %gather3A_663 : memref<1x64x256xf32, #tpu.memory_space<vmem>> -> memref<64x256xf32, #tpu.memory_space<vmem>>
            %gather3A_665 = tpu.vector_load_idx %gather3A_664[%add3A_660, %select_n3A_163] masked %and3A_144 : memref<64x256xf32, #tpu.memory_space<vmem>>[vector<16xi32>, vector<16xi32>], vector<16xf32>, vector<16xi1>
            %add3A_666 = arith.constant 45 : i32
            %add3A_667 = vector.broadcast %add3A_666 : i32 to vector<16xi32>
            %add3A_668 = arith.addi %broadcast_in_dim3A_11, %add3A_667 : vector<16xi32>
            tpu.vector_store_idx %arg12[%add3A_132, %add3A_668], %gather3A_665 masked %and3A_144 : memref<672x128xf32, #tpu.memory_space<vmem>>[vector<16xi32>, vector<16xi32>], vector<16xf32>, vector<16xi1>
            %add3A_669 = arith.constant 46 : i32
            %add3A_670 = vector.broadcast %add3A_669 : i32 to vector<16xi32>
            %add3A_671 = arith.addi %broadcast_in_dim3A_11, %add3A_670 : vector<16xi32>
            %gather3A_672 = arith.constant 0 : i32
            %gather3A_673 = arith.constant 0 : i32
            %gather3A_674 = tpu.memref_slice %arg10[%scan3A_56, %gather3A_672, %gather3A_673] : memref<2x64x256xf32, #tpu.memory_space<vmem>> -> memref<1x64x256xf32, #tpu.memory_space<vmem>>
            %gather3A_675 = tpu.memref_squeeze %gather3A_674 : memref<1x64x256xf32, #tpu.memory_space<vmem>> -> memref<64x256xf32, #tpu.memory_space<vmem>>
            %gather3A_676 = tpu.vector_load_idx %gather3A_675[%add3A_671, %select_n3A_163] masked %and3A_144 : memref<64x256xf32, #tpu.memory_space<vmem>>[vector<16xi32>, vector<16xi32>], vector<16xf32>, vector<16xi1>
            %add3A_677 = arith.constant 46 : i32
            %add3A_678 = vector.broadcast %add3A_677 : i32 to vector<16xi32>
            %add3A_679 = arith.addi %broadcast_in_dim3A_11, %add3A_678 : vector<16xi32>
            tpu.vector_store_idx %arg12[%add3A_132, %add3A_679], %gather3A_676 masked %and3A_144 : memref<672x128xf32, #tpu.memory_space<vmem>>[vector<16xi32>, vector<16xi32>], vector<16xf32>, vector<16xi1>
            %add3A_680 = arith.constant 47 : i32
            %add3A_681 = vector.broadcast %add3A_680 : i32 to vector<16xi32>
            %add3A_682 = arith.addi %broadcast_in_dim3A_11, %add3A_681 : vector<16xi32>
            %gather3A_683 = arith.constant 0 : i32
            %gather3A_684 = arith.constant 0 : i32
            %gather3A_685 = tpu.memref_slice %arg10[%scan3A_56, %gather3A_683, %gather3A_684] : memref<2x64x256xf32, #tpu.memory_space<vmem>> -> memref<1x64x256xf32, #tpu.memory_space<vmem>>
            %gather3A_686 = tpu.memref_squeeze %gather3A_685 : memref<1x64x256xf32, #tpu.memory_space<vmem>> -> memref<64x256xf32, #tpu.memory_space<vmem>>
            %gather3A_687 = tpu.vector_load_idx %gather3A_686[%add3A_682, %select_n3A_163] masked %and3A_144 : memref<64x256xf32, #tpu.memory_space<vmem>>[vector<16xi32>, vector<16xi32>], vector<16xf32>, vector<16xi1>
            %add3A_688 = arith.constant 47 : i32
            %add3A_689 = vector.broadcast %add3A_688 : i32 to vector<16xi32>
            %add3A_690 = arith.addi %broadcast_in_dim3A_11, %add3A_689 : vector<16xi32>
            tpu.vector_store_idx %arg12[%add3A_132, %add3A_690], %gather3A_687 masked %and3A_144 : memref<672x128xf32, #tpu.memory_space<vmem>>[vector<16xi32>, vector<16xi32>], vector<16xf32>, vector<16xi1>
            %add3A_691 = arith.constant 48 : i32
            %add3A_692 = vector.broadcast %add3A_691 : i32 to vector<16xi32>
            %add3A_693 = arith.addi %broadcast_in_dim3A_11, %add3A_692 : vector<16xi32>
            %gather3A_694 = arith.constant 0 : i32
            %gather3A_695 = arith.constant 0 : i32
            %gather3A_696 = tpu.memref_slice %arg10[%scan3A_56, %gather3A_694, %gather3A_695] : memref<2x64x256xf32, #tpu.memory_space<vmem>> -> memref<1x64x256xf32, #tpu.memory_space<vmem>>
            %gather3A_697 = tpu.memref_squeeze %gather3A_696 : memref<1x64x256xf32, #tpu.memory_space<vmem>> -> memref<64x256xf32, #tpu.memory_space<vmem>>
            %gather3A_698 = tpu.vector_load_idx %gather3A_697[%add3A_693, %select_n3A_163] masked %and3A_144 : memref<64x256xf32, #tpu.memory_space<vmem>>[vector<16xi32>, vector<16xi32>], vector<16xf32>, vector<16xi1>
            %add3A_699 = arith.constant 48 : i32
            %add3A_700 = vector.broadcast %add3A_699 : i32 to vector<16xi32>
            %add3A_701 = arith.addi %broadcast_in_dim3A_11, %add3A_700 : vector<16xi32>
            tpu.vector_store_idx %arg12[%add3A_132, %add3A_701], %gather3A_698 masked %and3A_144 : memref<672x128xf32, #tpu.memory_space<vmem>>[vector<16xi32>, vector<16xi32>], vector<16xf32>, vector<16xi1>
            %add3A_702 = arith.constant 49 : i32
            %add3A_703 = vector.broadcast %add3A_702 : i32 to vector<16xi32>
            %add3A_704 = arith.addi %broadcast_in_dim3A_11, %add3A_703 : vector<16xi32>
            %gather3A_705 = arith.constant 0 : i32
            %gather3A_706 = arith.constant 0 : i32
            %gather3A_707 = tpu.memref_slice %arg10[%scan3A_56, %gather3A_705, %gather3A_706] : memref<2x64x256xf32, #tpu.memory_space<vmem>> -> memref<1x64x256xf32, #tpu.memory_space<vmem>>
            %gather3A_708 = tpu.memref_squeeze %gather3A_707 : memref<1x64x256xf32, #tpu.memory_space<vmem>> -> memref<64x256xf32, #tpu.memory_space<vmem>>
            %gather3A_709 = tpu.vector_load_idx %gather3A_708[%add3A_704, %select_n3A_163] masked %and3A_144 : memref<64x256xf32, #tpu.memory_space<vmem>>[vector<16xi32>, vector<16xi32>], vector<16xf32>, vector<16xi1>
            %add3A_710 = arith.constant 49 : i32
            %add3A_711 = vector.broadcast %add3A_710 : i32 to vector<16xi32>
            %add3A_712 = arith.addi %broadcast_in_dim3A_11, %add3A_711 : vector<16xi32>
            tpu.vector_store_idx %arg12[%add3A_132, %add3A_712], %gather3A_709 masked %and3A_144 : memref<672x128xf32, #tpu.memory_space<vmem>>[vector<16xi32>, vector<16xi32>], vector<16xf32>, vector<16xi1>
            %add3A_713 = arith.constant 50 : i32
            %add3A_714 = vector.broadcast %add3A_713 : i32 to vector<16xi32>
            %add3A_715 = arith.addi %broadcast_in_dim3A_11, %add3A_714 : vector<16xi32>
            %gather3A_716 = arith.constant 0 : i32
            %gather3A_717 = arith.constant 0 : i32
            %gather3A_718 = tpu.memref_slice %arg10[%scan3A_56, %gather3A_716, %gather3A_717] : memref<2x64x256xf32, #tpu.memory_space<vmem>> -> memref<1x64x256xf32, #tpu.memory_space<vmem>>
            %gather3A_719 = tpu.memref_squeeze %gather3A_718 : memref<1x64x256xf32, #tpu.memory_space<vmem>> -> memref<64x256xf32, #tpu.memory_space<vmem>>
            %gather3A_720 = tpu.vector_load_idx %gather3A_719[%add3A_715, %select_n3A_163] masked %and3A_144 : memref<64x256xf32, #tpu.memory_space<vmem>>[vector<16xi32>, vector<16xi32>], vector<16xf32>, vector<16xi1>
            %add3A_721 = arith.constant 50 : i32
            %add3A_722 = vector.broadcast %add3A_721 : i32 to vector<16xi32>
            %add3A_723 = arith.addi %broadcast_in_dim3A_11, %add3A_722 : vector<16xi32>
            tpu.vector_store_idx %arg12[%add3A_132, %add3A_723], %gather3A_720 masked %and3A_144 : memref<672x128xf32, #tpu.memory_space<vmem>>[vector<16xi32>, vector<16xi32>], vector<16xf32>, vector<16xi1>
            %add3A_724 = arith.constant 51 : i32
            %add3A_725 = vector.broadcast %add3A_724 : i32 to vector<16xi32>
            %add3A_726 = arith.addi %broadcast_in_dim3A_11, %add3A_725 : vector<16xi32>
            %gather3A_727 = arith.constant 0 : i32
            %gather3A_728 = arith.constant 0 : i32
            %gather3A_729 = tpu.memref_slice %arg10[%scan3A_56, %gather3A_727, %gather3A_728] : memref<2x64x256xf32, #tpu.memory_space<vmem>> -> memref<1x64x256xf32, #tpu.memory_space<vmem>>
            %gather3A_730 = tpu.memref_squeeze %gather3A_729 : memref<1x64x256xf32, #tpu.memory_space<vmem>> -> memref<64x256xf32, #tpu.memory_space<vmem>>
            %gather3A_731 = tpu.vector_load_idx %gather3A_730[%add3A_726, %select_n3A_163] masked %and3A_144 : memref<64x256xf32, #tpu.memory_space<vmem>>[vector<16xi32>, vector<16xi32>], vector<16xf32>, vector<16xi1>
            %add3A_732 = arith.constant 51 : i32
            %add3A_733 = vector.broadcast %add3A_732 : i32 to vector<16xi32>
            %add3A_734 = arith.addi %broadcast_in_dim3A_11, %add3A_733 : vector<16xi32>
            tpu.vector_store_idx %arg12[%add3A_132, %add3A_734], %gather3A_731 masked %and3A_144 : memref<672x128xf32, #tpu.memory_space<vmem>>[vector<16xi32>, vector<16xi32>], vector<16xf32>, vector<16xi1>
            %add3A_735 = arith.constant 52 : i32
            %add3A_736 = vector.broadcast %add3A_735 : i32 to vector<16xi32>
            %add3A_737 = arith.addi %broadcast_in_dim3A_11, %add3A_736 : vector<16xi32>
            %gather3A_738 = arith.constant 0 : i32
            %gather3A_739 = arith.constant 0 : i32
            %gather3A_740 = tpu.memref_slice %arg10[%scan3A_56, %gather3A_738, %gather3A_739] : memref<2x64x256xf32, #tpu.memory_space<vmem>> -> memref<1x64x256xf32, #tpu.memory_space<vmem>>
            %gather3A_741 = tpu.memref_squeeze %gather3A_740 : memref<1x64x256xf32, #tpu.memory_space<vmem>> -> memref<64x256xf32, #tpu.memory_space<vmem>>
            %gather3A_742 = tpu.vector_load_idx %gather3A_741[%add3A_737, %select_n3A_163] masked %and3A_144 : memref<64x256xf32, #tpu.memory_space<vmem>>[vector<16xi32>, vector<16xi32>], vector<16xf32>, vector<16xi1>
            %add3A_743 = arith.constant 52 : i32
            %add3A_744 = vector.broadcast %add3A_743 : i32 to vector<16xi32>
            %add3A_745 = arith.addi %broadcast_in_dim3A_11, %add3A_744 : vector<16xi32>
            tpu.vector_store_idx %arg12[%add3A_132, %add3A_745], %gather3A_742 masked %and3A_144 : memref<672x128xf32, #tpu.memory_space<vmem>>[vector<16xi32>, vector<16xi32>], vector<16xf32>, vector<16xi1>
            %add3A_746 = arith.constant 53 : i32
            %add3A_747 = vector.broadcast %add3A_746 : i32 to vector<16xi32>
            %add3A_748 = arith.addi %broadcast_in_dim3A_11, %add3A_747 : vector<16xi32>
            %gather3A_749 = arith.constant 0 : i32
            %gather3A_750 = arith.constant 0 : i32
            %gather3A_751 = tpu.memref_slice %arg10[%scan3A_56, %gather3A_749, %gather3A_750] : memref<2x64x256xf32, #tpu.memory_space<vmem>> -> memref<1x64x256xf32, #tpu.memory_space<vmem>>
            %gather3A_752 = tpu.memref_squeeze %gather3A_751 : memref<1x64x256xf32, #tpu.memory_space<vmem>> -> memref<64x256xf32, #tpu.memory_space<vmem>>
            %gather3A_753 = tpu.vector_load_idx %gather3A_752[%add3A_748, %select_n3A_163] masked %and3A_144 : memref<64x256xf32, #tpu.memory_space<vmem>>[vector<16xi32>, vector<16xi32>], vector<16xf32>, vector<16xi1>
            %add3A_754 = arith.constant 53 : i32
            %add3A_755 = vector.broadcast %add3A_754 : i32 to vector<16xi32>
            %add3A_756 = arith.addi %broadcast_in_dim3A_11, %add3A_755 : vector<16xi32>
            tpu.vector_store_idx %arg12[%add3A_132, %add3A_756], %gather3A_753 masked %and3A_144 : memref<672x128xf32, #tpu.memory_space<vmem>>[vector<16xi32>, vector<16xi32>], vector<16xf32>, vector<16xi1>
            %add3A_757 = arith.constant 54 : i32
            %add3A_758 = vector.broadcast %add3A_757 : i32 to vector<16xi32>
            %add3A_759 = arith.addi %broadcast_in_dim3A_11, %add3A_758 : vector<16xi32>
            %gather3A_760 = arith.constant 0 : i32
            %gather3A_761 = arith.constant 0 : i32
            %gather3A_762 = tpu.memref_slice %arg10[%scan3A_56, %gather3A_760, %gather3A_761] : memref<2x64x256xf32, #tpu.memory_space<vmem>> -> memref<1x64x256xf32, #tpu.memory_space<vmem>>
            %gather3A_763 = tpu.memref_squeeze %gather3A_762 : memref<1x64x256xf32, #tpu.memory_space<vmem>> -> memref<64x256xf32, #tpu.memory_space<vmem>>
            %gather3A_764 = tpu.vector_load_idx %gather3A_763[%add3A_759, %select_n3A_163] masked %and3A_144 : memref<64x256xf32, #tpu.memory_space<vmem>>[vector<16xi32>, vector<16xi32>], vector<16xf32>, vector<16xi1>
            %add3A_765 = arith.constant 54 : i32
            %add3A_766 = vector.broadcast %add3A_765 : i32 to vector<16xi32>
            %add3A_767 = arith.addi %broadcast_in_dim3A_11, %add3A_766 : vector<16xi32>
            tpu.vector_store_idx %arg12[%add3A_132, %add3A_767], %gather3A_764 masked %and3A_144 : memref<672x128xf32, #tpu.memory_space<vmem>>[vector<16xi32>, vector<16xi32>], vector<16xf32>, vector<16xi1>
            %add3A_768 = arith.constant 55 : i32
            %add3A_769 = vector.broadcast %add3A_768 : i32 to vector<16xi32>
            %add3A_770 = arith.addi %broadcast_in_dim3A_11, %add3A_769 : vector<16xi32>
            %gather3A_771 = arith.constant 0 : i32
            %gather3A_772 = arith.constant 0 : i32
            %gather3A_773 = tpu.memref_slice %arg10[%scan3A_56, %gather3A_771, %gather3A_772] : memref<2x64x256xf32, #tpu.memory_space<vmem>> -> memref<1x64x256xf32, #tpu.memory_space<vmem>>
            %gather3A_774 = tpu.memref_squeeze %gather3A_773 : memref<1x64x256xf32, #tpu.memory_space<vmem>> -> memref<64x256xf32, #tpu.memory_space<vmem>>
            %gather3A_775 = tpu.vector_load_idx %gather3A_774[%add3A_770, %select_n3A_163] masked %and3A_144 : memref<64x256xf32, #tpu.memory_space<vmem>>[vector<16xi32>, vector<16xi32>], vector<16xf32>, vector<16xi1>
            %add3A_776 = arith.constant 55 : i32
            %add3A_777 = vector.broadcast %add3A_776 : i32 to vector<16xi32>
            %add3A_778 = arith.addi %broadcast_in_dim3A_11, %add3A_777 : vector<16xi32>
            tpu.vector_store_idx %arg12[%add3A_132, %add3A_778], %gather3A_775 masked %and3A_144 : memref<672x128xf32, #tpu.memory_space<vmem>>[vector<16xi32>, vector<16xi32>], vector<16xf32>, vector<16xi1>
            %add3A_779 = arith.constant 56 : i32
            %add3A_780 = vector.broadcast %add3A_779 : i32 to vector<16xi32>
            %add3A_781 = arith.addi %broadcast_in_dim3A_11, %add3A_780 : vector<16xi32>
            %gather3A_782 = arith.constant 0 : i32
            %gather3A_783 = arith.constant 0 : i32
            %gather3A_784 = tpu.memref_slice %arg10[%scan3A_56, %gather3A_782, %gather3A_783] : memref<2x64x256xf32, #tpu.memory_space<vmem>> -> memref<1x64x256xf32, #tpu.memory_space<vmem>>
            %gather3A_785 = tpu.memref_squeeze %gather3A_784 : memref<1x64x256xf32, #tpu.memory_space<vmem>> -> memref<64x256xf32, #tpu.memory_space<vmem>>
            %gather3A_786 = tpu.vector_load_idx %gather3A_785[%add3A_781, %select_n3A_163] masked %and3A_144 : memref<64x256xf32, #tpu.memory_space<vmem>>[vector<16xi32>, vector<16xi32>], vector<16xf32>, vector<16xi1>
            %add3A_787 = arith.constant 56 : i32
            %add3A_788 = vector.broadcast %add3A_787 : i32 to vector<16xi32>
            %add3A_789 = arith.addi %broadcast_in_dim3A_11, %add3A_788 : vector<16xi32>
            tpu.vector_store_idx %arg12[%add3A_132, %add3A_789], %gather3A_786 masked %and3A_144 : memref<672x128xf32, #tpu.memory_space<vmem>>[vector<16xi32>, vector<16xi32>], vector<16xf32>, vector<16xi1>
            %add3A_790 = arith.constant 57 : i32
            %add3A_791 = vector.broadcast %add3A_790 : i32 to vector<16xi32>
            %add3A_792 = arith.addi %broadcast_in_dim3A_11, %add3A_791 : vector<16xi32>
            %gather3A_793 = arith.constant 0 : i32
            %gather3A_794 = arith.constant 0 : i32
            %gather3A_795 = tpu.memref_slice %arg10[%scan3A_56, %gather3A_793, %gather3A_794] : memref<2x64x256xf32, #tpu.memory_space<vmem>> -> memref<1x64x256xf32, #tpu.memory_space<vmem>>
            %gather3A_796 = tpu.memref_squeeze %gather3A_795 : memref<1x64x256xf32, #tpu.memory_space<vmem>> -> memref<64x256xf32, #tpu.memory_space<vmem>>
            %gather3A_797 = tpu.vector_load_idx %gather3A_796[%add3A_792, %select_n3A_163] masked %and3A_144 : memref<64x256xf32, #tpu.memory_space<vmem>>[vector<16xi32>, vector<16xi32>], vector<16xf32>, vector<16xi1>
            %add3A_798 = arith.constant 57 : i32
            %add3A_799 = vector.broadcast %add3A_798 : i32 to vector<16xi32>
            %add3A_800 = arith.addi %broadcast_in_dim3A_11, %add3A_799 : vector<16xi32>
            tpu.vector_store_idx %arg12[%add3A_132, %add3A_800], %gather3A_797 masked %and3A_144 : memref<672x128xf32, #tpu.memory_space<vmem>>[vector<16xi32>, vector<16xi32>], vector<16xf32>, vector<16xi1>
            %add3A_801 = arith.constant 58 : i32
            %add3A_802 = vector.broadcast %add3A_801 : i32 to vector<16xi32>
            %add3A_803 = arith.addi %broadcast_in_dim3A_11, %add3A_802 : vector<16xi32>
            %gather3A_804 = arith.constant 0 : i32
            %gather3A_805 = arith.constant 0 : i32
            %gather3A_806 = tpu.memref_slice %arg10[%scan3A_56, %gather3A_804, %gather3A_805] : memref<2x64x256xf32, #tpu.memory_space<vmem>> -> memref<1x64x256xf32, #tpu.memory_space<vmem>>
            %gather3A_807 = tpu.memref_squeeze %gather3A_806 : memref<1x64x256xf32, #tpu.memory_space<vmem>> -> memref<64x256xf32, #tpu.memory_space<vmem>>
            %gather3A_808 = tpu.vector_load_idx %gather3A_807[%add3A_803, %select_n3A_163] masked %and3A_144 : memref<64x256xf32, #tpu.memory_space<vmem>>[vector<16xi32>, vector<16xi32>], vector<16xf32>, vector<16xi1>
            %add3A_809 = arith.constant 58 : i32
            %add3A_810 = vector.broadcast %add3A_809 : i32 to vector<16xi32>
            %add3A_811 = arith.addi %broadcast_in_dim3A_11, %add3A_810 : vector<16xi32>
            tpu.vector_store_idx %arg12[%add3A_132, %add3A_811], %gather3A_808 masked %and3A_144 : memref<672x128xf32, #tpu.memory_space<vmem>>[vector<16xi32>, vector<16xi32>], vector<16xf32>, vector<16xi1>
            %add3A_812 = arith.constant 59 : i32
            %add3A_813 = vector.broadcast %add3A_812 : i32 to vector<16xi32>
            %add3A_814 = arith.addi %broadcast_in_dim3A_11, %add3A_813 : vector<16xi32>
            %gather3A_815 = arith.constant 0 : i32
            %gather3A_816 = arith.constant 0 : i32
            %gather3A_817 = tpu.memref_slice %arg10[%scan3A_56, %gather3A_815, %gather3A_816] : memref<2x64x256xf32, #tpu.memory_space<vmem>> -> memref<1x64x256xf32, #tpu.memory_space<vmem>>
            %gather3A_818 = tpu.memref_squeeze %gather3A_817 : memref<1x64x256xf32, #tpu.memory_space<vmem>> -> memref<64x256xf32, #tpu.memory_space<vmem>>
            %gather3A_819 = tpu.vector_load_idx %gather3A_818[%add3A_814, %select_n3A_163] masked %and3A_144 : memref<64x256xf32, #tpu.memory_space<vmem>>[vector<16xi32>, vector<16xi32>], vector<16xf32>, vector<16xi1>
            %add3A_820 = arith.constant 59 : i32
            %add3A_821 = vector.broadcast %add3A_820 : i32 to vector<16xi32>
            %add3A_822 = arith.addi %broadcast_in_dim3A_11, %add3A_821 : vector<16xi32>
            tpu.vector_store_idx %arg12[%add3A_132, %add3A_822], %gather3A_819 masked %and3A_144 : memref<672x128xf32, #tpu.memory_space<vmem>>[vector<16xi32>, vector<16xi32>], vector<16xf32>, vector<16xi1>
            %add3A_823 = arith.constant 60 : i32
            %add3A_824 = vector.broadcast %add3A_823 : i32 to vector<16xi32>
            %add3A_825 = arith.addi %broadcast_in_dim3A_11, %add3A_824 : vector<16xi32>
            %gather3A_826 = arith.constant 0 : i32
            %gather3A_827 = arith.constant 0 : i32
            %gather3A_828 = tpu.memref_slice %arg10[%scan3A_56, %gather3A_826, %gather3A_827] : memref<2x64x256xf32, #tpu.memory_space<vmem>> -> memref<1x64x256xf32, #tpu.memory_space<vmem>>
            %gather3A_829 = tpu.memref_squeeze %gather3A_828 : memref<1x64x256xf32, #tpu.memory_space<vmem>> -> memref<64x256xf32, #tpu.memory_space<vmem>>
            %gather3A_830 = tpu.vector_load_idx %gather3A_829[%add3A_825, %select_n3A_163] masked %and3A_144 : memref<64x256xf32, #tpu.memory_space<vmem>>[vector<16xi32>, vector<16xi32>], vector<16xf32>, vector<16xi1>
            %add3A_831 = arith.constant 60 : i32
            %add3A_832 = vector.broadcast %add3A_831 : i32 to vector<16xi32>
            %add3A_833 = arith.addi %broadcast_in_dim3A_11, %add3A_832 : vector<16xi32>
            tpu.vector_store_idx %arg12[%add3A_132, %add3A_833], %gather3A_830 masked %and3A_144 : memref<672x128xf32, #tpu.memory_space<vmem>>[vector<16xi32>, vector<16xi32>], vector<16xf32>, vector<16xi1>
            %add3A_834 = arith.constant 61 : i32
            %add3A_835 = vector.broadcast %add3A_834 : i32 to vector<16xi32>
            %add3A_836 = arith.addi %broadcast_in_dim3A_11, %add3A_835 : vector<16xi32>
            %gather3A_837 = arith.constant 0 : i32
            %gather3A_838 = arith.constant 0 : i32
            %gather3A_839 = tpu.memref_slice %arg10[%scan3A_56, %gather3A_837, %gather3A_838] : memref<2x64x256xf32, #tpu.memory_space<vmem>> -> memref<1x64x256xf32, #tpu.memory_space<vmem>>
            %gather3A_840 = tpu.memref_squeeze %gather3A_839 : memref<1x64x256xf32, #tpu.memory_space<vmem>> -> memref<64x256xf32, #tpu.memory_space<vmem>>
            %gather3A_841 = tpu.vector_load_idx %gather3A_840[%add3A_836, %select_n3A_163] masked %and3A_144 : memref<64x256xf32, #tpu.memory_space<vmem>>[vector<16xi32>, vector<16xi32>], vector<16xf32>, vector<16xi1>
            %add3A_842 = arith.constant 61 : i32
            %add3A_843 = vector.broadcast %add3A_842 : i32 to vector<16xi32>
            %add3A_844 = arith.addi %broadcast_in_dim3A_11, %add3A_843 : vector<16xi32>
            tpu.vector_store_idx %arg12[%add3A_132, %add3A_844], %gather3A_841 masked %and3A_144 : memref<672x128xf32, #tpu.memory_space<vmem>>[vector<16xi32>, vector<16xi32>], vector<16xf32>, vector<16xi1>
            %add3A_845 = arith.constant 62 : i32
            %add3A_846 = vector.broadcast %add3A_845 : i32 to vector<16xi32>
            %add3A_847 = arith.addi %broadcast_in_dim3A_11, %add3A_846 : vector<16xi32>
            %gather3A_848 = arith.constant 0 : i32
            %gather3A_849 = arith.constant 0 : i32
            %gather3A_850 = tpu.memref_slice %arg10[%scan3A_56, %gather3A_848, %gather3A_849] : memref<2x64x256xf32, #tpu.memory_space<vmem>> -> memref<1x64x256xf32, #tpu.memory_space<vmem>>
            %gather3A_851 = tpu.memref_squeeze %gather3A_850 : memref<1x64x256xf32, #tpu.memory_space<vmem>> -> memref<64x256xf32, #tpu.memory_space<vmem>>
            %gather3A_852 = tpu.vector_load_idx %gather3A_851[%add3A_847, %select_n3A_163] masked %and3A_144 : memref<64x256xf32, #tpu.memory_space<vmem>>[vector<16xi32>, vector<16xi32>], vector<16xf32>, vector<16xi1>
            %add3A_853 = arith.constant 62 : i32
            %add3A_854 = vector.broadcast %add3A_853 : i32 to vector<16xi32>
            %add3A_855 = arith.addi %broadcast_in_dim3A_11, %add3A_854 : vector<16xi32>
            tpu.vector_store_idx %arg12[%add3A_132, %add3A_855], %gather3A_852 masked %and3A_144 : memref<672x128xf32, #tpu.memory_space<vmem>>[vector<16xi32>, vector<16xi32>], vector<16xf32>, vector<16xi1>
            %add3A_856 = arith.constant 63 : i32
            %add3A_857 = vector.broadcast %add3A_856 : i32 to vector<16xi32>
            %add3A_858 = arith.addi %broadcast_in_dim3A_11, %add3A_857 : vector<16xi32>
            %gather3A_859 = arith.constant 0 : i32
            %gather3A_860 = arith.constant 0 : i32
            %gather3A_861 = tpu.memref_slice %arg10[%scan3A_56, %gather3A_859, %gather3A_860] : memref<2x64x256xf32, #tpu.memory_space<vmem>> -> memref<1x64x256xf32, #tpu.memory_space<vmem>>
            %gather3A_862 = tpu.memref_squeeze %gather3A_861 : memref<1x64x256xf32, #tpu.memory_space<vmem>> -> memref<64x256xf32, #tpu.memory_space<vmem>>
            %gather3A_863 = tpu.vector_load_idx %gather3A_862[%add3A_858, %select_n3A_163] masked %and3A_144 : memref<64x256xf32, #tpu.memory_space<vmem>>[vector<16xi32>, vector<16xi32>], vector<16xf32>, vector<16xi1>
            %add3A_864 = arith.constant 63 : i32
            %add3A_865 = vector.broadcast %add3A_864 : i32 to vector<16xi32>
            %add3A_866 = arith.addi %broadcast_in_dim3A_11, %add3A_865 : vector<16xi32>
            tpu.vector_store_idx %arg12[%add3A_132, %add3A_866], %gather3A_863 masked %and3A_144 : memref<672x128xf32, #tpu.memory_space<vmem>>[vector<16xi32>, vector<16xi32>], vector<16xf32>, vector<16xi1>
          } else {
          }
          %while3A_154 = arith.constant 0 : i32
          scf.yield %while3A_154 : i32
        }
        %while3A_125 = arith.constant 1 : i32
        %while3A_126 = scf.for %while3A_127 = %while3A_122 to %while3A_118 step %while3A_125 iter_args(%while3A_128 = %while3A_124) -> (i32)  : i32 {
          %mul3A_129 = arith.constant 16 : i32
          %mul3A_130 = arith.muli %while3A_127, %mul3A_129 : i32
          %add3A_131 = vector.broadcast %mul3A_130 : i32 to vector<16xi32>
          %add3A_132 = arith.addi %iota3A, %add3A_131 : vector<16xi32>
          %mul3A_133 = arith.constant 16 : i32
          %mul3A_134 = arith.muli %while3A_127, %mul3A_133 : i32
          %get3A = arith.index_cast %mul3A_134 : i32 to index
          %get3A_135 = tpu.vector_load %arg7[%get3A] {strides = array<i32>} : memref<672xi32, #tpu.memory_space<vmem>>, vector<16xi32>,
          %ge3A = vector.broadcast %add3A_115 : i32 to vector<16xi32>
          %ge3A_136 = arith.cmpi sge, %get3A_135, %ge3A : vector<16xi32>
          %add3A_137 = arith.constant 256 : i32
          %add3A_138 = arith.addi %add3A_115, %add3A_137 : i32
          %lt3A_139 = vector.broadcast %add3A_138 : i32 to vector<16xi32>
          %lt3A_140 = arith.cmpi slt, %get3A_135, %lt3A_139 : vector<16xi32>
          %and3A_141 = arith.andi %ge3A_136, %lt3A_140 : vector<16xi1>
          %lt3A_142 = vector.broadcast %scan3A_16 : i32 to vector<16xi32>
          %lt3A_143 = arith.cmpi slt, %add3A_132, %lt3A_142 : vector<16xi32>
          %and3A_144 = arith.andi %and3A_141, %lt3A_143 : vector<16xi1>
          %convert_element_type3A_145 = arith.extui %and3A_144 : vector<16xi1> to vector<16xi32>
          %reduce_sum3A = arith.constant true
          %reduce_sum3A_146 = vector.broadcast %reduce_sum3A : i1 to vector<16xi1>
          %reduce_sum3A_147 = tpu.scan <sum>, %convert_element_type3A_145 masked %reduce_sum3A_146 : vector<16xi32>, vector<16xi1> -> vector<16xi32>
          %reduce_sum3A_148 = vector.extract %reduce_sum3A_147[15] : i32 from vector<16xi32>
          %gt3A_149 = arith.constant 0 : i32
          %gt3A_150 = arith.cmpi sgt, %reduce_sum3A_148, %gt3A_149 : i32
          %convert_element_type3A_151 = arith.extui %gt3A_150 : i1 to i32
          %cond3A_152 = arith.constant 0 : i32
          %cond3A_153 = arith.cmpi ne, %convert_element_type3A_151, %cond3A_152 : i32
          scf.if %cond3A_153 {
            %mul3A_155 = arith.constant 16 : i32
            %mul3A_156 = arith.muli %while3A_127, %mul3A_155 : i32
            %get3A_157 = arith.index_cast %mul3A_156 : i32 to index
            %get3A_158 = tpu.vector_load %arg8[%get3A_157] {strides = array<i32>} : memref<672xi32, #tpu.memory_space<vmem>>, vector<16xi32>,
            %sub3A_159 = vector.broadcast %add3A_115 : i32 to vector<16xi32>
            %sub3A_160 = arith.subi %get3A_135, %sub3A_159 : vector<16xi32>
            %jit3A_161 = arith.constant 0 : i32
            %broadcast_in_dim3A_162 = vector.broadcast %jit3A_161 : i32 to vector<16xi32>
            %select_n3A_163 = arith.select %and3A_144, %sub3A_160, %broadcast_in_dim3A_162 : vector<16xi1>, vector<16xi32>
            tpu.vector_store_idx %arg9[%add3A_132], %get3A_158 masked %and3A_144 : memref<672xi32, #tpu.memory_space<vmem>>[vector<16xi32>], vector<16xi32>, vector<16xi1>
            %add3A_164 = arith.constant 0 : i32
            %add3A_165 = vector.broadcast %add3A_164 : i32 to vector<16xi32>
            %add3A_166 = arith.addi %broadcast_in_dim3A_11, %add3A_165 : vector<16xi32>
            %gather3A = arith.constant 0 : i32
            %gather3A_167 = arith.constant 0 : i32
            %gather3A_168 = tpu.memref_slice %arg10[%scan3A_56, %gather3A, %gather3A_167] : memref<2x64x256xf32, #tpu.memory_space<vmem>> -> memref<1x64x256xf32, #tpu.memory_space<vmem>>
            %gather3A_169 = tpu.memref_squeeze %gather3A_168 : memref<1x64x256xf32, #tpu.memory_space<vmem>> -> memref<64x256xf32, #tpu.memory_space<vmem>>
            %gather3A_170 = tpu.vector_load_idx %gather3A_169[%add3A_166, %select_n3A_163] masked %and3A_144 : memref<64x256xf32, #tpu.memory_space<vmem>>[vector<16xi32>, vector<16xi32>], vector<16xf32>, vector<16xi1>
            %add3A_171 = arith.constant 0 : i32
            %add3A_172 = vector.broadcast %add3A_171 : i32 to vector<16xi32>
            %add3A_173 = arith.addi %broadcast_in_dim3A_11, %add3A_172 : vector<16xi32>
            tpu.vector_store_idx %arg12[%add3A_132, %add3A_173], %gather3A_170 masked %and3A_144 : memref<672x128xf32, #tpu.memory_space<vmem>>[vector<16xi32>, vector<16xi32>], vector<16xf32>, vector<16xi1>
            %add3A_174 = arith.constant 1 : i32
            %add3A_175 = vector.broadcast %add3A_174 : i32 to vector<16xi32>
            %add3A_176 = arith.addi %broadcast_in_dim3A_11, %add3A_175 : vector<16xi32>
            %gather3A_177 = arith.constant 0 : i32
            %gather3A_178 = arith.constant 0 : i32
            %gather3A_179 = tpu.memref_slice %arg10[%scan3A_56, %gather3A_177, %gather3A_178] : memref<2x64x256xf32, #tpu.memory_space<vmem>> -> memref<1x64x256xf32, #tpu.memory_space<vmem>>
            %gather3A_180 = tpu.memref_squeeze %gather3A_179 : memref<1x64x256xf32, #tpu.memory_space<vmem>> -> memref<64x256xf32, #tpu.memory_space<vmem>>
            %gather3A_181 = tpu.vector_load_idx %gather3A_180[%add3A_176, %select_n3A_163] masked %and3A_144 : memref<64x256xf32, #tpu.memory_space<vmem>>[vector<16xi32>, vector<16xi32>], vector<16xf32>, vector<16xi1>
            %add3A_182 = arith.constant 1 : i32
            %add3A_183 = vector.broadcast %add3A_182 : i32 to vector<16xi32>
            %add3A_184 = arith.addi %broadcast_in_dim3A_11, %add3A_183 : vector<16xi32>
            tpu.vector_store_idx %arg12[%add3A_132, %add3A_184], %gather3A_181 masked %and3A_144 : memref<672x128xf32, #tpu.memory_space<vmem>>[vector<16xi32>, vector<16xi32>], vector<16xf32>, vector<16xi1>
            %add3A_185 = arith.constant 2 : i32
            %add3A_186 = vector.broadcast %add3A_185 : i32 to vector<16xi32>
            %add3A_187 = arith.addi %broadcast_in_dim3A_11, %add3A_186 : vector<16xi32>
            %gather3A_188 = arith.constant 0 : i32
            %gather3A_189 = arith.constant 0 : i32
            %gather3A_190 = tpu.memref_slice %arg10[%scan3A_56, %gather3A_188, %gather3A_189] : memref<2x64x256xf32, #tpu.memory_space<vmem>> -> memref<1x64x256xf32, #tpu.memory_space<vmem>>
            %gather3A_191 = tpu.memref_squeeze %gather3A_190 : memref<1x64x256xf32, #tpu.memory_space<vmem>> -> memref<64x256xf32, #tpu.memory_space<vmem>>
            %gather3A_192 = tpu.vector_load_idx %gather3A_191[%add3A_187, %select_n3A_163] masked %and3A_144 : memref<64x256xf32, #tpu.memory_space<vmem>>[vector<16xi32>, vector<16xi32>], vector<16xf32>, vector<16xi1>
            %add3A_193 = arith.constant 2 : i32
            %add3A_194 = vector.broadcast %add3A_193 : i32 to vector<16xi32>
            %add3A_195 = arith.addi %broadcast_in_dim3A_11, %add3A_194 : vector<16xi32>
            tpu.vector_store_idx %arg12[%add3A_132, %add3A_195], %gather3A_192 masked %and3A_144 : memref<672x128xf32, #tpu.memory_space<vmem>>[vector<16xi32>, vector<16xi32>], vector<16xf32>, vector<16xi1>
            %add3A_196 = arith.constant 3 : i32
            %add3A_197 = vector.broadcast %add3A_196 : i32 to vector<16xi32>
            %add3A_198 = arith.addi %broadcast_in_dim3A_11, %add3A_197 : vector<16xi32>
            %gather3A_199 = arith.constant 0 : i32
            %gather3A_200 = arith.constant 0 : i32
            %gather3A_201 = tpu.memref_slice %arg10[%scan3A_56, %gather3A_199, %gather3A_200] : memref<2x64x256xf32, #tpu.memory_space<vmem>> -> memref<1x64x256xf32, #tpu.memory_space<vmem>>
            %gather3A_202 = tpu.memref_squeeze %gather3A_201 : memref<1x64x256xf32, #tpu.memory_space<vmem>> -> memref<64x256xf32, #tpu.memory_space<vmem>>
            %gather3A_203 = tpu.vector_load_idx %gather3A_202[%add3A_198, %select_n3A_163] masked %and3A_144 : memref<64x256xf32, #tpu.memory_space<vmem>>[vector<16xi32>, vector<16xi32>], vector<16xf32>, vector<16xi1>
            %add3A_204 = arith.constant 3 : i32
            %add3A_205 = vector.broadcast %add3A_204 : i32 to vector<16xi32>
            %add3A_206 = arith.addi %broadcast_in_dim3A_11, %add3A_205 : vector<16xi32>
            tpu.vector_store_idx %arg12[%add3A_132, %add3A_206], %gather3A_203 masked %and3A_144 : memref<672x128xf32, #tpu.memory_space<vmem>>[vector<16xi32>, vector<16xi32>], vector<16xf32>, vector<16xi1>
            %add3A_207 = arith.constant 4 : i32
            %add3A_208 = vector.broadcast %add3A_207 : i32 to vector<16xi32>
            %add3A_209 = arith.addi %broadcast_in_dim3A_11, %add3A_208 : vector<16xi32>
            %gather3A_210 = arith.constant 0 : i32
            %gather3A_211 = arith.constant 0 : i32
            %gather3A_212 = tpu.memref_slice %arg10[%scan3A_56, %gather3A_210, %gather3A_211] : memref<2x64x256xf32, #tpu.memory_space<vmem>> -> memref<1x64x256xf32, #tpu.memory_space<vmem>>
            %gather3A_213 = tpu.memref_squeeze %gather3A_212 : memref<1x64x256xf32, #tpu.memory_space<vmem>> -> memref<64x256xf32, #tpu.memory_space<vmem>>
            %gather3A_214 = tpu.vector_load_idx %gather3A_213[%add3A_209, %select_n3A_163] masked %and3A_144 : memref<64x256xf32, #tpu.memory_space<vmem>>[vector<16xi32>, vector<16xi32>], vector<16xf32>, vector<16xi1>
            %add3A_215 = arith.constant 4 : i32
            %add3A_216 = vector.broadcast %add3A_215 : i32 to vector<16xi32>
            %add3A_217 = arith.addi %broadcast_in_dim3A_11, %add3A_216 : vector<16xi32>
            tpu.vector_store_idx %arg12[%add3A_132, %add3A_217], %gather3A_214 masked %and3A_144 : memref<672x128xf32, #tpu.memory_space<vmem>>[vector<16xi32>, vector<16xi32>], vector<16xf32>, vector<16xi1>
            %add3A_218 = arith.constant 5 : i32
            %add3A_219 = vector.broadcast %add3A_218 : i32 to vector<16xi32>
            %add3A_220 = arith.addi %broadcast_in_dim3A_11, %add3A_219 : vector<16xi32>
            %gather3A_221 = arith.constant 0 : i32
            %gather3A_222 = arith.constant 0 : i32
            %gather3A_223 = tpu.memref_slice %arg10[%scan3A_56, %gather3A_221, %gather3A_222] : memref<2x64x256xf32, #tpu.memory_space<vmem>> -> memref<1x64x256xf32, #tpu.memory_space<vmem>>
            %gather3A_224 = tpu.memref_squeeze %gather3A_223 : memref<1x64x256xf32, #tpu.memory_space<vmem>> -> memref<64x256xf32, #tpu.memory_space<vmem>>
            %gather3A_225 = tpu.vector_load_idx %gather3A_224[%add3A_220, %select_n3A_163] masked %and3A_144 : memref<64x256xf32, #tpu.memory_space<vmem>>[vector<16xi32>, vector<16xi32>], vector<16xf32>, vector<16xi1>
            %add3A_226 = arith.constant 5 : i32
            %add3A_227 = vector.broadcast %add3A_226 : i32 to vector<16xi32>
            %add3A_228 = arith.addi %broadcast_in_dim3A_11, %add3A_227 : vector<16xi32>
            tpu.vector_store_idx %arg12[%add3A_132, %add3A_228], %gather3A_225 masked %and3A_144 : memref<672x128xf32, #tpu.memory_space<vmem>>[vector<16xi32>, vector<16xi32>], vector<16xf32>, vector<16xi1>
            %add3A_229 = arith.constant 6 : i32
            %add3A_230 = vector.broadcast %add3A_229 : i32 to vector<16xi32>
            %add3A_231 = arith.addi %broadcast_in_dim3A_11, %add3A_230 : vector<16xi32>
            %gather3A_232 = arith.constant 0 : i32
            %gather3A_233 = arith.constant 0 : i32
            %gather3A_234 = tpu.memref_slice %arg10[%scan3A_56, %gather3A_232, %gather3A_233] : memref<2x64x256xf32, #tpu.memory_space<vmem>> -> memref<1x64x256xf32, #tpu.memory_space<vmem>>
            %gather3A_235 = tpu.memref_squeeze %gather3A_234 : memref<1x64x256xf32, #tpu.memory_space<vmem>> -> memref<64x256xf32, #tpu.memory_space<vmem>>
            %gather3A_236 = tpu.vector_load_idx %gather3A_235[%add3A_231, %select_n3A_163] masked %and3A_144 : memref<64x256xf32, #tpu.memory_space<vmem>>[vector<16xi32>, vector<16xi32>], vector<16xf32>, vector<16xi1>
            %add3A_237 = arith.constant 6 : i32
            %add3A_238 = vector.broadcast %add3A_237 : i32 to vector<16xi32>
            %add3A_239 = arith.addi %broadcast_in_dim3A_11, %add3A_238 : vector<16xi32>
            tpu.vector_store_idx %arg12[%add3A_132, %add3A_239], %gather3A_236 masked %and3A_144 : memref<672x128xf32, #tpu.memory_space<vmem>>[vector<16xi32>, vector<16xi32>], vector<16xf32>, vector<16xi1>
            %add3A_240 = arith.constant 7 : i32
            %add3A_241 = vector.broadcast %add3A_240 : i32 to vector<16xi32>
            %add3A_242 = arith.addi %broadcast_in_dim3A_11, %add3A_241 : vector<16xi32>
            %gather3A_243 = arith.constant 0 : i32
            %gather3A_244 = arith.constant 0 : i32
            %gather3A_245 = tpu.memref_slice %arg10[%scan3A_56, %gather3A_243, %gather3A_244] : memref<2x64x256xf32, #tpu.memory_space<vmem>> -> memref<1x64x256xf32, #tpu.memory_space<vmem>>
            %gather3A_246 = tpu.memref_squeeze %gather3A_245 : memref<1x64x256xf32, #tpu.memory_space<vmem>> -> memref<64x256xf32, #tpu.memory_space<vmem>>
            %gather3A_247 = tpu.vector_load_idx %gather3A_246[%add3A_242, %select_n3A_163] masked %and3A_144 : memref<64x256xf32, #tpu.memory_space<vmem>>[vector<16xi32>, vector<16xi32>], vector<16xf32>, vector<16xi1>
            %add3A_248 = arith.constant 7 : i32
            %add3A_249 = vector.broadcast %add3A_248 : i32 to vector<16xi32>
            %add3A_250 = arith.addi %broadcast_in_dim3A_11, %add3A_249 : vector<16xi32>
            tpu.vector_store_idx %arg12[%add3A_132, %add3A_250], %gather3A_247 masked %and3A_144 : memref<672x128xf32, #tpu.memory_space<vmem>>[vector<16xi32>, vector<16xi32>], vector<16xf32>, vector<16xi1>
            %add3A_251 = arith.constant 8 : i32
            %add3A_252 = vector.broadcast %add3A_251 : i32 to vector<16xi32>
            %add3A_253 = arith.addi %broadcast_in_dim3A_11, %add3A_252 : vector<16xi32>
            %gather3A_254 = arith.constant 0 : i32
            %gather3A_255 = arith.constant 0 : i32
            %gather3A_256 = tpu.memref_slice %arg10[%scan3A_56, %gather3A_254, %gather3A_255] : memref<2x64x256xf32, #tpu.memory_space<vmem>> -> memref<1x64x256xf32, #tpu.memory_space<vmem>>
            %gather3A_257 = tpu.memref_squeeze %gather3A_256 : memref<1x64x256xf32, #tpu.memory_space<vmem>> -> memref<64x256xf32, #tpu.memory_space<vmem>>
            %gather3A_258 = tpu.vector_load_idx %gather3A_257[%add3A_253, %select_n3A_163] masked %and3A_144 : memref<64x256xf32, #tpu.memory_space<vmem>>[vector<16xi32>, vector<16xi32>], vector<16xf32>, vector<16xi1>
            %add3A_259 = arith.constant 8 : i32
            %add3A_260 = vector.broadcast %add3A_259 : i32 to vector<16xi32>
            %add3A_261 = arith.addi %broadcast_in_dim3A_11, %add3A_260 : vector<16xi32>
            tpu.vector_store_idx %arg12[%add3A_132, %add3A_261], %gather3A_258 masked %and3A_144 : memref<672x128xf32, #tpu.memory_space<vmem>>[vector<16xi32>, vector<16xi32>], vector<16xf32>, vector<16xi1>
            %add3A_262 = arith.constant 9 : i32
            %add3A_263 = vector.broadcast %add3A_262 : i32 to vector<16xi32>
            %add3A_264 = arith.addi %broadcast_in_dim3A_11, %add3A_263 : vector<16xi32>
            %gather3A_265 = arith.constant 0 : i32
            %gather3A_266 = arith.constant 0 : i32
            %gather3A_267 = tpu.memref_slice %arg10[%scan3A_56, %gather3A_265, %gather3A_266] : memref<2x64x256xf32, #tpu.memory_space<vmem>> -> memref<1x64x256xf32, #tpu.memory_space<vmem>>
            %gather3A_268 = tpu.memref_squeeze %gather3A_267 : memref<1x64x256xf32, #tpu.memory_space<vmem>> -> memref<64x256xf32, #tpu.memory_space<vmem>>
            %gather3A_269 = tpu.vector_load_idx %gather3A_268[%add3A_264, %select_n3A_163] masked %and3A_144 : memref<64x256xf32, #tpu.memory_space<vmem>>[vector<16xi32>, vector<16xi32>], vector<16xf32>, vector<16xi1>
            %add3A_270 = arith.constant 9 : i32
            %add3A_271 = vector.broadcast %add3A_270 : i32 to vector<16xi32>
            %add3A_272 = arith.addi %broadcast_in_dim3A_11, %add3A_271 : vector<16xi32>
            tpu.vector_store_idx %arg12[%add3A_132, %add3A_272], %gather3A_269 masked %and3A_144 : memref<672x128xf32, #tpu.memory_space<vmem>>[vector<16xi32>, vector<16xi32>], vector<16xf32>, vector<16xi1>
            %add3A_273 = arith.constant 10 : i32
            %add3A_274 = vector.broadcast %add3A_273 : i32 to vector<16xi32>
            %add3A_275 = arith.addi %broadcast_in_dim3A_11, %add3A_274 : vector<16xi32>
            %gather3A_276 = arith.constant 0 : i32
            %gather3A_277 = arith.constant 0 : i32
            %gather3A_278 = tpu.memref_slice %arg10[%scan3A_56, %gather3A_276, %gather3A_277] : memref<2x64x256xf32, #tpu.memory_space<vmem>> -> memref<1x64x256xf32, #tpu.memory_space<vmem>>
            %gather3A_279 = tpu.memref_squeeze %gather3A_278 : memref<1x64x256xf32, #tpu.memory_space<vmem>> -> memref<64x256xf32, #tpu.memory_space<vmem>>
            %gather3A_280 = tpu.vector_load_idx %gather3A_279[%add3A_275, %select_n3A_163] masked %and3A_144 : memref<64x256xf32, #tpu.memory_space<vmem>>[vector<16xi32>, vector<16xi32>], vector<16xf32>, vector<16xi1>
            %add3A_281 = arith.constant 10 : i32
            %add3A_282 = vector.broadcast %add3A_281 : i32 to vector<16xi32>
            %add3A_283 = arith.addi %broadcast_in_dim3A_11, %add3A_282 : vector<16xi32>
            tpu.vector_store_idx %arg12[%add3A_132, %add3A_283], %gather3A_280 masked %and3A_144 : memref<672x128xf32, #tpu.memory_space<vmem>>[vector<16xi32>, vector<16xi32>], vector<16xf32>, vector<16xi1>
            %add3A_284 = arith.constant 11 : i32
            %add3A_285 = vector.broadcast %add3A_284 : i32 to vector<16xi32>
            %add3A_286 = arith.addi %broadcast_in_dim3A_11, %add3A_285 : vector<16xi32>
            %gather3A_287 = arith.constant 0 : i32
            %gather3A_288 = arith.constant 0 : i32
            %gather3A_289 = tpu.memref_slice %arg10[%scan3A_56, %gather3A_287, %gather3A_288] : memref<2x64x256xf32, #tpu.memory_space<vmem>> -> memref<1x64x256xf32, #tpu.memory_space<vmem>>
            %gather3A_290 = tpu.memref_squeeze %gather3A_289 : memref<1x64x256xf32, #tpu.memory_space<vmem>> -> memref<64x256xf32, #tpu.memory_space<vmem>>
            %gather3A_291 = tpu.vector_load_idx %gather3A_290[%add3A_286, %select_n3A_163] masked %and3A_144 : memref<64x256xf32, #tpu.memory_space<vmem>>[vector<16xi32>, vector<16xi32>], vector<16xf32>, vector<16xi1>
            %add3A_292 = arith.constant 11 : i32
            %add3A_293 = vector.broadcast %add3A_292 : i32 to vector<16xi32>
            %add3A_294 = arith.addi %broadcast_in_dim3A_11, %add3A_293 : vector<16xi32>
            tpu.vector_store_idx %arg12[%add3A_132, %add3A_294], %gather3A_291 masked %and3A_144 : memref<672x128xf32, #tpu.memory_space<vmem>>[vector<16xi32>, vector<16xi32>], vector<16xf32>, vector<16xi1>
            %add3A_295 = arith.constant 12 : i32
            %add3A_296 = vector.broadcast %add3A_295 : i32 to vector<16xi32>
            %add3A_297 = arith.addi %broadcast_in_dim3A_11, %add3A_296 : vector<16xi32>
            %gather3A_298 = arith.constant 0 : i32
            %gather3A_299 = arith.constant 0 : i32
            %gather3A_300 = tpu.memref_slice %arg10[%scan3A_56, %gather3A_298, %gather3A_299] : memref<2x64x256xf32, #tpu.memory_space<vmem>> -> memref<1x64x256xf32, #tpu.memory_space<vmem>>
            %gather3A_301 = tpu.memref_squeeze %gather3A_300 : memref<1x64x256xf32, #tpu.memory_space<vmem>> -> memref<64x256xf32, #tpu.memory_space<vmem>>
            %gather3A_302 = tpu.vector_load_idx %gather3A_301[%add3A_297, %select_n3A_163] masked %and3A_144 : memref<64x256xf32, #tpu.memory_space<vmem>>[vector<16xi32>, vector<16xi32>], vector<16xf32>, vector<16xi1>
            %add3A_303 = arith.constant 12 : i32
            %add3A_304 = vector.broadcast %add3A_303 : i32 to vector<16xi32>
            %add3A_305 = arith.addi %broadcast_in_dim3A_11, %add3A_304 : vector<16xi32>
            tpu.vector_store_idx %arg12[%add3A_132, %add3A_305], %gather3A_302 masked %and3A_144 : memref<672x128xf32, #tpu.memory_space<vmem>>[vector<16xi32>, vector<16xi32>], vector<16xf32>, vector<16xi1>
            %add3A_306 = arith.constant 13 : i32
            %add3A_307 = vector.broadcast %add3A_306 : i32 to vector<16xi32>
            %add3A_308 = arith.addi %broadcast_in_dim3A_11, %add3A_307 : vector<16xi32>
            %gather3A_309 = arith.constant 0 : i32
            %gather3A_310 = arith.constant 0 : i32
            %gather3A_311 = tpu.memref_slice %arg10[%scan3A_56, %gather3A_309, %gather3A_310] : memref<2x64x256xf32, #tpu.memory_space<vmem>> -> memref<1x64x256xf32, #tpu.memory_space<vmem>>
            %gather3A_312 = tpu.memref_squeeze %gather3A_311 : memref<1x64x256xf32, #tpu.memory_space<vmem>> -> memref<64x256xf32, #tpu.memory_space<vmem>>
            %gather3A_313 = tpu.vector_load_idx %gather3A_312[%add3A_308, %select_n3A_163] masked %and3A_144 : memref<64x256xf32, #tpu.memory_space<vmem>>[vector<16xi32>, vector<16xi32>], vector<16xf32>, vector<16xi1>
            %add3A_314 = arith.constant 13 : i32
            %add3A_315 = vector.broadcast %add3A_314 : i32 to vector<16xi32>
            %add3A_316 = arith.addi %broadcast_in_dim3A_11, %add3A_315 : vector<16xi32>
            tpu.vector_store_idx %arg12[%add3A_132, %add3A_316], %gather3A_313 masked %and3A_144 : memref<672x128xf32, #tpu.memory_space<vmem>>[vector<16xi32>, vector<16xi32>], vector<16xf32>, vector<16xi1>
            %add3A_317 = arith.constant 14 : i32
            %add3A_318 = vector.broadcast %add3A_317 : i32 to vector<16xi32>
            %add3A_319 = arith.addi %broadcast_in_dim3A_11, %add3A_318 : vector<16xi32>
            %gather3A_320 = arith.constant 0 : i32
            %gather3A_321 = arith.constant 0 : i32
            %gather3A_322 = tpu.memref_slice %arg10[%scan3A_56, %gather3A_320, %gather3A_321] : memref<2x64x256xf32, #tpu.memory_space<vmem>> -> memref<1x64x256xf32, #tpu.memory_space<vmem>>
            %gather3A_323 = tpu.memref_squeeze %gather3A_322 : memref<1x64x256xf32, #tpu.memory_space<vmem>> -> memref<64x256xf32, #tpu.memory_space<vmem>>
            %gather3A_324 = tpu.vector_load_idx %gather3A_323[%add3A_319, %select_n3A_163] masked %and3A_144 : memref<64x256xf32, #tpu.memory_space<vmem>>[vector<16xi32>, vector<16xi32>], vector<16xf32>, vector<16xi1>
            %add3A_325 = arith.constant 14 : i32
            %add3A_326 = vector.broadcast %add3A_325 : i32 to vector<16xi32>
            %add3A_327 = arith.addi %broadcast_in_dim3A_11, %add3A_326 : vector<16xi32>
            tpu.vector_store_idx %arg12[%add3A_132, %add3A_327], %gather3A_324 masked %and3A_144 : memref<672x128xf32, #tpu.memory_space<vmem>>[vector<16xi32>, vector<16xi32>], vector<16xf32>, vector<16xi1>
            %add3A_328 = arith.constant 15 : i32
            %add3A_329 = vector.broadcast %add3A_328 : i32 to vector<16xi32>
            %add3A_330 = arith.addi %broadcast_in_dim3A_11, %add3A_329 : vector<16xi32>
            %gather3A_331 = arith.constant 0 : i32
            %gather3A_332 = arith.constant 0 : i32
            %gather3A_333 = tpu.memref_slice %arg10[%scan3A_56, %gather3A_331, %gather3A_332] : memref<2x64x256xf32, #tpu.memory_space<vmem>> -> memref<1x64x256xf32, #tpu.memory_space<vmem>>
            %gather3A_334 = tpu.memref_squeeze %gather3A_333 : memref<1x64x256xf32, #tpu.memory_space<vmem>> -> memref<64x256xf32, #tpu.memory_space<vmem>>
            %gather3A_335 = tpu.vector_load_idx %gather3A_334[%add3A_330, %select_n3A_163] masked %and3A_144 : memref<64x256xf32, #tpu.memory_space<vmem>>[vector<16xi32>, vector<16xi32>], vector<16xf32>, vector<16xi1>
            %add3A_336 = arith.constant 15 : i32
            %add3A_337 = vector.broadcast %add3A_336 : i32 to vector<16xi32>
            %add3A_338 = arith.addi %broadcast_in_dim3A_11, %add3A_337 : vector<16xi32>
            tpu.vector_store_idx %arg12[%add3A_132, %add3A_338], %gather3A_335 masked %and3A_144 : memref<672x128xf32, #tpu.memory_space<vmem>>[vector<16xi32>, vector<16xi32>], vector<16xf32>, vector<16xi1>
            %add3A_339 = arith.constant 16 : i32
            %add3A_340 = vector.broadcast %add3A_339 : i32 to vector<16xi32>
            %add3A_341 = arith.addi %broadcast_in_dim3A_11, %add3A_340 : vector<16xi32>
            %gather3A_342 = arith.constant 0 : i32
            %gather3A_343 = arith.constant 0 : i32
            %gather3A_344 = tpu.memref_slice %arg10[%scan3A_56, %gather3A_342, %gather3A_343] : memref<2x64x256xf32, #tpu.memory_space<vmem>> -> memref<1x64x256xf32, #tpu.memory_space<vmem>>
            %gather3A_345 = tpu.memref_squeeze %gather3A_344 : memref<1x64x256xf32, #tpu.memory_space<vmem>> -> memref<64x256xf32, #tpu.memory_space<vmem>>
            %gather3A_346 = tpu.vector_load_idx %gather3A_345[%add3A_341, %select_n3A_163] masked %and3A_144 : memref<64x256xf32, #tpu.memory_space<vmem>>[vector<16xi32>, vector<16xi32>], vector<16xf32>, vector<16xi1>
            %add3A_347 = arith.constant 16 : i32
            %add3A_348 = vector.broadcast %add3A_347 : i32 to vector<16xi32>
            %add3A_349 = arith.addi %broadcast_in_dim3A_11, %add3A_348 : vector<16xi32>
            tpu.vector_store_idx %arg12[%add3A_132, %add3A_349], %gather3A_346 masked %and3A_144 : memref<672x128xf32, #tpu.memory_space<vmem>>[vector<16xi32>, vector<16xi32>], vector<16xf32>, vector<16xi1>
            %add3A_350 = arith.constant 17 : i32
            %add3A_351 = vector.broadcast %add3A_350 : i32 to vector<16xi32>
            %add3A_352 = arith.addi %broadcast_in_dim3A_11, %add3A_351 : vector<16xi32>
            %gather3A_353 = arith.constant 0 : i32
            %gather3A_354 = arith.constant 0 : i32
            %gather3A_355 = tpu.memref_slice %arg10[%scan3A_56, %gather3A_353, %gather3A_354] : memref<2x64x256xf32, #tpu.memory_space<vmem>> -> memref<1x64x256xf32, #tpu.memory_space<vmem>>
            %gather3A_356 = tpu.memref_squeeze %gather3A_355 : memref<1x64x256xf32, #tpu.memory_space<vmem>> -> memref<64x256xf32, #tpu.memory_space<vmem>>
            %gather3A_357 = tpu.vector_load_idx %gather3A_356[%add3A_352, %select_n3A_163] masked %and3A_144 : memref<64x256xf32, #tpu.memory_space<vmem>>[vector<16xi32>, vector<16xi32>], vector<16xf32>, vector<16xi1>
            %add3A_358 = arith.constant 17 : i32
            %add3A_359 = vector.broadcast %add3A_358 : i32 to vector<16xi32>
            %add3A_360 = arith.addi %broadcast_in_dim3A_11, %add3A_359 : vector<16xi32>
            tpu.vector_store_idx %arg12[%add3A_132, %add3A_360], %gather3A_357 masked %and3A_144 : memref<672x128xf32, #tpu.memory_space<vmem>>[vector<16xi32>, vector<16xi32>], vector<16xf32>, vector<16xi1>
            %add3A_361 = arith.constant 18 : i32
            %add3A_362 = vector.broadcast %add3A_361 : i32 to vector<16xi32>
            %add3A_363 = arith.addi %broadcast_in_dim3A_11, %add3A_362 : vector<16xi32>
            %gather3A_364 = arith.constant 0 : i32
            %gather3A_365 = arith.constant 0 : i32
            %gather3A_366 = tpu.memref_slice %arg10[%scan3A_56, %gather3A_364, %gather3A_365] : memref<2x64x256xf32, #tpu.memory_space<vmem>> -> memref<1x64x256xf32, #tpu.memory_space<vmem>>
            %gather3A_367 = tpu.memref_squeeze %gather3A_366 : memref<1x64x256xf32, #tpu.memory_space<vmem>> -> memref<64x256xf32, #tpu.memory_space<vmem>>
            %gather3A_368 = tpu.vector_load_idx %gather3A_367[%add3A_363, %select_n3A_163] masked %and3A_144 : memref<64x256xf32, #tpu.memory_space<vmem>>[vector<16xi32>, vector<16xi32>], vector<16xf32>, vector<16xi1>
            %add3A_369 = arith.constant 18 : i32
            %add3A_370 = vector.broadcast %add3A_369 : i32 to vector<16xi32>
            %add3A_371 = arith.addi %broadcast_in_dim3A_11, %add3A_370 : vector<16xi32>
            tpu.vector_store_idx %arg12[%add3A_132, %add3A_371], %gather3A_368 masked %and3A_144 : memref<672x128xf32, #tpu.memory_space<vmem>>[vector<16xi32>, vector<16xi32>], vector<16xf32>, vector<16xi1>
            %add3A_372 = arith.constant 19 : i32
            %add3A_373 = vector.broadcast %add3A_372 : i32 to vector<16xi32>
            %add3A_374 = arith.addi %broadcast_in_dim3A_11, %add3A_373 : vector<16xi32>
            %gather3A_375 = arith.constant 0 : i32
            %gather3A_376 = arith.constant 0 : i32
            %gather3A_377 = tpu.memref_slice %arg10[%scan3A_56, %gather3A_375, %gather3A_376] : memref<2x64x256xf32, #tpu.memory_space<vmem>> -> memref<1x64x256xf32, #tpu.memory_space<vmem>>
            %gather3A_378 = tpu.memref_squeeze %gather3A_377 : memref<1x64x256xf32, #tpu.memory_space<vmem>> -> memref<64x256xf32, #tpu.memory_space<vmem>>
            %gather3A_379 = tpu.vector_load_idx %gather3A_378[%add3A_374, %select_n3A_163] masked %and3A_144 : memref<64x256xf32, #tpu.memory_space<vmem>>[vector<16xi32>, vector<16xi32>], vector<16xf32>, vector<16xi1>
            %add3A_380 = arith.constant 19 : i32
            %add3A_381 = vector.broadcast %add3A_380 : i32 to vector<16xi32>
            %add3A_382 = arith.addi %broadcast_in_dim3A_11, %add3A_381 : vector<16xi32>
            tpu.vector_store_idx %arg12[%add3A_132, %add3A_382], %gather3A_379 masked %and3A_144 : memref<672x128xf32, #tpu.memory_space<vmem>>[vector<16xi32>, vector<16xi32>], vector<16xf32>, vector<16xi1>
            %add3A_383 = arith.constant 20 : i32
            %add3A_384 = vector.broadcast %add3A_383 : i32 to vector<16xi32>
            %add3A_385 = arith.addi %broadcast_in_dim3A_11, %add3A_384 : vector<16xi32>
            %gather3A_386 = arith.constant 0 : i32
            %gather3A_387 = arith.constant 0 : i32
            %gather3A_388 = tpu.memref_slice %arg10[%scan3A_56, %gather3A_386, %gather3A_387] : memref<2x64x256xf32, #tpu.memory_space<vmem>> -> memref<1x64x256xf32, #tpu.memory_space<vmem>>
            %gather3A_389 = tpu.memref_squeeze %gather3A_388 : memref<1x64x256xf32, #tpu.memory_space<vmem>> -> memref<64x256xf32, #tpu.memory_space<vmem>>
            %gather3A_390 = tpu.vector_load_idx %gather3A_389[%add3A_385, %select_n3A_163] masked %and3A_144 : memref<64x256xf32, #tpu.memory_space<vmem>>[vector<16xi32>, vector<16xi32>], vector<16xf32>, vector<16xi1>
            %add3A_391 = arith.constant 20 : i32
            %add3A_392 = vector.broadcast %add3A_391 : i32 to vector<16xi32>
            %add3A_393 = arith.addi %broadcast_in_dim3A_11, %add3A_392 : vector<16xi32>
            tpu.vector_store_idx %arg12[%add3A_132, %add3A_393], %gather3A_390 masked %and3A_144 : memref<672x128xf32, #tpu.memory_space<vmem>>[vector<16xi32>, vector<16xi32>], vector<16xf32>, vector<16xi1>
            %add3A_394 = arith.constant 21 : i32
            %add3A_395 = vector.broadcast %add3A_394 : i32 to vector<16xi32>
            %add3A_396 = arith.addi %broadcast_in_dim3A_11, %add3A_395 : vector<16xi32>
            %gather3A_397 = arith.constant 0 : i32
            %gather3A_398 = arith.constant 0 : i32
            %gather3A_399 = tpu.memref_slice %arg10[%scan3A_56, %gather3A_397, %gather3A_398] : memref<2x64x256xf32, #tpu.memory_space<vmem>> -> memref<1x64x256xf32, #tpu.memory_space<vmem>>
            %gather3A_400 = tpu.memref_squeeze %gather3A_399 : memref<1x64x256xf32, #tpu.memory_space<vmem>> -> memref<64x256xf32, #tpu.memory_space<vmem>>
            %gather3A_401 = tpu.vector_load_idx %gather3A_400[%add3A_396, %select_n3A_163] masked %and3A_144 : memref<64x256xf32, #tpu.memory_space<vmem>>[vector<16xi32>, vector<16xi32>], vector<16xf32>, vector<16xi1>
            %add3A_402 = arith.constant 21 : i32
            %add3A_403 = vector.broadcast %add3A_402 : i32 to vector<16xi32>
            %add3A_404 = arith.addi %broadcast_in_dim3A_11, %add3A_403 : vector<16xi32>
            tpu.vector_store_idx %arg12[%add3A_132, %add3A_404], %gather3A_401 masked %and3A_144 : memref<672x128xf32, #tpu.memory_space<vmem>>[vector<16xi32>, vector<16xi32>], vector<16xf32>, vector<16xi1>
            %add3A_405 = arith.constant 22 : i32
            %add3A_406 = vector.broadcast %add3A_405 : i32 to vector<16xi32>
            %add3A_407 = arith.addi %broadcast_in_dim3A_11, %add3A_406 : vector<16xi32>
            %gather3A_408 = arith.constant 0 : i32
            %gather3A_409 = arith.constant 0 : i32
            %gather3A_410 = tpu.memref_slice %arg10[%scan3A_56, %gather3A_408, %gather3A_409] : memref<2x64x256xf32, #tpu.memory_space<vmem>> -> memref<1x64x256xf32, #tpu.memory_space<vmem>>
            %gather3A_411 = tpu.memref_squeeze %gather3A_410 : memref<1x64x256xf32, #tpu.memory_space<vmem>> -> memref<64x256xf32, #tpu.memory_space<vmem>>
            %gather3A_412 = tpu.vector_load_idx %gather3A_411[%add3A_407, %select_n3A_163] masked %and3A_144 : memref<64x256xf32, #tpu.memory_space<vmem>>[vector<16xi32>, vector<16xi32>], vector<16xf32>, vector<16xi1>
            %add3A_413 = arith.constant 22 : i32
            %add3A_414 = vector.broadcast %add3A_413 : i32 to vector<16xi32>
            %add3A_415 = arith.addi %broadcast_in_dim3A_11, %add3A_414 : vector<16xi32>
            tpu.vector_store_idx %arg12[%add3A_132, %add3A_415], %gather3A_412 masked %and3A_144 : memref<672x128xf32, #tpu.memory_space<vmem>>[vector<16xi32>, vector<16xi32>], vector<16xf32>, vector<16xi1>
            %add3A_416 = arith.constant 23 : i32
            %add3A_417 = vector.broadcast %add3A_416 : i32 to vector<16xi32>
            %add3A_418 = arith.addi %broadcast_in_dim3A_11, %add3A_417 : vector<16xi32>
            %gather3A_419 = arith.constant 0 : i32
            %gather3A_420 = arith.constant 0 : i32
            %gather3A_421 = tpu.memref_slice %arg10[%scan3A_56, %gather3A_419, %gather3A_420] : memref<2x64x256xf32, #tpu.memory_space<vmem>> -> memref<1x64x256xf32, #tpu.memory_space<vmem>>
            %gather3A_422 = tpu.memref_squeeze %gather3A_421 : memref<1x64x256xf32, #tpu.memory_space<vmem>> -> memref<64x256xf32, #tpu.memory_space<vmem>>
            %gather3A_423 = tpu.vector_load_idx %gather3A_422[%add3A_418, %select_n3A_163] masked %and3A_144 : memref<64x256xf32, #tpu.memory_space<vmem>>[vector<16xi32>, vector<16xi32>], vector<16xf32>, vector<16xi1>
            %add3A_424 = arith.constant 23 : i32
            %add3A_425 = vector.broadcast %add3A_424 : i32 to vector<16xi32>
            %add3A_426 = arith.addi %broadcast_in_dim3A_11, %add3A_425 : vector<16xi32>
            tpu.vector_store_idx %arg12[%add3A_132, %add3A_426], %gather3A_423 masked %and3A_144 : memref<672x128xf32, #tpu.memory_space<vmem>>[vector<16xi32>, vector<16xi32>], vector<16xf32>, vector<16xi1>
            %add3A_427 = arith.constant 24 : i32
            %add3A_428 = vector.broadcast %add3A_427 : i32 to vector<16xi32>
            %add3A_429 = arith.addi %broadcast_in_dim3A_11, %add3A_428 : vector<16xi32>
            %gather3A_430 = arith.constant 0 : i32
            %gather3A_431 = arith.constant 0 : i32
            %gather3A_432 = tpu.memref_slice %arg10[%scan3A_56, %gather3A_430, %gather3A_431] : memref<2x64x256xf32, #tpu.memory_space<vmem>> -> memref<1x64x256xf32, #tpu.memory_space<vmem>>
            %gather3A_433 = tpu.memref_squeeze %gather3A_432 : memref<1x64x256xf32, #tpu.memory_space<vmem>> -> memref<64x256xf32, #tpu.memory_space<vmem>>
            %gather3A_434 = tpu.vector_load_idx %gather3A_433[%add3A_429, %select_n3A_163] masked %and3A_144 : memref<64x256xf32, #tpu.memory_space<vmem>>[vector<16xi32>, vector<16xi32>], vector<16xf32>, vector<16xi1>
            %add3A_435 = arith.constant 24 : i32
            %add3A_436 = vector.broadcast %add3A_435 : i32 to vector<16xi32>
            %add3A_437 = arith.addi %broadcast_in_dim3A_11, %add3A_436 : vector<16xi32>
            tpu.vector_store_idx %arg12[%add3A_132, %add3A_437], %gather3A_434 masked %and3A_144 : memref<672x128xf32, #tpu.memory_space<vmem>>[vector<16xi32>, vector<16xi32>], vector<16xf32>, vector<16xi1>
            %add3A_438 = arith.constant 25 : i32
            %add3A_439 = vector.broadcast %add3A_438 : i32 to vector<16xi32>
            %add3A_440 = arith.addi %broadcast_in_dim3A_11, %add3A_439 : vector<16xi32>
            %gather3A_441 = arith.constant 0 : i32
            %gather3A_442 = arith.constant 0 : i32
            %gather3A_443 = tpu.memref_slice %arg10[%scan3A_56, %gather3A_441, %gather3A_442] : memref<2x64x256xf32, #tpu.memory_space<vmem>> -> memref<1x64x256xf32, #tpu.memory_space<vmem>>
            %gather3A_444 = tpu.memref_squeeze %gather3A_443 : memref<1x64x256xf32, #tpu.memory_space<vmem>> -> memref<64x256xf32, #tpu.memory_space<vmem>>
            %gather3A_445 = tpu.vector_load_idx %gather3A_444[%add3A_440, %select_n3A_163] masked %and3A_144 : memref<64x256xf32, #tpu.memory_space<vmem>>[vector<16xi32>, vector<16xi32>], vector<16xf32>, vector<16xi1>
            %add3A_446 = arith.constant 25 : i32
            %add3A_447 = vector.broadcast %add3A_446 : i32 to vector<16xi32>
            %add3A_448 = arith.addi %broadcast_in_dim3A_11, %add3A_447 : vector<16xi32>
            tpu.vector_store_idx %arg12[%add3A_132, %add3A_448], %gather3A_445 masked %and3A_144 : memref<672x128xf32, #tpu.memory_space<vmem>>[vector<16xi32>, vector<16xi32>], vector<16xf32>, vector<16xi1>
            %add3A_449 = arith.constant 26 : i32
            %add3A_450 = vector.broadcast %add3A_449 : i32 to vector<16xi32>
            %add3A_451 = arith.addi %broadcast_in_dim3A_11, %add3A_450 : vector<16xi32>
            %gather3A_452 = arith.constant 0 : i32
            %gather3A_453 = arith.constant 0 : i32
            %gather3A_454 = tpu.memref_slice %arg10[%scan3A_56, %gather3A_452, %gather3A_453] : memref<2x64x256xf32, #tpu.memory_space<vmem>> -> memref<1x64x256xf32, #tpu.memory_space<vmem>>
            %gather3A_455 = tpu.memref_squeeze %gather3A_454 : memref<1x64x256xf32, #tpu.memory_space<vmem>> -> memref<64x256xf32, #tpu.memory_space<vmem>>
            %gather3A_456 = tpu.vector_load_idx %gather3A_455[%add3A_451, %select_n3A_163] masked %and3A_144 : memref<64x256xf32, #tpu.memory_space<vmem>>[vector<16xi32>, vector<16xi32>], vector<16xf32>, vector<16xi1>
            %add3A_457 = arith.constant 26 : i32
            %add3A_458 = vector.broadcast %add3A_457 : i32 to vector<16xi32>
            %add3A_459 = arith.addi %broadcast_in_dim3A_11, %add3A_458 : vector<16xi32>
            tpu.vector_store_idx %arg12[%add3A_132, %add3A_459], %gather3A_456 masked %and3A_144 : memref<672x128xf32, #tpu.memory_space<vmem>>[vector<16xi32>, vector<16xi32>], vector<16xf32>, vector<16xi1>
            %add3A_460 = arith.constant 27 : i32
            %add3A_461 = vector.broadcast %add3A_460 : i32 to vector<16xi32>
            %add3A_462 = arith.addi %broadcast_in_dim3A_11, %add3A_461 : vector<16xi32>
            %gather3A_463 = arith.constant 0 : i32
            %gather3A_464 = arith.constant 0 : i32
            %gather3A_465 = tpu.memref_slice %arg10[%scan3A_56, %gather3A_463, %gather3A_464] : memref<2x64x256xf32, #tpu.memory_space<vmem>> -> memref<1x64x256xf32, #tpu.memory_space<vmem>>
            %gather3A_466 = tpu.memref_squeeze %gather3A_465 : memref<1x64x256xf32, #tpu.memory_space<vmem>> -> memref<64x256xf32, #tpu.memory_space<vmem>>
            %gather3A_467 = tpu.vector_load_idx %gather3A_466[%add3A_462, %select_n3A_163] masked %and3A_144 : memref<64x256xf32, #tpu.memory_space<vmem>>[vector<16xi32>, vector<16xi32>], vector<16xf32>, vector<16xi1>
            %add3A_468 = arith.constant 27 : i32
            %add3A_469 = vector.broadcast %add3A_468 : i32 to vector<16xi32>
            %add3A_470 = arith.addi %broadcast_in_dim3A_11, %add3A_469 : vector<16xi32>
            tpu.vector_store_idx %arg12[%add3A_132, %add3A_470], %gather3A_467 masked %and3A_144 : memref<672x128xf32, #tpu.memory_space<vmem>>[vector<16xi32>, vector<16xi32>], vector<16xf32>, vector<16xi1>
            %add3A_471 = arith.constant 28 : i32
            %add3A_472 = vector.broadcast %add3A_471 : i32 to vector<16xi32>
            %add3A_473 = arith.addi %broadcast_in_dim3A_11, %add3A_472 : vector<16xi32>
            %gather3A_474 = arith.constant 0 : i32
            %gather3A_475 = arith.constant 0 : i32
            %gather3A_476 = tpu.memref_slice %arg10[%scan3A_56, %gather3A_474, %gather3A_475] : memref<2x64x256xf32, #tpu.memory_space<vmem>> -> memref<1x64x256xf32, #tpu.memory_space<vmem>>
            %gather3A_477 = tpu.memref_squeeze %gather3A_476 : memref<1x64x256xf32, #tpu.memory_space<vmem>> -> memref<64x256xf32, #tpu.memory_space<vmem>>
            %gather3A_478 = tpu.vector_load_idx %gather3A_477[%add3A_473, %select_n3A_163] masked %and3A_144 : memref<64x256xf32, #tpu.memory_space<vmem>>[vector<16xi32>, vector<16xi32>], vector<16xf32>, vector<16xi1>
            %add3A_479 = arith.constant 28 : i32
            %add3A_480 = vector.broadcast %add3A_479 : i32 to vector<16xi32>
            %add3A_481 = arith.addi %broadcast_in_dim3A_11, %add3A_480 : vector<16xi32>
            tpu.vector_store_idx %arg12[%add3A_132, %add3A_481], %gather3A_478 masked %and3A_144 : memref<672x128xf32, #tpu.memory_space<vmem>>[vector<16xi32>, vector<16xi32>], vector<16xf32>, vector<16xi1>
            %add3A_482 = arith.constant 29 : i32
            %add3A_483 = vector.broadcast %add3A_482 : i32 to vector<16xi32>
            %add3A_484 = arith.addi %broadcast_in_dim3A_11, %add3A_483 : vector<16xi32>
            %gather3A_485 = arith.constant 0 : i32
            %gather3A_486 = arith.constant 0 : i32
            %gather3A_487 = tpu.memref_slice %arg10[%scan3A_56, %gather3A_485, %gather3A_486] : memref<2x64x256xf32, #tpu.memory_space<vmem>> -> memref<1x64x256xf32, #tpu.memory_space<vmem>>
            %gather3A_488 = tpu.memref_squeeze %gather3A_487 : memref<1x64x256xf32, #tpu.memory_space<vmem>> -> memref<64x256xf32, #tpu.memory_space<vmem>>
            %gather3A_489 = tpu.vector_load_idx %gather3A_488[%add3A_484, %select_n3A_163] masked %and3A_144 : memref<64x256xf32, #tpu.memory_space<vmem>>[vector<16xi32>, vector<16xi32>], vector<16xf32>, vector<16xi1>
            %add3A_490 = arith.constant 29 : i32
            %add3A_491 = vector.broadcast %add3A_490 : i32 to vector<16xi32>
            %add3A_492 = arith.addi %broadcast_in_dim3A_11, %add3A_491 : vector<16xi32>
            tpu.vector_store_idx %arg12[%add3A_132, %add3A_492], %gather3A_489 masked %and3A_144 : memref<672x128xf32, #tpu.memory_space<vmem>>[vector<16xi32>, vector<16xi32>], vector<16xf32>, vector<16xi1>
            %add3A_493 = arith.constant 30 : i32
            %add3A_494 = vector.broadcast %add3A_493 : i32 to vector<16xi32>
            %add3A_495 = arith.addi %broadcast_in_dim3A_11, %add3A_494 : vector<16xi32>
            %gather3A_496 = arith.constant 0 : i32
            %gather3A_497 = arith.constant 0 : i32
            %gather3A_498 = tpu.memref_slice %arg10[%scan3A_56, %gather3A_496, %gather3A_497] : memref<2x64x256xf32, #tpu.memory_space<vmem>> -> memref<1x64x256xf32, #tpu.memory_space<vmem>>
            %gather3A_499 = tpu.memref_squeeze %gather3A_498 : memref<1x64x256xf32, #tpu.memory_space<vmem>> -> memref<64x256xf32, #tpu.memory_space<vmem>>
            %gather3A_500 = tpu.vector_load_idx %gather3A_499[%add3A_495, %select_n3A_163] masked %and3A_144 : memref<64x256xf32, #tpu.memory_space<vmem>>[vector<16xi32>, vector<16xi32>], vector<16xf32>, vector<16xi1>
            %add3A_501 = arith.constant 30 : i32
            %add3A_502 = vector.broadcast %add3A_501 : i32 to vector<16xi32>
            %add3A_503 = arith.addi %broadcast_in_dim3A_11, %add3A_502 : vector<16xi32>
            tpu.vector_store_idx %arg12[%add3A_132, %add3A_503], %gather3A_500 masked %and3A_144 : memref<672x128xf32, #tpu.memory_space<vmem>>[vector<16xi32>, vector<16xi32>], vector<16xf32>, vector<16xi1>
            %add3A_504 = arith.constant 31 : i32
            %add3A_505 = vector.broadcast %add3A_504 : i32 to vector<16xi32>
            %add3A_506 = arith.addi %broadcast_in_dim3A_11, %add3A_505 : vector<16xi32>
            %gather3A_507 = arith.constant 0 : i32
            %gather3A_508 = arith.constant 0 : i32
            %gather3A_509 = tpu.memref_slice %arg10[%scan3A_56, %gather3A_507, %gather3A_508] : memref<2x64x256xf32, #tpu.memory_space<vmem>> -> memref<1x64x256xf32, #tpu.memory_space<vmem>>
            %gather3A_510 = tpu.memref_squeeze %gather3A_509 : memref<1x64x256xf32, #tpu.memory_space<vmem>> -> memref<64x256xf32, #tpu.memory_space<vmem>>
            %gather3A_511 = tpu.vector_load_idx %gather3A_510[%add3A_506, %select_n3A_163] masked %and3A_144 : memref<64x256xf32, #tpu.memory_space<vmem>>[vector<16xi32>, vector<16xi32>], vector<16xf32>, vector<16xi1>
            %add3A_512 = arith.constant 31 : i32
            %add3A_513 = vector.broadcast %add3A_512 : i32 to vector<16xi32>
            %add3A_514 = arith.addi %broadcast_in_dim3A_11, %add3A_513 : vector<16xi32>
            tpu.vector_store_idx %arg12[%add3A_132, %add3A_514], %gather3A_511 masked %and3A_144 : memref<672x128xf32, #tpu.memory_space<vmem>>[vector<16xi32>, vector<16xi32>], vector<16xf32>, vector<16xi1>
            %add3A_515 = arith.constant 32 : i32
            %add3A_516 = vector.broadcast %add3A_515 : i32 to vector<16xi32>
            %add3A_517 = arith.addi %broadcast_in_dim3A_11, %add3A_516 : vector<16xi32>
            %gather3A_518 = arith.constant 0 : i32
            %gather3A_519 = arith.constant 0 : i32
            %gather3A_520 = tpu.memref_slice %arg10[%scan3A_56, %gather3A_518, %gather3A_519] : memref<2x64x256xf32, #tpu.memory_space<vmem>> -> memref<1x64x256xf32, #tpu.memory_space<vmem>>
            %gather3A_521 = tpu.memref_squeeze %gather3A_520 : memref<1x64x256xf32, #tpu.memory_space<vmem>> -> memref<64x256xf32, #tpu.memory_space<vmem>>
            %gather3A_522 = tpu.vector_load_idx %gather3A_521[%add3A_517, %select_n3A_163] masked %and3A_144 : memref<64x256xf32, #tpu.memory_space<vmem>>[vector<16xi32>, vector<16xi32>], vector<16xf32>, vector<16xi1>
            %add3A_523 = arith.constant 32 : i32
            %add3A_524 = vector.broadcast %add3A_523 : i32 to vector<16xi32>
            %add3A_525 = arith.addi %broadcast_in_dim3A_11, %add3A_524 : vector<16xi32>
            tpu.vector_store_idx %arg12[%add3A_132, %add3A_525], %gather3A_522 masked %and3A_144 : memref<672x128xf32, #tpu.memory_space<vmem>>[vector<16xi32>, vector<16xi32>], vector<16xf32>, vector<16xi1>
            %add3A_526 = arith.constant 33 : i32
            %add3A_527 = vector.broadcast %add3A_526 : i32 to vector<16xi32>
            %add3A_528 = arith.addi %broadcast_in_dim3A_11, %add3A_527 : vector<16xi32>
            %gather3A_529 = arith.constant 0 : i32
            %gather3A_530 = arith.constant 0 : i32
            %gather3A_531 = tpu.memref_slice %arg10[%scan3A_56, %gather3A_529, %gather3A_530] : memref<2x64x256xf32, #tpu.memory_space<vmem>> -> memref<1x64x256xf32, #tpu.memory_space<vmem>>
            %gather3A_532 = tpu.memref_squeeze %gather3A_531 : memref<1x64x256xf32, #tpu.memory_space<vmem>> -> memref<64x256xf32, #tpu.memory_space<vmem>>
            %gather3A_533 = tpu.vector_load_idx %gather3A_532[%add3A_528, %select_n3A_163] masked %and3A_144 : memref<64x256xf32, #tpu.memory_space<vmem>>[vector<16xi32>, vector<16xi32>], vector<16xf32>, vector<16xi1>
            %add3A_534 = arith.constant 33 : i32
            %add3A_535 = vector.broadcast %add3A_534 : i32 to vector<16xi32>
            %add3A_536 = arith.addi %broadcast_in_dim3A_11, %add3A_535 : vector<16xi32>
            tpu.vector_store_idx %arg12[%add3A_132, %add3A_536], %gather3A_533 masked %and3A_144 : memref<672x128xf32, #tpu.memory_space<vmem>>[vector<16xi32>, vector<16xi32>], vector<16xf32>, vector<16xi1>
            %add3A_537 = arith.constant 34 : i32
            %add3A_538 = vector.broadcast %add3A_537 : i32 to vector<16xi32>
            %add3A_539 = arith.addi %broadcast_in_dim3A_11, %add3A_538 : vector<16xi32>
            %gather3A_540 = arith.constant 0 : i32
            %gather3A_541 = arith.constant 0 : i32
            %gather3A_542 = tpu.memref_slice %arg10[%scan3A_56, %gather3A_540, %gather3A_541] : memref<2x64x256xf32, #tpu.memory_space<vmem>> -> memref<1x64x256xf32, #tpu.memory_space<vmem>>
            %gather3A_543 = tpu.memref_squeeze %gather3A_542 : memref<1x64x256xf32, #tpu.memory_space<vmem>> -> memref<64x256xf32, #tpu.memory_space<vmem>>
            %gather3A_544 = tpu.vector_load_idx %gather3A_543[%add3A_539, %select_n3A_163] masked %and3A_144 : memref<64x256xf32, #tpu.memory_space<vmem>>[vector<16xi32>, vector<16xi32>], vector<16xf32>, vector<16xi1>
            %add3A_545 = arith.constant 34 : i32
            %add3A_546 = vector.broadcast %add3A_545 : i32 to vector<16xi32>
            %add3A_547 = arith.addi %broadcast_in_dim3A_11, %add3A_546 : vector<16xi32>
            tpu.vector_store_idx %arg12[%add3A_132, %add3A_547], %gather3A_544 masked %and3A_144 : memref<672x128xf32, #tpu.memory_space<vmem>>[vector<16xi32>, vector<16xi32>], vector<16xf32>, vector<16xi1>
            %add3A_548 = arith.constant 35 : i32
            %add3A_549 = vector.broadcast %add3A_548 : i32 to vector<16xi32>
            %add3A_550 = arith.addi %broadcast_in_dim3A_11, %add3A_549 : vector<16xi32>
            %gather3A_551 = arith.constant 0 : i32
            %gather3A_552 = arith.constant 0 : i32
            %gather3A_553 = tpu.memref_slice %arg10[%scan3A_56, %gather3A_551, %gather3A_552] : memref<2x64x256xf32, #tpu.memory_space<vmem>> -> memref<1x64x256xf32, #tpu.memory_space<vmem>>
            %gather3A_554 = tpu.memref_squeeze %gather3A_553 : memref<1x64x256xf32, #tpu.memory_space<vmem>> -> memref<64x256xf32, #tpu.memory_space<vmem>>
            %gather3A_555 = tpu.vector_load_idx %gather3A_554[%add3A_550, %select_n3A_163] masked %and3A_144 : memref<64x256xf32, #tpu.memory_space<vmem>>[vector<16xi32>, vector<16xi32>], vector<16xf32>, vector<16xi1>
            %add3A_556 = arith.constant 35 : i32
            %add3A_557 = vector.broadcast %add3A_556 : i32 to vector<16xi32>
            %add3A_558 = arith.addi %broadcast_in_dim3A_11, %add3A_557 : vector<16xi32>
            tpu.vector_store_idx %arg12[%add3A_132, %add3A_558], %gather3A_555 masked %and3A_144 : memref<672x128xf32, #tpu.memory_space<vmem>>[vector<16xi32>, vector<16xi32>], vector<16xf32>, vector<16xi1>
            %add3A_559 = arith.constant 36 : i32
            %add3A_560 = vector.broadcast %add3A_559 : i32 to vector<16xi32>
            %add3A_561 = arith.addi %broadcast_in_dim3A_11, %add3A_560 : vector<16xi32>
            %gather3A_562 = arith.constant 0 : i32
            %gather3A_563 = arith.constant 0 : i32
            %gather3A_564 = tpu.memref_slice %arg10[%scan3A_56, %gather3A_562, %gather3A_563] : memref<2x64x256xf32, #tpu.memory_space<vmem>> -> memref<1x64x256xf32, #tpu.memory_space<vmem>>
            %gather3A_565 = tpu.memref_squeeze %gather3A_564 : memref<1x64x256xf32, #tpu.memory_space<vmem>> -> memref<64x256xf32, #tpu.memory_space<vmem>>
            %gather3A_566 = tpu.vector_load_idx %gather3A_565[%add3A_561, %select_n3A_163] masked %and3A_144 : memref<64x256xf32, #tpu.memory_space<vmem>>[vector<16xi32>, vector<16xi32>], vector<16xf32>, vector<16xi1>
            %add3A_567 = arith.constant 36 : i32
            %add3A_568 = vector.broadcast %add3A_567 : i32 to vector<16xi32>
            %add3A_569 = arith.addi %broadcast_in_dim3A_11, %add3A_568 : vector<16xi32>
            tpu.vector_store_idx %arg12[%add3A_132, %add3A_569], %gather3A_566 masked %and3A_144 : memref<672x128xf32, #tpu.memory_space<vmem>>[vector<16xi32>, vector<16xi32>], vector<16xf32>, vector<16xi1>
            %add3A_570 = arith.constant 37 : i32
            %add3A_571 = vector.broadcast %add3A_570 : i32 to vector<16xi32>
            %add3A_572 = arith.addi %broadcast_in_dim3A_11, %add3A_571 : vector<16xi32>
            %gather3A_573 = arith.constant 0 : i32
            %gather3A_574 = arith.constant 0 : i32
            %gather3A_575 = tpu.memref_slice %arg10[%scan3A_56, %gather3A_573, %gather3A_574] : memref<2x64x256xf32, #tpu.memory_space<vmem>> -> memref<1x64x256xf32, #tpu.memory_space<vmem>>
            %gather3A_576 = tpu.memref_squeeze %gather3A_575 : memref<1x64x256xf32, #tpu.memory_space<vmem>> -> memref<64x256xf32, #tpu.memory_space<vmem>>
            %gather3A_577 = tpu.vector_load_idx %gather3A_576[%add3A_572, %select_n3A_163] masked %and3A_144 : memref<64x256xf32, #tpu.memory_space<vmem>>[vector<16xi32>, vector<16xi32>], vector<16xf32>, vector<16xi1>
            %add3A_578 = arith.constant 37 : i32
            %add3A_579 = vector.broadcast %add3A_578 : i32 to vector<16xi32>
            %add3A_580 = arith.addi %broadcast_in_dim3A_11, %add3A_579 : vector<16xi32>
            tpu.vector_store_idx %arg12[%add3A_132, %add3A_580], %gather3A_577 masked %and3A_144 : memref<672x128xf32, #tpu.memory_space<vmem>>[vector<16xi32>, vector<16xi32>], vector<16xf32>, vector<16xi1>
            %add3A_581 = arith.constant 38 : i32
            %add3A_582 = vector.broadcast %add3A_581 : i32 to vector<16xi32>
            %add3A_583 = arith.addi %broadcast_in_dim3A_11, %add3A_582 : vector<16xi32>
            %gather3A_584 = arith.constant 0 : i32
            %gather3A_585 = arith.constant 0 : i32
            %gather3A_586 = tpu.memref_slice %arg10[%scan3A_56, %gather3A_584, %gather3A_585] : memref<2x64x256xf32, #tpu.memory_space<vmem>> -> memref<1x64x256xf32, #tpu.memory_space<vmem>>
            %gather3A_587 = tpu.memref_squeeze %gather3A_586 : memref<1x64x256xf32, #tpu.memory_space<vmem>> -> memref<64x256xf32, #tpu.memory_space<vmem>>
            %gather3A_588 = tpu.vector_load_idx %gather3A_587[%add3A_583, %select_n3A_163] masked %and3A_144 : memref<64x256xf32, #tpu.memory_space<vmem>>[vector<16xi32>, vector<16xi32>], vector<16xf32>, vector<16xi1>
            %add3A_589 = arith.constant 38 : i32
            %add3A_590 = vector.broadcast %add3A_589 : i32 to vector<16xi32>
            %add3A_591 = arith.addi %broadcast_in_dim3A_11, %add3A_590 : vector<16xi32>
            tpu.vector_store_idx %arg12[%add3A_132, %add3A_591], %gather3A_588 masked %and3A_144 : memref<672x128xf32, #tpu.memory_space<vmem>>[vector<16xi32>, vector<16xi32>], vector<16xf32>, vector<16xi1>
            %add3A_592 = arith.constant 39 : i32
            %add3A_593 = vector.broadcast %add3A_592 : i32 to vector<16xi32>
            %add3A_594 = arith.addi %broadcast_in_dim3A_11, %add3A_593 : vector<16xi32>
            %gather3A_595 = arith.constant 0 : i32
            %gather3A_596 = arith.constant 0 : i32
            %gather3A_597 = tpu.memref_slice %arg10[%scan3A_56, %gather3A_595, %gather3A_596] : memref<2x64x256xf32, #tpu.memory_space<vmem>> -> memref<1x64x256xf32, #tpu.memory_space<vmem>>
            %gather3A_598 = tpu.memref_squeeze %gather3A_597 : memref<1x64x256xf32, #tpu.memory_space<vmem>> -> memref<64x256xf32, #tpu.memory_space<vmem>>
            %gather3A_599 = tpu.vector_load_idx %gather3A_598[%add3A_594, %select_n3A_163] masked %and3A_144 : memref<64x256xf32, #tpu.memory_space<vmem>>[vector<16xi32>, vector<16xi32>], vector<16xf32>, vector<16xi1>
            %add3A_600 = arith.constant 39 : i32
            %add3A_601 = vector.broadcast %add3A_600 : i32 to vector<16xi32>
            %add3A_602 = arith.addi %broadcast_in_dim3A_11, %add3A_601 : vector<16xi32>
            tpu.vector_store_idx %arg12[%add3A_132, %add3A_602], %gather3A_599 masked %and3A_144 : memref<672x128xf32, #tpu.memory_space<vmem>>[vector<16xi32>, vector<16xi32>], vector<16xf32>, vector<16xi1>
            %add3A_603 = arith.constant 40 : i32
            %add3A_604 = vector.broadcast %add3A_603 : i32 to vector<16xi32>
            %add3A_605 = arith.addi %broadcast_in_dim3A_11, %add3A_604 : vector<16xi32>
            %gather3A_606 = arith.constant 0 : i32
            %gather3A_607 = arith.constant 0 : i32
            %gather3A_608 = tpu.memref_slice %arg10[%scan3A_56, %gather3A_606, %gather3A_607] : memref<2x64x256xf32, #tpu.memory_space<vmem>> -> memref<1x64x256xf32, #tpu.memory_space<vmem>>
            %gather3A_609 = tpu.memref_squeeze %gather3A_608 : memref<1x64x256xf32, #tpu.memory_space<vmem>> -> memref<64x256xf32, #tpu.memory_space<vmem>>
            %gather3A_610 = tpu.vector_load_idx %gather3A_609[%add3A_605, %select_n3A_163] masked %and3A_144 : memref<64x256xf32, #tpu.memory_space<vmem>>[vector<16xi32>, vector<16xi32>], vector<16xf32>, vector<16xi1>
            %add3A_611 = arith.constant 40 : i32
            %add3A_612 = vector.broadcast %add3A_611 : i32 to vector<16xi32>
            %add3A_613 = arith.addi %broadcast_in_dim3A_11, %add3A_612 : vector<16xi32>
            tpu.vector_store_idx %arg12[%add3A_132, %add3A_613], %gather3A_610 masked %and3A_144 : memref<672x128xf32, #tpu.memory_space<vmem>>[vector<16xi32>, vector<16xi32>], vector<16xf32>, vector<16xi1>
            %add3A_614 = arith.constant 41 : i32
            %add3A_615 = vector.broadcast %add3A_614 : i32 to vector<16xi32>
            %add3A_616 = arith.addi %broadcast_in_dim3A_11, %add3A_615 : vector<16xi32>
            %gather3A_617 = arith.constant 0 : i32
            %gather3A_618 = arith.constant 0 : i32
            %gather3A_619 = tpu.memref_slice %arg10[%scan3A_56, %gather3A_617, %gather3A_618] : memref<2x64x256xf32, #tpu.memory_space<vmem>> -> memref<1x64x256xf32, #tpu.memory_space<vmem>>
            %gather3A_620 = tpu.memref_squeeze %gather3A_619 : memref<1x64x256xf32, #tpu.memory_space<vmem>> -> memref<64x256xf32, #tpu.memory_space<vmem>>
            %gather3A_621 = tpu.vector_load_idx %gather3A_620[%add3A_616, %select_n3A_163] masked %and3A_144 : memref<64x256xf32, #tpu.memory_space<vmem>>[vector<16xi32>, vector<16xi32>], vector<16xf32>, vector<16xi1>
            %add3A_622 = arith.constant 41 : i32
            %add3A_623 = vector.broadcast %add3A_622 : i32 to vector<16xi32>
            %add3A_624 = arith.addi %broadcast_in_dim3A_11, %add3A_623 : vector<16xi32>
            tpu.vector_store_idx %arg12[%add3A_132, %add3A_624], %gather3A_621 masked %and3A_144 : memref<672x128xf32, #tpu.memory_space<vmem>>[vector<16xi32>, vector<16xi32>], vector<16xf32>, vector<16xi1>
            %add3A_625 = arith.constant 42 : i32
            %add3A_626 = vector.broadcast %add3A_625 : i32 to vector<16xi32>
            %add3A_627 = arith.addi %broadcast_in_dim3A_11, %add3A_626 : vector<16xi32>
            %gather3A_628 = arith.constant 0 : i32
            %gather3A_629 = arith.constant 0 : i32
            %gather3A_630 = tpu.memref_slice %arg10[%scan3A_56, %gather3A_628, %gather3A_629] : memref<2x64x256xf32, #tpu.memory_space<vmem>> -> memref<1x64x256xf32, #tpu.memory_space<vmem>>
            %gather3A_631 = tpu.memref_squeeze %gather3A_630 : memref<1x64x256xf32, #tpu.memory_space<vmem>> -> memref<64x256xf32, #tpu.memory_space<vmem>>
            %gather3A_632 = tpu.vector_load_idx %gather3A_631[%add3A_627, %select_n3A_163] masked %and3A_144 : memref<64x256xf32, #tpu.memory_space<vmem>>[vector<16xi32>, vector<16xi32>], vector<16xf32>, vector<16xi1>
            %add3A_633 = arith.constant 42 : i32
            %add3A_634 = vector.broadcast %add3A_633 : i32 to vector<16xi32>
            %add3A_635 = arith.addi %broadcast_in_dim3A_11, %add3A_634 : vector<16xi32>
            tpu.vector_store_idx %arg12[%add3A_132, %add3A_635], %gather3A_632 masked %and3A_144 : memref<672x128xf32, #tpu.memory_space<vmem>>[vector<16xi32>, vector<16xi32>], vector<16xf32>, vector<16xi1>
            %add3A_636 = arith.constant 43 : i32
            %add3A_637 = vector.broadcast %add3A_636 : i32 to vector<16xi32>
            %add3A_638 = arith.addi %broadcast_in_dim3A_11, %add3A_637 : vector<16xi32>
            %gather3A_639 = arith.constant 0 : i32
            %gather3A_640 = arith.constant 0 : i32
            %gather3A_641 = tpu.memref_slice %arg10[%scan3A_56, %gather3A_639, %gather3A_640] : memref<2x64x256xf32, #tpu.memory_space<vmem>> -> memref<1x64x256xf32, #tpu.memory_space<vmem>>
            %gather3A_642 = tpu.memref_squeeze %gather3A_641 : memref<1x64x256xf32, #tpu.memory_space<vmem>> -> memref<64x256xf32, #tpu.memory_space<vmem>>
            %gather3A_643 = tpu.vector_load_idx %gather3A_642[%add3A_638, %select_n3A_163] masked %and3A_144 : memref<64x256xf32, #tpu.memory_space<vmem>>[vector<16xi32>, vector<16xi32>], vector<16xf32>, vector<16xi1>
            %add3A_644 = arith.constant 43 : i32
            %add3A_645 = vector.broadcast %add3A_644 : i32 to vector<16xi32>
            %add3A_646 = arith.addi %broadcast_in_dim3A_11, %add3A_645 : vector<16xi32>
            tpu.vector_store_idx %arg12[%add3A_132, %add3A_646], %gather3A_643 masked %and3A_144 : memref<672x128xf32, #tpu.memory_space<vmem>>[vector<16xi32>, vector<16xi32>], vector<16xf32>, vector<16xi1>
            %add3A_647 = arith.constant 44 : i32
            %add3A_648 = vector.broadcast %add3A_647 : i32 to vector<16xi32>
            %add3A_649 = arith.addi %broadcast_in_dim3A_11, %add3A_648 : vector<16xi32>
            %gather3A_650 = arith.constant 0 : i32
            %gather3A_651 = arith.constant 0 : i32
            %gather3A_652 = tpu.memref_slice %arg10[%scan3A_56, %gather3A_650, %gather3A_651] : memref<2x64x256xf32, #tpu.memory_space<vmem>> -> memref<1x64x256xf32, #tpu.memory_space<vmem>>
            %gather3A_653 = tpu.memref_squeeze %gather3A_652 : memref<1x64x256xf32, #tpu.memory_space<vmem>> -> memref<64x256xf32, #tpu.memory_space<vmem>>
            %gather3A_654 = tpu.vector_load_idx %gather3A_653[%add3A_649, %select_n3A_163] masked %and3A_144 : memref<64x256xf32, #tpu.memory_space<vmem>>[vector<16xi32>, vector<16xi32>], vector<16xf32>, vector<16xi1>
            %add3A_655 = arith.constant 44 : i32
            %add3A_656 = vector.broadcast %add3A_655 : i32 to vector<16xi32>
            %add3A_657 = arith.addi %broadcast_in_dim3A_11, %add3A_656 : vector<16xi32>
            tpu.vector_store_idx %arg12[%add3A_132, %add3A_657], %gather3A_654 masked %and3A_144 : memref<672x128xf32, #tpu.memory_space<vmem>>[vector<16xi32>, vector<16xi32>], vector<16xf32>, vector<16xi1>
            %add3A_658 = arith.constant 45 : i32
            %add3A_659 = vector.broadcast %add3A_658 : i32 to vector<16xi32>
            %add3A_660 = arith.addi %broadcast_in_dim3A_11, %add3A_659 : vector<16xi32>
            %gather3A_661 = arith.constant 0 : i32
            %gather3A_662 = arith.constant 0 : i32
            %gather3A_663 = tpu.memref_slice %arg10[%scan3A_56, %gather3A_661, %gather3A_662] : memref<2x64x256xf32, #tpu.memory_space<vmem>> -> memref<1x64x256xf32, #tpu.memory_space<vmem>>
            %gather3A_664 = tpu.memref_squeeze %gather3A_663 : memref<1x64x256xf32, #tpu.memory_space<vmem>> -> memref<64x256xf32, #tpu.memory_space<vmem>>
            %gather3A_665 = tpu.vector_load_idx %gather3A_664[%add3A_660, %select_n3A_163] masked %and3A_144 : memref<64x256xf32, #tpu.memory_space<vmem>>[vector<16xi32>, vector<16xi32>], vector<16xf32>, vector<16xi1>
            %add3A_666 = arith.constant 45 : i32
            %add3A_667 = vector.broadcast %add3A_666 : i32 to vector<16xi32>
            %add3A_668 = arith.addi %broadcast_in_dim3A_11, %add3A_667 : vector<16xi32>
            tpu.vector_store_idx %arg12[%add3A_132, %add3A_668], %gather3A_665 masked %and3A_144 : memref<672x128xf32, #tpu.memory_space<vmem>>[vector<16xi32>, vector<16xi32>], vector<16xf32>, vector<16xi1>
            %add3A_669 = arith.constant 46 : i32
            %add3A_670 = vector.broadcast %add3A_669 : i32 to vector<16xi32>
            %add3A_671 = arith.addi %broadcast_in_dim3A_11, %add3A_670 : vector<16xi32>
            %gather3A_672 = arith.constant 0 : i32
            %gather3A_673 = arith.constant 0 : i32
            %gather3A_674 = tpu.memref_slice %arg10[%scan3A_56, %gather3A_672, %gather3A_673] : memref<2x64x256xf32, #tpu.memory_space<vmem>> -> memref<1x64x256xf32, #tpu.memory_space<vmem>>
            %gather3A_675 = tpu.memref_squeeze %gather3A_674 : memref<1x64x256xf32, #tpu.memory_space<vmem>> -> memref<64x256xf32, #tpu.memory_space<vmem>>
            %gather3A_676 = tpu.vector_load_idx %gather3A_675[%add3A_671, %select_n3A_163] masked %and3A_144 : memref<64x256xf32, #tpu.memory_space<vmem>>[vector<16xi32>, vector<16xi32>], vector<16xf32>, vector<16xi1>
            %add3A_677 = arith.constant 46 : i32
            %add3A_678 = vector.broadcast %add3A_677 : i32 to vector<16xi32>
            %add3A_679 = arith.addi %broadcast_in_dim3A_11, %add3A_678 : vector<16xi32>
            tpu.vector_store_idx %arg12[%add3A_132, %add3A_679], %gather3A_676 masked %and3A_144 : memref<672x128xf32, #tpu.memory_space<vmem>>[vector<16xi32>, vector<16xi32>], vector<16xf32>, vector<16xi1>
            %add3A_680 = arith.constant 47 : i32
            %add3A_681 = vector.broadcast %add3A_680 : i32 to vector<16xi32>
            %add3A_682 = arith.addi %broadcast_in_dim3A_11, %add3A_681 : vector<16xi32>
            %gather3A_683 = arith.constant 0 : i32
            %gather3A_684 = arith.constant 0 : i32
            %gather3A_685 = tpu.memref_slice %arg10[%scan3A_56, %gather3A_683, %gather3A_684] : memref<2x64x256xf32, #tpu.memory_space<vmem>> -> memref<1x64x256xf32, #tpu.memory_space<vmem>>
            %gather3A_686 = tpu.memref_squeeze %gather3A_685 : memref<1x64x256xf32, #tpu.memory_space<vmem>> -> memref<64x256xf32, #tpu.memory_space<vmem>>
            %gather3A_687 = tpu.vector_load_idx %gather3A_686[%add3A_682, %select_n3A_163] masked %and3A_144 : memref<64x256xf32, #tpu.memory_space<vmem>>[vector<16xi32>, vector<16xi32>], vector<16xf32>, vector<16xi1>
            %add3A_688 = arith.constant 47 : i32
            %add3A_689 = vector.broadcast %add3A_688 : i32 to vector<16xi32>
            %add3A_690 = arith.addi %broadcast_in_dim3A_11, %add3A_689 : vector<16xi32>
            tpu.vector_store_idx %arg12[%add3A_132, %add3A_690], %gather3A_687 masked %and3A_144 : memref<672x128xf32, #tpu.memory_space<vmem>>[vector<16xi32>, vector<16xi32>], vector<16xf32>, vector<16xi1>
            %add3A_691 = arith.constant 48 : i32
            %add3A_692 = vector.broadcast %add3A_691 : i32 to vector<16xi32>
            %add3A_693 = arith.addi %broadcast_in_dim3A_11, %add3A_692 : vector<16xi32>
            %gather3A_694 = arith.constant 0 : i32
            %gather3A_695 = arith.constant 0 : i32
            %gather3A_696 = tpu.memref_slice %arg10[%scan3A_56, %gather3A_694, %gather3A_695] : memref<2x64x256xf32, #tpu.memory_space<vmem>> -> memref<1x64x256xf32, #tpu.memory_space<vmem>>
            %gather3A_697 = tpu.memref_squeeze %gather3A_696 : memref<1x64x256xf32, #tpu.memory_space<vmem>> -> memref<64x256xf32, #tpu.memory_space<vmem>>
            %gather3A_698 = tpu.vector_load_idx %gather3A_697[%add3A_693, %select_n3A_163] masked %and3A_144 : memref<64x256xf32, #tpu.memory_space<vmem>>[vector<16xi32>, vector<16xi32>], vector<16xf32>, vector<16xi1>
            %add3A_699 = arith.constant 48 : i32
            %add3A_700 = vector.broadcast %add3A_699 : i32 to vector<16xi32>
            %add3A_701 = arith.addi %broadcast_in_dim3A_11, %add3A_700 : vector<16xi32>
            tpu.vector_store_idx %arg12[%add3A_132, %add3A_701], %gather3A_698 masked %and3A_144 : memref<672x128xf32, #tpu.memory_space<vmem>>[vector<16xi32>, vector<16xi32>], vector<16xf32>, vector<16xi1>
            %add3A_702 = arith.constant 49 : i32
            %add3A_703 = vector.broadcast %add3A_702 : i32 to vector<16xi32>
            %add3A_704 = arith.addi %broadcast_in_dim3A_11, %add3A_703 : vector<16xi32>
            %gather3A_705 = arith.constant 0 : i32
            %gather3A_706 = arith.constant 0 : i32
            %gather3A_707 = tpu.memref_slice %arg10[%scan3A_56, %gather3A_705, %gather3A_706] : memref<2x64x256xf32, #tpu.memory_space<vmem>> -> memref<1x64x256xf32, #tpu.memory_space<vmem>>
            %gather3A_708 = tpu.memref_squeeze %gather3A_707 : memref<1x64x256xf32, #tpu.memory_space<vmem>> -> memref<64x256xf32, #tpu.memory_space<vmem>>
            %gather3A_709 = tpu.vector_load_idx %gather3A_708[%add3A_704, %select_n3A_163] masked %and3A_144 : memref<64x256xf32, #tpu.memory_space<vmem>>[vector<16xi32>, vector<16xi32>], vector<16xf32>, vector<16xi1>
            %add3A_710 = arith.constant 49 : i32
            %add3A_711 = vector.broadcast %add3A_710 : i32 to vector<16xi32>
            %add3A_712 = arith.addi %broadcast_in_dim3A_11, %add3A_711 : vector<16xi32>
            tpu.vector_store_idx %arg12[%add3A_132, %add3A_712], %gather3A_709 masked %and3A_144 : memref<672x128xf32, #tpu.memory_space<vmem>>[vector<16xi32>, vector<16xi32>], vector<16xf32>, vector<16xi1>
            %add3A_713 = arith.constant 50 : i32
            %add3A_714 = vector.broadcast %add3A_713 : i32 to vector<16xi32>
            %add3A_715 = arith.addi %broadcast_in_dim3A_11, %add3A_714 : vector<16xi32>
            %gather3A_716 = arith.constant 0 : i32
            %gather3A_717 = arith.constant 0 : i32
            %gather3A_718 = tpu.memref_slice %arg10[%scan3A_56, %gather3A_716, %gather3A_717] : memref<2x64x256xf32, #tpu.memory_space<vmem>> -> memref<1x64x256xf32, #tpu.memory_space<vmem>>
            %gather3A_719 = tpu.memref_squeeze %gather3A_718 : memref<1x64x256xf32, #tpu.memory_space<vmem>> -> memref<64x256xf32, #tpu.memory_space<vmem>>
            %gather3A_720 = tpu.vector_load_idx %gather3A_719[%add3A_715, %select_n3A_163] masked %and3A_144 : memref<64x256xf32, #tpu.memory_space<vmem>>[vector<16xi32>, vector<16xi32>], vector<16xf32>, vector<16xi1>
            %add3A_721 = arith.constant 50 : i32
            %add3A_722 = vector.broadcast %add3A_721 : i32 to vector<16xi32>
            %add3A_723 = arith.addi %broadcast_in_dim3A_11, %add3A_722 : vector<16xi32>
            tpu.vector_store_idx %arg12[%add3A_132, %add3A_723], %gather3A_720 masked %and3A_144 : memref<672x128xf32, #tpu.memory_space<vmem>>[vector<16xi32>, vector<16xi32>], vector<16xf32>, vector<16xi1>
            %add3A_724 = arith.constant 51 : i32
            %add3A_725 = vector.broadcast %add3A_724 : i32 to vector<16xi32>
            %add3A_726 = arith.addi %broadcast_in_dim3A_11, %add3A_725 : vector<16xi32>
            %gather3A_727 = arith.constant 0 : i32
            %gather3A_728 = arith.constant 0 : i32
            %gather3A_729 = tpu.memref_slice %arg10[%scan3A_56, %gather3A_727, %gather3A_728] : memref<2x64x256xf32, #tpu.memory_space<vmem>> -> memref<1x64x256xf32, #tpu.memory_space<vmem>>
            %gather3A_730 = tpu.memref_squeeze %gather3A_729 : memref<1x64x256xf32, #tpu.memory_space<vmem>> -> memref<64x256xf32, #tpu.memory_space<vmem>>
            %gather3A_731 = tpu.vector_load_idx %gather3A_730[%add3A_726, %select_n3A_163] masked %and3A_144 : memref<64x256xf32, #tpu.memory_space<vmem>>[vector<16xi32>, vector<16xi32>], vector<16xf32>, vector<16xi1>
            %add3A_732 = arith.constant 51 : i32
            %add3A_733 = vector.broadcast %add3A_732 : i32 to vector<16xi32>
            %add3A_734 = arith.addi %broadcast_in_dim3A_11, %add3A_733 : vector<16xi32>
            tpu.vector_store_idx %arg12[%add3A_132, %add3A_734], %gather3A_731 masked %and3A_144 : memref<672x128xf32, #tpu.memory_space<vmem>>[vector<16xi32>, vector<16xi32>], vector<16xf32>, vector<16xi1>
            %add3A_735 = arith.constant 52 : i32
            %add3A_736 = vector.broadcast %add3A_735 : i32 to vector<16xi32>
            %add3A_737 = arith.addi %broadcast_in_dim3A_11, %add3A_736 : vector<16xi32>
            %gather3A_738 = arith.constant 0 : i32
            %gather3A_739 = arith.constant 0 : i32
            %gather3A_740 = tpu.memref_slice %arg10[%scan3A_56, %gather3A_738, %gather3A_739] : memref<2x64x256xf32, #tpu.memory_space<vmem>> -> memref<1x64x256xf32, #tpu.memory_space<vmem>>
            %gather3A_741 = tpu.memref_squeeze %gather3A_740 : memref<1x64x256xf32, #tpu.memory_space<vmem>> -> memref<64x256xf32, #tpu.memory_space<vmem>>
            %gather3A_742 = tpu.vector_load_idx %gather3A_741[%add3A_737, %select_n3A_163] masked %and3A_144 : memref<64x256xf32, #tpu.memory_space<vmem>>[vector<16xi32>, vector<16xi32>], vector<16xf32>, vector<16xi1>
            %add3A_743 = arith.constant 52 : i32
            %add3A_744 = vector.broadcast %add3A_743 : i32 to vector<16xi32>
            %add3A_745 = arith.addi %broadcast_in_dim3A_11, %add3A_744 : vector<16xi32>
            tpu.vector_store_idx %arg12[%add3A_132, %add3A_745], %gather3A_742 masked %and3A_144 : memref<672x128xf32, #tpu.memory_space<vmem>>[vector<16xi32>, vector<16xi32>], vector<16xf32>, vector<16xi1>
            %add3A_746 = arith.constant 53 : i32
            %add3A_747 = vector.broadcast %add3A_746 : i32 to vector<16xi32>
            %add3A_748 = arith.addi %broadcast_in_dim3A_11, %add3A_747 : vector<16xi32>
            %gather3A_749 = arith.constant 0 : i32
            %gather3A_750 = arith.constant 0 : i32
            %gather3A_751 = tpu.memref_slice %arg10[%scan3A_56, %gather3A_749, %gather3A_750] : memref<2x64x256xf32, #tpu.memory_space<vmem>> -> memref<1x64x256xf32, #tpu.memory_space<vmem>>
            %gather3A_752 = tpu.memref_squeeze %gather3A_751 : memref<1x64x256xf32, #tpu.memory_space<vmem>> -> memref<64x256xf32, #tpu.memory_space<vmem>>
            %gather3A_753 = tpu.vector_load_idx %gather3A_752[%add3A_748, %select_n3A_163] masked %and3A_144 : memref<64x256xf32, #tpu.memory_space<vmem>>[vector<16xi32>, vector<16xi32>], vector<16xf32>, vector<16xi1>
            %add3A_754 = arith.constant 53 : i32
            %add3A_755 = vector.broadcast %add3A_754 : i32 to vector<16xi32>
            %add3A_756 = arith.addi %broadcast_in_dim3A_11, %add3A_755 : vector<16xi32>
            tpu.vector_store_idx %arg12[%add3A_132, %add3A_756], %gather3A_753 masked %and3A_144 : memref<672x128xf32, #tpu.memory_space<vmem>>[vector<16xi32>, vector<16xi32>], vector<16xf32>, vector<16xi1>
            %add3A_757 = arith.constant 54 : i32
            %add3A_758 = vector.broadcast %add3A_757 : i32 to vector<16xi32>
            %add3A_759 = arith.addi %broadcast_in_dim3A_11, %add3A_758 : vector<16xi32>
            %gather3A_760 = arith.constant 0 : i32
            %gather3A_761 = arith.constant 0 : i32
            %gather3A_762 = tpu.memref_slice %arg10[%scan3A_56, %gather3A_760, %gather3A_761] : memref<2x64x256xf32, #tpu.memory_space<vmem>> -> memref<1x64x256xf32, #tpu.memory_space<vmem>>
            %gather3A_763 = tpu.memref_squeeze %gather3A_762 : memref<1x64x256xf32, #tpu.memory_space<vmem>> -> memref<64x256xf32, #tpu.memory_space<vmem>>
            %gather3A_764 = tpu.vector_load_idx %gather3A_763[%add3A_759, %select_n3A_163] masked %and3A_144 : memref<64x256xf32, #tpu.memory_space<vmem>>[vector<16xi32>, vector<16xi32>], vector<16xf32>, vector<16xi1>
            %add3A_765 = arith.constant 54 : i32
            %add3A_766 = vector.broadcast %add3A_765 : i32 to vector<16xi32>
            %add3A_767 = arith.addi %broadcast_in_dim3A_11, %add3A_766 : vector<16xi32>
            tpu.vector_store_idx %arg12[%add3A_132, %add3A_767], %gather3A_764 masked %and3A_144 : memref<672x128xf32, #tpu.memory_space<vmem>>[vector<16xi32>, vector<16xi32>], vector<16xf32>, vector<16xi1>
            %add3A_768 = arith.constant 55 : i32
            %add3A_769 = vector.broadcast %add3A_768 : i32 to vector<16xi32>
            %add3A_770 = arith.addi %broadcast_in_dim3A_11, %add3A_769 : vector<16xi32>
            %gather3A_771 = arith.constant 0 : i32
            %gather3A_772 = arith.constant 0 : i32
            %gather3A_773 = tpu.memref_slice %arg10[%scan3A_56, %gather3A_771, %gather3A_772] : memref<2x64x256xf32, #tpu.memory_space<vmem>> -> memref<1x64x256xf32, #tpu.memory_space<vmem>>
            %gather3A_774 = tpu.memref_squeeze %gather3A_773 : memref<1x64x256xf32, #tpu.memory_space<vmem>> -> memref<64x256xf32, #tpu.memory_space<vmem>>
            %gather3A_775 = tpu.vector_load_idx %gather3A_774[%add3A_770, %select_n3A_163] masked %and3A_144 : memref<64x256xf32, #tpu.memory_space<vmem>>[vector<16xi32>, vector<16xi32>], vector<16xf32>, vector<16xi1>
            %add3A_776 = arith.constant 55 : i32
            %add3A_777 = vector.broadcast %add3A_776 : i32 to vector<16xi32>
            %add3A_778 = arith.addi %broadcast_in_dim3A_11, %add3A_777 : vector<16xi32>
            tpu.vector_store_idx %arg12[%add3A_132, %add3A_778], %gather3A_775 masked %and3A_144 : memref<672x128xf32, #tpu.memory_space<vmem>>[vector<16xi32>, vector<16xi32>], vector<16xf32>, vector<16xi1>
            %add3A_779 = arith.constant 56 : i32
            %add3A_780 = vector.broadcast %add3A_779 : i32 to vector<16xi32>
            %add3A_781 = arith.addi %broadcast_in_dim3A_11, %add3A_780 : vector<16xi32>
            %gather3A_782 = arith.constant 0 : i32
            %gather3A_783 = arith.constant 0 : i32
            %gather3A_784 = tpu.memref_slice %arg10[%scan3A_56, %gather3A_782, %gather3A_783] : memref<2x64x256xf32, #tpu.memory_space<vmem>> -> memref<1x64x256xf32, #tpu.memory_space<vmem>>
            %gather3A_785 = tpu.memref_squeeze %gather3A_784 : memref<1x64x256xf32, #tpu.memory_space<vmem>> -> memref<64x256xf32, #tpu.memory_space<vmem>>
            %gather3A_786 = tpu.vector_load_idx %gather3A_785[%add3A_781, %select_n3A_163] masked %and3A_144 : memref<64x256xf32, #tpu.memory_space<vmem>>[vector<16xi32>, vector<16xi32>], vector<16xf32>, vector<16xi1>
            %add3A_787 = arith.constant 56 : i32
            %add3A_788 = vector.broadcast %add3A_787 : i32 to vector<16xi32>
            %add3A_789 = arith.addi %broadcast_in_dim3A_11, %add3A_788 : vector<16xi32>
            tpu.vector_store_idx %arg12[%add3A_132, %add3A_789], %gather3A_786 masked %and3A_144 : memref<672x128xf32, #tpu.memory_space<vmem>>[vector<16xi32>, vector<16xi32>], vector<16xf32>, vector<16xi1>
            %add3A_790 = arith.constant 57 : i32
            %add3A_791 = vector.broadcast %add3A_790 : i32 to vector<16xi32>
            %add3A_792 = arith.addi %broadcast_in_dim3A_11, %add3A_791 : vector<16xi32>
            %gather3A_793 = arith.constant 0 : i32
            %gather3A_794 = arith.constant 0 : i32
            %gather3A_795 = tpu.memref_slice %arg10[%scan3A_56, %gather3A_793, %gather3A_794] : memref<2x64x256xf32, #tpu.memory_space<vmem>> -> memref<1x64x256xf32, #tpu.memory_space<vmem>>
            %gather3A_796 = tpu.memref_squeeze %gather3A_795 : memref<1x64x256xf32, #tpu.memory_space<vmem>> -> memref<64x256xf32, #tpu.memory_space<vmem>>
            %gather3A_797 = tpu.vector_load_idx %gather3A_796[%add3A_792, %select_n3A_163] masked %and3A_144 : memref<64x256xf32, #tpu.memory_space<vmem>>[vector<16xi32>, vector<16xi32>], vector<16xf32>, vector<16xi1>
            %add3A_798 = arith.constant 57 : i32
            %add3A_799 = vector.broadcast %add3A_798 : i32 to vector<16xi32>
            %add3A_800 = arith.addi %broadcast_in_dim3A_11, %add3A_799 : vector<16xi32>
            tpu.vector_store_idx %arg12[%add3A_132, %add3A_800], %gather3A_797 masked %and3A_144 : memref<672x128xf32, #tpu.memory_space<vmem>>[vector<16xi32>, vector<16xi32>], vector<16xf32>, vector<16xi1>
            %add3A_801 = arith.constant 58 : i32
            %add3A_802 = vector.broadcast %add3A_801 : i32 to vector<16xi32>
            %add3A_803 = arith.addi %broadcast_in_dim3A_11, %add3A_802 : vector<16xi32>
            %gather3A_804 = arith.constant 0 : i32
            %gather3A_805 = arith.constant 0 : i32
            %gather3A_806 = tpu.memref_slice %arg10[%scan3A_56, %gather3A_804, %gather3A_805] : memref<2x64x256xf32, #tpu.memory_space<vmem>> -> memref<1x64x256xf32, #tpu.memory_space<vmem>>
            %gather3A_807 = tpu.memref_squeeze %gather3A_806 : memref<1x64x256xf32, #tpu.memory_space<vmem>> -> memref<64x256xf32, #tpu.memory_space<vmem>>
            %gather3A_808 = tpu.vector_load_idx %gather3A_807[%add3A_803, %select_n3A_163] masked %and3A_144 : memref<64x256xf32, #tpu.memory_space<vmem>>[vector<16xi32>, vector<16xi32>], vector<16xf32>, vector<16xi1>
            %add3A_809 = arith.constant 58 : i32
            %add3A_810 = vector.broadcast %add3A_809 : i32 to vector<16xi32>
            %add3A_811 = arith.addi %broadcast_in_dim3A_11, %add3A_810 : vector<16xi32>
            tpu.vector_store_idx %arg12[%add3A_132, %add3A_811], %gather3A_808 masked %and3A_144 : memref<672x128xf32, #tpu.memory_space<vmem>>[vector<16xi32>, vector<16xi32>], vector<16xf32>, vector<16xi1>
            %add3A_812 = arith.constant 59 : i32
            %add3A_813 = vector.broadcast %add3A_812 : i32 to vector<16xi32>
            %add3A_814 = arith.addi %broadcast_in_dim3A_11, %add3A_813 : vector<16xi32>
            %gather3A_815 = arith.constant 0 : i32
            %gather3A_816 = arith.constant 0 : i32
            %gather3A_817 = tpu.memref_slice %arg10[%scan3A_56, %gather3A_815, %gather3A_816] : memref<2x64x256xf32, #tpu.memory_space<vmem>> -> memref<1x64x256xf32, #tpu.memory_space<vmem>>
            %gather3A_818 = tpu.memref_squeeze %gather3A_817 : memref<1x64x256xf32, #tpu.memory_space<vmem>> -> memref<64x256xf32, #tpu.memory_space<vmem>>
            %gather3A_819 = tpu.vector_load_idx %gather3A_818[%add3A_814, %select_n3A_163] masked %and3A_144 : memref<64x256xf32, #tpu.memory_space<vmem>>[vector<16xi32>, vector<16xi32>], vector<16xf32>, vector<16xi1>
            %add3A_820 = arith.constant 59 : i32
            %add3A_821 = vector.broadcast %add3A_820 : i32 to vector<16xi32>
            %add3A_822 = arith.addi %broadcast_in_dim3A_11, %add3A_821 : vector<16xi32>
            tpu.vector_store_idx %arg12[%add3A_132, %add3A_822], %gather3A_819 masked %and3A_144 : memref<672x128xf32, #tpu.memory_space<vmem>>[vector<16xi32>, vector<16xi32>], vector<16xf32>, vector<16xi1>
            %add3A_823 = arith.constant 60 : i32
            %add3A_824 = vector.broadcast %add3A_823 : i32 to vector<16xi32>
            %add3A_825 = arith.addi %broadcast_in_dim3A_11, %add3A_824 : vector<16xi32>
            %gather3A_826 = arith.constant 0 : i32
            %gather3A_827 = arith.constant 0 : i32
            %gather3A_828 = tpu.memref_slice %arg10[%scan3A_56, %gather3A_826, %gather3A_827] : memref<2x64x256xf32, #tpu.memory_space<vmem>> -> memref<1x64x256xf32, #tpu.memory_space<vmem>>
            %gather3A_829 = tpu.memref_squeeze %gather3A_828 : memref<1x64x256xf32, #tpu.memory_space<vmem>> -> memref<64x256xf32, #tpu.memory_space<vmem>>
            %gather3A_830 = tpu.vector_load_idx %gather3A_829[%add3A_825, %select_n3A_163] masked %and3A_144 : memref<64x256xf32, #tpu.memory_space<vmem>>[vector<16xi32>, vector<16xi32>], vector<16xf32>, vector<16xi1>
            %add3A_831 = arith.constant 60 : i32
            %add3A_832 = vector.broadcast %add3A_831 : i32 to vector<16xi32>
            %add3A_833 = arith.addi %broadcast_in_dim3A_11, %add3A_832 : vector<16xi32>
            tpu.vector_store_idx %arg12[%add3A_132, %add3A_833], %gather3A_830 masked %and3A_144 : memref<672x128xf32, #tpu.memory_space<vmem>>[vector<16xi32>, vector<16xi32>], vector<16xf32>, vector<16xi1>
            %add3A_834 = arith.constant 61 : i32
            %add3A_835 = vector.broadcast %add3A_834 : i32 to vector<16xi32>
            %add3A_836 = arith.addi %broadcast_in_dim3A_11, %add3A_835 : vector<16xi32>
            %gather3A_837 = arith.constant 0 : i32
            %gather3A_838 = arith.constant 0 : i32
            %gather3A_839 = tpu.memref_slice %arg10[%scan3A_56, %gather3A_837, %gather3A_838] : memref<2x64x256xf32, #tpu.memory_space<vmem>> -> memref<1x64x256xf32, #tpu.memory_space<vmem>>
            %gather3A_840 = tpu.memref_squeeze %gather3A_839 : memref<1x64x256xf32, #tpu.memory_space<vmem>> -> memref<64x256xf32, #tpu.memory_space<vmem>>
            %gather3A_841 = tpu.vector_load_idx %gather3A_840[%add3A_836, %select_n3A_163] masked %and3A_144 : memref<64x256xf32, #tpu.memory_space<vmem>>[vector<16xi32>, vector<16xi32>], vector<16xf32>, vector<16xi1>
            %add3A_842 = arith.constant 61 : i32
            %add3A_843 = vector.broadcast %add3A_842 : i32 to vector<16xi32>
            %add3A_844 = arith.addi %broadcast_in_dim3A_11, %add3A_843 : vector<16xi32>
            tpu.vector_store_idx %arg12[%add3A_132, %add3A_844], %gather3A_841 masked %and3A_144 : memref<672x128xf32, #tpu.memory_space<vmem>>[vector<16xi32>, vector<16xi32>], vector<16xf32>, vector<16xi1>
            %add3A_845 = arith.constant 62 : i32
            %add3A_846 = vector.broadcast %add3A_845 : i32 to vector<16xi32>
            %add3A_847 = arith.addi %broadcast_in_dim3A_11, %add3A_846 : vector<16xi32>
            %gather3A_848 = arith.constant 0 : i32
            %gather3A_849 = arith.constant 0 : i32
            %gather3A_850 = tpu.memref_slice %arg10[%scan3A_56, %gather3A_848, %gather3A_849] : memref<2x64x256xf32, #tpu.memory_space<vmem>> -> memref<1x64x256xf32, #tpu.memory_space<vmem>>
            %gather3A_851 = tpu.memref_squeeze %gather3A_850 : memref<1x64x256xf32, #tpu.memory_space<vmem>> -> memref<64x256xf32, #tpu.memory_space<vmem>>
            %gather3A_852 = tpu.vector_load_idx %gather3A_851[%add3A_847, %select_n3A_163] masked %and3A_144 : memref<64x256xf32, #tpu.memory_space<vmem>>[vector<16xi32>, vector<16xi32>], vector<16xf32>, vector<16xi1>
            %add3A_853 = arith.constant 62 : i32
            %add3A_854 = vector.broadcast %add3A_853 : i32 to vector<16xi32>
            %add3A_855 = arith.addi %broadcast_in_dim3A_11, %add3A_854 : vector<16xi32>
            tpu.vector_store_idx %arg12[%add3A_132, %add3A_855], %gather3A_852 masked %and3A_144 : memref<672x128xf32, #tpu.memory_space<vmem>>[vector<16xi32>, vector<16xi32>], vector<16xf32>, vector<16xi1>
            %add3A_856 = arith.constant 63 : i32
            %add3A_857 = vector.broadcast %add3A_856 : i32 to vector<16xi32>
            %add3A_858 = arith.addi %broadcast_in_dim3A_11, %add3A_857 : vector<16xi32>
            %gather3A_859 = arith.constant 0 : i32
            %gather3A_860 = arith.constant 0 : i32
            %gather3A_861 = tpu.memref_slice %arg10[%scan3A_56, %gather3A_859, %gather3A_860] : memref<2x64x256xf32, #tpu.memory_space<vmem>> -> memref<1x64x256xf32, #tpu.memory_space<vmem>>
            %gather3A_862 = tpu.memref_squeeze %gather3A_861 : memref<1x64x256xf32, #tpu.memory_space<vmem>> -> memref<64x256xf32, #tpu.memory_space<vmem>>
            %gather3A_863 = tpu.vector_load_idx %gather3A_862[%add3A_858, %select_n3A_163] masked %and3A_144 : memref<64x256xf32, #tpu.memory_space<vmem>>[vector<16xi32>, vector<16xi32>], vector<16xf32>, vector<16xi1>
            %add3A_864 = arith.constant 63 : i32
            %add3A_865 = vector.broadcast %add3A_864 : i32 to vector<16xi32>
            %add3A_866 = arith.addi %broadcast_in_dim3A_11, %add3A_865 : vector<16xi32>
            tpu.vector_store_idx %arg12[%add3A_132, %add3A_866], %gather3A_863 masked %and3A_144 : memref<672x128xf32, #tpu.memory_space<vmem>>[vector<16xi32>, vector<16xi32>], vector<16xf32>, vector<16xi1>
          } else {
          }
          %while3A_154 = arith.constant 0 : i32
          scf.yield %while3A_154 : i32
        }
      } else {
      }
      %add3A_79 = arith.constant 2 : i32
      %add3A_80 = arith.addi %mul3A_75, %add3A_79 : i32
      %lt3A_81 = arith.cmpi slt, %add3A_80, %add3A_4 : i32
      %convert_element_type3A_82 = arith.extui %lt3A_81 : i1 to i32
      %cond3A_83 = arith.constant 0 : i32
      %cond3A_84 = arith.cmpi ne, %convert_element_type3A_82, %cond3A_83 : i32
      scf.if %cond3A_84 {
        %mul3A_98 = arith.constant 256 : i32
        %mul3A_99 = arith.muli %add3A_80, %mul3A_98 : i32
        %add3A_100 = arith.addi %mul3A_6, %mul3A_99 : i32
        %dma_start3A_101 = arith.constant 0 : i32
        %dma_start3A_102 = arith.constant 0 : i32
        %dma_start3A_103 = tpu.memref_slice %arg10[%scan3A_56, %dma_start3A_101, %dma_start3A_102] : memref<2x64x256xf32, #tpu.memory_space<vmem>> -> memref<1x64x256xf32, #tpu.memory_space<vmem>>
        %dma_start3A_104 = tpu.memref_squeeze %dma_start3A_103 : memref<1x64x256xf32, #tpu.memory_space<vmem>> -> memref<64x256xf32, #tpu.memory_space<vmem>>
        %dma_start3A_105 = arith.constant 0 : i32
        %dma_start3A_106 = tpu.memref_slice %arg3[%dma_start3A_105, %add3A_100] : memref<64x1000000xf32, #tpu.memory_space<hbm>> -> memref<64x256xf32, #tpu.memory_space<hbm>>
        %dma_start3A_107 = arith.constant 0 : i32
        %dma_start3A_108 = arith.constant 0 : i32
        %dma_start3A_109 = tpu.memref_slice %arg10[%scan3A_56, %dma_start3A_107, %dma_start3A_108] : memref<2x64x256xf32, #tpu.memory_space<vmem>> -> memref<1x64x256xf32, #tpu.memory_space<vmem>>
        %dma_start3A_110 = tpu.memref_squeeze %dma_start3A_109 : memref<1x64x256xf32, #tpu.memory_space<vmem>> -> memref<64x256xf32, #tpu.memory_space<vmem>>
        %dma_start3A_111 = arith.constant 0 : i32
        %dma_start3A_112 = tpu.memref_slice %arg3[%dma_start3A_111, %add3A_100] : memref<64x1000000xf32, #tpu.memory_space<hbm>> -> memref<64x256xf32, #tpu.memory_space<hbm>>
        tpu.enqueue_dma source(%dma_start3A_112 : memref<64x256xf32, #tpu.memory_space<hbm>>) target(%dma_start3A_110 : memref<64x256xf32, #tpu.memory_space<vmem>>) target_semaphore(%arg13 : memref<!tpu.dma_semaphore, #tpu.memory_space<semaphore_mem>>)
      } else {
      }
      %add3A_85 = arith.constant 1 : i32
      %add3A_86 = arith.addi %mul3A_75, %add3A_85 : i32
      %lt3A_87 = arith.cmpi slt, %add3A_86, %add3A_4 : i32
      %convert_element_type3A_88 = arith.extui %lt3A_87 : i1 to i32
      %cond3A_89 = arith.constant 0 : i32
      %cond3A_90 = arith.cmpi ne, %convert_element_type3A_88, %cond3A_89 : i32
      scf.if %cond3A_90 {
        %mul3A_98 = arith.constant 256 : i32
        %mul3A_99 = arith.muli %add3A_86, %mul3A_98 : i32
        %add3A_100 = arith.addi %mul3A_6, %mul3A_99 : i32
        %dma_wait3A_101 = arith.constant 0 : i32
        %dma_wait3A_102 = arith.constant 0 : i32
        %dma_wait3A_103 = tpu.memref_slice %arg10[%scan3A_57, %dma_wait3A_101, %dma_wait3A_102] : memref<2x64x256xf32, #tpu.memory_space<vmem>> -> memref<1x64x256xf32, #tpu.memory_space<vmem>>
        %dma_wait3A_104 = tpu.memref_squeeze %dma_wait3A_103 : memref<1x64x256xf32, #tpu.memory_space<vmem>> -> memref<64x256xf32, #tpu.memory_space<vmem>>
        %dma_wait3A_105 = arith.constant 0 : i32
        %dma_wait3A_106 = tpu.memref_slice %arg3[%dma_wait3A_105, %add3A_100] : memref<64x1000000xf32, #tpu.memory_space<hbm>> -> memref<64x256xf32, #tpu.memory_space<hbm>>
        %dma_wait3A_107 = arith.constant 0 : i32
        %dma_wait3A_108 = arith.constant 0 : i32
        %dma_wait3A_109 = tpu.memref_slice %arg10[%scan3A_57, %dma_wait3A_107, %dma_wait3A_108] : memref<2x64x256xf32, #tpu.memory_space<vmem>> -> memref<1x64x256xf32, #tpu.memory_space<vmem>>
        %dma_wait3A_110 = tpu.memref_squeeze %dma_wait3A_109 : memref<1x64x256xf32, #tpu.memory_space<vmem>> -> memref<64x256xf32, #tpu.memory_space<vmem>>
        %dma_wait3A_111 = arith.constant 0 : i32
        %dma_wait3A_112 = tpu.memref_slice %arg3[%dma_wait3A_111, %add3A_100] : memref<64x1000000xf32, #tpu.memory_space<hbm>> -> memref<64x256xf32, #tpu.memory_space<hbm>>
        tpu.wait_dma2 semaphore(%arg14 : memref<!tpu.dma_semaphore, #tpu.memory_space<semaphore_mem>>) src(%dma_wait3A_112 : memref<64x256xf32, #tpu.memory_space<hbm>>) dst(%dma_wait3A_110 : memref<64x256xf32, #tpu.memory_space<vmem>>)
        %mul3A_113 = arith.constant 256 : i32
        %mul3A_114 = arith.muli %add3A_86, %mul3A_113 : i32
        %add3A_115 = arith.addi %mul3A_6, %mul3A_114 : i32
        %while3A = arith.constant 0 : i32
        %while3A_116 = arith.constant 0 : i32
        %while3A_117 = arith.subi %select_n3A_39, %while3A : i32
        %while3A_118 = arith.addi %while3A, %while3A_117 : i32
        %while3A_119 = arith.constant 1 : i32
        %while3A_120 = arith.divsi %while3A_117, %while3A_119 : i32
        %while3A_121 = arith.muli %while3A_120, %while3A_119 : i32
        %while3A_122 = arith.addi %while3A, %while3A_121 : i32
        %while3A_123 = arith.constant 1 : i32
        %while3A_124 = scf.for %while3A_127 = %while3A to %while3A_122 step %while3A_123 iter_args(%while3A_128 = %while3A_116) -> (i32)  : i32 {
          %mul3A_129 = arith.constant 16 : i32
          %mul3A_130 = arith.muli %while3A_127, %mul3A_129 : i32
          %add3A_131 = vector.broadcast %mul3A_130 : i32 to vector<16xi32>
          %add3A_132 = arith.addi %iota3A, %add3A_131 : vector<16xi32>
          %mul3A_133 = arith.constant 16 : i32
          %mul3A_134 = arith.muli %while3A_127, %mul3A_133 : i32
          %get3A = arith.index_cast %mul3A_134 : i32 to index
          %get3A_135 = tpu.vector_load %arg7[%get3A] {strides = array<i32>} : memref<672xi32, #tpu.memory_space<vmem>>, vector<16xi32>,
          %ge3A = vector.broadcast %add3A_115 : i32 to vector<16xi32>
          %ge3A_136 = arith.cmpi sge, %get3A_135, %ge3A : vector<16xi32>
          %add3A_137 = arith.constant 256 : i32
          %add3A_138 = arith.addi %add3A_115, %add3A_137 : i32
          %lt3A_139 = vector.broadcast %add3A_138 : i32 to vector<16xi32>
          %lt3A_140 = arith.cmpi slt, %get3A_135, %lt3A_139 : vector<16xi32>
          %and3A_141 = arith.andi %ge3A_136, %lt3A_140 : vector<16xi1>
          %lt3A_142 = vector.broadcast %scan3A_16 : i32 to vector<16xi32>
          %lt3A_143 = arith.cmpi slt, %add3A_132, %lt3A_142 : vector<16xi32>
          %and3A_144 = arith.andi %and3A_141, %lt3A_143 : vector<16xi1>
          %convert_element_type3A_145 = arith.extui %and3A_144 : vector<16xi1> to vector<16xi32>
          %reduce_sum3A = arith.constant true
          %reduce_sum3A_146 = vector.broadcast %reduce_sum3A : i1 to vector<16xi1>
          %reduce_sum3A_147 = tpu.scan <sum>, %convert_element_type3A_145 masked %reduce_sum3A_146 : vector<16xi32>, vector<16xi1> -> vector<16xi32>
          %reduce_sum3A_148 = vector.extract %reduce_sum3A_147[15] : i32 from vector<16xi32>
          %gt3A_149 = arith.constant 0 : i32
          %gt3A_150 = arith.cmpi sgt, %reduce_sum3A_148, %gt3A_149 : i32
          %convert_element_type3A_151 = arith.extui %gt3A_150 : i1 to i32
          %cond3A_152 = arith.constant 0 : i32
          %cond3A_153 = arith.cmpi ne, %convert_element_type3A_151, %cond3A_152 : i32
          scf.if %cond3A_153 {
            %mul3A_155 = arith.constant 16 : i32
            %mul3A_156 = arith.muli %while3A_127, %mul3A_155 : i32
            %get3A_157 = arith.index_cast %mul3A_156 : i32 to index
            %get3A_158 = tpu.vector_load %arg8[%get3A_157] {strides = array<i32>} : memref<672xi32, #tpu.memory_space<vmem>>, vector<16xi32>,
            %sub3A_159 = vector.broadcast %add3A_115 : i32 to vector<16xi32>
            %sub3A_160 = arith.subi %get3A_135, %sub3A_159 : vector<16xi32>
            %jit3A_161 = arith.constant 0 : i32
            %broadcast_in_dim3A_162 = vector.broadcast %jit3A_161 : i32 to vector<16xi32>
            %select_n3A_163 = arith.select %and3A_144, %sub3A_160, %broadcast_in_dim3A_162 : vector<16xi1>, vector<16xi32>
            tpu.vector_store_idx %arg9[%add3A_132], %get3A_158 masked %and3A_144 : memref<672xi32, #tpu.memory_space<vmem>>[vector<16xi32>], vector<16xi32>, vector<16xi1>
            %add3A_164 = arith.constant 0 : i32
            %add3A_165 = vector.broadcast %add3A_164 : i32 to vector<16xi32>
            %add3A_166 = arith.addi %broadcast_in_dim3A_11, %add3A_165 : vector<16xi32>
            %gather3A = arith.constant 0 : i32
            %gather3A_167 = arith.constant 0 : i32
            %gather3A_168 = tpu.memref_slice %arg10[%scan3A_57, %gather3A, %gather3A_167] : memref<2x64x256xf32, #tpu.memory_space<vmem>> -> memref<1x64x256xf32, #tpu.memory_space<vmem>>
            %gather3A_169 = tpu.memref_squeeze %gather3A_168 : memref<1x64x256xf32, #tpu.memory_space<vmem>> -> memref<64x256xf32, #tpu.memory_space<vmem>>
            %gather3A_170 = tpu.vector_load_idx %gather3A_169[%add3A_166, %select_n3A_163] masked %and3A_144 : memref<64x256xf32, #tpu.memory_space<vmem>>[vector<16xi32>, vector<16xi32>], vector<16xf32>, vector<16xi1>
            %add3A_171 = arith.constant 0 : i32
            %add3A_172 = vector.broadcast %add3A_171 : i32 to vector<16xi32>
            %add3A_173 = arith.addi %broadcast_in_dim3A_11, %add3A_172 : vector<16xi32>
            tpu.vector_store_idx %arg12[%add3A_132, %add3A_173], %gather3A_170 masked %and3A_144 : memref<672x128xf32, #tpu.memory_space<vmem>>[vector<16xi32>, vector<16xi32>], vector<16xf32>, vector<16xi1>
            %add3A_174 = arith.constant 1 : i32
            %add3A_175 = vector.broadcast %add3A_174 : i32 to vector<16xi32>
            %add3A_176 = arith.addi %broadcast_in_dim3A_11, %add3A_175 : vector<16xi32>
            %gather3A_177 = arith.constant 0 : i32
            %gather3A_178 = arith.constant 0 : i32
            %gather3A_179 = tpu.memref_slice %arg10[%scan3A_57, %gather3A_177, %gather3A_178] : memref<2x64x256xf32, #tpu.memory_space<vmem>> -> memref<1x64x256xf32, #tpu.memory_space<vmem>>
            %gather3A_180 = tpu.memref_squeeze %gather3A_179 : memref<1x64x256xf32, #tpu.memory_space<vmem>> -> memref<64x256xf32, #tpu.memory_space<vmem>>
            %gather3A_181 = tpu.vector_load_idx %gather3A_180[%add3A_176, %select_n3A_163] masked %and3A_144 : memref<64x256xf32, #tpu.memory_space<vmem>>[vector<16xi32>, vector<16xi32>], vector<16xf32>, vector<16xi1>
            %add3A_182 = arith.constant 1 : i32
            %add3A_183 = vector.broadcast %add3A_182 : i32 to vector<16xi32>
            %add3A_184 = arith.addi %broadcast_in_dim3A_11, %add3A_183 : vector<16xi32>
            tpu.vector_store_idx %arg12[%add3A_132, %add3A_184], %gather3A_181 masked %and3A_144 : memref<672x128xf32, #tpu.memory_space<vmem>>[vector<16xi32>, vector<16xi32>], vector<16xf32>, vector<16xi1>
            %add3A_185 = arith.constant 2 : i32
            %add3A_186 = vector.broadcast %add3A_185 : i32 to vector<16xi32>
            %add3A_187 = arith.addi %broadcast_in_dim3A_11, %add3A_186 : vector<16xi32>
            %gather3A_188 = arith.constant 0 : i32
            %gather3A_189 = arith.constant 0 : i32
            %gather3A_190 = tpu.memref_slice %arg10[%scan3A_57, %gather3A_188, %gather3A_189] : memref<2x64x256xf32, #tpu.memory_space<vmem>> -> memref<1x64x256xf32, #tpu.memory_space<vmem>>
            %gather3A_191 = tpu.memref_squeeze %gather3A_190 : memref<1x64x256xf32, #tpu.memory_space<vmem>> -> memref<64x256xf32, #tpu.memory_space<vmem>>
            %gather3A_192 = tpu.vector_load_idx %gather3A_191[%add3A_187, %select_n3A_163] masked %and3A_144 : memref<64x256xf32, #tpu.memory_space<vmem>>[vector<16xi32>, vector<16xi32>], vector<16xf32>, vector<16xi1>
            %add3A_193 = arith.constant 2 : i32
            %add3A_194 = vector.broadcast %add3A_193 : i32 to vector<16xi32>
            %add3A_195 = arith.addi %broadcast_in_dim3A_11, %add3A_194 : vector<16xi32>
            tpu.vector_store_idx %arg12[%add3A_132, %add3A_195], %gather3A_192 masked %and3A_144 : memref<672x128xf32, #tpu.memory_space<vmem>>[vector<16xi32>, vector<16xi32>], vector<16xf32>, vector<16xi1>
            %add3A_196 = arith.constant 3 : i32
            %add3A_197 = vector.broadcast %add3A_196 : i32 to vector<16xi32>
            %add3A_198 = arith.addi %broadcast_in_dim3A_11, %add3A_197 : vector<16xi32>
            %gather3A_199 = arith.constant 0 : i32
            %gather3A_200 = arith.constant 0 : i32
            %gather3A_201 = tpu.memref_slice %arg10[%scan3A_57, %gather3A_199, %gather3A_200] : memref<2x64x256xf32, #tpu.memory_space<vmem>> -> memref<1x64x256xf32, #tpu.memory_space<vmem>>
            %gather3A_202 = tpu.memref_squeeze %gather3A_201 : memref<1x64x256xf32, #tpu.memory_space<vmem>> -> memref<64x256xf32, #tpu.memory_space<vmem>>
            %gather3A_203 = tpu.vector_load_idx %gather3A_202[%add3A_198, %select_n3A_163] masked %and3A_144 : memref<64x256xf32, #tpu.memory_space<vmem>>[vector<16xi32>, vector<16xi32>], vector<16xf32>, vector<16xi1>
            %add3A_204 = arith.constant 3 : i32
            %add3A_205 = vector.broadcast %add3A_204 : i32 to vector<16xi32>
            %add3A_206 = arith.addi %broadcast_in_dim3A_11, %add3A_205 : vector<16xi32>
            tpu.vector_store_idx %arg12[%add3A_132, %add3A_206], %gather3A_203 masked %and3A_144 : memref<672x128xf32, #tpu.memory_space<vmem>>[vector<16xi32>, vector<16xi32>], vector<16xf32>, vector<16xi1>
            %add3A_207 = arith.constant 4 : i32
            %add3A_208 = vector.broadcast %add3A_207 : i32 to vector<16xi32>
            %add3A_209 = arith.addi %broadcast_in_dim3A_11, %add3A_208 : vector<16xi32>
            %gather3A_210 = arith.constant 0 : i32
            %gather3A_211 = arith.constant 0 : i32
            %gather3A_212 = tpu.memref_slice %arg10[%scan3A_57, %gather3A_210, %gather3A_211] : memref<2x64x256xf32, #tpu.memory_space<vmem>> -> memref<1x64x256xf32, #tpu.memory_space<vmem>>
            %gather3A_213 = tpu.memref_squeeze %gather3A_212 : memref<1x64x256xf32, #tpu.memory_space<vmem>> -> memref<64x256xf32, #tpu.memory_space<vmem>>
            %gather3A_214 = tpu.vector_load_idx %gather3A_213[%add3A_209, %select_n3A_163] masked %and3A_144 : memref<64x256xf32, #tpu.memory_space<vmem>>[vector<16xi32>, vector<16xi32>], vector<16xf32>, vector<16xi1>
            %add3A_215 = arith.constant 4 : i32
            %add3A_216 = vector.broadcast %add3A_215 : i32 to vector<16xi32>
            %add3A_217 = arith.addi %broadcast_in_dim3A_11, %add3A_216 : vector<16xi32>
            tpu.vector_store_idx %arg12[%add3A_132, %add3A_217], %gather3A_214 masked %and3A_144 : memref<672x128xf32, #tpu.memory_space<vmem>>[vector<16xi32>, vector<16xi32>], vector<16xf32>, vector<16xi1>
            %add3A_218 = arith.constant 5 : i32
            %add3A_219 = vector.broadcast %add3A_218 : i32 to vector<16xi32>
            %add3A_220 = arith.addi %broadcast_in_dim3A_11, %add3A_219 : vector<16xi32>
            %gather3A_221 = arith.constant 0 : i32
            %gather3A_222 = arith.constant 0 : i32
            %gather3A_223 = tpu.memref_slice %arg10[%scan3A_57, %gather3A_221, %gather3A_222] : memref<2x64x256xf32, #tpu.memory_space<vmem>> -> memref<1x64x256xf32, #tpu.memory_space<vmem>>
            %gather3A_224 = tpu.memref_squeeze %gather3A_223 : memref<1x64x256xf32, #tpu.memory_space<vmem>> -> memref<64x256xf32, #tpu.memory_space<vmem>>
            %gather3A_225 = tpu.vector_load_idx %gather3A_224[%add3A_220, %select_n3A_163] masked %and3A_144 : memref<64x256xf32, #tpu.memory_space<vmem>>[vector<16xi32>, vector<16xi32>], vector<16xf32>, vector<16xi1>
            %add3A_226 = arith.constant 5 : i32
            %add3A_227 = vector.broadcast %add3A_226 : i32 to vector<16xi32>
            %add3A_228 = arith.addi %broadcast_in_dim3A_11, %add3A_227 : vector<16xi32>
            tpu.vector_store_idx %arg12[%add3A_132, %add3A_228], %gather3A_225 masked %and3A_144 : memref<672x128xf32, #tpu.memory_space<vmem>>[vector<16xi32>, vector<16xi32>], vector<16xf32>, vector<16xi1>
            %add3A_229 = arith.constant 6 : i32
            %add3A_230 = vector.broadcast %add3A_229 : i32 to vector<16xi32>
            %add3A_231 = arith.addi %broadcast_in_dim3A_11, %add3A_230 : vector<16xi32>
            %gather3A_232 = arith.constant 0 : i32
            %gather3A_233 = arith.constant 0 : i32
            %gather3A_234 = tpu.memref_slice %arg10[%scan3A_57, %gather3A_232, %gather3A_233] : memref<2x64x256xf32, #tpu.memory_space<vmem>> -> memref<1x64x256xf32, #tpu.memory_space<vmem>>
            %gather3A_235 = tpu.memref_squeeze %gather3A_234 : memref<1x64x256xf32, #tpu.memory_space<vmem>> -> memref<64x256xf32, #tpu.memory_space<vmem>>
            %gather3A_236 = tpu.vector_load_idx %gather3A_235[%add3A_231, %select_n3A_163] masked %and3A_144 : memref<64x256xf32, #tpu.memory_space<vmem>>[vector<16xi32>, vector<16xi32>], vector<16xf32>, vector<16xi1>
            %add3A_237 = arith.constant 6 : i32
            %add3A_238 = vector.broadcast %add3A_237 : i32 to vector<16xi32>
            %add3A_239 = arith.addi %broadcast_in_dim3A_11, %add3A_238 : vector<16xi32>
            tpu.vector_store_idx %arg12[%add3A_132, %add3A_239], %gather3A_236 masked %and3A_144 : memref<672x128xf32, #tpu.memory_space<vmem>>[vector<16xi32>, vector<16xi32>], vector<16xf32>, vector<16xi1>
            %add3A_240 = arith.constant 7 : i32
            %add3A_241 = vector.broadcast %add3A_240 : i32 to vector<16xi32>
            %add3A_242 = arith.addi %broadcast_in_dim3A_11, %add3A_241 : vector<16xi32>
            %gather3A_243 = arith.constant 0 : i32
            %gather3A_244 = arith.constant 0 : i32
            %gather3A_245 = tpu.memref_slice %arg10[%scan3A_57, %gather3A_243, %gather3A_244] : memref<2x64x256xf32, #tpu.memory_space<vmem>> -> memref<1x64x256xf32, #tpu.memory_space<vmem>>
            %gather3A_246 = tpu.memref_squeeze %gather3A_245 : memref<1x64x256xf32, #tpu.memory_space<vmem>> -> memref<64x256xf32, #tpu.memory_space<vmem>>
            %gather3A_247 = tpu.vector_load_idx %gather3A_246[%add3A_242, %select_n3A_163] masked %and3A_144 : memref<64x256xf32, #tpu.memory_space<vmem>>[vector<16xi32>, vector<16xi32>], vector<16xf32>, vector<16xi1>
            %add3A_248 = arith.constant 7 : i32
            %add3A_249 = vector.broadcast %add3A_248 : i32 to vector<16xi32>
            %add3A_250 = arith.addi %broadcast_in_dim3A_11, %add3A_249 : vector<16xi32>
            tpu.vector_store_idx %arg12[%add3A_132, %add3A_250], %gather3A_247 masked %and3A_144 : memref<672x128xf32, #tpu.memory_space<vmem>>[vector<16xi32>, vector<16xi32>], vector<16xf32>, vector<16xi1>
            %add3A_251 = arith.constant 8 : i32
            %add3A_252 = vector.broadcast %add3A_251 : i32 to vector<16xi32>
            %add3A_253 = arith.addi %broadcast_in_dim3A_11, %add3A_252 : vector<16xi32>
            %gather3A_254 = arith.constant 0 : i32
            %gather3A_255 = arith.constant 0 : i32
            %gather3A_256 = tpu.memref_slice %arg10[%scan3A_57, %gather3A_254, %gather3A_255] : memref<2x64x256xf32, #tpu.memory_space<vmem>> -> memref<1x64x256xf32, #tpu.memory_space<vmem>>
            %gather3A_257 = tpu.memref_squeeze %gather3A_256 : memref<1x64x256xf32, #tpu.memory_space<vmem>> -> memref<64x256xf32, #tpu.memory_space<vmem>>
            %gather3A_258 = tpu.vector_load_idx %gather3A_257[%add3A_253, %select_n3A_163] masked %and3A_144 : memref<64x256xf32, #tpu.memory_space<vmem>>[vector<16xi32>, vector<16xi32>], vector<16xf32>, vector<16xi1>
            %add3A_259 = arith.constant 8 : i32
            %add3A_260 = vector.broadcast %add3A_259 : i32 to vector<16xi32>
            %add3A_261 = arith.addi %broadcast_in_dim3A_11, %add3A_260 : vector<16xi32>
            tpu.vector_store_idx %arg12[%add3A_132, %add3A_261], %gather3A_258 masked %and3A_144 : memref<672x128xf32, #tpu.memory_space<vmem>>[vector<16xi32>, vector<16xi32>], vector<16xf32>, vector<16xi1>
            %add3A_262 = arith.constant 9 : i32
            %add3A_263 = vector.broadcast %add3A_262 : i32 to vector<16xi32>
            %add3A_264 = arith.addi %broadcast_in_dim3A_11, %add3A_263 : vector<16xi32>
            %gather3A_265 = arith.constant 0 : i32
            %gather3A_266 = arith.constant 0 : i32
            %gather3A_267 = tpu.memref_slice %arg10[%scan3A_57, %gather3A_265, %gather3A_266] : memref<2x64x256xf32, #tpu.memory_space<vmem>> -> memref<1x64x256xf32, #tpu.memory_space<vmem>>
            %gather3A_268 = tpu.memref_squeeze %gather3A_267 : memref<1x64x256xf32, #tpu.memory_space<vmem>> -> memref<64x256xf32, #tpu.memory_space<vmem>>
            %gather3A_269 = tpu.vector_load_idx %gather3A_268[%add3A_264, %select_n3A_163] masked %and3A_144 : memref<64x256xf32, #tpu.memory_space<vmem>>[vector<16xi32>, vector<16xi32>], vector<16xf32>, vector<16xi1>
            %add3A_270 = arith.constant 9 : i32
            %add3A_271 = vector.broadcast %add3A_270 : i32 to vector<16xi32>
            %add3A_272 = arith.addi %broadcast_in_dim3A_11, %add3A_271 : vector<16xi32>
            tpu.vector_store_idx %arg12[%add3A_132, %add3A_272], %gather3A_269 masked %and3A_144 : memref<672x128xf32, #tpu.memory_space<vmem>>[vector<16xi32>, vector<16xi32>], vector<16xf32>, vector<16xi1>
            %add3A_273 = arith.constant 10 : i32
            %add3A_274 = vector.broadcast %add3A_273 : i32 to vector<16xi32>
            %add3A_275 = arith.addi %broadcast_in_dim3A_11, %add3A_274 : vector<16xi32>
            %gather3A_276 = arith.constant 0 : i32
            %gather3A_277 = arith.constant 0 : i32
            %gather3A_278 = tpu.memref_slice %arg10[%scan3A_57, %gather3A_276, %gather3A_277] : memref<2x64x256xf32, #tpu.memory_space<vmem>> -> memref<1x64x256xf32, #tpu.memory_space<vmem>>
            %gather3A_279 = tpu.memref_squeeze %gather3A_278 : memref<1x64x256xf32, #tpu.memory_space<vmem>> -> memref<64x256xf32, #tpu.memory_space<vmem>>
            %gather3A_280 = tpu.vector_load_idx %gather3A_279[%add3A_275, %select_n3A_163] masked %and3A_144 : memref<64x256xf32, #tpu.memory_space<vmem>>[vector<16xi32>, vector<16xi32>], vector<16xf32>, vector<16xi1>
            %add3A_281 = arith.constant 10 : i32
            %add3A_282 = vector.broadcast %add3A_281 : i32 to vector<16xi32>
            %add3A_283 = arith.addi %broadcast_in_dim3A_11, %add3A_282 : vector<16xi32>
            tpu.vector_store_idx %arg12[%add3A_132, %add3A_283], %gather3A_280 masked %and3A_144 : memref<672x128xf32, #tpu.memory_space<vmem>>[vector<16xi32>, vector<16xi32>], vector<16xf32>, vector<16xi1>
            %add3A_284 = arith.constant 11 : i32
            %add3A_285 = vector.broadcast %add3A_284 : i32 to vector<16xi32>
            %add3A_286 = arith.addi %broadcast_in_dim3A_11, %add3A_285 : vector<16xi32>
            %gather3A_287 = arith.constant 0 : i32
            %gather3A_288 = arith.constant 0 : i32
            %gather3A_289 = tpu.memref_slice %arg10[%scan3A_57, %gather3A_287, %gather3A_288] : memref<2x64x256xf32, #tpu.memory_space<vmem>> -> memref<1x64x256xf32, #tpu.memory_space<vmem>>
            %gather3A_290 = tpu.memref_squeeze %gather3A_289 : memref<1x64x256xf32, #tpu.memory_space<vmem>> -> memref<64x256xf32, #tpu.memory_space<vmem>>
            %gather3A_291 = tpu.vector_load_idx %gather3A_290[%add3A_286, %select_n3A_163] masked %and3A_144 : memref<64x256xf32, #tpu.memory_space<vmem>>[vector<16xi32>, vector<16xi32>], vector<16xf32>, vector<16xi1>
            %add3A_292 = arith.constant 11 : i32
            %add3A_293 = vector.broadcast %add3A_292 : i32 to vector<16xi32>
            %add3A_294 = arith.addi %broadcast_in_dim3A_11, %add3A_293 : vector<16xi32>
            tpu.vector_store_idx %arg12[%add3A_132, %add3A_294], %gather3A_291 masked %and3A_144 : memref<672x128xf32, #tpu.memory_space<vmem>>[vector<16xi32>, vector<16xi32>], vector<16xf32>, vector<16xi1>
            %add3A_295 = arith.constant 12 : i32
            %add3A_296 = vector.broadcast %add3A_295 : i32 to vector<16xi32>
            %add3A_297 = arith.addi %broadcast_in_dim3A_11, %add3A_296 : vector<16xi32>
            %gather3A_298 = arith.constant 0 : i32
            %gather3A_299 = arith.constant 0 : i32
            %gather3A_300 = tpu.memref_slice %arg10[%scan3A_57, %gather3A_298, %gather3A_299] : memref<2x64x256xf32, #tpu.memory_space<vmem>> -> memref<1x64x256xf32, #tpu.memory_space<vmem>>
            %gather3A_301 = tpu.memref_squeeze %gather3A_300 : memref<1x64x256xf32, #tpu.memory_space<vmem>> -> memref<64x256xf32, #tpu.memory_space<vmem>>
            %gather3A_302 = tpu.vector_load_idx %gather3A_301[%add3A_297, %select_n3A_163] masked %and3A_144 : memref<64x256xf32, #tpu.memory_space<vmem>>[vector<16xi32>, vector<16xi32>], vector<16xf32>, vector<16xi1>
            %add3A_303 = arith.constant 12 : i32
            %add3A_304 = vector.broadcast %add3A_303 : i32 to vector<16xi32>
            %add3A_305 = arith.addi %broadcast_in_dim3A_11, %add3A_304 : vector<16xi32>
            tpu.vector_store_idx %arg12[%add3A_132, %add3A_305], %gather3A_302 masked %and3A_144 : memref<672x128xf32, #tpu.memory_space<vmem>>[vector<16xi32>, vector<16xi32>], vector<16xf32>, vector<16xi1>
            %add3A_306 = arith.constant 13 : i32
            %add3A_307 = vector.broadcast %add3A_306 : i32 to vector<16xi32>
            %add3A_308 = arith.addi %broadcast_in_dim3A_11, %add3A_307 : vector<16xi32>
            %gather3A_309 = arith.constant 0 : i32
            %gather3A_310 = arith.constant 0 : i32
            %gather3A_311 = tpu.memref_slice %arg10[%scan3A_57, %gather3A_309, %gather3A_310] : memref<2x64x256xf32, #tpu.memory_space<vmem>> -> memref<1x64x256xf32, #tpu.memory_space<vmem>>
            %gather3A_312 = tpu.memref_squeeze %gather3A_311 : memref<1x64x256xf32, #tpu.memory_space<vmem>> -> memref<64x256xf32, #tpu.memory_space<vmem>>
            %gather3A_313 = tpu.vector_load_idx %gather3A_312[%add3A_308, %select_n3A_163] masked %and3A_144 : memref<64x256xf32, #tpu.memory_space<vmem>>[vector<16xi32>, vector<16xi32>], vector<16xf32>, vector<16xi1>
            %add3A_314 = arith.constant 13 : i32
            %add3A_315 = vector.broadcast %add3A_314 : i32 to vector<16xi32>
            %add3A_316 = arith.addi %broadcast_in_dim3A_11, %add3A_315 : vector<16xi32>
            tpu.vector_store_idx %arg12[%add3A_132, %add3A_316], %gather3A_313 masked %and3A_144 : memref<672x128xf32, #tpu.memory_space<vmem>>[vector<16xi32>, vector<16xi32>], vector<16xf32>, vector<16xi1>
            %add3A_317 = arith.constant 14 : i32
            %add3A_318 = vector.broadcast %add3A_317 : i32 to vector<16xi32>
            %add3A_319 = arith.addi %broadcast_in_dim3A_11, %add3A_318 : vector<16xi32>
            %gather3A_320 = arith.constant 0 : i32
            %gather3A_321 = arith.constant 0 : i32
            %gather3A_322 = tpu.memref_slice %arg10[%scan3A_57, %gather3A_320, %gather3A_321] : memref<2x64x256xf32, #tpu.memory_space<vmem>> -> memref<1x64x256xf32, #tpu.memory_space<vmem>>
            %gather3A_323 = tpu.memref_squeeze %gather3A_322 : memref<1x64x256xf32, #tpu.memory_space<vmem>> -> memref<64x256xf32, #tpu.memory_space<vmem>>
            %gather3A_324 = tpu.vector_load_idx %gather3A_323[%add3A_319, %select_n3A_163] masked %and3A_144 : memref<64x256xf32, #tpu.memory_space<vmem>>[vector<16xi32>, vector<16xi32>], vector<16xf32>, vector<16xi1>
            %add3A_325 = arith.constant 14 : i32
            %add3A_326 = vector.broadcast %add3A_325 : i32 to vector<16xi32>
            %add3A_327 = arith.addi %broadcast_in_dim3A_11, %add3A_326 : vector<16xi32>
            tpu.vector_store_idx %arg12[%add3A_132, %add3A_327], %gather3A_324 masked %and3A_144 : memref<672x128xf32, #tpu.memory_space<vmem>>[vector<16xi32>, vector<16xi32>], vector<16xf32>, vector<16xi1>
            %add3A_328 = arith.constant 15 : i32
            %add3A_329 = vector.broadcast %add3A_328 : i32 to vector<16xi32>
            %add3A_330 = arith.addi %broadcast_in_dim3A_11, %add3A_329 : vector<16xi32>
            %gather3A_331 = arith.constant 0 : i32
            %gather3A_332 = arith.constant 0 : i32
            %gather3A_333 = tpu.memref_slice %arg10[%scan3A_57, %gather3A_331, %gather3A_332] : memref<2x64x256xf32, #tpu.memory_space<vmem>> -> memref<1x64x256xf32, #tpu.memory_space<vmem>>
            %gather3A_334 = tpu.memref_squeeze %gather3A_333 : memref<1x64x256xf32, #tpu.memory_space<vmem>> -> memref<64x256xf32, #tpu.memory_space<vmem>>
            %gather3A_335 = tpu.vector_load_idx %gather3A_334[%add3A_330, %select_n3A_163] masked %and3A_144 : memref<64x256xf32, #tpu.memory_space<vmem>>[vector<16xi32>, vector<16xi32>], vector<16xf32>, vector<16xi1>
            %add3A_336 = arith.constant 15 : i32
            %add3A_337 = vector.broadcast %add3A_336 : i32 to vector<16xi32>
            %add3A_338 = arith.addi %broadcast_in_dim3A_11, %add3A_337 : vector<16xi32>
            tpu.vector_store_idx %arg12[%add3A_132, %add3A_338], %gather3A_335 masked %and3A_144 : memref<672x128xf32, #tpu.memory_space<vmem>>[vector<16xi32>, vector<16xi32>], vector<16xf32>, vector<16xi1>
            %add3A_339 = arith.constant 16 : i32
            %add3A_340 = vector.broadcast %add3A_339 : i32 to vector<16xi32>
            %add3A_341 = arith.addi %broadcast_in_dim3A_11, %add3A_340 : vector<16xi32>
            %gather3A_342 = arith.constant 0 : i32
            %gather3A_343 = arith.constant 0 : i32
            %gather3A_344 = tpu.memref_slice %arg10[%scan3A_57, %gather3A_342, %gather3A_343] : memref<2x64x256xf32, #tpu.memory_space<vmem>> -> memref<1x64x256xf32, #tpu.memory_space<vmem>>
            %gather3A_345 = tpu.memref_squeeze %gather3A_344 : memref<1x64x256xf32, #tpu.memory_space<vmem>> -> memref<64x256xf32, #tpu.memory_space<vmem>>
            %gather3A_346 = tpu.vector_load_idx %gather3A_345[%add3A_341, %select_n3A_163] masked %and3A_144 : memref<64x256xf32, #tpu.memory_space<vmem>>[vector<16xi32>, vector<16xi32>], vector<16xf32>, vector<16xi1>
            %add3A_347 = arith.constant 16 : i32
            %add3A_348 = vector.broadcast %add3A_347 : i32 to vector<16xi32>
            %add3A_349 = arith.addi %broadcast_in_dim3A_11, %add3A_348 : vector<16xi32>
            tpu.vector_store_idx %arg12[%add3A_132, %add3A_349], %gather3A_346 masked %and3A_144 : memref<672x128xf32, #tpu.memory_space<vmem>>[vector<16xi32>, vector<16xi32>], vector<16xf32>, vector<16xi1>
            %add3A_350 = arith.constant 17 : i32
            %add3A_351 = vector.broadcast %add3A_350 : i32 to vector<16xi32>
            %add3A_352 = arith.addi %broadcast_in_dim3A_11, %add3A_351 : vector<16xi32>
            %gather3A_353 = arith.constant 0 : i32
            %gather3A_354 = arith.constant 0 : i32
            %gather3A_355 = tpu.memref_slice %arg10[%scan3A_57, %gather3A_353, %gather3A_354] : memref<2x64x256xf32, #tpu.memory_space<vmem>> -> memref<1x64x256xf32, #tpu.memory_space<vmem>>
            %gather3A_356 = tpu.memref_squeeze %gather3A_355 : memref<1x64x256xf32, #tpu.memory_space<vmem>> -> memref<64x256xf32, #tpu.memory_space<vmem>>
            %gather3A_357 = tpu.vector_load_idx %gather3A_356[%add3A_352, %select_n3A_163] masked %and3A_144 : memref<64x256xf32, #tpu.memory_space<vmem>>[vector<16xi32>, vector<16xi32>], vector<16xf32>, vector<16xi1>
            %add3A_358 = arith.constant 17 : i32
            %add3A_359 = vector.broadcast %add3A_358 : i32 to vector<16xi32>
            %add3A_360 = arith.addi %broadcast_in_dim3A_11, %add3A_359 : vector<16xi32>
            tpu.vector_store_idx %arg12[%add3A_132, %add3A_360], %gather3A_357 masked %and3A_144 : memref<672x128xf32, #tpu.memory_space<vmem>>[vector<16xi32>, vector<16xi32>], vector<16xf32>, vector<16xi1>
            %add3A_361 = arith.constant 18 : i32
            %add3A_362 = vector.broadcast %add3A_361 : i32 to vector<16xi32>
            %add3A_363 = arith.addi %broadcast_in_dim3A_11, %add3A_362 : vector<16xi32>
            %gather3A_364 = arith.constant 0 : i32
            %gather3A_365 = arith.constant 0 : i32
            %gather3A_366 = tpu.memref_slice %arg10[%scan3A_57, %gather3A_364, %gather3A_365] : memref<2x64x256xf32, #tpu.memory_space<vmem>> -> memref<1x64x256xf32, #tpu.memory_space<vmem>>
            %gather3A_367 = tpu.memref_squeeze %gather3A_366 : memref<1x64x256xf32, #tpu.memory_space<vmem>> -> memref<64x256xf32, #tpu.memory_space<vmem>>
            %gather3A_368 = tpu.vector_load_idx %gather3A_367[%add3A_363, %select_n3A_163] masked %and3A_144 : memref<64x256xf32, #tpu.memory_space<vmem>>[vector<16xi32>, vector<16xi32>], vector<16xf32>, vector<16xi1>
            %add3A_369 = arith.constant 18 : i32
            %add3A_370 = vector.broadcast %add3A_369 : i32 to vector<16xi32>
            %add3A_371 = arith.addi %broadcast_in_dim3A_11, %add3A_370 : vector<16xi32>
            tpu.vector_store_idx %arg12[%add3A_132, %add3A_371], %gather3A_368 masked %and3A_144 : memref<672x128xf32, #tpu.memory_space<vmem>>[vector<16xi32>, vector<16xi32>], vector<16xf32>, vector<16xi1>
            %add3A_372 = arith.constant 19 : i32
            %add3A_373 = vector.broadcast %add3A_372 : i32 to vector<16xi32>
            %add3A_374 = arith.addi %broadcast_in_dim3A_11, %add3A_373 : vector<16xi32>
            %gather3A_375 = arith.constant 0 : i32
            %gather3A_376 = arith.constant 0 : i32
            %gather3A_377 = tpu.memref_slice %arg10[%scan3A_57, %gather3A_375, %gather3A_376] : memref<2x64x256xf32, #tpu.memory_space<vmem>> -> memref<1x64x256xf32, #tpu.memory_space<vmem>>
            %gather3A_378 = tpu.memref_squeeze %gather3A_377 : memref<1x64x256xf32, #tpu.memory_space<vmem>> -> memref<64x256xf32, #tpu.memory_space<vmem>>
            %gather3A_379 = tpu.vector_load_idx %gather3A_378[%add3A_374, %select_n3A_163] masked %and3A_144 : memref<64x256xf32, #tpu.memory_space<vmem>>[vector<16xi32>, vector<16xi32>], vector<16xf32>, vector<16xi1>
            %add3A_380 = arith.constant 19 : i32
            %add3A_381 = vector.broadcast %add3A_380 : i32 to vector<16xi32>
            %add3A_382 = arith.addi %broadcast_in_dim3A_11, %add3A_381 : vector<16xi32>
            tpu.vector_store_idx %arg12[%add3A_132, %add3A_382], %gather3A_379 masked %and3A_144 : memref<672x128xf32, #tpu.memory_space<vmem>>[vector<16xi32>, vector<16xi32>], vector<16xf32>, vector<16xi1>
            %add3A_383 = arith.constant 20 : i32
            %add3A_384 = vector.broadcast %add3A_383 : i32 to vector<16xi32>
            %add3A_385 = arith.addi %broadcast_in_dim3A_11, %add3A_384 : vector<16xi32>
            %gather3A_386 = arith.constant 0 : i32
            %gather3A_387 = arith.constant 0 : i32
            %gather3A_388 = tpu.memref_slice %arg10[%scan3A_57, %gather3A_386, %gather3A_387] : memref<2x64x256xf32, #tpu.memory_space<vmem>> -> memref<1x64x256xf32, #tpu.memory_space<vmem>>
            %gather3A_389 = tpu.memref_squeeze %gather3A_388 : memref<1x64x256xf32, #tpu.memory_space<vmem>> -> memref<64x256xf32, #tpu.memory_space<vmem>>
            %gather3A_390 = tpu.vector_load_idx %gather3A_389[%add3A_385, %select_n3A_163] masked %and3A_144 : memref<64x256xf32, #tpu.memory_space<vmem>>[vector<16xi32>, vector<16xi32>], vector<16xf32>, vector<16xi1>
            %add3A_391 = arith.constant 20 : i32
            %add3A_392 = vector.broadcast %add3A_391 : i32 to vector<16xi32>
            %add3A_393 = arith.addi %broadcast_in_dim3A_11, %add3A_392 : vector<16xi32>
            tpu.vector_store_idx %arg12[%add3A_132, %add3A_393], %gather3A_390 masked %and3A_144 : memref<672x128xf32, #tpu.memory_space<vmem>>[vector<16xi32>, vector<16xi32>], vector<16xf32>, vector<16xi1>
            %add3A_394 = arith.constant 21 : i32
            %add3A_395 = vector.broadcast %add3A_394 : i32 to vector<16xi32>
            %add3A_396 = arith.addi %broadcast_in_dim3A_11, %add3A_395 : vector<16xi32>
            %gather3A_397 = arith.constant 0 : i32
            %gather3A_398 = arith.constant 0 : i32
            %gather3A_399 = tpu.memref_slice %arg10[%scan3A_57, %gather3A_397, %gather3A_398] : memref<2x64x256xf32, #tpu.memory_space<vmem>> -> memref<1x64x256xf32, #tpu.memory_space<vmem>>
            %gather3A_400 = tpu.memref_squeeze %gather3A_399 : memref<1x64x256xf32, #tpu.memory_space<vmem>> -> memref<64x256xf32, #tpu.memory_space<vmem>>
            %gather3A_401 = tpu.vector_load_idx %gather3A_400[%add3A_396, %select_n3A_163] masked %and3A_144 : memref<64x256xf32, #tpu.memory_space<vmem>>[vector<16xi32>, vector<16xi32>], vector<16xf32>, vector<16xi1>
            %add3A_402 = arith.constant 21 : i32
            %add3A_403 = vector.broadcast %add3A_402 : i32 to vector<16xi32>
            %add3A_404 = arith.addi %broadcast_in_dim3A_11, %add3A_403 : vector<16xi32>
            tpu.vector_store_idx %arg12[%add3A_132, %add3A_404], %gather3A_401 masked %and3A_144 : memref<672x128xf32, #tpu.memory_space<vmem>>[vector<16xi32>, vector<16xi32>], vector<16xf32>, vector<16xi1>
            %add3A_405 = arith.constant 22 : i32
            %add3A_406 = vector.broadcast %add3A_405 : i32 to vector<16xi32>
            %add3A_407 = arith.addi %broadcast_in_dim3A_11, %add3A_406 : vector<16xi32>
            %gather3A_408 = arith.constant 0 : i32
            %gather3A_409 = arith.constant 0 : i32
            %gather3A_410 = tpu.memref_slice %arg10[%scan3A_57, %gather3A_408, %gather3A_409] : memref<2x64x256xf32, #tpu.memory_space<vmem>> -> memref<1x64x256xf32, #tpu.memory_space<vmem>>
            %gather3A_411 = tpu.memref_squeeze %gather3A_410 : memref<1x64x256xf32, #tpu.memory_space<vmem>> -> memref<64x256xf32, #tpu.memory_space<vmem>>
            %gather3A_412 = tpu.vector_load_idx %gather3A_411[%add3A_407, %select_n3A_163] masked %and3A_144 : memref<64x256xf32, #tpu.memory_space<vmem>>[vector<16xi32>, vector<16xi32>], vector<16xf32>, vector<16xi1>
            %add3A_413 = arith.constant 22 : i32
            %add3A_414 = vector.broadcast %add3A_413 : i32 to vector<16xi32>
            %add3A_415 = arith.addi %broadcast_in_dim3A_11, %add3A_414 : vector<16xi32>
            tpu.vector_store_idx %arg12[%add3A_132, %add3A_415], %gather3A_412 masked %and3A_144 : memref<672x128xf32, #tpu.memory_space<vmem>>[vector<16xi32>, vector<16xi32>], vector<16xf32>, vector<16xi1>
            %add3A_416 = arith.constant 23 : i32
            %add3A_417 = vector.broadcast %add3A_416 : i32 to vector<16xi32>
            %add3A_418 = arith.addi %broadcast_in_dim3A_11, %add3A_417 : vector<16xi32>
            %gather3A_419 = arith.constant 0 : i32
            %gather3A_420 = arith.constant 0 : i32
            %gather3A_421 = tpu.memref_slice %arg10[%scan3A_57, %gather3A_419, %gather3A_420] : memref<2x64x256xf32, #tpu.memory_space<vmem>> -> memref<1x64x256xf32, #tpu.memory_space<vmem>>
            %gather3A_422 = tpu.memref_squeeze %gather3A_421 : memref<1x64x256xf32, #tpu.memory_space<vmem>> -> memref<64x256xf32, #tpu.memory_space<vmem>>
            %gather3A_423 = tpu.vector_load_idx %gather3A_422[%add3A_418, %select_n3A_163] masked %and3A_144 : memref<64x256xf32, #tpu.memory_space<vmem>>[vector<16xi32>, vector<16xi32>], vector<16xf32>, vector<16xi1>
            %add3A_424 = arith.constant 23 : i32
            %add3A_425 = vector.broadcast %add3A_424 : i32 to vector<16xi32>
            %add3A_426 = arith.addi %broadcast_in_dim3A_11, %add3A_425 : vector<16xi32>
            tpu.vector_store_idx %arg12[%add3A_132, %add3A_426], %gather3A_423 masked %and3A_144 : memref<672x128xf32, #tpu.memory_space<vmem>>[vector<16xi32>, vector<16xi32>], vector<16xf32>, vector<16xi1>
            %add3A_427 = arith.constant 24 : i32
            %add3A_428 = vector.broadcast %add3A_427 : i32 to vector<16xi32>
            %add3A_429 = arith.addi %broadcast_in_dim3A_11, %add3A_428 : vector<16xi32>
            %gather3A_430 = arith.constant 0 : i32
            %gather3A_431 = arith.constant 0 : i32
            %gather3A_432 = tpu.memref_slice %arg10[%scan3A_57, %gather3A_430, %gather3A_431] : memref<2x64x256xf32, #tpu.memory_space<vmem>> -> memref<1x64x256xf32, #tpu.memory_space<vmem>>
            %gather3A_433 = tpu.memref_squeeze %gather3A_432 : memref<1x64x256xf32, #tpu.memory_space<vmem>> -> memref<64x256xf32, #tpu.memory_space<vmem>>
            %gather3A_434 = tpu.vector_load_idx %gather3A_433[%add3A_429, %select_n3A_163] masked %and3A_144 : memref<64x256xf32, #tpu.memory_space<vmem>>[vector<16xi32>, vector<16xi32>], vector<16xf32>, vector<16xi1>
            %add3A_435 = arith.constant 24 : i32
            %add3A_436 = vector.broadcast %add3A_435 : i32 to vector<16xi32>
            %add3A_437 = arith.addi %broadcast_in_dim3A_11, %add3A_436 : vector<16xi32>
            tpu.vector_store_idx %arg12[%add3A_132, %add3A_437], %gather3A_434 masked %and3A_144 : memref<672x128xf32, #tpu.memory_space<vmem>>[vector<16xi32>, vector<16xi32>], vector<16xf32>, vector<16xi1>
            %add3A_438 = arith.constant 25 : i32
            %add3A_439 = vector.broadcast %add3A_438 : i32 to vector<16xi32>
            %add3A_440 = arith.addi %broadcast_in_dim3A_11, %add3A_439 : vector<16xi32>
            %gather3A_441 = arith.constant 0 : i32
            %gather3A_442 = arith.constant 0 : i32
            %gather3A_443 = tpu.memref_slice %arg10[%scan3A_57, %gather3A_441, %gather3A_442] : memref<2x64x256xf32, #tpu.memory_space<vmem>> -> memref<1x64x256xf32, #tpu.memory_space<vmem>>
            %gather3A_444 = tpu.memref_squeeze %gather3A_443 : memref<1x64x256xf32, #tpu.memory_space<vmem>> -> memref<64x256xf32, #tpu.memory_space<vmem>>
            %gather3A_445 = tpu.vector_load_idx %gather3A_444[%add3A_440, %select_n3A_163] masked %and3A_144 : memref<64x256xf32, #tpu.memory_space<vmem>>[vector<16xi32>, vector<16xi32>], vector<16xf32>, vector<16xi1>
            %add3A_446 = arith.constant 25 : i32
            %add3A_447 = vector.broadcast %add3A_446 : i32 to vector<16xi32>
            %add3A_448 = arith.addi %broadcast_in_dim3A_11, %add3A_447 : vector<16xi32>
            tpu.vector_store_idx %arg12[%add3A_132, %add3A_448], %gather3A_445 masked %and3A_144 : memref<672x128xf32, #tpu.memory_space<vmem>>[vector<16xi32>, vector<16xi32>], vector<16xf32>, vector<16xi1>
            %add3A_449 = arith.constant 26 : i32
            %add3A_450 = vector.broadcast %add3A_449 : i32 to vector<16xi32>
            %add3A_451 = arith.addi %broadcast_in_dim3A_11, %add3A_450 : vector<16xi32>
            %gather3A_452 = arith.constant 0 : i32
            %gather3A_453 = arith.constant 0 : i32
            %gather3A_454 = tpu.memref_slice %arg10[%scan3A_57, %gather3A_452, %gather3A_453] : memref<2x64x256xf32, #tpu.memory_space<vmem>> -> memref<1x64x256xf32, #tpu.memory_space<vmem>>
            %gather3A_455 = tpu.memref_squeeze %gather3A_454 : memref<1x64x256xf32, #tpu.memory_space<vmem>> -> memref<64x256xf32, #tpu.memory_space<vmem>>
            %gather3A_456 = tpu.vector_load_idx %gather3A_455[%add3A_451, %select_n3A_163] masked %and3A_144 : memref<64x256xf32, #tpu.memory_space<vmem>>[vector<16xi32>, vector<16xi32>], vector<16xf32>, vector<16xi1>
            %add3A_457 = arith.constant 26 : i32
            %add3A_458 = vector.broadcast %add3A_457 : i32 to vector<16xi32>
            %add3A_459 = arith.addi %broadcast_in_dim3A_11, %add3A_458 : vector<16xi32>
            tpu.vector_store_idx %arg12[%add3A_132, %add3A_459], %gather3A_456 masked %and3A_144 : memref<672x128xf32, #tpu.memory_space<vmem>>[vector<16xi32>, vector<16xi32>], vector<16xf32>, vector<16xi1>
            %add3A_460 = arith.constant 27 : i32
            %add3A_461 = vector.broadcast %add3A_460 : i32 to vector<16xi32>
            %add3A_462 = arith.addi %broadcast_in_dim3A_11, %add3A_461 : vector<16xi32>
            %gather3A_463 = arith.constant 0 : i32
            %gather3A_464 = arith.constant 0 : i32
            %gather3A_465 = tpu.memref_slice %arg10[%scan3A_57, %gather3A_463, %gather3A_464] : memref<2x64x256xf32, #tpu.memory_space<vmem>> -> memref<1x64x256xf32, #tpu.memory_space<vmem>>
            %gather3A_466 = tpu.memref_squeeze %gather3A_465 : memref<1x64x256xf32, #tpu.memory_space<vmem>> -> memref<64x256xf32, #tpu.memory_space<vmem>>
            %gather3A_467 = tpu.vector_load_idx %gather3A_466[%add3A_462, %select_n3A_163] masked %and3A_144 : memref<64x256xf32, #tpu.memory_space<vmem>>[vector<16xi32>, vector<16xi32>], vector<16xf32>, vector<16xi1>
            %add3A_468 = arith.constant 27 : i32
            %add3A_469 = vector.broadcast %add3A_468 : i32 to vector<16xi32>
            %add3A_470 = arith.addi %broadcast_in_dim3A_11, %add3A_469 : vector<16xi32>
            tpu.vector_store_idx %arg12[%add3A_132, %add3A_470], %gather3A_467 masked %and3A_144 : memref<672x128xf32, #tpu.memory_space<vmem>>[vector<16xi32>, vector<16xi32>], vector<16xf32>, vector<16xi1>
            %add3A_471 = arith.constant 28 : i32
            %add3A_472 = vector.broadcast %add3A_471 : i32 to vector<16xi32>
            %add3A_473 = arith.addi %broadcast_in_dim3A_11, %add3A_472 : vector<16xi32>
            %gather3A_474 = arith.constant 0 : i32
            %gather3A_475 = arith.constant 0 : i32
            %gather3A_476 = tpu.memref_slice %arg10[%scan3A_57, %gather3A_474, %gather3A_475] : memref<2x64x256xf32, #tpu.memory_space<vmem>> -> memref<1x64x256xf32, #tpu.memory_space<vmem>>
            %gather3A_477 = tpu.memref_squeeze %gather3A_476 : memref<1x64x256xf32, #tpu.memory_space<vmem>> -> memref<64x256xf32, #tpu.memory_space<vmem>>
            %gather3A_478 = tpu.vector_load_idx %gather3A_477[%add3A_473, %select_n3A_163] masked %and3A_144 : memref<64x256xf32, #tpu.memory_space<vmem>>[vector<16xi32>, vector<16xi32>], vector<16xf32>, vector<16xi1>
            %add3A_479 = arith.constant 28 : i32
            %add3A_480 = vector.broadcast %add3A_479 : i32 to vector<16xi32>
            %add3A_481 = arith.addi %broadcast_in_dim3A_11, %add3A_480 : vector<16xi32>
            tpu.vector_store_idx %arg12[%add3A_132, %add3A_481], %gather3A_478 masked %and3A_144 : memref<672x128xf32, #tpu.memory_space<vmem>>[vector<16xi32>, vector<16xi32>], vector<16xf32>, vector<16xi1>
            %add3A_482 = arith.constant 29 : i32
            %add3A_483 = vector.broadcast %add3A_482 : i32 to vector<16xi32>
            %add3A_484 = arith.addi %broadcast_in_dim3A_11, %add3A_483 : vector<16xi32>
            %gather3A_485 = arith.constant 0 : i32
            %gather3A_486 = arith.constant 0 : i32
            %gather3A_487 = tpu.memref_slice %arg10[%scan3A_57, %gather3A_485, %gather3A_486] : memref<2x64x256xf32, #tpu.memory_space<vmem>> -> memref<1x64x256xf32, #tpu.memory_space<vmem>>
            %gather3A_488 = tpu.memref_squeeze %gather3A_487 : memref<1x64x256xf32, #tpu.memory_space<vmem>> -> memref<64x256xf32, #tpu.memory_space<vmem>>
            %gather3A_489 = tpu.vector_load_idx %gather3A_488[%add3A_484, %select_n3A_163] masked %and3A_144 : memref<64x256xf32, #tpu.memory_space<vmem>>[vector<16xi32>, vector<16xi32>], vector<16xf32>, vector<16xi1>
            %add3A_490 = arith.constant 29 : i32
            %add3A_491 = vector.broadcast %add3A_490 : i32 to vector<16xi32>
            %add3A_492 = arith.addi %broadcast_in_dim3A_11, %add3A_491 : vector<16xi32>
            tpu.vector_store_idx %arg12[%add3A_132, %add3A_492], %gather3A_489 masked %and3A_144 : memref<672x128xf32, #tpu.memory_space<vmem>>[vector<16xi32>, vector<16xi32>], vector<16xf32>, vector<16xi1>
            %add3A_493 = arith.constant 30 : i32
            %add3A_494 = vector.broadcast %add3A_493 : i32 to vector<16xi32>
            %add3A_495 = arith.addi %broadcast_in_dim3A_11, %add3A_494 : vector<16xi32>
            %gather3A_496 = arith.constant 0 : i32
            %gather3A_497 = arith.constant 0 : i32
            %gather3A_498 = tpu.memref_slice %arg10[%scan3A_57, %gather3A_496, %gather3A_497] : memref<2x64x256xf32, #tpu.memory_space<vmem>> -> memref<1x64x256xf32, #tpu.memory_space<vmem>>
            %gather3A_499 = tpu.memref_squeeze %gather3A_498 : memref<1x64x256xf32, #tpu.memory_space<vmem>> -> memref<64x256xf32, #tpu.memory_space<vmem>>
            %gather3A_500 = tpu.vector_load_idx %gather3A_499[%add3A_495, %select_n3A_163] masked %and3A_144 : memref<64x256xf32, #tpu.memory_space<vmem>>[vector<16xi32>, vector<16xi32>], vector<16xf32>, vector<16xi1>
            %add3A_501 = arith.constant 30 : i32
            %add3A_502 = vector.broadcast %add3A_501 : i32 to vector<16xi32>
            %add3A_503 = arith.addi %broadcast_in_dim3A_11, %add3A_502 : vector<16xi32>
            tpu.vector_store_idx %arg12[%add3A_132, %add3A_503], %gather3A_500 masked %and3A_144 : memref<672x128xf32, #tpu.memory_space<vmem>>[vector<16xi32>, vector<16xi32>], vector<16xf32>, vector<16xi1>
            %add3A_504 = arith.constant 31 : i32
            %add3A_505 = vector.broadcast %add3A_504 : i32 to vector<16xi32>
            %add3A_506 = arith.addi %broadcast_in_dim3A_11, %add3A_505 : vector<16xi32>
            %gather3A_507 = arith.constant 0 : i32
            %gather3A_508 = arith.constant 0 : i32
            %gather3A_509 = tpu.memref_slice %arg10[%scan3A_57, %gather3A_507, %gather3A_508] : memref<2x64x256xf32, #tpu.memory_space<vmem>> -> memref<1x64x256xf32, #tpu.memory_space<vmem>>
            %gather3A_510 = tpu.memref_squeeze %gather3A_509 : memref<1x64x256xf32, #tpu.memory_space<vmem>> -> memref<64x256xf32, #tpu.memory_space<vmem>>
            %gather3A_511 = tpu.vector_load_idx %gather3A_510[%add3A_506, %select_n3A_163] masked %and3A_144 : memref<64x256xf32, #tpu.memory_space<vmem>>[vector<16xi32>, vector<16xi32>], vector<16xf32>, vector<16xi1>
            %add3A_512 = arith.constant 31 : i32
            %add3A_513 = vector.broadcast %add3A_512 : i32 to vector<16xi32>
            %add3A_514 = arith.addi %broadcast_in_dim3A_11, %add3A_513 : vector<16xi32>
            tpu.vector_store_idx %arg12[%add3A_132, %add3A_514], %gather3A_511 masked %and3A_144 : memref<672x128xf32, #tpu.memory_space<vmem>>[vector<16xi32>, vector<16xi32>], vector<16xf32>, vector<16xi1>
            %add3A_515 = arith.constant 32 : i32
            %add3A_516 = vector.broadcast %add3A_515 : i32 to vector<16xi32>
            %add3A_517 = arith.addi %broadcast_in_dim3A_11, %add3A_516 : vector<16xi32>
            %gather3A_518 = arith.constant 0 : i32
            %gather3A_519 = arith.constant 0 : i32
            %gather3A_520 = tpu.memref_slice %arg10[%scan3A_57, %gather3A_518, %gather3A_519] : memref<2x64x256xf32, #tpu.memory_space<vmem>> -> memref<1x64x256xf32, #tpu.memory_space<vmem>>
            %gather3A_521 = tpu.memref_squeeze %gather3A_520 : memref<1x64x256xf32, #tpu.memory_space<vmem>> -> memref<64x256xf32, #tpu.memory_space<vmem>>
            %gather3A_522 = tpu.vector_load_idx %gather3A_521[%add3A_517, %select_n3A_163] masked %and3A_144 : memref<64x256xf32, #tpu.memory_space<vmem>>[vector<16xi32>, vector<16xi32>], vector<16xf32>, vector<16xi1>
            %add3A_523 = arith.constant 32 : i32
            %add3A_524 = vector.broadcast %add3A_523 : i32 to vector<16xi32>
            %add3A_525 = arith.addi %broadcast_in_dim3A_11, %add3A_524 : vector<16xi32>
            tpu.vector_store_idx %arg12[%add3A_132, %add3A_525], %gather3A_522 masked %and3A_144 : memref<672x128xf32, #tpu.memory_space<vmem>>[vector<16xi32>, vector<16xi32>], vector<16xf32>, vector<16xi1>
            %add3A_526 = arith.constant 33 : i32
            %add3A_527 = vector.broadcast %add3A_526 : i32 to vector<16xi32>
            %add3A_528 = arith.addi %broadcast_in_dim3A_11, %add3A_527 : vector<16xi32>
            %gather3A_529 = arith.constant 0 : i32
            %gather3A_530 = arith.constant 0 : i32
            %gather3A_531 = tpu.memref_slice %arg10[%scan3A_57, %gather3A_529, %gather3A_530] : memref<2x64x256xf32, #tpu.memory_space<vmem>> -> memref<1x64x256xf32, #tpu.memory_space<vmem>>
            %gather3A_532 = tpu.memref_squeeze %gather3A_531 : memref<1x64x256xf32, #tpu.memory_space<vmem>> -> memref<64x256xf32, #tpu.memory_space<vmem>>
            %gather3A_533 = tpu.vector_load_idx %gather3A_532[%add3A_528, %select_n3A_163] masked %and3A_144 : memref<64x256xf32, #tpu.memory_space<vmem>>[vector<16xi32>, vector<16xi32>], vector<16xf32>, vector<16xi1>
            %add3A_534 = arith.constant 33 : i32
            %add3A_535 = vector.broadcast %add3A_534 : i32 to vector<16xi32>
            %add3A_536 = arith.addi %broadcast_in_dim3A_11, %add3A_535 : vector<16xi32>
            tpu.vector_store_idx %arg12[%add3A_132, %add3A_536], %gather3A_533 masked %and3A_144 : memref<672x128xf32, #tpu.memory_space<vmem>>[vector<16xi32>, vector<16xi32>], vector<16xf32>, vector<16xi1>
            %add3A_537 = arith.constant 34 : i32
            %add3A_538 = vector.broadcast %add3A_537 : i32 to vector<16xi32>
            %add3A_539 = arith.addi %broadcast_in_dim3A_11, %add3A_538 : vector<16xi32>
            %gather3A_540 = arith.constant 0 : i32
            %gather3A_541 = arith.constant 0 : i32
            %gather3A_542 = tpu.memref_slice %arg10[%scan3A_57, %gather3A_540, %gather3A_541] : memref<2x64x256xf32, #tpu.memory_space<vmem>> -> memref<1x64x256xf32, #tpu.memory_space<vmem>>
            %gather3A_543 = tpu.memref_squeeze %gather3A_542 : memref<1x64x256xf32, #tpu.memory_space<vmem>> -> memref<64x256xf32, #tpu.memory_space<vmem>>
            %gather3A_544 = tpu.vector_load_idx %gather3A_543[%add3A_539, %select_n3A_163] masked %and3A_144 : memref<64x256xf32, #tpu.memory_space<vmem>>[vector<16xi32>, vector<16xi32>], vector<16xf32>, vector<16xi1>
            %add3A_545 = arith.constant 34 : i32
            %add3A_546 = vector.broadcast %add3A_545 : i32 to vector<16xi32>
            %add3A_547 = arith.addi %broadcast_in_dim3A_11, %add3A_546 : vector<16xi32>
            tpu.vector_store_idx %arg12[%add3A_132, %add3A_547], %gather3A_544 masked %and3A_144 : memref<672x128xf32, #tpu.memory_space<vmem>>[vector<16xi32>, vector<16xi32>], vector<16xf32>, vector<16xi1>
            %add3A_548 = arith.constant 35 : i32
            %add3A_549 = vector.broadcast %add3A_548 : i32 to vector<16xi32>
            %add3A_550 = arith.addi %broadcast_in_dim3A_11, %add3A_549 : vector<16xi32>
            %gather3A_551 = arith.constant 0 : i32
            %gather3A_552 = arith.constant 0 : i32
            %gather3A_553 = tpu.memref_slice %arg10[%scan3A_57, %gather3A_551, %gather3A_552] : memref<2x64x256xf32, #tpu.memory_space<vmem>> -> memref<1x64x256xf32, #tpu.memory_space<vmem>>
            %gather3A_554 = tpu.memref_squeeze %gather3A_553 : memref<1x64x256xf32, #tpu.memory_space<vmem>> -> memref<64x256xf32, #tpu.memory_space<vmem>>
            %gather3A_555 = tpu.vector_load_idx %gather3A_554[%add3A_550, %select_n3A_163] masked %and3A_144 : memref<64x256xf32, #tpu.memory_space<vmem>>[vector<16xi32>, vector<16xi32>], vector<16xf32>, vector<16xi1>
            %add3A_556 = arith.constant 35 : i32
            %add3A_557 = vector.broadcast %add3A_556 : i32 to vector<16xi32>
            %add3A_558 = arith.addi %broadcast_in_dim3A_11, %add3A_557 : vector<16xi32>
            tpu.vector_store_idx %arg12[%add3A_132, %add3A_558], %gather3A_555 masked %and3A_144 : memref<672x128xf32, #tpu.memory_space<vmem>>[vector<16xi32>, vector<16xi32>], vector<16xf32>, vector<16xi1>
            %add3A_559 = arith.constant 36 : i32
            %add3A_560 = vector.broadcast %add3A_559 : i32 to vector<16xi32>
            %add3A_561 = arith.addi %broadcast_in_dim3A_11, %add3A_560 : vector<16xi32>
            %gather3A_562 = arith.constant 0 : i32
            %gather3A_563 = arith.constant 0 : i32
            %gather3A_564 = tpu.memref_slice %arg10[%scan3A_57, %gather3A_562, %gather3A_563] : memref<2x64x256xf32, #tpu.memory_space<vmem>> -> memref<1x64x256xf32, #tpu.memory_space<vmem>>
            %gather3A_565 = tpu.memref_squeeze %gather3A_564 : memref<1x64x256xf32, #tpu.memory_space<vmem>> -> memref<64x256xf32, #tpu.memory_space<vmem>>
            %gather3A_566 = tpu.vector_load_idx %gather3A_565[%add3A_561, %select_n3A_163] masked %and3A_144 : memref<64x256xf32, #tpu.memory_space<vmem>>[vector<16xi32>, vector<16xi32>], vector<16xf32>, vector<16xi1>
            %add3A_567 = arith.constant 36 : i32
            %add3A_568 = vector.broadcast %add3A_567 : i32 to vector<16xi32>
            %add3A_569 = arith.addi %broadcast_in_dim3A_11, %add3A_568 : vector<16xi32>
            tpu.vector_store_idx %arg12[%add3A_132, %add3A_569], %gather3A_566 masked %and3A_144 : memref<672x128xf32, #tpu.memory_space<vmem>>[vector<16xi32>, vector<16xi32>], vector<16xf32>, vector<16xi1>
            %add3A_570 = arith.constant 37 : i32
            %add3A_571 = vector.broadcast %add3A_570 : i32 to vector<16xi32>
            %add3A_572 = arith.addi %broadcast_in_dim3A_11, %add3A_571 : vector<16xi32>
            %gather3A_573 = arith.constant 0 : i32
            %gather3A_574 = arith.constant 0 : i32
            %gather3A_575 = tpu.memref_slice %arg10[%scan3A_57, %gather3A_573, %gather3A_574] : memref<2x64x256xf32, #tpu.memory_space<vmem>> -> memref<1x64x256xf32, #tpu.memory_space<vmem>>
            %gather3A_576 = tpu.memref_squeeze %gather3A_575 : memref<1x64x256xf32, #tpu.memory_space<vmem>> -> memref<64x256xf32, #tpu.memory_space<vmem>>
            %gather3A_577 = tpu.vector_load_idx %gather3A_576[%add3A_572, %select_n3A_163] masked %and3A_144 : memref<64x256xf32, #tpu.memory_space<vmem>>[vector<16xi32>, vector<16xi32>], vector<16xf32>, vector<16xi1>
            %add3A_578 = arith.constant 37 : i32
            %add3A_579 = vector.broadcast %add3A_578 : i32 to vector<16xi32>
            %add3A_580 = arith.addi %broadcast_in_dim3A_11, %add3A_579 : vector<16xi32>
            tpu.vector_store_idx %arg12[%add3A_132, %add3A_580], %gather3A_577 masked %and3A_144 : memref<672x128xf32, #tpu.memory_space<vmem>>[vector<16xi32>, vector<16xi32>], vector<16xf32>, vector<16xi1>
            %add3A_581 = arith.constant 38 : i32
            %add3A_582 = vector.broadcast %add3A_581 : i32 to vector<16xi32>
            %add3A_583 = arith.addi %broadcast_in_dim3A_11, %add3A_582 : vector<16xi32>
            %gather3A_584 = arith.constant 0 : i32
            %gather3A_585 = arith.constant 0 : i32
            %gather3A_586 = tpu.memref_slice %arg10[%scan3A_57, %gather3A_584, %gather3A_585] : memref<2x64x256xf32, #tpu.memory_space<vmem>> -> memref<1x64x256xf32, #tpu.memory_space<vmem>>
            %gather3A_587 = tpu.memref_squeeze %gather3A_586 : memref<1x64x256xf32, #tpu.memory_space<vmem>> -> memref<64x256xf32, #tpu.memory_space<vmem>>
            %gather3A_588 = tpu.vector_load_idx %gather3A_587[%add3A_583, %select_n3A_163] masked %and3A_144 : memref<64x256xf32, #tpu.memory_space<vmem>>[vector<16xi32>, vector<16xi32>], vector<16xf32>, vector<16xi1>
            %add3A_589 = arith.constant 38 : i32
            %add3A_590 = vector.broadcast %add3A_589 : i32 to vector<16xi32>
            %add3A_591 = arith.addi %broadcast_in_dim3A_11, %add3A_590 : vector<16xi32>
            tpu.vector_store_idx %arg12[%add3A_132, %add3A_591], %gather3A_588 masked %and3A_144 : memref<672x128xf32, #tpu.memory_space<vmem>>[vector<16xi32>, vector<16xi32>], vector<16xf32>, vector<16xi1>
            %add3A_592 = arith.constant 39 : i32
            %add3A_593 = vector.broadcast %add3A_592 : i32 to vector<16xi32>
            %add3A_594 = arith.addi %broadcast_in_dim3A_11, %add3A_593 : vector<16xi32>
            %gather3A_595 = arith.constant 0 : i32
            %gather3A_596 = arith.constant 0 : i32
            %gather3A_597 = tpu.memref_slice %arg10[%scan3A_57, %gather3A_595, %gather3A_596] : memref<2x64x256xf32, #tpu.memory_space<vmem>> -> memref<1x64x256xf32, #tpu.memory_space<vmem>>
            %gather3A_598 = tpu.memref_squeeze %gather3A_597 : memref<1x64x256xf32, #tpu.memory_space<vmem>> -> memref<64x256xf32, #tpu.memory_space<vmem>>
            %gather3A_599 = tpu.vector_load_idx %gather3A_598[%add3A_594, %select_n3A_163] masked %and3A_144 : memref<64x256xf32, #tpu.memory_space<vmem>>[vector<16xi32>, vector<16xi32>], vector<16xf32>, vector<16xi1>
            %add3A_600 = arith.constant 39 : i32
            %add3A_601 = vector.broadcast %add3A_600 : i32 to vector<16xi32>
            %add3A_602 = arith.addi %broadcast_in_dim3A_11, %add3A_601 : vector<16xi32>
            tpu.vector_store_idx %arg12[%add3A_132, %add3A_602], %gather3A_599 masked %and3A_144 : memref<672x128xf32, #tpu.memory_space<vmem>>[vector<16xi32>, vector<16xi32>], vector<16xf32>, vector<16xi1>
            %add3A_603 = arith.constant 40 : i32
            %add3A_604 = vector.broadcast %add3A_603 : i32 to vector<16xi32>
            %add3A_605 = arith.addi %broadcast_in_dim3A_11, %add3A_604 : vector<16xi32>
            %gather3A_606 = arith.constant 0 : i32
            %gather3A_607 = arith.constant 0 : i32
            %gather3A_608 = tpu.memref_slice %arg10[%scan3A_57, %gather3A_606, %gather3A_607] : memref<2x64x256xf32, #tpu.memory_space<vmem>> -> memref<1x64x256xf32, #tpu.memory_space<vmem>>
            %gather3A_609 = tpu.memref_squeeze %gather3A_608 : memref<1x64x256xf32, #tpu.memory_space<vmem>> -> memref<64x256xf32, #tpu.memory_space<vmem>>
            %gather3A_610 = tpu.vector_load_idx %gather3A_609[%add3A_605, %select_n3A_163] masked %and3A_144 : memref<64x256xf32, #tpu.memory_space<vmem>>[vector<16xi32>, vector<16xi32>], vector<16xf32>, vector<16xi1>
            %add3A_611 = arith.constant 40 : i32
            %add3A_612 = vector.broadcast %add3A_611 : i32 to vector<16xi32>
            %add3A_613 = arith.addi %broadcast_in_dim3A_11, %add3A_612 : vector<16xi32>
            tpu.vector_store_idx %arg12[%add3A_132, %add3A_613], %gather3A_610 masked %and3A_144 : memref<672x128xf32, #tpu.memory_space<vmem>>[vector<16xi32>, vector<16xi32>], vector<16xf32>, vector<16xi1>
            %add3A_614 = arith.constant 41 : i32
            %add3A_615 = vector.broadcast %add3A_614 : i32 to vector<16xi32>
            %add3A_616 = arith.addi %broadcast_in_dim3A_11, %add3A_615 : vector<16xi32>
            %gather3A_617 = arith.constant 0 : i32
            %gather3A_618 = arith.constant 0 : i32
            %gather3A_619 = tpu.memref_slice %arg10[%scan3A_57, %gather3A_617, %gather3A_618] : memref<2x64x256xf32, #tpu.memory_space<vmem>> -> memref<1x64x256xf32, #tpu.memory_space<vmem>>
            %gather3A_620 = tpu.memref_squeeze %gather3A_619 : memref<1x64x256xf32, #tpu.memory_space<vmem>> -> memref<64x256xf32, #tpu.memory_space<vmem>>
            %gather3A_621 = tpu.vector_load_idx %gather3A_620[%add3A_616, %select_n3A_163] masked %and3A_144 : memref<64x256xf32, #tpu.memory_space<vmem>>[vector<16xi32>, vector<16xi32>], vector<16xf32>, vector<16xi1>
            %add3A_622 = arith.constant 41 : i32
            %add3A_623 = vector.broadcast %add3A_622 : i32 to vector<16xi32>
            %add3A_624 = arith.addi %broadcast_in_dim3A_11, %add3A_623 : vector<16xi32>
            tpu.vector_store_idx %arg12[%add3A_132, %add3A_624], %gather3A_621 masked %and3A_144 : memref<672x128xf32, #tpu.memory_space<vmem>>[vector<16xi32>, vector<16xi32>], vector<16xf32>, vector<16xi1>
            %add3A_625 = arith.constant 42 : i32
            %add3A_626 = vector.broadcast %add3A_625 : i32 to vector<16xi32>
            %add3A_627 = arith.addi %broadcast_in_dim3A_11, %add3A_626 : vector<16xi32>
            %gather3A_628 = arith.constant 0 : i32
            %gather3A_629 = arith.constant 0 : i32
            %gather3A_630 = tpu.memref_slice %arg10[%scan3A_57, %gather3A_628, %gather3A_629] : memref<2x64x256xf32, #tpu.memory_space<vmem>> -> memref<1x64x256xf32, #tpu.memory_space<vmem>>
            %gather3A_631 = tpu.memref_squeeze %gather3A_630 : memref<1x64x256xf32, #tpu.memory_space<vmem>> -> memref<64x256xf32, #tpu.memory_space<vmem>>
            %gather3A_632 = tpu.vector_load_idx %gather3A_631[%add3A_627, %select_n3A_163] masked %and3A_144 : memref<64x256xf32, #tpu.memory_space<vmem>>[vector<16xi32>, vector<16xi32>], vector<16xf32>, vector<16xi1>
            %add3A_633 = arith.constant 42 : i32
            %add3A_634 = vector.broadcast %add3A_633 : i32 to vector<16xi32>
            %add3A_635 = arith.addi %broadcast_in_dim3A_11, %add3A_634 : vector<16xi32>
            tpu.vector_store_idx %arg12[%add3A_132, %add3A_635], %gather3A_632 masked %and3A_144 : memref<672x128xf32, #tpu.memory_space<vmem>>[vector<16xi32>, vector<16xi32>], vector<16xf32>, vector<16xi1>
            %add3A_636 = arith.constant 43 : i32
            %add3A_637 = vector.broadcast %add3A_636 : i32 to vector<16xi32>
            %add3A_638 = arith.addi %broadcast_in_dim3A_11, %add3A_637 : vector<16xi32>
            %gather3A_639 = arith.constant 0 : i32
            %gather3A_640 = arith.constant 0 : i32
            %gather3A_641 = tpu.memref_slice %arg10[%scan3A_57, %gather3A_639, %gather3A_640] : memref<2x64x256xf32, #tpu.memory_space<vmem>> -> memref<1x64x256xf32, #tpu.memory_space<vmem>>
            %gather3A_642 = tpu.memref_squeeze %gather3A_641 : memref<1x64x256xf32, #tpu.memory_space<vmem>> -> memref<64x256xf32, #tpu.memory_space<vmem>>
            %gather3A_643 = tpu.vector_load_idx %gather3A_642[%add3A_638, %select_n3A_163] masked %and3A_144 : memref<64x256xf32, #tpu.memory_space<vmem>>[vector<16xi32>, vector<16xi32>], vector<16xf32>, vector<16xi1>
            %add3A_644 = arith.constant 43 : i32
            %add3A_645 = vector.broadcast %add3A_644 : i32 to vector<16xi32>
            %add3A_646 = arith.addi %broadcast_in_dim3A_11, %add3A_645 : vector<16xi32>
            tpu.vector_store_idx %arg12[%add3A_132, %add3A_646], %gather3A_643 masked %and3A_144 : memref<672x128xf32, #tpu.memory_space<vmem>>[vector<16xi32>, vector<16xi32>], vector<16xf32>, vector<16xi1>
            %add3A_647 = arith.constant 44 : i32
            %add3A_648 = vector.broadcast %add3A_647 : i32 to vector<16xi32>
            %add3A_649 = arith.addi %broadcast_in_dim3A_11, %add3A_648 : vector<16xi32>
            %gather3A_650 = arith.constant 0 : i32
            %gather3A_651 = arith.constant 0 : i32
            %gather3A_652 = tpu.memref_slice %arg10[%scan3A_57, %gather3A_650, %gather3A_651] : memref<2x64x256xf32, #tpu.memory_space<vmem>> -> memref<1x64x256xf32, #tpu.memory_space<vmem>>
            %gather3A_653 = tpu.memref_squeeze %gather3A_652 : memref<1x64x256xf32, #tpu.memory_space<vmem>> -> memref<64x256xf32, #tpu.memory_space<vmem>>
            %gather3A_654 = tpu.vector_load_idx %gather3A_653[%add3A_649, %select_n3A_163] masked %and3A_144 : memref<64x256xf32, #tpu.memory_space<vmem>>[vector<16xi32>, vector<16xi32>], vector<16xf32>, vector<16xi1>
            %add3A_655 = arith.constant 44 : i32
            %add3A_656 = vector.broadcast %add3A_655 : i32 to vector<16xi32>
            %add3A_657 = arith.addi %broadcast_in_dim3A_11, %add3A_656 : vector<16xi32>
            tpu.vector_store_idx %arg12[%add3A_132, %add3A_657], %gather3A_654 masked %and3A_144 : memref<672x128xf32, #tpu.memory_space<vmem>>[vector<16xi32>, vector<16xi32>], vector<16xf32>, vector<16xi1>
            %add3A_658 = arith.constant 45 : i32
            %add3A_659 = vector.broadcast %add3A_658 : i32 to vector<16xi32>
            %add3A_660 = arith.addi %broadcast_in_dim3A_11, %add3A_659 : vector<16xi32>
            %gather3A_661 = arith.constant 0 : i32
            %gather3A_662 = arith.constant 0 : i32
            %gather3A_663 = tpu.memref_slice %arg10[%scan3A_57, %gather3A_661, %gather3A_662] : memref<2x64x256xf32, #tpu.memory_space<vmem>> -> memref<1x64x256xf32, #tpu.memory_space<vmem>>
            %gather3A_664 = tpu.memref_squeeze %gather3A_663 : memref<1x64x256xf32, #tpu.memory_space<vmem>> -> memref<64x256xf32, #tpu.memory_space<vmem>>
            %gather3A_665 = tpu.vector_load_idx %gather3A_664[%add3A_660, %select_n3A_163] masked %and3A_144 : memref<64x256xf32, #tpu.memory_space<vmem>>[vector<16xi32>, vector<16xi32>], vector<16xf32>, vector<16xi1>
            %add3A_666 = arith.constant 45 : i32
            %add3A_667 = vector.broadcast %add3A_666 : i32 to vector<16xi32>
            %add3A_668 = arith.addi %broadcast_in_dim3A_11, %add3A_667 : vector<16xi32>
            tpu.vector_store_idx %arg12[%add3A_132, %add3A_668], %gather3A_665 masked %and3A_144 : memref<672x128xf32, #tpu.memory_space<vmem>>[vector<16xi32>, vector<16xi32>], vector<16xf32>, vector<16xi1>
            %add3A_669 = arith.constant 46 : i32
            %add3A_670 = vector.broadcast %add3A_669 : i32 to vector<16xi32>
            %add3A_671 = arith.addi %broadcast_in_dim3A_11, %add3A_670 : vector<16xi32>
            %gather3A_672 = arith.constant 0 : i32
            %gather3A_673 = arith.constant 0 : i32
            %gather3A_674 = tpu.memref_slice %arg10[%scan3A_57, %gather3A_672, %gather3A_673] : memref<2x64x256xf32, #tpu.memory_space<vmem>> -> memref<1x64x256xf32, #tpu.memory_space<vmem>>
            %gather3A_675 = tpu.memref_squeeze %gather3A_674 : memref<1x64x256xf32, #tpu.memory_space<vmem>> -> memref<64x256xf32, #tpu.memory_space<vmem>>
            %gather3A_676 = tpu.vector_load_idx %gather3A_675[%add3A_671, %select_n3A_163] masked %and3A_144 : memref<64x256xf32, #tpu.memory_space<vmem>>[vector<16xi32>, vector<16xi32>], vector<16xf32>, vector<16xi1>
            %add3A_677 = arith.constant 46 : i32
            %add3A_678 = vector.broadcast %add3A_677 : i32 to vector<16xi32>
            %add3A_679 = arith.addi %broadcast_in_dim3A_11, %add3A_678 : vector<16xi32>
            tpu.vector_store_idx %arg12[%add3A_132, %add3A_679], %gather3A_676 masked %and3A_144 : memref<672x128xf32, #tpu.memory_space<vmem>>[vector<16xi32>, vector<16xi32>], vector<16xf32>, vector<16xi1>
            %add3A_680 = arith.constant 47 : i32
            %add3A_681 = vector.broadcast %add3A_680 : i32 to vector<16xi32>
            %add3A_682 = arith.addi %broadcast_in_dim3A_11, %add3A_681 : vector<16xi32>
            %gather3A_683 = arith.constant 0 : i32
            %gather3A_684 = arith.constant 0 : i32
            %gather3A_685 = tpu.memref_slice %arg10[%scan3A_57, %gather3A_683, %gather3A_684] : memref<2x64x256xf32, #tpu.memory_space<vmem>> -> memref<1x64x256xf32, #tpu.memory_space<vmem>>
            %gather3A_686 = tpu.memref_squeeze %gather3A_685 : memref<1x64x256xf32, #tpu.memory_space<vmem>> -> memref<64x256xf32, #tpu.memory_space<vmem>>
            %gather3A_687 = tpu.vector_load_idx %gather3A_686[%add3A_682, %select_n3A_163] masked %and3A_144 : memref<64x256xf32, #tpu.memory_space<vmem>>[vector<16xi32>, vector<16xi32>], vector<16xf32>, vector<16xi1>
            %add3A_688 = arith.constant 47 : i32
            %add3A_689 = vector.broadcast %add3A_688 : i32 to vector<16xi32>
            %add3A_690 = arith.addi %broadcast_in_dim3A_11, %add3A_689 : vector<16xi32>
            tpu.vector_store_idx %arg12[%add3A_132, %add3A_690], %gather3A_687 masked %and3A_144 : memref<672x128xf32, #tpu.memory_space<vmem>>[vector<16xi32>, vector<16xi32>], vector<16xf32>, vector<16xi1>
            %add3A_691 = arith.constant 48 : i32
            %add3A_692 = vector.broadcast %add3A_691 : i32 to vector<16xi32>
            %add3A_693 = arith.addi %broadcast_in_dim3A_11, %add3A_692 : vector<16xi32>
            %gather3A_694 = arith.constant 0 : i32
            %gather3A_695 = arith.constant 0 : i32
            %gather3A_696 = tpu.memref_slice %arg10[%scan3A_57, %gather3A_694, %gather3A_695] : memref<2x64x256xf32, #tpu.memory_space<vmem>> -> memref<1x64x256xf32, #tpu.memory_space<vmem>>
            %gather3A_697 = tpu.memref_squeeze %gather3A_696 : memref<1x64x256xf32, #tpu.memory_space<vmem>> -> memref<64x256xf32, #tpu.memory_space<vmem>>
            %gather3A_698 = tpu.vector_load_idx %gather3A_697[%add3A_693, %select_n3A_163] masked %and3A_144 : memref<64x256xf32, #tpu.memory_space<vmem>>[vector<16xi32>, vector<16xi32>], vector<16xf32>, vector<16xi1>
            %add3A_699 = arith.constant 48 : i32
            %add3A_700 = vector.broadcast %add3A_699 : i32 to vector<16xi32>
            %add3A_701 = arith.addi %broadcast_in_dim3A_11, %add3A_700 : vector<16xi32>
            tpu.vector_store_idx %arg12[%add3A_132, %add3A_701], %gather3A_698 masked %and3A_144 : memref<672x128xf32, #tpu.memory_space<vmem>>[vector<16xi32>, vector<16xi32>], vector<16xf32>, vector<16xi1>
            %add3A_702 = arith.constant 49 : i32
            %add3A_703 = vector.broadcast %add3A_702 : i32 to vector<16xi32>
            %add3A_704 = arith.addi %broadcast_in_dim3A_11, %add3A_703 : vector<16xi32>
            %gather3A_705 = arith.constant 0 : i32
            %gather3A_706 = arith.constant 0 : i32
            %gather3A_707 = tpu.memref_slice %arg10[%scan3A_57, %gather3A_705, %gather3A_706] : memref<2x64x256xf32, #tpu.memory_space<vmem>> -> memref<1x64x256xf32, #tpu.memory_space<vmem>>
            %gather3A_708 = tpu.memref_squeeze %gather3A_707 : memref<1x64x256xf32, #tpu.memory_space<vmem>> -> memref<64x256xf32, #tpu.memory_space<vmem>>
            %gather3A_709 = tpu.vector_load_idx %gather3A_708[%add3A_704, %select_n3A_163] masked %and3A_144 : memref<64x256xf32, #tpu.memory_space<vmem>>[vector<16xi32>, vector<16xi32>], vector<16xf32>, vector<16xi1>
            %add3A_710 = arith.constant 49 : i32
            %add3A_711 = vector.broadcast %add3A_710 : i32 to vector<16xi32>
            %add3A_712 = arith.addi %broadcast_in_dim3A_11, %add3A_711 : vector<16xi32>
            tpu.vector_store_idx %arg12[%add3A_132, %add3A_712], %gather3A_709 masked %and3A_144 : memref<672x128xf32, #tpu.memory_space<vmem>>[vector<16xi32>, vector<16xi32>], vector<16xf32>, vector<16xi1>
            %add3A_713 = arith.constant 50 : i32
            %add3A_714 = vector.broadcast %add3A_713 : i32 to vector<16xi32>
            %add3A_715 = arith.addi %broadcast_in_dim3A_11, %add3A_714 : vector<16xi32>
            %gather3A_716 = arith.constant 0 : i32
            %gather3A_717 = arith.constant 0 : i32
            %gather3A_718 = tpu.memref_slice %arg10[%scan3A_57, %gather3A_716, %gather3A_717] : memref<2x64x256xf32, #tpu.memory_space<vmem>> -> memref<1x64x256xf32, #tpu.memory_space<vmem>>
            %gather3A_719 = tpu.memref_squeeze %gather3A_718 : memref<1x64x256xf32, #tpu.memory_space<vmem>> -> memref<64x256xf32, #tpu.memory_space<vmem>>
            %gather3A_720 = tpu.vector_load_idx %gather3A_719[%add3A_715, %select_n3A_163] masked %and3A_144 : memref<64x256xf32, #tpu.memory_space<vmem>>[vector<16xi32>, vector<16xi32>], vector<16xf32>, vector<16xi1>
            %add3A_721 = arith.constant 50 : i32
            %add3A_722 = vector.broadcast %add3A_721 : i32 to vector<16xi32>
            %add3A_723 = arith.addi %broadcast_in_dim3A_11, %add3A_722 : vector<16xi32>
            tpu.vector_store_idx %arg12[%add3A_132, %add3A_723], %gather3A_720 masked %and3A_144 : memref<672x128xf32, #tpu.memory_space<vmem>>[vector<16xi32>, vector<16xi32>], vector<16xf32>, vector<16xi1>
            %add3A_724 = arith.constant 51 : i32
            %add3A_725 = vector.broadcast %add3A_724 : i32 to vector<16xi32>
            %add3A_726 = arith.addi %broadcast_in_dim3A_11, %add3A_725 : vector<16xi32>
            %gather3A_727 = arith.constant 0 : i32
            %gather3A_728 = arith.constant 0 : i32
            %gather3A_729 = tpu.memref_slice %arg10[%scan3A_57, %gather3A_727, %gather3A_728] : memref<2x64x256xf32, #tpu.memory_space<vmem>> -> memref<1x64x256xf32, #tpu.memory_space<vmem>>
            %gather3A_730 = tpu.memref_squeeze %gather3A_729 : memref<1x64x256xf32, #tpu.memory_space<vmem>> -> memref<64x256xf32, #tpu.memory_space<vmem>>
            %gather3A_731 = tpu.vector_load_idx %gather3A_730[%add3A_726, %select_n3A_163] masked %and3A_144 : memref<64x256xf32, #tpu.memory_space<vmem>>[vector<16xi32>, vector<16xi32>], vector<16xf32>, vector<16xi1>
            %add3A_732 = arith.constant 51 : i32
            %add3A_733 = vector.broadcast %add3A_732 : i32 to vector<16xi32>
            %add3A_734 = arith.addi %broadcast_in_dim3A_11, %add3A_733 : vector<16xi32>
            tpu.vector_store_idx %arg12[%add3A_132, %add3A_734], %gather3A_731 masked %and3A_144 : memref<672x128xf32, #tpu.memory_space<vmem>>[vector<16xi32>, vector<16xi32>], vector<16xf32>, vector<16xi1>
            %add3A_735 = arith.constant 52 : i32
            %add3A_736 = vector.broadcast %add3A_735 : i32 to vector<16xi32>
            %add3A_737 = arith.addi %broadcast_in_dim3A_11, %add3A_736 : vector<16xi32>
            %gather3A_738 = arith.constant 0 : i32
            %gather3A_739 = arith.constant 0 : i32
            %gather3A_740 = tpu.memref_slice %arg10[%scan3A_57, %gather3A_738, %gather3A_739] : memref<2x64x256xf32, #tpu.memory_space<vmem>> -> memref<1x64x256xf32, #tpu.memory_space<vmem>>
            %gather3A_741 = tpu.memref_squeeze %gather3A_740 : memref<1x64x256xf32, #tpu.memory_space<vmem>> -> memref<64x256xf32, #tpu.memory_space<vmem>>
            %gather3A_742 = tpu.vector_load_idx %gather3A_741[%add3A_737, %select_n3A_163] masked %and3A_144 : memref<64x256xf32, #tpu.memory_space<vmem>>[vector<16xi32>, vector<16xi32>], vector<16xf32>, vector<16xi1>
            %add3A_743 = arith.constant 52 : i32
            %add3A_744 = vector.broadcast %add3A_743 : i32 to vector<16xi32>
            %add3A_745 = arith.addi %broadcast_in_dim3A_11, %add3A_744 : vector<16xi32>
            tpu.vector_store_idx %arg12[%add3A_132, %add3A_745], %gather3A_742 masked %and3A_144 : memref<672x128xf32, #tpu.memory_space<vmem>>[vector<16xi32>, vector<16xi32>], vector<16xf32>, vector<16xi1>
            %add3A_746 = arith.constant 53 : i32
            %add3A_747 = vector.broadcast %add3A_746 : i32 to vector<16xi32>
            %add3A_748 = arith.addi %broadcast_in_dim3A_11, %add3A_747 : vector<16xi32>
            %gather3A_749 = arith.constant 0 : i32
            %gather3A_750 = arith.constant 0 : i32
            %gather3A_751 = tpu.memref_slice %arg10[%scan3A_57, %gather3A_749, %gather3A_750] : memref<2x64x256xf32, #tpu.memory_space<vmem>> -> memref<1x64x256xf32, #tpu.memory_space<vmem>>
            %gather3A_752 = tpu.memref_squeeze %gather3A_751 : memref<1x64x256xf32, #tpu.memory_space<vmem>> -> memref<64x256xf32, #tpu.memory_space<vmem>>
            %gather3A_753 = tpu.vector_load_idx %gather3A_752[%add3A_748, %select_n3A_163] masked %and3A_144 : memref<64x256xf32, #tpu.memory_space<vmem>>[vector<16xi32>, vector<16xi32>], vector<16xf32>, vector<16xi1>
            %add3A_754 = arith.constant 53 : i32
            %add3A_755 = vector.broadcast %add3A_754 : i32 to vector<16xi32>
            %add3A_756 = arith.addi %broadcast_in_dim3A_11, %add3A_755 : vector<16xi32>
            tpu.vector_store_idx %arg12[%add3A_132, %add3A_756], %gather3A_753 masked %and3A_144 : memref<672x128xf32, #tpu.memory_space<vmem>>[vector<16xi32>, vector<16xi32>], vector<16xf32>, vector<16xi1>
            %add3A_757 = arith.constant 54 : i32
            %add3A_758 = vector.broadcast %add3A_757 : i32 to vector<16xi32>
            %add3A_759 = arith.addi %broadcast_in_dim3A_11, %add3A_758 : vector<16xi32>
            %gather3A_760 = arith.constant 0 : i32
            %gather3A_761 = arith.constant 0 : i32
            %gather3A_762 = tpu.memref_slice %arg10[%scan3A_57, %gather3A_760, %gather3A_761] : memref<2x64x256xf32, #tpu.memory_space<vmem>> -> memref<1x64x256xf32, #tpu.memory_space<vmem>>
            %gather3A_763 = tpu.memref_squeeze %gather3A_762 : memref<1x64x256xf32, #tpu.memory_space<vmem>> -> memref<64x256xf32, #tpu.memory_space<vmem>>
            %gather3A_764 = tpu.vector_load_idx %gather3A_763[%add3A_759, %select_n3A_163] masked %and3A_144 : memref<64x256xf32, #tpu.memory_space<vmem>>[vector<16xi32>, vector<16xi32>], vector<16xf32>, vector<16xi1>
            %add3A_765 = arith.constant 54 : i32
            %add3A_766 = vector.broadcast %add3A_765 : i32 to vector<16xi32>
            %add3A_767 = arith.addi %broadcast_in_dim3A_11, %add3A_766 : vector<16xi32>
            tpu.vector_store_idx %arg12[%add3A_132, %add3A_767], %gather3A_764 masked %and3A_144 : memref<672x128xf32, #tpu.memory_space<vmem>>[vector<16xi32>, vector<16xi32>], vector<16xf32>, vector<16xi1>
            %add3A_768 = arith.constant 55 : i32
            %add3A_769 = vector.broadcast %add3A_768 : i32 to vector<16xi32>
            %add3A_770 = arith.addi %broadcast_in_dim3A_11, %add3A_769 : vector<16xi32>
            %gather3A_771 = arith.constant 0 : i32
            %gather3A_772 = arith.constant 0 : i32
            %gather3A_773 = tpu.memref_slice %arg10[%scan3A_57, %gather3A_771, %gather3A_772] : memref<2x64x256xf32, #tpu.memory_space<vmem>> -> memref<1x64x256xf32, #tpu.memory_space<vmem>>
            %gather3A_774 = tpu.memref_squeeze %gather3A_773 : memref<1x64x256xf32, #tpu.memory_space<vmem>> -> memref<64x256xf32, #tpu.memory_space<vmem>>
            %gather3A_775 = tpu.vector_load_idx %gather3A_774[%add3A_770, %select_n3A_163] masked %and3A_144 : memref<64x256xf32, #tpu.memory_space<vmem>>[vector<16xi32>, vector<16xi32>], vector<16xf32>, vector<16xi1>
            %add3A_776 = arith.constant 55 : i32
            %add3A_777 = vector.broadcast %add3A_776 : i32 to vector<16xi32>
            %add3A_778 = arith.addi %broadcast_in_dim3A_11, %add3A_777 : vector<16xi32>
            tpu.vector_store_idx %arg12[%add3A_132, %add3A_778], %gather3A_775 masked %and3A_144 : memref<672x128xf32, #tpu.memory_space<vmem>>[vector<16xi32>, vector<16xi32>], vector<16xf32>, vector<16xi1>
            %add3A_779 = arith.constant 56 : i32
            %add3A_780 = vector.broadcast %add3A_779 : i32 to vector<16xi32>
            %add3A_781 = arith.addi %broadcast_in_dim3A_11, %add3A_780 : vector<16xi32>
            %gather3A_782 = arith.constant 0 : i32
            %gather3A_783 = arith.constant 0 : i32
            %gather3A_784 = tpu.memref_slice %arg10[%scan3A_57, %gather3A_782, %gather3A_783] : memref<2x64x256xf32, #tpu.memory_space<vmem>> -> memref<1x64x256xf32, #tpu.memory_space<vmem>>
            %gather3A_785 = tpu.memref_squeeze %gather3A_784 : memref<1x64x256xf32, #tpu.memory_space<vmem>> -> memref<64x256xf32, #tpu.memory_space<vmem>>
            %gather3A_786 = tpu.vector_load_idx %gather3A_785[%add3A_781, %select_n3A_163] masked %and3A_144 : memref<64x256xf32, #tpu.memory_space<vmem>>[vector<16xi32>, vector<16xi32>], vector<16xf32>, vector<16xi1>
            %add3A_787 = arith.constant 56 : i32
            %add3A_788 = vector.broadcast %add3A_787 : i32 to vector<16xi32>
            %add3A_789 = arith.addi %broadcast_in_dim3A_11, %add3A_788 : vector<16xi32>
            tpu.vector_store_idx %arg12[%add3A_132, %add3A_789], %gather3A_786 masked %and3A_144 : memref<672x128xf32, #tpu.memory_space<vmem>>[vector<16xi32>, vector<16xi32>], vector<16xf32>, vector<16xi1>
            %add3A_790 = arith.constant 57 : i32
            %add3A_791 = vector.broadcast %add3A_790 : i32 to vector<16xi32>
            %add3A_792 = arith.addi %broadcast_in_dim3A_11, %add3A_791 : vector<16xi32>
            %gather3A_793 = arith.constant 0 : i32
            %gather3A_794 = arith.constant 0 : i32
            %gather3A_795 = tpu.memref_slice %arg10[%scan3A_57, %gather3A_793, %gather3A_794] : memref<2x64x256xf32, #tpu.memory_space<vmem>> -> memref<1x64x256xf32, #tpu.memory_space<vmem>>
            %gather3A_796 = tpu.memref_squeeze %gather3A_795 : memref<1x64x256xf32, #tpu.memory_space<vmem>> -> memref<64x256xf32, #tpu.memory_space<vmem>>
            %gather3A_797 = tpu.vector_load_idx %gather3A_796[%add3A_792, %select_n3A_163] masked %and3A_144 : memref<64x256xf32, #tpu.memory_space<vmem>>[vector<16xi32>, vector<16xi32>], vector<16xf32>, vector<16xi1>
            %add3A_798 = arith.constant 57 : i32
            %add3A_799 = vector.broadcast %add3A_798 : i32 to vector<16xi32>
            %add3A_800 = arith.addi %broadcast_in_dim3A_11, %add3A_799 : vector<16xi32>
            tpu.vector_store_idx %arg12[%add3A_132, %add3A_800], %gather3A_797 masked %and3A_144 : memref<672x128xf32, #tpu.memory_space<vmem>>[vector<16xi32>, vector<16xi32>], vector<16xf32>, vector<16xi1>
            %add3A_801 = arith.constant 58 : i32
            %add3A_802 = vector.broadcast %add3A_801 : i32 to vector<16xi32>
            %add3A_803 = arith.addi %broadcast_in_dim3A_11, %add3A_802 : vector<16xi32>
            %gather3A_804 = arith.constant 0 : i32
            %gather3A_805 = arith.constant 0 : i32
            %gather3A_806 = tpu.memref_slice %arg10[%scan3A_57, %gather3A_804, %gather3A_805] : memref<2x64x256xf32, #tpu.memory_space<vmem>> -> memref<1x64x256xf32, #tpu.memory_space<vmem>>
            %gather3A_807 = tpu.memref_squeeze %gather3A_806 : memref<1x64x256xf32, #tpu.memory_space<vmem>> -> memref<64x256xf32, #tpu.memory_space<vmem>>
            %gather3A_808 = tpu.vector_load_idx %gather3A_807[%add3A_803, %select_n3A_163] masked %and3A_144 : memref<64x256xf32, #tpu.memory_space<vmem>>[vector<16xi32>, vector<16xi32>], vector<16xf32>, vector<16xi1>
            %add3A_809 = arith.constant 58 : i32
            %add3A_810 = vector.broadcast %add3A_809 : i32 to vector<16xi32>
            %add3A_811 = arith.addi %broadcast_in_dim3A_11, %add3A_810 : vector<16xi32>
            tpu.vector_store_idx %arg12[%add3A_132, %add3A_811], %gather3A_808 masked %and3A_144 : memref<672x128xf32, #tpu.memory_space<vmem>>[vector<16xi32>, vector<16xi32>], vector<16xf32>, vector<16xi1>
            %add3A_812 = arith.constant 59 : i32
            %add3A_813 = vector.broadcast %add3A_812 : i32 to vector<16xi32>
            %add3A_814 = arith.addi %broadcast_in_dim3A_11, %add3A_813 : vector<16xi32>
            %gather3A_815 = arith.constant 0 : i32
            %gather3A_816 = arith.constant 0 : i32
            %gather3A_817 = tpu.memref_slice %arg10[%scan3A_57, %gather3A_815, %gather3A_816] : memref<2x64x256xf32, #tpu.memory_space<vmem>> -> memref<1x64x256xf32, #tpu.memory_space<vmem>>
            %gather3A_818 = tpu.memref_squeeze %gather3A_817 : memref<1x64x256xf32, #tpu.memory_space<vmem>> -> memref<64x256xf32, #tpu.memory_space<vmem>>
            %gather3A_819 = tpu.vector_load_idx %gather3A_818[%add3A_814, %select_n3A_163] masked %and3A_144 : memref<64x256xf32, #tpu.memory_space<vmem>>[vector<16xi32>, vector<16xi32>], vector<16xf32>, vector<16xi1>
            %add3A_820 = arith.constant 59 : i32
            %add3A_821 = vector.broadcast %add3A_820 : i32 to vector<16xi32>
            %add3A_822 = arith.addi %broadcast_in_dim3A_11, %add3A_821 : vector<16xi32>
            tpu.vector_store_idx %arg12[%add3A_132, %add3A_822], %gather3A_819 masked %and3A_144 : memref<672x128xf32, #tpu.memory_space<vmem>>[vector<16xi32>, vector<16xi32>], vector<16xf32>, vector<16xi1>
            %add3A_823 = arith.constant 60 : i32
            %add3A_824 = vector.broadcast %add3A_823 : i32 to vector<16xi32>
            %add3A_825 = arith.addi %broadcast_in_dim3A_11, %add3A_824 : vector<16xi32>
            %gather3A_826 = arith.constant 0 : i32
            %gather3A_827 = arith.constant 0 : i32
            %gather3A_828 = tpu.memref_slice %arg10[%scan3A_57, %gather3A_826, %gather3A_827] : memref<2x64x256xf32, #tpu.memory_space<vmem>> -> memref<1x64x256xf32, #tpu.memory_space<vmem>>
            %gather3A_829 = tpu.memref_squeeze %gather3A_828 : memref<1x64x256xf32, #tpu.memory_space<vmem>> -> memref<64x256xf32, #tpu.memory_space<vmem>>
            %gather3A_830 = tpu.vector_load_idx %gather3A_829[%add3A_825, %select_n3A_163] masked %and3A_144 : memref<64x256xf32, #tpu.memory_space<vmem>>[vector<16xi32>, vector<16xi32>], vector<16xf32>, vector<16xi1>
            %add3A_831 = arith.constant 60 : i32
            %add3A_832 = vector.broadcast %add3A_831 : i32 to vector<16xi32>
            %add3A_833 = arith.addi %broadcast_in_dim3A_11, %add3A_832 : vector<16xi32>
            tpu.vector_store_idx %arg12[%add3A_132, %add3A_833], %gather3A_830 masked %and3A_144 : memref<672x128xf32, #tpu.memory_space<vmem>>[vector<16xi32>, vector<16xi32>], vector<16xf32>, vector<16xi1>
            %add3A_834 = arith.constant 61 : i32
            %add3A_835 = vector.broadcast %add3A_834 : i32 to vector<16xi32>
            %add3A_836 = arith.addi %broadcast_in_dim3A_11, %add3A_835 : vector<16xi32>
            %gather3A_837 = arith.constant 0 : i32
            %gather3A_838 = arith.constant 0 : i32
            %gather3A_839 = tpu.memref_slice %arg10[%scan3A_57, %gather3A_837, %gather3A_838] : memref<2x64x256xf32, #tpu.memory_space<vmem>> -> memref<1x64x256xf32, #tpu.memory_space<vmem>>
            %gather3A_840 = tpu.memref_squeeze %gather3A_839 : memref<1x64x256xf32, #tpu.memory_space<vmem>> -> memref<64x256xf32, #tpu.memory_space<vmem>>
            %gather3A_841 = tpu.vector_load_idx %gather3A_840[%add3A_836, %select_n3A_163] masked %and3A_144 : memref<64x256xf32, #tpu.memory_space<vmem>>[vector<16xi32>, vector<16xi32>], vector<16xf32>, vector<16xi1>
            %add3A_842 = arith.constant 61 : i32
            %add3A_843 = vector.broadcast %add3A_842 : i32 to vector<16xi32>
            %add3A_844 = arith.addi %broadcast_in_dim3A_11, %add3A_843 : vector<16xi32>
            tpu.vector_store_idx %arg12[%add3A_132, %add3A_844], %gather3A_841 masked %and3A_144 : memref<672x128xf32, #tpu.memory_space<vmem>>[vector<16xi32>, vector<16xi32>], vector<16xf32>, vector<16xi1>
            %add3A_845 = arith.constant 62 : i32
            %add3A_846 = vector.broadcast %add3A_845 : i32 to vector<16xi32>
            %add3A_847 = arith.addi %broadcast_in_dim3A_11, %add3A_846 : vector<16xi32>
            %gather3A_848 = arith.constant 0 : i32
            %gather3A_849 = arith.constant 0 : i32
            %gather3A_850 = tpu.memref_slice %arg10[%scan3A_57, %gather3A_848, %gather3A_849] : memref<2x64x256xf32, #tpu.memory_space<vmem>> -> memref<1x64x256xf32, #tpu.memory_space<vmem>>
            %gather3A_851 = tpu.memref_squeeze %gather3A_850 : memref<1x64x256xf32, #tpu.memory_space<vmem>> -> memref<64x256xf32, #tpu.memory_space<vmem>>
            %gather3A_852 = tpu.vector_load_idx %gather3A_851[%add3A_847, %select_n3A_163] masked %and3A_144 : memref<64x256xf32, #tpu.memory_space<vmem>>[vector<16xi32>, vector<16xi32>], vector<16xf32>, vector<16xi1>
            %add3A_853 = arith.constant 62 : i32
            %add3A_854 = vector.broadcast %add3A_853 : i32 to vector<16xi32>
            %add3A_855 = arith.addi %broadcast_in_dim3A_11, %add3A_854 : vector<16xi32>
            tpu.vector_store_idx %arg12[%add3A_132, %add3A_855], %gather3A_852 masked %and3A_144 : memref<672x128xf32, #tpu.memory_space<vmem>>[vector<16xi32>, vector<16xi32>], vector<16xf32>, vector<16xi1>
            %add3A_856 = arith.constant 63 : i32
            %add3A_857 = vector.broadcast %add3A_856 : i32 to vector<16xi32>
            %add3A_858 = arith.addi %broadcast_in_dim3A_11, %add3A_857 : vector<16xi32>
            %gather3A_859 = arith.constant 0 : i32
            %gather3A_860 = arith.constant 0 : i32
            %gather3A_861 = tpu.memref_slice %arg10[%scan3A_57, %gather3A_859, %gather3A_860] : memref<2x64x256xf32, #tpu.memory_space<vmem>> -> memref<1x64x256xf32, #tpu.memory_space<vmem>>
            %gather3A_862 = tpu.memref_squeeze %gather3A_861 : memref<1x64x256xf32, #tpu.memory_space<vmem>> -> memref<64x256xf32, #tpu.memory_space<vmem>>
            %gather3A_863 = tpu.vector_load_idx %gather3A_862[%add3A_858, %select_n3A_163] masked %and3A_144 : memref<64x256xf32, #tpu.memory_space<vmem>>[vector<16xi32>, vector<16xi32>], vector<16xf32>, vector<16xi1>
            %add3A_864 = arith.constant 63 : i32
            %add3A_865 = vector.broadcast %add3A_864 : i32 to vector<16xi32>
            %add3A_866 = arith.addi %broadcast_in_dim3A_11, %add3A_865 : vector<16xi32>
            tpu.vector_store_idx %arg12[%add3A_132, %add3A_866], %gather3A_863 masked %and3A_144 : memref<672x128xf32, #tpu.memory_space<vmem>>[vector<16xi32>, vector<16xi32>], vector<16xf32>, vector<16xi1>
          } else {
          }
          %while3A_154 = arith.constant 0 : i32
          scf.yield %while3A_154 : i32
        }
        %while3A_125 = arith.constant 1 : i32
        %while3A_126 = scf.for %while3A_127 = %while3A_122 to %while3A_118 step %while3A_125 iter_args(%while3A_128 = %while3A_124) -> (i32)  : i32 {
          %mul3A_129 = arith.constant 16 : i32
          %mul3A_130 = arith.muli %while3A_127, %mul3A_129 : i32
          %add3A_131 = vector.broadcast %mul3A_130 : i32 to vector<16xi32>
          %add3A_132 = arith.addi %iota3A, %add3A_131 : vector<16xi32>
          %mul3A_133 = arith.constant 16 : i32
          %mul3A_134 = arith.muli %while3A_127, %mul3A_133 : i32
          %get3A = arith.index_cast %mul3A_134 : i32 to index
          %get3A_135 = tpu.vector_load %arg7[%get3A] {strides = array<i32>} : memref<672xi32, #tpu.memory_space<vmem>>, vector<16xi32>,
          %ge3A = vector.broadcast %add3A_115 : i32 to vector<16xi32>
          %ge3A_136 = arith.cmpi sge, %get3A_135, %ge3A : vector<16xi32>
          %add3A_137 = arith.constant 256 : i32
          %add3A_138 = arith.addi %add3A_115, %add3A_137 : i32
          %lt3A_139 = vector.broadcast %add3A_138 : i32 to vector<16xi32>
          %lt3A_140 = arith.cmpi slt, %get3A_135, %lt3A_139 : vector<16xi32>
          %and3A_141 = arith.andi %ge3A_136, %lt3A_140 : vector<16xi1>
          %lt3A_142 = vector.broadcast %scan3A_16 : i32 to vector<16xi32>
          %lt3A_143 = arith.cmpi slt, %add3A_132, %lt3A_142 : vector<16xi32>
          %and3A_144 = arith.andi %and3A_141, %lt3A_143 : vector<16xi1>
          %convert_element_type3A_145 = arith.extui %and3A_144 : vector<16xi1> to vector<16xi32>
          %reduce_sum3A = arith.constant true
          %reduce_sum3A_146 = vector.broadcast %reduce_sum3A : i1 to vector<16xi1>
          %reduce_sum3A_147 = tpu.scan <sum>, %convert_element_type3A_145 masked %reduce_sum3A_146 : vector<16xi32>, vector<16xi1> -> vector<16xi32>
          %reduce_sum3A_148 = vector.extract %reduce_sum3A_147[15] : i32 from vector<16xi32>
          %gt3A_149 = arith.constant 0 : i32
          %gt3A_150 = arith.cmpi sgt, %reduce_sum3A_148, %gt3A_149 : i32
          %convert_element_type3A_151 = arith.extui %gt3A_150 : i1 to i32
          %cond3A_152 = arith.constant 0 : i32
          %cond3A_153 = arith.cmpi ne, %convert_element_type3A_151, %cond3A_152 : i32
          scf.if %cond3A_153 {
            %mul3A_155 = arith.constant 16 : i32
            %mul3A_156 = arith.muli %while3A_127, %mul3A_155 : i32
            %get3A_157 = arith.index_cast %mul3A_156 : i32 to index
            %get3A_158 = tpu.vector_load %arg8[%get3A_157] {strides = array<i32>} : memref<672xi32, #tpu.memory_space<vmem>>, vector<16xi32>,
            %sub3A_159 = vector.broadcast %add3A_115 : i32 to vector<16xi32>
            %sub3A_160 = arith.subi %get3A_135, %sub3A_159 : vector<16xi32>
            %jit3A_161 = arith.constant 0 : i32
            %broadcast_in_dim3A_162 = vector.broadcast %jit3A_161 : i32 to vector<16xi32>
            %select_n3A_163 = arith.select %and3A_144, %sub3A_160, %broadcast_in_dim3A_162 : vector<16xi1>, vector<16xi32>
            tpu.vector_store_idx %arg9[%add3A_132], %get3A_158 masked %and3A_144 : memref<672xi32, #tpu.memory_space<vmem>>[vector<16xi32>], vector<16xi32>, vector<16xi1>
            %add3A_164 = arith.constant 0 : i32
            %add3A_165 = vector.broadcast %add3A_164 : i32 to vector<16xi32>
            %add3A_166 = arith.addi %broadcast_in_dim3A_11, %add3A_165 : vector<16xi32>
            %gather3A = arith.constant 0 : i32
            %gather3A_167 = arith.constant 0 : i32
            %gather3A_168 = tpu.memref_slice %arg10[%scan3A_57, %gather3A, %gather3A_167] : memref<2x64x256xf32, #tpu.memory_space<vmem>> -> memref<1x64x256xf32, #tpu.memory_space<vmem>>
            %gather3A_169 = tpu.memref_squeeze %gather3A_168 : memref<1x64x256xf32, #tpu.memory_space<vmem>> -> memref<64x256xf32, #tpu.memory_space<vmem>>
            %gather3A_170 = tpu.vector_load_idx %gather3A_169[%add3A_166, %select_n3A_163] masked %and3A_144 : memref<64x256xf32, #tpu.memory_space<vmem>>[vector<16xi32>, vector<16xi32>], vector<16xf32>, vector<16xi1>
            %add3A_171 = arith.constant 0 : i32
            %add3A_172 = vector.broadcast %add3A_171 : i32 to vector<16xi32>
            %add3A_173 = arith.addi %broadcast_in_dim3A_11, %add3A_172 : vector<16xi32>
            tpu.vector_store_idx %arg12[%add3A_132, %add3A_173], %gather3A_170 masked %and3A_144 : memref<672x128xf32, #tpu.memory_space<vmem>>[vector<16xi32>, vector<16xi32>], vector<16xf32>, vector<16xi1>
            %add3A_174 = arith.constant 1 : i32
            %add3A_175 = vector.broadcast %add3A_174 : i32 to vector<16xi32>
            %add3A_176 = arith.addi %broadcast_in_dim3A_11, %add3A_175 : vector<16xi32>
            %gather3A_177 = arith.constant 0 : i32
            %gather3A_178 = arith.constant 0 : i32
            %gather3A_179 = tpu.memref_slice %arg10[%scan3A_57, %gather3A_177, %gather3A_178] : memref<2x64x256xf32, #tpu.memory_space<vmem>> -> memref<1x64x256xf32, #tpu.memory_space<vmem>>
            %gather3A_180 = tpu.memref_squeeze %gather3A_179 : memref<1x64x256xf32, #tpu.memory_space<vmem>> -> memref<64x256xf32, #tpu.memory_space<vmem>>
            %gather3A_181 = tpu.vector_load_idx %gather3A_180[%add3A_176, %select_n3A_163] masked %and3A_144 : memref<64x256xf32, #tpu.memory_space<vmem>>[vector<16xi32>, vector<16xi32>], vector<16xf32>, vector<16xi1>
            %add3A_182 = arith.constant 1 : i32
            %add3A_183 = vector.broadcast %add3A_182 : i32 to vector<16xi32>
            %add3A_184 = arith.addi %broadcast_in_dim3A_11, %add3A_183 : vector<16xi32>
            tpu.vector_store_idx %arg12[%add3A_132, %add3A_184], %gather3A_181 masked %and3A_144 : memref<672x128xf32, #tpu.memory_space<vmem>>[vector<16xi32>, vector<16xi32>], vector<16xf32>, vector<16xi1>
            %add3A_185 = arith.constant 2 : i32
            %add3A_186 = vector.broadcast %add3A_185 : i32 to vector<16xi32>
            %add3A_187 = arith.addi %broadcast_in_dim3A_11, %add3A_186 : vector<16xi32>
            %gather3A_188 = arith.constant 0 : i32
            %gather3A_189 = arith.constant 0 : i32
            %gather3A_190 = tpu.memref_slice %arg10[%scan3A_57, %gather3A_188, %gather3A_189] : memref<2x64x256xf32, #tpu.memory_space<vmem>> -> memref<1x64x256xf32, #tpu.memory_space<vmem>>
            %gather3A_191 = tpu.memref_squeeze %gather3A_190 : memref<1x64x256xf32, #tpu.memory_space<vmem>> -> memref<64x256xf32, #tpu.memory_space<vmem>>
            %gather3A_192 = tpu.vector_load_idx %gather3A_191[%add3A_187, %select_n3A_163] masked %and3A_144 : memref<64x256xf32, #tpu.memory_space<vmem>>[vector<16xi32>, vector<16xi32>], vector<16xf32>, vector<16xi1>
            %add3A_193 = arith.constant 2 : i32
            %add3A_194 = vector.broadcast %add3A_193 : i32 to vector<16xi32>
            %add3A_195 = arith.addi %broadcast_in_dim3A_11, %add3A_194 : vector<16xi32>
            tpu.vector_store_idx %arg12[%add3A_132, %add3A_195], %gather3A_192 masked %and3A_144 : memref<672x128xf32, #tpu.memory_space<vmem>>[vector<16xi32>, vector<16xi32>], vector<16xf32>, vector<16xi1>
            %add3A_196 = arith.constant 3 : i32
            %add3A_197 = vector.broadcast %add3A_196 : i32 to vector<16xi32>
            %add3A_198 = arith.addi %broadcast_in_dim3A_11, %add3A_197 : vector<16xi32>
            %gather3A_199 = arith.constant 0 : i32
            %gather3A_200 = arith.constant 0 : i32
            %gather3A_201 = tpu.memref_slice %arg10[%scan3A_57, %gather3A_199, %gather3A_200] : memref<2x64x256xf32, #tpu.memory_space<vmem>> -> memref<1x64x256xf32, #tpu.memory_space<vmem>>
            %gather3A_202 = tpu.memref_squeeze %gather3A_201 : memref<1x64x256xf32, #tpu.memory_space<vmem>> -> memref<64x256xf32, #tpu.memory_space<vmem>>
            %gather3A_203 = tpu.vector_load_idx %gather3A_202[%add3A_198, %select_n3A_163] masked %and3A_144 : memref<64x256xf32, #tpu.memory_space<vmem>>[vector<16xi32>, vector<16xi32>], vector<16xf32>, vector<16xi1>
            %add3A_204 = arith.constant 3 : i32
            %add3A_205 = vector.broadcast %add3A_204 : i32 to vector<16xi32>
            %add3A_206 = arith.addi %broadcast_in_dim3A_11, %add3A_205 : vector<16xi32>
            tpu.vector_store_idx %arg12[%add3A_132, %add3A_206], %gather3A_203 masked %and3A_144 : memref<672x128xf32, #tpu.memory_space<vmem>>[vector<16xi32>, vector<16xi32>], vector<16xf32>, vector<16xi1>
            %add3A_207 = arith.constant 4 : i32
            %add3A_208 = vector.broadcast %add3A_207 : i32 to vector<16xi32>
            %add3A_209 = arith.addi %broadcast_in_dim3A_11, %add3A_208 : vector<16xi32>
            %gather3A_210 = arith.constant 0 : i32
            %gather3A_211 = arith.constant 0 : i32
            %gather3A_212 = tpu.memref_slice %arg10[%scan3A_57, %gather3A_210, %gather3A_211] : memref<2x64x256xf32, #tpu.memory_space<vmem>> -> memref<1x64x256xf32, #tpu.memory_space<vmem>>
            %gather3A_213 = tpu.memref_squeeze %gather3A_212 : memref<1x64x256xf32, #tpu.memory_space<vmem>> -> memref<64x256xf32, #tpu.memory_space<vmem>>
            %gather3A_214 = tpu.vector_load_idx %gather3A_213[%add3A_209, %select_n3A_163] masked %and3A_144 : memref<64x256xf32, #tpu.memory_space<vmem>>[vector<16xi32>, vector<16xi32>], vector<16xf32>, vector<16xi1>
            %add3A_215 = arith.constant 4 : i32
            %add3A_216 = vector.broadcast %add3A_215 : i32 to vector<16xi32>
            %add3A_217 = arith.addi %broadcast_in_dim3A_11, %add3A_216 : vector<16xi32>
            tpu.vector_store_idx %arg12[%add3A_132, %add3A_217], %gather3A_214 masked %and3A_144 : memref<672x128xf32, #tpu.memory_space<vmem>>[vector<16xi32>, vector<16xi32>], vector<16xf32>, vector<16xi1>
            %add3A_218 = arith.constant 5 : i32
            %add3A_219 = vector.broadcast %add3A_218 : i32 to vector<16xi32>
            %add3A_220 = arith.addi %broadcast_in_dim3A_11, %add3A_219 : vector<16xi32>
            %gather3A_221 = arith.constant 0 : i32
            %gather3A_222 = arith.constant 0 : i32
            %gather3A_223 = tpu.memref_slice %arg10[%scan3A_57, %gather3A_221, %gather3A_222] : memref<2x64x256xf32, #tpu.memory_space<vmem>> -> memref<1x64x256xf32, #tpu.memory_space<vmem>>
            %gather3A_224 = tpu.memref_squeeze %gather3A_223 : memref<1x64x256xf32, #tpu.memory_space<vmem>> -> memref<64x256xf32, #tpu.memory_space<vmem>>
            %gather3A_225 = tpu.vector_load_idx %gather3A_224[%add3A_220, %select_n3A_163] masked %and3A_144 : memref<64x256xf32, #tpu.memory_space<vmem>>[vector<16xi32>, vector<16xi32>], vector<16xf32>, vector<16xi1>
            %add3A_226 = arith.constant 5 : i32
            %add3A_227 = vector.broadcast %add3A_226 : i32 to vector<16xi32>
            %add3A_228 = arith.addi %broadcast_in_dim3A_11, %add3A_227 : vector<16xi32>
            tpu.vector_store_idx %arg12[%add3A_132, %add3A_228], %gather3A_225 masked %and3A_144 : memref<672x128xf32, #tpu.memory_space<vmem>>[vector<16xi32>, vector<16xi32>], vector<16xf32>, vector<16xi1>
            %add3A_229 = arith.constant 6 : i32
            %add3A_230 = vector.broadcast %add3A_229 : i32 to vector<16xi32>
            %add3A_231 = arith.addi %broadcast_in_dim3A_11, %add3A_230 : vector<16xi32>
            %gather3A_232 = arith.constant 0 : i32
            %gather3A_233 = arith.constant 0 : i32
            %gather3A_234 = tpu.memref_slice %arg10[%scan3A_57, %gather3A_232, %gather3A_233] : memref<2x64x256xf32, #tpu.memory_space<vmem>> -> memref<1x64x256xf32, #tpu.memory_space<vmem>>
            %gather3A_235 = tpu.memref_squeeze %gather3A_234 : memref<1x64x256xf32, #tpu.memory_space<vmem>> -> memref<64x256xf32, #tpu.memory_space<vmem>>
            %gather3A_236 = tpu.vector_load_idx %gather3A_235[%add3A_231, %select_n3A_163] masked %and3A_144 : memref<64x256xf32, #tpu.memory_space<vmem>>[vector<16xi32>, vector<16xi32>], vector<16xf32>, vector<16xi1>
            %add3A_237 = arith.constant 6 : i32
            %add3A_238 = vector.broadcast %add3A_237 : i32 to vector<16xi32>
            %add3A_239 = arith.addi %broadcast_in_dim3A_11, %add3A_238 : vector<16xi32>
            tpu.vector_store_idx %arg12[%add3A_132, %add3A_239], %gather3A_236 masked %and3A_144 : memref<672x128xf32, #tpu.memory_space<vmem>>[vector<16xi32>, vector<16xi32>], vector<16xf32>, vector<16xi1>
            %add3A_240 = arith.constant 7 : i32
            %add3A_241 = vector.broadcast %add3A_240 : i32 to vector<16xi32>
            %add3A_242 = arith.addi %broadcast_in_dim3A_11, %add3A_241 : vector<16xi32>
            %gather3A_243 = arith.constant 0 : i32
            %gather3A_244 = arith.constant 0 : i32
            %gather3A_245 = tpu.memref_slice %arg10[%scan3A_57, %gather3A_243, %gather3A_244] : memref<2x64x256xf32, #tpu.memory_space<vmem>> -> memref<1x64x256xf32, #tpu.memory_space<vmem>>
            %gather3A_246 = tpu.memref_squeeze %gather3A_245 : memref<1x64x256xf32, #tpu.memory_space<vmem>> -> memref<64x256xf32, #tpu.memory_space<vmem>>
            %gather3A_247 = tpu.vector_load_idx %gather3A_246[%add3A_242, %select_n3A_163] masked %and3A_144 : memref<64x256xf32, #tpu.memory_space<vmem>>[vector<16xi32>, vector<16xi32>], vector<16xf32>, vector<16xi1>
            %add3A_248 = arith.constant 7 : i32
            %add3A_249 = vector.broadcast %add3A_248 : i32 to vector<16xi32>
            %add3A_250 = arith.addi %broadcast_in_dim3A_11, %add3A_249 : vector<16xi32>
            tpu.vector_store_idx %arg12[%add3A_132, %add3A_250], %gather3A_247 masked %and3A_144 : memref<672x128xf32, #tpu.memory_space<vmem>>[vector<16xi32>, vector<16xi32>], vector<16xf32>, vector<16xi1>
            %add3A_251 = arith.constant 8 : i32
            %add3A_252 = vector.broadcast %add3A_251 : i32 to vector<16xi32>
            %add3A_253 = arith.addi %broadcast_in_dim3A_11, %add3A_252 : vector<16xi32>
            %gather3A_254 = arith.constant 0 : i32
            %gather3A_255 = arith.constant 0 : i32
            %gather3A_256 = tpu.memref_slice %arg10[%scan3A_57, %gather3A_254, %gather3A_255] : memref<2x64x256xf32, #tpu.memory_space<vmem>> -> memref<1x64x256xf32, #tpu.memory_space<vmem>>
            %gather3A_257 = tpu.memref_squeeze %gather3A_256 : memref<1x64x256xf32, #tpu.memory_space<vmem>> -> memref<64x256xf32, #tpu.memory_space<vmem>>
            %gather3A_258 = tpu.vector_load_idx %gather3A_257[%add3A_253, %select_n3A_163] masked %and3A_144 : memref<64x256xf32, #tpu.memory_space<vmem>>[vector<16xi32>, vector<16xi32>], vector<16xf32>, vector<16xi1>
            %add3A_259 = arith.constant 8 : i32
            %add3A_260 = vector.broadcast %add3A_259 : i32 to vector<16xi32>
            %add3A_261 = arith.addi %broadcast_in_dim3A_11, %add3A_260 : vector<16xi32>
            tpu.vector_store_idx %arg12[%add3A_132, %add3A_261], %gather3A_258 masked %and3A_144 : memref<672x128xf32, #tpu.memory_space<vmem>>[vector<16xi32>, vector<16xi32>], vector<16xf32>, vector<16xi1>
            %add3A_262 = arith.constant 9 : i32
            %add3A_263 = vector.broadcast %add3A_262 : i32 to vector<16xi32>
            %add3A_264 = arith.addi %broadcast_in_dim3A_11, %add3A_263 : vector<16xi32>
            %gather3A_265 = arith.constant 0 : i32
            %gather3A_266 = arith.constant 0 : i32
            %gather3A_267 = tpu.memref_slice %arg10[%scan3A_57, %gather3A_265, %gather3A_266] : memref<2x64x256xf32, #tpu.memory_space<vmem>> -> memref<1x64x256xf32, #tpu.memory_space<vmem>>
            %gather3A_268 = tpu.memref_squeeze %gather3A_267 : memref<1x64x256xf32, #tpu.memory_space<vmem>> -> memref<64x256xf32, #tpu.memory_space<vmem>>
            %gather3A_269 = tpu.vector_load_idx %gather3A_268[%add3A_264, %select_n3A_163] masked %and3A_144 : memref<64x256xf32, #tpu.memory_space<vmem>>[vector<16xi32>, vector<16xi32>], vector<16xf32>, vector<16xi1>
            %add3A_270 = arith.constant 9 : i32
            %add3A_271 = vector.broadcast %add3A_270 : i32 to vector<16xi32>
            %add3A_272 = arith.addi %broadcast_in_dim3A_11, %add3A_271 : vector<16xi32>
            tpu.vector_store_idx %arg12[%add3A_132, %add3A_272], %gather3A_269 masked %and3A_144 : memref<672x128xf32, #tpu.memory_space<vmem>>[vector<16xi32>, vector<16xi32>], vector<16xf32>, vector<16xi1>
            %add3A_273 = arith.constant 10 : i32
            %add3A_274 = vector.broadcast %add3A_273 : i32 to vector<16xi32>
            %add3A_275 = arith.addi %broadcast_in_dim3A_11, %add3A_274 : vector<16xi32>
            %gather3A_276 = arith.constant 0 : i32
            %gather3A_277 = arith.constant 0 : i32
            %gather3A_278 = tpu.memref_slice %arg10[%scan3A_57, %gather3A_276, %gather3A_277] : memref<2x64x256xf32, #tpu.memory_space<vmem>> -> memref<1x64x256xf32, #tpu.memory_space<vmem>>
            %gather3A_279 = tpu.memref_squeeze %gather3A_278 : memref<1x64x256xf32, #tpu.memory_space<vmem>> -> memref<64x256xf32, #tpu.memory_space<vmem>>
            %gather3A_280 = tpu.vector_load_idx %gather3A_279[%add3A_275, %select_n3A_163] masked %and3A_144 : memref<64x256xf32, #tpu.memory_space<vmem>>[vector<16xi32>, vector<16xi32>], vector<16xf32>, vector<16xi1>
            %add3A_281 = arith.constant 10 : i32
            %add3A_282 = vector.broadcast %add3A_281 : i32 to vector<16xi32>
            %add3A_283 = arith.addi %broadcast_in_dim3A_11, %add3A_282 : vector<16xi32>
            tpu.vector_store_idx %arg12[%add3A_132, %add3A_283], %gather3A_280 masked %and3A_144 : memref<672x128xf32, #tpu.memory_space<vmem>>[vector<16xi32>, vector<16xi32>], vector<16xf32>, vector<16xi1>
            %add3A_284 = arith.constant 11 : i32
            %add3A_285 = vector.broadcast %add3A_284 : i32 to vector<16xi32>
            %add3A_286 = arith.addi %broadcast_in_dim3A_11, %add3A_285 : vector<16xi32>
            %gather3A_287 = arith.constant 0 : i32
            %gather3A_288 = arith.constant 0 : i32
            %gather3A_289 = tpu.memref_slice %arg10[%scan3A_57, %gather3A_287, %gather3A_288] : memref<2x64x256xf32, #tpu.memory_space<vmem>> -> memref<1x64x256xf32, #tpu.memory_space<vmem>>
            %gather3A_290 = tpu.memref_squeeze %gather3A_289 : memref<1x64x256xf32, #tpu.memory_space<vmem>> -> memref<64x256xf32, #tpu.memory_space<vmem>>
            %gather3A_291 = tpu.vector_load_idx %gather3A_290[%add3A_286, %select_n3A_163] masked %and3A_144 : memref<64x256xf32, #tpu.memory_space<vmem>>[vector<16xi32>, vector<16xi32>], vector<16xf32>, vector<16xi1>
            %add3A_292 = arith.constant 11 : i32
            %add3A_293 = vector.broadcast %add3A_292 : i32 to vector<16xi32>
            %add3A_294 = arith.addi %broadcast_in_dim3A_11, %add3A_293 : vector<16xi32>
            tpu.vector_store_idx %arg12[%add3A_132, %add3A_294], %gather3A_291 masked %and3A_144 : memref<672x128xf32, #tpu.memory_space<vmem>>[vector<16xi32>, vector<16xi32>], vector<16xf32>, vector<16xi1>
            %add3A_295 = arith.constant 12 : i32
            %add3A_296 = vector.broadcast %add3A_295 : i32 to vector<16xi32>
            %add3A_297 = arith.addi %broadcast_in_dim3A_11, %add3A_296 : vector<16xi32>
            %gather3A_298 = arith.constant 0 : i32
            %gather3A_299 = arith.constant 0 : i32
            %gather3A_300 = tpu.memref_slice %arg10[%scan3A_57, %gather3A_298, %gather3A_299] : memref<2x64x256xf32, #tpu.memory_space<vmem>> -> memref<1x64x256xf32, #tpu.memory_space<vmem>>
            %gather3A_301 = tpu.memref_squeeze %gather3A_300 : memref<1x64x256xf32, #tpu.memory_space<vmem>> -> memref<64x256xf32, #tpu.memory_space<vmem>>
            %gather3A_302 = tpu.vector_load_idx %gather3A_301[%add3A_297, %select_n3A_163] masked %and3A_144 : memref<64x256xf32, #tpu.memory_space<vmem>>[vector<16xi32>, vector<16xi32>], vector<16xf32>, vector<16xi1>
            %add3A_303 = arith.constant 12 : i32
            %add3A_304 = vector.broadcast %add3A_303 : i32 to vector<16xi32>
            %add3A_305 = arith.addi %broadcast_in_dim3A_11, %add3A_304 : vector<16xi32>
            tpu.vector_store_idx %arg12[%add3A_132, %add3A_305], %gather3A_302 masked %and3A_144 : memref<672x128xf32, #tpu.memory_space<vmem>>[vector<16xi32>, vector<16xi32>], vector<16xf32>, vector<16xi1>
            %add3A_306 = arith.constant 13 : i32
            %add3A_307 = vector.broadcast %add3A_306 : i32 to vector<16xi32>
            %add3A_308 = arith.addi %broadcast_in_dim3A_11, %add3A_307 : vector<16xi32>
            %gather3A_309 = arith.constant 0 : i32
            %gather3A_310 = arith.constant 0 : i32
            %gather3A_311 = tpu.memref_slice %arg10[%scan3A_57, %gather3A_309, %gather3A_310] : memref<2x64x256xf32, #tpu.memory_space<vmem>> -> memref<1x64x256xf32, #tpu.memory_space<vmem>>
            %gather3A_312 = tpu.memref_squeeze %gather3A_311 : memref<1x64x256xf32, #tpu.memory_space<vmem>> -> memref<64x256xf32, #tpu.memory_space<vmem>>
            %gather3A_313 = tpu.vector_load_idx %gather3A_312[%add3A_308, %select_n3A_163] masked %and3A_144 : memref<64x256xf32, #tpu.memory_space<vmem>>[vector<16xi32>, vector<16xi32>], vector<16xf32>, vector<16xi1>
            %add3A_314 = arith.constant 13 : i32
            %add3A_315 = vector.broadcast %add3A_314 : i32 to vector<16xi32>
            %add3A_316 = arith.addi %broadcast_in_dim3A_11, %add3A_315 : vector<16xi32>
            tpu.vector_store_idx %arg12[%add3A_132, %add3A_316], %gather3A_313 masked %and3A_144 : memref<672x128xf32, #tpu.memory_space<vmem>>[vector<16xi32>, vector<16xi32>], vector<16xf32>, vector<16xi1>
            %add3A_317 = arith.constant 14 : i32
            %add3A_318 = vector.broadcast %add3A_317 : i32 to vector<16xi32>
            %add3A_319 = arith.addi %broadcast_in_dim3A_11, %add3A_318 : vector<16xi32>
            %gather3A_320 = arith.constant 0 : i32
            %gather3A_321 = arith.constant 0 : i32
            %gather3A_322 = tpu.memref_slice %arg10[%scan3A_57, %gather3A_320, %gather3A_321] : memref<2x64x256xf32, #tpu.memory_space<vmem>> -> memref<1x64x256xf32, #tpu.memory_space<vmem>>
            %gather3A_323 = tpu.memref_squeeze %gather3A_322 : memref<1x64x256xf32, #tpu.memory_space<vmem>> -> memref<64x256xf32, #tpu.memory_space<vmem>>
            %gather3A_324 = tpu.vector_load_idx %gather3A_323[%add3A_319, %select_n3A_163] masked %and3A_144 : memref<64x256xf32, #tpu.memory_space<vmem>>[vector<16xi32>, vector<16xi32>], vector<16xf32>, vector<16xi1>
            %add3A_325 = arith.constant 14 : i32
            %add3A_326 = vector.broadcast %add3A_325 : i32 to vector<16xi32>
            %add3A_327 = arith.addi %broadcast_in_dim3A_11, %add3A_326 : vector<16xi32>
            tpu.vector_store_idx %arg12[%add3A_132, %add3A_327], %gather3A_324 masked %and3A_144 : memref<672x128xf32, #tpu.memory_space<vmem>>[vector<16xi32>, vector<16xi32>], vector<16xf32>, vector<16xi1>
            %add3A_328 = arith.constant 15 : i32
            %add3A_329 = vector.broadcast %add3A_328 : i32 to vector<16xi32>
            %add3A_330 = arith.addi %broadcast_in_dim3A_11, %add3A_329 : vector<16xi32>
            %gather3A_331 = arith.constant 0 : i32
            %gather3A_332 = arith.constant 0 : i32
            %gather3A_333 = tpu.memref_slice %arg10[%scan3A_57, %gather3A_331, %gather3A_332] : memref<2x64x256xf32, #tpu.memory_space<vmem>> -> memref<1x64x256xf32, #tpu.memory_space<vmem>>
            %gather3A_334 = tpu.memref_squeeze %gather3A_333 : memref<1x64x256xf32, #tpu.memory_space<vmem>> -> memref<64x256xf32, #tpu.memory_space<vmem>>
            %gather3A_335 = tpu.vector_load_idx %gather3A_334[%add3A_330, %select_n3A_163] masked %and3A_144 : memref<64x256xf32, #tpu.memory_space<vmem>>[vector<16xi32>, vector<16xi32>], vector<16xf32>, vector<16xi1>
            %add3A_336 = arith.constant 15 : i32
            %add3A_337 = vector.broadcast %add3A_336 : i32 to vector<16xi32>
            %add3A_338 = arith.addi %broadcast_in_dim3A_11, %add3A_337 : vector<16xi32>
            tpu.vector_store_idx %arg12[%add3A_132, %add3A_338], %gather3A_335 masked %and3A_144 : memref<672x128xf32, #tpu.memory_space<vmem>>[vector<16xi32>, vector<16xi32>], vector<16xf32>, vector<16xi1>
            %add3A_339 = arith.constant 16 : i32
            %add3A_340 = vector.broadcast %add3A_339 : i32 to vector<16xi32>
            %add3A_341 = arith.addi %broadcast_in_dim3A_11, %add3A_340 : vector<16xi32>
            %gather3A_342 = arith.constant 0 : i32
            %gather3A_343 = arith.constant 0 : i32
            %gather3A_344 = tpu.memref_slice %arg10[%scan3A_57, %gather3A_342, %gather3A_343] : memref<2x64x256xf32, #tpu.memory_space<vmem>> -> memref<1x64x256xf32, #tpu.memory_space<vmem>>
            %gather3A_345 = tpu.memref_squeeze %gather3A_344 : memref<1x64x256xf32, #tpu.memory_space<vmem>> -> memref<64x256xf32, #tpu.memory_space<vmem>>
            %gather3A_346 = tpu.vector_load_idx %gather3A_345[%add3A_341, %select_n3A_163] masked %and3A_144 : memref<64x256xf32, #tpu.memory_space<vmem>>[vector<16xi32>, vector<16xi32>], vector<16xf32>, vector<16xi1>
            %add3A_347 = arith.constant 16 : i32
            %add3A_348 = vector.broadcast %add3A_347 : i32 to vector<16xi32>
            %add3A_349 = arith.addi %broadcast_in_dim3A_11, %add3A_348 : vector<16xi32>
            tpu.vector_store_idx %arg12[%add3A_132, %add3A_349], %gather3A_346 masked %and3A_144 : memref<672x128xf32, #tpu.memory_space<vmem>>[vector<16xi32>, vector<16xi32>], vector<16xf32>, vector<16xi1>
            %add3A_350 = arith.constant 17 : i32
            %add3A_351 = vector.broadcast %add3A_350 : i32 to vector<16xi32>
            %add3A_352 = arith.addi %broadcast_in_dim3A_11, %add3A_351 : vector<16xi32>
            %gather3A_353 = arith.constant 0 : i32
            %gather3A_354 = arith.constant 0 : i32
            %gather3A_355 = tpu.memref_slice %arg10[%scan3A_57, %gather3A_353, %gather3A_354] : memref<2x64x256xf32, #tpu.memory_space<vmem>> -> memref<1x64x256xf32, #tpu.memory_space<vmem>>
            %gather3A_356 = tpu.memref_squeeze %gather3A_355 : memref<1x64x256xf32, #tpu.memory_space<vmem>> -> memref<64x256xf32, #tpu.memory_space<vmem>>
            %gather3A_357 = tpu.vector_load_idx %gather3A_356[%add3A_352, %select_n3A_163] masked %and3A_144 : memref<64x256xf32, #tpu.memory_space<vmem>>[vector<16xi32>, vector<16xi32>], vector<16xf32>, vector<16xi1>
            %add3A_358 = arith.constant 17 : i32
            %add3A_359 = vector.broadcast %add3A_358 : i32 to vector<16xi32>
            %add3A_360 = arith.addi %broadcast_in_dim3A_11, %add3A_359 : vector<16xi32>
            tpu.vector_store_idx %arg12[%add3A_132, %add3A_360], %gather3A_357 masked %and3A_144 : memref<672x128xf32, #tpu.memory_space<vmem>>[vector<16xi32>, vector<16xi32>], vector<16xf32>, vector<16xi1>
            %add3A_361 = arith.constant 18 : i32
            %add3A_362 = vector.broadcast %add3A_361 : i32 to vector<16xi32>
            %add3A_363 = arith.addi %broadcast_in_dim3A_11, %add3A_362 : vector<16xi32>
            %gather3A_364 = arith.constant 0 : i32
            %gather3A_365 = arith.constant 0 : i32
            %gather3A_366 = tpu.memref_slice %arg10[%scan3A_57, %gather3A_364, %gather3A_365] : memref<2x64x256xf32, #tpu.memory_space<vmem>> -> memref<1x64x256xf32, #tpu.memory_space<vmem>>
            %gather3A_367 = tpu.memref_squeeze %gather3A_366 : memref<1x64x256xf32, #tpu.memory_space<vmem>> -> memref<64x256xf32, #tpu.memory_space<vmem>>
            %gather3A_368 = tpu.vector_load_idx %gather3A_367[%add3A_363, %select_n3A_163] masked %and3A_144 : memref<64x256xf32, #tpu.memory_space<vmem>>[vector<16xi32>, vector<16xi32>], vector<16xf32>, vector<16xi1>
            %add3A_369 = arith.constant 18 : i32
            %add3A_370 = vector.broadcast %add3A_369 : i32 to vector<16xi32>
            %add3A_371 = arith.addi %broadcast_in_dim3A_11, %add3A_370 : vector<16xi32>
            tpu.vector_store_idx %arg12[%add3A_132, %add3A_371], %gather3A_368 masked %and3A_144 : memref<672x128xf32, #tpu.memory_space<vmem>>[vector<16xi32>, vector<16xi32>], vector<16xf32>, vector<16xi1>
            %add3A_372 = arith.constant 19 : i32
            %add3A_373 = vector.broadcast %add3A_372 : i32 to vector<16xi32>
            %add3A_374 = arith.addi %broadcast_in_dim3A_11, %add3A_373 : vector<16xi32>
            %gather3A_375 = arith.constant 0 : i32
            %gather3A_376 = arith.constant 0 : i32
            %gather3A_377 = tpu.memref_slice %arg10[%scan3A_57, %gather3A_375, %gather3A_376] : memref<2x64x256xf32, #tpu.memory_space<vmem>> -> memref<1x64x256xf32, #tpu.memory_space<vmem>>
            %gather3A_378 = tpu.memref_squeeze %gather3A_377 : memref<1x64x256xf32, #tpu.memory_space<vmem>> -> memref<64x256xf32, #tpu.memory_space<vmem>>
            %gather3A_379 = tpu.vector_load_idx %gather3A_378[%add3A_374, %select_n3A_163] masked %and3A_144 : memref<64x256xf32, #tpu.memory_space<vmem>>[vector<16xi32>, vector<16xi32>], vector<16xf32>, vector<16xi1>
            %add3A_380 = arith.constant 19 : i32
            %add3A_381 = vector.broadcast %add3A_380 : i32 to vector<16xi32>
            %add3A_382 = arith.addi %broadcast_in_dim3A_11, %add3A_381 : vector<16xi32>
            tpu.vector_store_idx %arg12[%add3A_132, %add3A_382], %gather3A_379 masked %and3A_144 : memref<672x128xf32, #tpu.memory_space<vmem>>[vector<16xi32>, vector<16xi32>], vector<16xf32>, vector<16xi1>
            %add3A_383 = arith.constant 20 : i32
            %add3A_384 = vector.broadcast %add3A_383 : i32 to vector<16xi32>
            %add3A_385 = arith.addi %broadcast_in_dim3A_11, %add3A_384 : vector<16xi32>
            %gather3A_386 = arith.constant 0 : i32
            %gather3A_387 = arith.constant 0 : i32
            %gather3A_388 = tpu.memref_slice %arg10[%scan3A_57, %gather3A_386, %gather3A_387] : memref<2x64x256xf32, #tpu.memory_space<vmem>> -> memref<1x64x256xf32, #tpu.memory_space<vmem>>
            %gather3A_389 = tpu.memref_squeeze %gather3A_388 : memref<1x64x256xf32, #tpu.memory_space<vmem>> -> memref<64x256xf32, #tpu.memory_space<vmem>>
            %gather3A_390 = tpu.vector_load_idx %gather3A_389[%add3A_385, %select_n3A_163] masked %and3A_144 : memref<64x256xf32, #tpu.memory_space<vmem>>[vector<16xi32>, vector<16xi32>], vector<16xf32>, vector<16xi1>
            %add3A_391 = arith.constant 20 : i32
            %add3A_392 = vector.broadcast %add3A_391 : i32 to vector<16xi32>
            %add3A_393 = arith.addi %broadcast_in_dim3A_11, %add3A_392 : vector<16xi32>
            tpu.vector_store_idx %arg12[%add3A_132, %add3A_393], %gather3A_390 masked %and3A_144 : memref<672x128xf32, #tpu.memory_space<vmem>>[vector<16xi32>, vector<16xi32>], vector<16xf32>, vector<16xi1>
            %add3A_394 = arith.constant 21 : i32
            %add3A_395 = vector.broadcast %add3A_394 : i32 to vector<16xi32>
            %add3A_396 = arith.addi %broadcast_in_dim3A_11, %add3A_395 : vector<16xi32>
            %gather3A_397 = arith.constant 0 : i32
            %gather3A_398 = arith.constant 0 : i32
            %gather3A_399 = tpu.memref_slice %arg10[%scan3A_57, %gather3A_397, %gather3A_398] : memref<2x64x256xf32, #tpu.memory_space<vmem>> -> memref<1x64x256xf32, #tpu.memory_space<vmem>>
            %gather3A_400 = tpu.memref_squeeze %gather3A_399 : memref<1x64x256xf32, #tpu.memory_space<vmem>> -> memref<64x256xf32, #tpu.memory_space<vmem>>
            %gather3A_401 = tpu.vector_load_idx %gather3A_400[%add3A_396, %select_n3A_163] masked %and3A_144 : memref<64x256xf32, #tpu.memory_space<vmem>>[vector<16xi32>, vector<16xi32>], vector<16xf32>, vector<16xi1>
            %add3A_402 = arith.constant 21 : i32
            %add3A_403 = vector.broadcast %add3A_402 : i32 to vector<16xi32>
            %add3A_404 = arith.addi %broadcast_in_dim3A_11, %add3A_403 : vector<16xi32>
            tpu.vector_store_idx %arg12[%add3A_132, %add3A_404], %gather3A_401 masked %and3A_144 : memref<672x128xf32, #tpu.memory_space<vmem>>[vector<16xi32>, vector<16xi32>], vector<16xf32>, vector<16xi1>
            %add3A_405 = arith.constant 22 : i32
            %add3A_406 = vector.broadcast %add3A_405 : i32 to vector<16xi32>
            %add3A_407 = arith.addi %broadcast_in_dim3A_11, %add3A_406 : vector<16xi32>
            %gather3A_408 = arith.constant 0 : i32
            %gather3A_409 = arith.constant 0 : i32
            %gather3A_410 = tpu.memref_slice %arg10[%scan3A_57, %gather3A_408, %gather3A_409] : memref<2x64x256xf32, #tpu.memory_space<vmem>> -> memref<1x64x256xf32, #tpu.memory_space<vmem>>
            %gather3A_411 = tpu.memref_squeeze %gather3A_410 : memref<1x64x256xf32, #tpu.memory_space<vmem>> -> memref<64x256xf32, #tpu.memory_space<vmem>>
            %gather3A_412 = tpu.vector_load_idx %gather3A_411[%add3A_407, %select_n3A_163] masked %and3A_144 : memref<64x256xf32, #tpu.memory_space<vmem>>[vector<16xi32>, vector<16xi32>], vector<16xf32>, vector<16xi1>
            %add3A_413 = arith.constant 22 : i32
            %add3A_414 = vector.broadcast %add3A_413 : i32 to vector<16xi32>
            %add3A_415 = arith.addi %broadcast_in_dim3A_11, %add3A_414 : vector<16xi32>
            tpu.vector_store_idx %arg12[%add3A_132, %add3A_415], %gather3A_412 masked %and3A_144 : memref<672x128xf32, #tpu.memory_space<vmem>>[vector<16xi32>, vector<16xi32>], vector<16xf32>, vector<16xi1>
            %add3A_416 = arith.constant 23 : i32
            %add3A_417 = vector.broadcast %add3A_416 : i32 to vector<16xi32>
            %add3A_418 = arith.addi %broadcast_in_dim3A_11, %add3A_417 : vector<16xi32>
            %gather3A_419 = arith.constant 0 : i32
            %gather3A_420 = arith.constant 0 : i32
            %gather3A_421 = tpu.memref_slice %arg10[%scan3A_57, %gather3A_419, %gather3A_420] : memref<2x64x256xf32, #tpu.memory_space<vmem>> -> memref<1x64x256xf32, #tpu.memory_space<vmem>>
            %gather3A_422 = tpu.memref_squeeze %gather3A_421 : memref<1x64x256xf32, #tpu.memory_space<vmem>> -> memref<64x256xf32, #tpu.memory_space<vmem>>
            %gather3A_423 = tpu.vector_load_idx %gather3A_422[%add3A_418, %select_n3A_163] masked %and3A_144 : memref<64x256xf32, #tpu.memory_space<vmem>>[vector<16xi32>, vector<16xi32>], vector<16xf32>, vector<16xi1>
            %add3A_424 = arith.constant 23 : i32
            %add3A_425 = vector.broadcast %add3A_424 : i32 to vector<16xi32>
            %add3A_426 = arith.addi %broadcast_in_dim3A_11, %add3A_425 : vector<16xi32>
            tpu.vector_store_idx %arg12[%add3A_132, %add3A_426], %gather3A_423 masked %and3A_144 : memref<672x128xf32, #tpu.memory_space<vmem>>[vector<16xi32>, vector<16xi32>], vector<16xf32>, vector<16xi1>
            %add3A_427 = arith.constant 24 : i32
            %add3A_428 = vector.broadcast %add3A_427 : i32 to vector<16xi32>
            %add3A_429 = arith.addi %broadcast_in_dim3A_11, %add3A_428 : vector<16xi32>
            %gather3A_430 = arith.constant 0 : i32
            %gather3A_431 = arith.constant 0 : i32
            %gather3A_432 = tpu.memref_slice %arg10[%scan3A_57, %gather3A_430, %gather3A_431] : memref<2x64x256xf32, #tpu.memory_space<vmem>> -> memref<1x64x256xf32, #tpu.memory_space<vmem>>
            %gather3A_433 = tpu.memref_squeeze %gather3A_432 : memref<1x64x256xf32, #tpu.memory_space<vmem>> -> memref<64x256xf32, #tpu.memory_space<vmem>>
            %gather3A_434 = tpu.vector_load_idx %gather3A_433[%add3A_429, %select_n3A_163] masked %and3A_144 : memref<64x256xf32, #tpu.memory_space<vmem>>[vector<16xi32>, vector<16xi32>], vector<16xf32>, vector<16xi1>
            %add3A_435 = arith.constant 24 : i32
            %add3A_436 = vector.broadcast %add3A_435 : i32 to vector<16xi32>
            %add3A_437 = arith.addi %broadcast_in_dim3A_11, %add3A_436 : vector<16xi32>
            tpu.vector_store_idx %arg12[%add3A_132, %add3A_437], %gather3A_434 masked %and3A_144 : memref<672x128xf32, #tpu.memory_space<vmem>>[vector<16xi32>, vector<16xi32>], vector<16xf32>, vector<16xi1>
            %add3A_438 = arith.constant 25 : i32
            %add3A_439 = vector.broadcast %add3A_438 : i32 to vector<16xi32>
            %add3A_440 = arith.addi %broadcast_in_dim3A_11, %add3A_439 : vector<16xi32>
            %gather3A_441 = arith.constant 0 : i32
            %gather3A_442 = arith.constant 0 : i32
            %gather3A_443 = tpu.memref_slice %arg10[%scan3A_57, %gather3A_441, %gather3A_442] : memref<2x64x256xf32, #tpu.memory_space<vmem>> -> memref<1x64x256xf32, #tpu.memory_space<vmem>>
            %gather3A_444 = tpu.memref_squeeze %gather3A_443 : memref<1x64x256xf32, #tpu.memory_space<vmem>> -> memref<64x256xf32, #tpu.memory_space<vmem>>
            %gather3A_445 = tpu.vector_load_idx %gather3A_444[%add3A_440, %select_n3A_163] masked %and3A_144 : memref<64x256xf32, #tpu.memory_space<vmem>>[vector<16xi32>, vector<16xi32>], vector<16xf32>, vector<16xi1>
            %add3A_446 = arith.constant 25 : i32
            %add3A_447 = vector.broadcast %add3A_446 : i32 to vector<16xi32>
            %add3A_448 = arith.addi %broadcast_in_dim3A_11, %add3A_447 : vector<16xi32>
            tpu.vector_store_idx %arg12[%add3A_132, %add3A_448], %gather3A_445 masked %and3A_144 : memref<672x128xf32, #tpu.memory_space<vmem>>[vector<16xi32>, vector<16xi32>], vector<16xf32>, vector<16xi1>
            %add3A_449 = arith.constant 26 : i32
            %add3A_450 = vector.broadcast %add3A_449 : i32 to vector<16xi32>
            %add3A_451 = arith.addi %broadcast_in_dim3A_11, %add3A_450 : vector<16xi32>
            %gather3A_452 = arith.constant 0 : i32
            %gather3A_453 = arith.constant 0 : i32
            %gather3A_454 = tpu.memref_slice %arg10[%scan3A_57, %gather3A_452, %gather3A_453] : memref<2x64x256xf32, #tpu.memory_space<vmem>> -> memref<1x64x256xf32, #tpu.memory_space<vmem>>
            %gather3A_455 = tpu.memref_squeeze %gather3A_454 : memref<1x64x256xf32, #tpu.memory_space<vmem>> -> memref<64x256xf32, #tpu.memory_space<vmem>>
            %gather3A_456 = tpu.vector_load_idx %gather3A_455[%add3A_451, %select_n3A_163] masked %and3A_144 : memref<64x256xf32, #tpu.memory_space<vmem>>[vector<16xi32>, vector<16xi32>], vector<16xf32>, vector<16xi1>
            %add3A_457 = arith.constant 26 : i32
            %add3A_458 = vector.broadcast %add3A_457 : i32 to vector<16xi32>
            %add3A_459 = arith.addi %broadcast_in_dim3A_11, %add3A_458 : vector<16xi32>
            tpu.vector_store_idx %arg12[%add3A_132, %add3A_459], %gather3A_456 masked %and3A_144 : memref<672x128xf32, #tpu.memory_space<vmem>>[vector<16xi32>, vector<16xi32>], vector<16xf32>, vector<16xi1>
            %add3A_460 = arith.constant 27 : i32
            %add3A_461 = vector.broadcast %add3A_460 : i32 to vector<16xi32>
            %add3A_462 = arith.addi %broadcast_in_dim3A_11, %add3A_461 : vector<16xi32>
            %gather3A_463 = arith.constant 0 : i32
            %gather3A_464 = arith.constant 0 : i32
            %gather3A_465 = tpu.memref_slice %arg10[%scan3A_57, %gather3A_463, %gather3A_464] : memref<2x64x256xf32, #tpu.memory_space<vmem>> -> memref<1x64x256xf32, #tpu.memory_space<vmem>>
            %gather3A_466 = tpu.memref_squeeze %gather3A_465 : memref<1x64x256xf32, #tpu.memory_space<vmem>> -> memref<64x256xf32, #tpu.memory_space<vmem>>
            %gather3A_467 = tpu.vector_load_idx %gather3A_466[%add3A_462, %select_n3A_163] masked %and3A_144 : memref<64x256xf32, #tpu.memory_space<vmem>>[vector<16xi32>, vector<16xi32>], vector<16xf32>, vector<16xi1>
            %add3A_468 = arith.constant 27 : i32
            %add3A_469 = vector.broadcast %add3A_468 : i32 to vector<16xi32>
            %add3A_470 = arith.addi %broadcast_in_dim3A_11, %add3A_469 : vector<16xi32>
            tpu.vector_store_idx %arg12[%add3A_132, %add3A_470], %gather3A_467 masked %and3A_144 : memref<672x128xf32, #tpu.memory_space<vmem>>[vector<16xi32>, vector<16xi32>], vector<16xf32>, vector<16xi1>
            %add3A_471 = arith.constant 28 : i32
            %add3A_472 = vector.broadcast %add3A_471 : i32 to vector<16xi32>
            %add3A_473 = arith.addi %broadcast_in_dim3A_11, %add3A_472 : vector<16xi32>
            %gather3A_474 = arith.constant 0 : i32
            %gather3A_475 = arith.constant 0 : i32
            %gather3A_476 = tpu.memref_slice %arg10[%scan3A_57, %gather3A_474, %gather3A_475] : memref<2x64x256xf32, #tpu.memory_space<vmem>> -> memref<1x64x256xf32, #tpu.memory_space<vmem>>
            %gather3A_477 = tpu.memref_squeeze %gather3A_476 : memref<1x64x256xf32, #tpu.memory_space<vmem>> -> memref<64x256xf32, #tpu.memory_space<vmem>>
            %gather3A_478 = tpu.vector_load_idx %gather3A_477[%add3A_473, %select_n3A_163] masked %and3A_144 : memref<64x256xf32, #tpu.memory_space<vmem>>[vector<16xi32>, vector<16xi32>], vector<16xf32>, vector<16xi1>
            %add3A_479 = arith.constant 28 : i32
            %add3A_480 = vector.broadcast %add3A_479 : i32 to vector<16xi32>
            %add3A_481 = arith.addi %broadcast_in_dim3A_11, %add3A_480 : vector<16xi32>
            tpu.vector_store_idx %arg12[%add3A_132, %add3A_481], %gather3A_478 masked %and3A_144 : memref<672x128xf32, #tpu.memory_space<vmem>>[vector<16xi32>, vector<16xi32>], vector<16xf32>, vector<16xi1>
            %add3A_482 = arith.constant 29 : i32
            %add3A_483 = vector.broadcast %add3A_482 : i32 to vector<16xi32>
            %add3A_484 = arith.addi %broadcast_in_dim3A_11, %add3A_483 : vector<16xi32>
            %gather3A_485 = arith.constant 0 : i32
            %gather3A_486 = arith.constant 0 : i32
            %gather3A_487 = tpu.memref_slice %arg10[%scan3A_57, %gather3A_485, %gather3A_486] : memref<2x64x256xf32, #tpu.memory_space<vmem>> -> memref<1x64x256xf32, #tpu.memory_space<vmem>>
            %gather3A_488 = tpu.memref_squeeze %gather3A_487 : memref<1x64x256xf32, #tpu.memory_space<vmem>> -> memref<64x256xf32, #tpu.memory_space<vmem>>
            %gather3A_489 = tpu.vector_load_idx %gather3A_488[%add3A_484, %select_n3A_163] masked %and3A_144 : memref<64x256xf32, #tpu.memory_space<vmem>>[vector<16xi32>, vector<16xi32>], vector<16xf32>, vector<16xi1>
            %add3A_490 = arith.constant 29 : i32
            %add3A_491 = vector.broadcast %add3A_490 : i32 to vector<16xi32>
            %add3A_492 = arith.addi %broadcast_in_dim3A_11, %add3A_491 : vector<16xi32>
            tpu.vector_store_idx %arg12[%add3A_132, %add3A_492], %gather3A_489 masked %and3A_144 : memref<672x128xf32, #tpu.memory_space<vmem>>[vector<16xi32>, vector<16xi32>], vector<16xf32>, vector<16xi1>
            %add3A_493 = arith.constant 30 : i32
            %add3A_494 = vector.broadcast %add3A_493 : i32 to vector<16xi32>
            %add3A_495 = arith.addi %broadcast_in_dim3A_11, %add3A_494 : vector<16xi32>
            %gather3A_496 = arith.constant 0 : i32
            %gather3A_497 = arith.constant 0 : i32
            %gather3A_498 = tpu.memref_slice %arg10[%scan3A_57, %gather3A_496, %gather3A_497] : memref<2x64x256xf32, #tpu.memory_space<vmem>> -> memref<1x64x256xf32, #tpu.memory_space<vmem>>
            %gather3A_499 = tpu.memref_squeeze %gather3A_498 : memref<1x64x256xf32, #tpu.memory_space<vmem>> -> memref<64x256xf32, #tpu.memory_space<vmem>>
            %gather3A_500 = tpu.vector_load_idx %gather3A_499[%add3A_495, %select_n3A_163] masked %and3A_144 : memref<64x256xf32, #tpu.memory_space<vmem>>[vector<16xi32>, vector<16xi32>], vector<16xf32>, vector<16xi1>
            %add3A_501 = arith.constant 30 : i32
            %add3A_502 = vector.broadcast %add3A_501 : i32 to vector<16xi32>
            %add3A_503 = arith.addi %broadcast_in_dim3A_11, %add3A_502 : vector<16xi32>
            tpu.vector_store_idx %arg12[%add3A_132, %add3A_503], %gather3A_500 masked %and3A_144 : memref<672x128xf32, #tpu.memory_space<vmem>>[vector<16xi32>, vector<16xi32>], vector<16xf32>, vector<16xi1>
            %add3A_504 = arith.constant 31 : i32
            %add3A_505 = vector.broadcast %add3A_504 : i32 to vector<16xi32>
            %add3A_506 = arith.addi %broadcast_in_dim3A_11, %add3A_505 : vector<16xi32>
            %gather3A_507 = arith.constant 0 : i32
            %gather3A_508 = arith.constant 0 : i32
            %gather3A_509 = tpu.memref_slice %arg10[%scan3A_57, %gather3A_507, %gather3A_508] : memref<2x64x256xf32, #tpu.memory_space<vmem>> -> memref<1x64x256xf32, #tpu.memory_space<vmem>>
            %gather3A_510 = tpu.memref_squeeze %gather3A_509 : memref<1x64x256xf32, #tpu.memory_space<vmem>> -> memref<64x256xf32, #tpu.memory_space<vmem>>
            %gather3A_511 = tpu.vector_load_idx %gather3A_510[%add3A_506, %select_n3A_163] masked %and3A_144 : memref<64x256xf32, #tpu.memory_space<vmem>>[vector<16xi32>, vector<16xi32>], vector<16xf32>, vector<16xi1>
            %add3A_512 = arith.constant 31 : i32
            %add3A_513 = vector.broadcast %add3A_512 : i32 to vector<16xi32>
            %add3A_514 = arith.addi %broadcast_in_dim3A_11, %add3A_513 : vector<16xi32>
            tpu.vector_store_idx %arg12[%add3A_132, %add3A_514], %gather3A_511 masked %and3A_144 : memref<672x128xf32, #tpu.memory_space<vmem>>[vector<16xi32>, vector<16xi32>], vector<16xf32>, vector<16xi1>
            %add3A_515 = arith.constant 32 : i32
            %add3A_516 = vector.broadcast %add3A_515 : i32 to vector<16xi32>
            %add3A_517 = arith.addi %broadcast_in_dim3A_11, %add3A_516 : vector<16xi32>
            %gather3A_518 = arith.constant 0 : i32
            %gather3A_519 = arith.constant 0 : i32
            %gather3A_520 = tpu.memref_slice %arg10[%scan3A_57, %gather3A_518, %gather3A_519] : memref<2x64x256xf32, #tpu.memory_space<vmem>> -> memref<1x64x256xf32, #tpu.memory_space<vmem>>
            %gather3A_521 = tpu.memref_squeeze %gather3A_520 : memref<1x64x256xf32, #tpu.memory_space<vmem>> -> memref<64x256xf32, #tpu.memory_space<vmem>>
            %gather3A_522 = tpu.vector_load_idx %gather3A_521[%add3A_517, %select_n3A_163] masked %and3A_144 : memref<64x256xf32, #tpu.memory_space<vmem>>[vector<16xi32>, vector<16xi32>], vector<16xf32>, vector<16xi1>
            %add3A_523 = arith.constant 32 : i32
            %add3A_524 = vector.broadcast %add3A_523 : i32 to vector<16xi32>
            %add3A_525 = arith.addi %broadcast_in_dim3A_11, %add3A_524 : vector<16xi32>
            tpu.vector_store_idx %arg12[%add3A_132, %add3A_525], %gather3A_522 masked %and3A_144 : memref<672x128xf32, #tpu.memory_space<vmem>>[vector<16xi32>, vector<16xi32>], vector<16xf32>, vector<16xi1>
            %add3A_526 = arith.constant 33 : i32
            %add3A_527 = vector.broadcast %add3A_526 : i32 to vector<16xi32>
            %add3A_528 = arith.addi %broadcast_in_dim3A_11, %add3A_527 : vector<16xi32>
            %gather3A_529 = arith.constant 0 : i32
            %gather3A_530 = arith.constant 0 : i32
            %gather3A_531 = tpu.memref_slice %arg10[%scan3A_57, %gather3A_529, %gather3A_530] : memref<2x64x256xf32, #tpu.memory_space<vmem>> -> memref<1x64x256xf32, #tpu.memory_space<vmem>>
            %gather3A_532 = tpu.memref_squeeze %gather3A_531 : memref<1x64x256xf32, #tpu.memory_space<vmem>> -> memref<64x256xf32, #tpu.memory_space<vmem>>
            %gather3A_533 = tpu.vector_load_idx %gather3A_532[%add3A_528, %select_n3A_163] masked %and3A_144 : memref<64x256xf32, #tpu.memory_space<vmem>>[vector<16xi32>, vector<16xi32>], vector<16xf32>, vector<16xi1>
            %add3A_534 = arith.constant 33 : i32
            %add3A_535 = vector.broadcast %add3A_534 : i32 to vector<16xi32>
            %add3A_536 = arith.addi %broadcast_in_dim3A_11, %add3A_535 : vector<16xi32>
            tpu.vector_store_idx %arg12[%add3A_132, %add3A_536], %gather3A_533 masked %and3A_144 : memref<672x128xf32, #tpu.memory_space<vmem>>[vector<16xi32>, vector<16xi32>], vector<16xf32>, vector<16xi1>
            %add3A_537 = arith.constant 34 : i32
            %add3A_538 = vector.broadcast %add3A_537 : i32 to vector<16xi32>
            %add3A_539 = arith.addi %broadcast_in_dim3A_11, %add3A_538 : vector<16xi32>
            %gather3A_540 = arith.constant 0 : i32
            %gather3A_541 = arith.constant 0 : i32
            %gather3A_542 = tpu.memref_slice %arg10[%scan3A_57, %gather3A_540, %gather3A_541] : memref<2x64x256xf32, #tpu.memory_space<vmem>> -> memref<1x64x256xf32, #tpu.memory_space<vmem>>
            %gather3A_543 = tpu.memref_squeeze %gather3A_542 : memref<1x64x256xf32, #tpu.memory_space<vmem>> -> memref<64x256xf32, #tpu.memory_space<vmem>>
            %gather3A_544 = tpu.vector_load_idx %gather3A_543[%add3A_539, %select_n3A_163] masked %and3A_144 : memref<64x256xf32, #tpu.memory_space<vmem>>[vector<16xi32>, vector<16xi32>], vector<16xf32>, vector<16xi1>
            %add3A_545 = arith.constant 34 : i32
            %add3A_546 = vector.broadcast %add3A_545 : i32 to vector<16xi32>
            %add3A_547 = arith.addi %broadcast_in_dim3A_11, %add3A_546 : vector<16xi32>
            tpu.vector_store_idx %arg12[%add3A_132, %add3A_547], %gather3A_544 masked %and3A_144 : memref<672x128xf32, #tpu.memory_space<vmem>>[vector<16xi32>, vector<16xi32>], vector<16xf32>, vector<16xi1>
            %add3A_548 = arith.constant 35 : i32
            %add3A_549 = vector.broadcast %add3A_548 : i32 to vector<16xi32>
            %add3A_550 = arith.addi %broadcast_in_dim3A_11, %add3A_549 : vector<16xi32>
            %gather3A_551 = arith.constant 0 : i32
            %gather3A_552 = arith.constant 0 : i32
            %gather3A_553 = tpu.memref_slice %arg10[%scan3A_57, %gather3A_551, %gather3A_552] : memref<2x64x256xf32, #tpu.memory_space<vmem>> -> memref<1x64x256xf32, #tpu.memory_space<vmem>>
            %gather3A_554 = tpu.memref_squeeze %gather3A_553 : memref<1x64x256xf32, #tpu.memory_space<vmem>> -> memref<64x256xf32, #tpu.memory_space<vmem>>
            %gather3A_555 = tpu.vector_load_idx %gather3A_554[%add3A_550, %select_n3A_163] masked %and3A_144 : memref<64x256xf32, #tpu.memory_space<vmem>>[vector<16xi32>, vector<16xi32>], vector<16xf32>, vector<16xi1>
            %add3A_556 = arith.constant 35 : i32
            %add3A_557 = vector.broadcast %add3A_556 : i32 to vector<16xi32>
            %add3A_558 = arith.addi %broadcast_in_dim3A_11, %add3A_557 : vector<16xi32>
            tpu.vector_store_idx %arg12[%add3A_132, %add3A_558], %gather3A_555 masked %and3A_144 : memref<672x128xf32, #tpu.memory_space<vmem>>[vector<16xi32>, vector<16xi32>], vector<16xf32>, vector<16xi1>
            %add3A_559 = arith.constant 36 : i32
            %add3A_560 = vector.broadcast %add3A_559 : i32 to vector<16xi32>
            %add3A_561 = arith.addi %broadcast_in_dim3A_11, %add3A_560 : vector<16xi32>
            %gather3A_562 = arith.constant 0 : i32
            %gather3A_563 = arith.constant 0 : i32
            %gather3A_564 = tpu.memref_slice %arg10[%scan3A_57, %gather3A_562, %gather3A_563] : memref<2x64x256xf32, #tpu.memory_space<vmem>> -> memref<1x64x256xf32, #tpu.memory_space<vmem>>
            %gather3A_565 = tpu.memref_squeeze %gather3A_564 : memref<1x64x256xf32, #tpu.memory_space<vmem>> -> memref<64x256xf32, #tpu.memory_space<vmem>>
            %gather3A_566 = tpu.vector_load_idx %gather3A_565[%add3A_561, %select_n3A_163] masked %and3A_144 : memref<64x256xf32, #tpu.memory_space<vmem>>[vector<16xi32>, vector<16xi32>], vector<16xf32>, vector<16xi1>
            %add3A_567 = arith.constant 36 : i32
            %add3A_568 = vector.broadcast %add3A_567 : i32 to vector<16xi32>
            %add3A_569 = arith.addi %broadcast_in_dim3A_11, %add3A_568 : vector<16xi32>
            tpu.vector_store_idx %arg12[%add3A_132, %add3A_569], %gather3A_566 masked %and3A_144 : memref<672x128xf32, #tpu.memory_space<vmem>>[vector<16xi32>, vector<16xi32>], vector<16xf32>, vector<16xi1>
            %add3A_570 = arith.constant 37 : i32
            %add3A_571 = vector.broadcast %add3A_570 : i32 to vector<16xi32>
            %add3A_572 = arith.addi %broadcast_in_dim3A_11, %add3A_571 : vector<16xi32>
            %gather3A_573 = arith.constant 0 : i32
            %gather3A_574 = arith.constant 0 : i32
            %gather3A_575 = tpu.memref_slice %arg10[%scan3A_57, %gather3A_573, %gather3A_574] : memref<2x64x256xf32, #tpu.memory_space<vmem>> -> memref<1x64x256xf32, #tpu.memory_space<vmem>>
            %gather3A_576 = tpu.memref_squeeze %gather3A_575 : memref<1x64x256xf32, #tpu.memory_space<vmem>> -> memref<64x256xf32, #tpu.memory_space<vmem>>
            %gather3A_577 = tpu.vector_load_idx %gather3A_576[%add3A_572, %select_n3A_163] masked %and3A_144 : memref<64x256xf32, #tpu.memory_space<vmem>>[vector<16xi32>, vector<16xi32>], vector<16xf32>, vector<16xi1>
            %add3A_578 = arith.constant 37 : i32
            %add3A_579 = vector.broadcast %add3A_578 : i32 to vector<16xi32>
            %add3A_580 = arith.addi %broadcast_in_dim3A_11, %add3A_579 : vector<16xi32>
            tpu.vector_store_idx %arg12[%add3A_132, %add3A_580], %gather3A_577 masked %and3A_144 : memref<672x128xf32, #tpu.memory_space<vmem>>[vector<16xi32>, vector<16xi32>], vector<16xf32>, vector<16xi1>
            %add3A_581 = arith.constant 38 : i32
            %add3A_582 = vector.broadcast %add3A_581 : i32 to vector<16xi32>
            %add3A_583 = arith.addi %broadcast_in_dim3A_11, %add3A_582 : vector<16xi32>
            %gather3A_584 = arith.constant 0 : i32
            %gather3A_585 = arith.constant 0 : i32
            %gather3A_586 = tpu.memref_slice %arg10[%scan3A_57, %gather3A_584, %gather3A_585] : memref<2x64x256xf32, #tpu.memory_space<vmem>> -> memref<1x64x256xf32, #tpu.memory_space<vmem>>
            %gather3A_587 = tpu.memref_squeeze %gather3A_586 : memref<1x64x256xf32, #tpu.memory_space<vmem>> -> memref<64x256xf32, #tpu.memory_space<vmem>>
            %gather3A_588 = tpu.vector_load_idx %gather3A_587[%add3A_583, %select_n3A_163] masked %and3A_144 : memref<64x256xf32, #tpu.memory_space<vmem>>[vector<16xi32>, vector<16xi32>], vector<16xf32>, vector<16xi1>
            %add3A_589 = arith.constant 38 : i32
            %add3A_590 = vector.broadcast %add3A_589 : i32 to vector<16xi32>
            %add3A_591 = arith.addi %broadcast_in_dim3A_11, %add3A_590 : vector<16xi32>
            tpu.vector_store_idx %arg12[%add3A_132, %add3A_591], %gather3A_588 masked %and3A_144 : memref<672x128xf32, #tpu.memory_space<vmem>>[vector<16xi32>, vector<16xi32>], vector<16xf32>, vector<16xi1>
            %add3A_592 = arith.constant 39 : i32
            %add3A_593 = vector.broadcast %add3A_592 : i32 to vector<16xi32>
            %add3A_594 = arith.addi %broadcast_in_dim3A_11, %add3A_593 : vector<16xi32>
            %gather3A_595 = arith.constant 0 : i32
            %gather3A_596 = arith.constant 0 : i32
            %gather3A_597 = tpu.memref_slice %arg10[%scan3A_57, %gather3A_595, %gather3A_596] : memref<2x64x256xf32, #tpu.memory_space<vmem>> -> memref<1x64x256xf32, #tpu.memory_space<vmem>>
            %gather3A_598 = tpu.memref_squeeze %gather3A_597 : memref<1x64x256xf32, #tpu.memory_space<vmem>> -> memref<64x256xf32, #tpu.memory_space<vmem>>
            %gather3A_599 = tpu.vector_load_idx %gather3A_598[%add3A_594, %select_n3A_163] masked %and3A_144 : memref<64x256xf32, #tpu.memory_space<vmem>>[vector<16xi32>, vector<16xi32>], vector<16xf32>, vector<16xi1>
            %add3A_600 = arith.constant 39 : i32
            %add3A_601 = vector.broadcast %add3A_600 : i32 to vector<16xi32>
            %add3A_602 = arith.addi %broadcast_in_dim3A_11, %add3A_601 : vector<16xi32>
            tpu.vector_store_idx %arg12[%add3A_132, %add3A_602], %gather3A_599 masked %and3A_144 : memref<672x128xf32, #tpu.memory_space<vmem>>[vector<16xi32>, vector<16xi32>], vector<16xf32>, vector<16xi1>
            %add3A_603 = arith.constant 40 : i32
            %add3A_604 = vector.broadcast %add3A_603 : i32 to vector<16xi32>
            %add3A_605 = arith.addi %broadcast_in_dim3A_11, %add3A_604 : vector<16xi32>
            %gather3A_606 = arith.constant 0 : i32
            %gather3A_607 = arith.constant 0 : i32
            %gather3A_608 = tpu.memref_slice %arg10[%scan3A_57, %gather3A_606, %gather3A_607] : memref<2x64x256xf32, #tpu.memory_space<vmem>> -> memref<1x64x256xf32, #tpu.memory_space<vmem>>
            %gather3A_609 = tpu.memref_squeeze %gather3A_608 : memref<1x64x256xf32, #tpu.memory_space<vmem>> -> memref<64x256xf32, #tpu.memory_space<vmem>>
            %gather3A_610 = tpu.vector_load_idx %gather3A_609[%add3A_605, %select_n3A_163] masked %and3A_144 : memref<64x256xf32, #tpu.memory_space<vmem>>[vector<16xi32>, vector<16xi32>], vector<16xf32>, vector<16xi1>
            %add3A_611 = arith.constant 40 : i32
            %add3A_612 = vector.broadcast %add3A_611 : i32 to vector<16xi32>
            %add3A_613 = arith.addi %broadcast_in_dim3A_11, %add3A_612 : vector<16xi32>
            tpu.vector_store_idx %arg12[%add3A_132, %add3A_613], %gather3A_610 masked %and3A_144 : memref<672x128xf32, #tpu.memory_space<vmem>>[vector<16xi32>, vector<16xi32>], vector<16xf32>, vector<16xi1>
            %add3A_614 = arith.constant 41 : i32
            %add3A_615 = vector.broadcast %add3A_614 : i32 to vector<16xi32>
            %add3A_616 = arith.addi %broadcast_in_dim3A_11, %add3A_615 : vector<16xi32>
            %gather3A_617 = arith.constant 0 : i32
            %gather3A_618 = arith.constant 0 : i32
            %gather3A_619 = tpu.memref_slice %arg10[%scan3A_57, %gather3A_617, %gather3A_618] : memref<2x64x256xf32, #tpu.memory_space<vmem>> -> memref<1x64x256xf32, #tpu.memory_space<vmem>>
            %gather3A_620 = tpu.memref_squeeze %gather3A_619 : memref<1x64x256xf32, #tpu.memory_space<vmem>> -> memref<64x256xf32, #tpu.memory_space<vmem>>
            %gather3A_621 = tpu.vector_load_idx %gather3A_620[%add3A_616, %select_n3A_163] masked %and3A_144 : memref<64x256xf32, #tpu.memory_space<vmem>>[vector<16xi32>, vector<16xi32>], vector<16xf32>, vector<16xi1>
            %add3A_622 = arith.constant 41 : i32
            %add3A_623 = vector.broadcast %add3A_622 : i32 to vector<16xi32>
            %add3A_624 = arith.addi %broadcast_in_dim3A_11, %add3A_623 : vector<16xi32>
            tpu.vector_store_idx %arg12[%add3A_132, %add3A_624], %gather3A_621 masked %and3A_144 : memref<672x128xf32, #tpu.memory_space<vmem>>[vector<16xi32>, vector<16xi32>], vector<16xf32>, vector<16xi1>
            %add3A_625 = arith.constant 42 : i32
            %add3A_626 = vector.broadcast %add3A_625 : i32 to vector<16xi32>
            %add3A_627 = arith.addi %broadcast_in_dim3A_11, %add3A_626 : vector<16xi32>
            %gather3A_628 = arith.constant 0 : i32
            %gather3A_629 = arith.constant 0 : i32
            %gather3A_630 = tpu.memref_slice %arg10[%scan3A_57, %gather3A_628, %gather3A_629] : memref<2x64x256xf32, #tpu.memory_space<vmem>> -> memref<1x64x256xf32, #tpu.memory_space<vmem>>
            %gather3A_631 = tpu.memref_squeeze %gather3A_630 : memref<1x64x256xf32, #tpu.memory_space<vmem>> -> memref<64x256xf32, #tpu.memory_space<vmem>>
            %gather3A_632 = tpu.vector_load_idx %gather3A_631[%add3A_627, %select_n3A_163] masked %and3A_144 : memref<64x256xf32, #tpu.memory_space<vmem>>[vector<16xi32>, vector<16xi32>], vector<16xf32>, vector<16xi1>
            %add3A_633 = arith.constant 42 : i32
            %add3A_634 = vector.broadcast %add3A_633 : i32 to vector<16xi32>
            %add3A_635 = arith.addi %broadcast_in_dim3A_11, %add3A_634 : vector<16xi32>
            tpu.vector_store_idx %arg12[%add3A_132, %add3A_635], %gather3A_632 masked %and3A_144 : memref<672x128xf32, #tpu.memory_space<vmem>>[vector<16xi32>, vector<16xi32>], vector<16xf32>, vector<16xi1>
            %add3A_636 = arith.constant 43 : i32
            %add3A_637 = vector.broadcast %add3A_636 : i32 to vector<16xi32>
            %add3A_638 = arith.addi %broadcast_in_dim3A_11, %add3A_637 : vector<16xi32>
            %gather3A_639 = arith.constant 0 : i32
            %gather3A_640 = arith.constant 0 : i32
            %gather3A_641 = tpu.memref_slice %arg10[%scan3A_57, %gather3A_639, %gather3A_640] : memref<2x64x256xf32, #tpu.memory_space<vmem>> -> memref<1x64x256xf32, #tpu.memory_space<vmem>>
            %gather3A_642 = tpu.memref_squeeze %gather3A_641 : memref<1x64x256xf32, #tpu.memory_space<vmem>> -> memref<64x256xf32, #tpu.memory_space<vmem>>
            %gather3A_643 = tpu.vector_load_idx %gather3A_642[%add3A_638, %select_n3A_163] masked %and3A_144 : memref<64x256xf32, #tpu.memory_space<vmem>>[vector<16xi32>, vector<16xi32>], vector<16xf32>, vector<16xi1>
            %add3A_644 = arith.constant 43 : i32
            %add3A_645 = vector.broadcast %add3A_644 : i32 to vector<16xi32>
            %add3A_646 = arith.addi %broadcast_in_dim3A_11, %add3A_645 : vector<16xi32>
            tpu.vector_store_idx %arg12[%add3A_132, %add3A_646], %gather3A_643 masked %and3A_144 : memref<672x128xf32, #tpu.memory_space<vmem>>[vector<16xi32>, vector<16xi32>], vector<16xf32>, vector<16xi1>
            %add3A_647 = arith.constant 44 : i32
            %add3A_648 = vector.broadcast %add3A_647 : i32 to vector<16xi32>
            %add3A_649 = arith.addi %broadcast_in_dim3A_11, %add3A_648 : vector<16xi32>
            %gather3A_650 = arith.constant 0 : i32
            %gather3A_651 = arith.constant 0 : i32
            %gather3A_652 = tpu.memref_slice %arg10[%scan3A_57, %gather3A_650, %gather3A_651] : memref<2x64x256xf32, #tpu.memory_space<vmem>> -> memref<1x64x256xf32, #tpu.memory_space<vmem>>
            %gather3A_653 = tpu.memref_squeeze %gather3A_652 : memref<1x64x256xf32, #tpu.memory_space<vmem>> -> memref<64x256xf32, #tpu.memory_space<vmem>>
            %gather3A_654 = tpu.vector_load_idx %gather3A_653[%add3A_649, %select_n3A_163] masked %and3A_144 : memref<64x256xf32, #tpu.memory_space<vmem>>[vector<16xi32>, vector<16xi32>], vector<16xf32>, vector<16xi1>
            %add3A_655 = arith.constant 44 : i32
            %add3A_656 = vector.broadcast %add3A_655 : i32 to vector<16xi32>
            %add3A_657 = arith.addi %broadcast_in_dim3A_11, %add3A_656 : vector<16xi32>
            tpu.vector_store_idx %arg12[%add3A_132, %add3A_657], %gather3A_654 masked %and3A_144 : memref<672x128xf32, #tpu.memory_space<vmem>>[vector<16xi32>, vector<16xi32>], vector<16xf32>, vector<16xi1>
            %add3A_658 = arith.constant 45 : i32
            %add3A_659 = vector.broadcast %add3A_658 : i32 to vector<16xi32>
            %add3A_660 = arith.addi %broadcast_in_dim3A_11, %add3A_659 : vector<16xi32>
            %gather3A_661 = arith.constant 0 : i32
            %gather3A_662 = arith.constant 0 : i32
            %gather3A_663 = tpu.memref_slice %arg10[%scan3A_57, %gather3A_661, %gather3A_662] : memref<2x64x256xf32, #tpu.memory_space<vmem>> -> memref<1x64x256xf32, #tpu.memory_space<vmem>>
            %gather3A_664 = tpu.memref_squeeze %gather3A_663 : memref<1x64x256xf32, #tpu.memory_space<vmem>> -> memref<64x256xf32, #tpu.memory_space<vmem>>
            %gather3A_665 = tpu.vector_load_idx %gather3A_664[%add3A_660, %select_n3A_163] masked %and3A_144 : memref<64x256xf32, #tpu.memory_space<vmem>>[vector<16xi32>, vector<16xi32>], vector<16xf32>, vector<16xi1>
            %add3A_666 = arith.constant 45 : i32
            %add3A_667 = vector.broadcast %add3A_666 : i32 to vector<16xi32>
            %add3A_668 = arith.addi %broadcast_in_dim3A_11, %add3A_667 : vector<16xi32>
            tpu.vector_store_idx %arg12[%add3A_132, %add3A_668], %gather3A_665 masked %and3A_144 : memref<672x128xf32, #tpu.memory_space<vmem>>[vector<16xi32>, vector<16xi32>], vector<16xf32>, vector<16xi1>
            %add3A_669 = arith.constant 46 : i32
            %add3A_670 = vector.broadcast %add3A_669 : i32 to vector<16xi32>
            %add3A_671 = arith.addi %broadcast_in_dim3A_11, %add3A_670 : vector<16xi32>
            %gather3A_672 = arith.constant 0 : i32
            %gather3A_673 = arith.constant 0 : i32
            %gather3A_674 = tpu.memref_slice %arg10[%scan3A_57, %gather3A_672, %gather3A_673] : memref<2x64x256xf32, #tpu.memory_space<vmem>> -> memref<1x64x256xf32, #tpu.memory_space<vmem>>
            %gather3A_675 = tpu.memref_squeeze %gather3A_674 : memref<1x64x256xf32, #tpu.memory_space<vmem>> -> memref<64x256xf32, #tpu.memory_space<vmem>>
            %gather3A_676 = tpu.vector_load_idx %gather3A_675[%add3A_671, %select_n3A_163] masked %and3A_144 : memref<64x256xf32, #tpu.memory_space<vmem>>[vector<16xi32>, vector<16xi32>], vector<16xf32>, vector<16xi1>
            %add3A_677 = arith.constant 46 : i32
            %add3A_678 = vector.broadcast %add3A_677 : i32 to vector<16xi32>
            %add3A_679 = arith.addi %broadcast_in_dim3A_11, %add3A_678 : vector<16xi32>
            tpu.vector_store_idx %arg12[%add3A_132, %add3A_679], %gather3A_676 masked %and3A_144 : memref<672x128xf32, #tpu.memory_space<vmem>>[vector<16xi32>, vector<16xi32>], vector<16xf32>, vector<16xi1>
            %add3A_680 = arith.constant 47 : i32
            %add3A_681 = vector.broadcast %add3A_680 : i32 to vector<16xi32>
            %add3A_682 = arith.addi %broadcast_in_dim3A_11, %add3A_681 : vector<16xi32>
            %gather3A_683 = arith.constant 0 : i32
            %gather3A_684 = arith.constant 0 : i32
            %gather3A_685 = tpu.memref_slice %arg10[%scan3A_57, %gather3A_683, %gather3A_684] : memref<2x64x256xf32, #tpu.memory_space<vmem>> -> memref<1x64x256xf32, #tpu.memory_space<vmem>>
            %gather3A_686 = tpu.memref_squeeze %gather3A_685 : memref<1x64x256xf32, #tpu.memory_space<vmem>> -> memref<64x256xf32, #tpu.memory_space<vmem>>
            %gather3A_687 = tpu.vector_load_idx %gather3A_686[%add3A_682, %select_n3A_163] masked %and3A_144 : memref<64x256xf32, #tpu.memory_space<vmem>>[vector<16xi32>, vector<16xi32>], vector<16xf32>, vector<16xi1>
            %add3A_688 = arith.constant 47 : i32
            %add3A_689 = vector.broadcast %add3A_688 : i32 to vector<16xi32>
            %add3A_690 = arith.addi %broadcast_in_dim3A_11, %add3A_689 : vector<16xi32>
            tpu.vector_store_idx %arg12[%add3A_132, %add3A_690], %gather3A_687 masked %and3A_144 : memref<672x128xf32, #tpu.memory_space<vmem>>[vector<16xi32>, vector<16xi32>], vector<16xf32>, vector<16xi1>
            %add3A_691 = arith.constant 48 : i32
            %add3A_692 = vector.broadcast %add3A_691 : i32 to vector<16xi32>
            %add3A_693 = arith.addi %broadcast_in_dim3A_11, %add3A_692 : vector<16xi32>
            %gather3A_694 = arith.constant 0 : i32
            %gather3A_695 = arith.constant 0 : i32
            %gather3A_696 = tpu.memref_slice %arg10[%scan3A_57, %gather3A_694, %gather3A_695] : memref<2x64x256xf32, #tpu.memory_space<vmem>> -> memref<1x64x256xf32, #tpu.memory_space<vmem>>
            %gather3A_697 = tpu.memref_squeeze %gather3A_696 : memref<1x64x256xf32, #tpu.memory_space<vmem>> -> memref<64x256xf32, #tpu.memory_space<vmem>>
            %gather3A_698 = tpu.vector_load_idx %gather3A_697[%add3A_693, %select_n3A_163] masked %and3A_144 : memref<64x256xf32, #tpu.memory_space<vmem>>[vector<16xi32>, vector<16xi32>], vector<16xf32>, vector<16xi1>
            %add3A_699 = arith.constant 48 : i32
            %add3A_700 = vector.broadcast %add3A_699 : i32 to vector<16xi32>
            %add3A_701 = arith.addi %broadcast_in_dim3A_11, %add3A_700 : vector<16xi32>
            tpu.vector_store_idx %arg12[%add3A_132, %add3A_701], %gather3A_698 masked %and3A_144 : memref<672x128xf32, #tpu.memory_space<vmem>>[vector<16xi32>, vector<16xi32>], vector<16xf32>, vector<16xi1>
            %add3A_702 = arith.constant 49 : i32
            %add3A_703 = vector.broadcast %add3A_702 : i32 to vector<16xi32>
            %add3A_704 = arith.addi %broadcast_in_dim3A_11, %add3A_703 : vector<16xi32>
            %gather3A_705 = arith.constant 0 : i32
            %gather3A_706 = arith.constant 0 : i32
            %gather3A_707 = tpu.memref_slice %arg10[%scan3A_57, %gather3A_705, %gather3A_706] : memref<2x64x256xf32, #tpu.memory_space<vmem>> -> memref<1x64x256xf32, #tpu.memory_space<vmem>>
            %gather3A_708 = tpu.memref_squeeze %gather3A_707 : memref<1x64x256xf32, #tpu.memory_space<vmem>> -> memref<64x256xf32, #tpu.memory_space<vmem>>
            %gather3A_709 = tpu.vector_load_idx %gather3A_708[%add3A_704, %select_n3A_163] masked %and3A_144 : memref<64x256xf32, #tpu.memory_space<vmem>>[vector<16xi32>, vector<16xi32>], vector<16xf32>, vector<16xi1>
            %add3A_710 = arith.constant 49 : i32
            %add3A_711 = vector.broadcast %add3A_710 : i32 to vector<16xi32>
            %add3A_712 = arith.addi %broadcast_in_dim3A_11, %add3A_711 : vector<16xi32>
            tpu.vector_store_idx %arg12[%add3A_132, %add3A_712], %gather3A_709 masked %and3A_144 : memref<672x128xf32, #tpu.memory_space<vmem>>[vector<16xi32>, vector<16xi32>], vector<16xf32>, vector<16xi1>
            %add3A_713 = arith.constant 50 : i32
            %add3A_714 = vector.broadcast %add3A_713 : i32 to vector<16xi32>
            %add3A_715 = arith.addi %broadcast_in_dim3A_11, %add3A_714 : vector<16xi32>
            %gather3A_716 = arith.constant 0 : i32
            %gather3A_717 = arith.constant 0 : i32
            %gather3A_718 = tpu.memref_slice %arg10[%scan3A_57, %gather3A_716, %gather3A_717] : memref<2x64x256xf32, #tpu.memory_space<vmem>> -> memref<1x64x256xf32, #tpu.memory_space<vmem>>
            %gather3A_719 = tpu.memref_squeeze %gather3A_718 : memref<1x64x256xf32, #tpu.memory_space<vmem>> -> memref<64x256xf32, #tpu.memory_space<vmem>>
            %gather3A_720 = tpu.vector_load_idx %gather3A_719[%add3A_715, %select_n3A_163] masked %and3A_144 : memref<64x256xf32, #tpu.memory_space<vmem>>[vector<16xi32>, vector<16xi32>], vector<16xf32>, vector<16xi1>
            %add3A_721 = arith.constant 50 : i32
            %add3A_722 = vector.broadcast %add3A_721 : i32 to vector<16xi32>
            %add3A_723 = arith.addi %broadcast_in_dim3A_11, %add3A_722 : vector<16xi32>
            tpu.vector_store_idx %arg12[%add3A_132, %add3A_723], %gather3A_720 masked %and3A_144 : memref<672x128xf32, #tpu.memory_space<vmem>>[vector<16xi32>, vector<16xi32>], vector<16xf32>, vector<16xi1>
            %add3A_724 = arith.constant 51 : i32
            %add3A_725 = vector.broadcast %add3A_724 : i32 to vector<16xi32>
            %add3A_726 = arith.addi %broadcast_in_dim3A_11, %add3A_725 : vector<16xi32>
            %gather3A_727 = arith.constant 0 : i32
            %gather3A_728 = arith.constant 0 : i32
            %gather3A_729 = tpu.memref_slice %arg10[%scan3A_57, %gather3A_727, %gather3A_728] : memref<2x64x256xf32, #tpu.memory_space<vmem>> -> memref<1x64x256xf32, #tpu.memory_space<vmem>>
            %gather3A_730 = tpu.memref_squeeze %gather3A_729 : memref<1x64x256xf32, #tpu.memory_space<vmem>> -> memref<64x256xf32, #tpu.memory_space<vmem>>
            %gather3A_731 = tpu.vector_load_idx %gather3A_730[%add3A_726, %select_n3A_163] masked %and3A_144 : memref<64x256xf32, #tpu.memory_space<vmem>>[vector<16xi32>, vector<16xi32>], vector<16xf32>, vector<16xi1>
            %add3A_732 = arith.constant 51 : i32
            %add3A_733 = vector.broadcast %add3A_732 : i32 to vector<16xi32>
            %add3A_734 = arith.addi %broadcast_in_dim3A_11, %add3A_733 : vector<16xi32>
            tpu.vector_store_idx %arg12[%add3A_132, %add3A_734], %gather3A_731 masked %and3A_144 : memref<672x128xf32, #tpu.memory_space<vmem>>[vector<16xi32>, vector<16xi32>], vector<16xf32>, vector<16xi1>
            %add3A_735 = arith.constant 52 : i32
            %add3A_736 = vector.broadcast %add3A_735 : i32 to vector<16xi32>
            %add3A_737 = arith.addi %broadcast_in_dim3A_11, %add3A_736 : vector<16xi32>
            %gather3A_738 = arith.constant 0 : i32
            %gather3A_739 = arith.constant 0 : i32
            %gather3A_740 = tpu.memref_slice %arg10[%scan3A_57, %gather3A_738, %gather3A_739] : memref<2x64x256xf32, #tpu.memory_space<vmem>> -> memref<1x64x256xf32, #tpu.memory_space<vmem>>
            %gather3A_741 = tpu.memref_squeeze %gather3A_740 : memref<1x64x256xf32, #tpu.memory_space<vmem>> -> memref<64x256xf32, #tpu.memory_space<vmem>>
            %gather3A_742 = tpu.vector_load_idx %gather3A_741[%add3A_737, %select_n3A_163] masked %and3A_144 : memref<64x256xf32, #tpu.memory_space<vmem>>[vector<16xi32>, vector<16xi32>], vector<16xf32>, vector<16xi1>
            %add3A_743 = arith.constant 52 : i32
            %add3A_744 = vector.broadcast %add3A_743 : i32 to vector<16xi32>
            %add3A_745 = arith.addi %broadcast_in_dim3A_11, %add3A_744 : vector<16xi32>
            tpu.vector_store_idx %arg12[%add3A_132, %add3A_745], %gather3A_742 masked %and3A_144 : memref<672x128xf32, #tpu.memory_space<vmem>>[vector<16xi32>, vector<16xi32>], vector<16xf32>, vector<16xi1>
            %add3A_746 = arith.constant 53 : i32
            %add3A_747 = vector.broadcast %add3A_746 : i32 to vector<16xi32>
            %add3A_748 = arith.addi %broadcast_in_dim3A_11, %add3A_747 : vector<16xi32>
            %gather3A_749 = arith.constant 0 : i32
            %gather3A_750 = arith.constant 0 : i32
            %gather3A_751 = tpu.memref_slice %arg10[%scan3A_57, %gather3A_749, %gather3A_750] : memref<2x64x256xf32, #tpu.memory_space<vmem>> -> memref<1x64x256xf32, #tpu.memory_space<vmem>>
            %gather3A_752 = tpu.memref_squeeze %gather3A_751 : memref<1x64x256xf32, #tpu.memory_space<vmem>> -> memref<64x256xf32, #tpu.memory_space<vmem>>
            %gather3A_753 = tpu.vector_load_idx %gather3A_752[%add3A_748, %select_n3A_163] masked %and3A_144 : memref<64x256xf32, #tpu.memory_space<vmem>>[vector<16xi32>, vector<16xi32>], vector<16xf32>, vector<16xi1>
            %add3A_754 = arith.constant 53 : i32
            %add3A_755 = vector.broadcast %add3A_754 : i32 to vector<16xi32>
            %add3A_756 = arith.addi %broadcast_in_dim3A_11, %add3A_755 : vector<16xi32>
            tpu.vector_store_idx %arg12[%add3A_132, %add3A_756], %gather3A_753 masked %and3A_144 : memref<672x128xf32, #tpu.memory_space<vmem>>[vector<16xi32>, vector<16xi32>], vector<16xf32>, vector<16xi1>
            %add3A_757 = arith.constant 54 : i32
            %add3A_758 = vector.broadcast %add3A_757 : i32 to vector<16xi32>
            %add3A_759 = arith.addi %broadcast_in_dim3A_11, %add3A_758 : vector<16xi32>
            %gather3A_760 = arith.constant 0 : i32
            %gather3A_761 = arith.constant 0 : i32
            %gather3A_762 = tpu.memref_slice %arg10[%scan3A_57, %gather3A_760, %gather3A_761] : memref<2x64x256xf32, #tpu.memory_space<vmem>> -> memref<1x64x256xf32, #tpu.memory_space<vmem>>
            %gather3A_763 = tpu.memref_squeeze %gather3A_762 : memref<1x64x256xf32, #tpu.memory_space<vmem>> -> memref<64x256xf32, #tpu.memory_space<vmem>>
            %gather3A_764 = tpu.vector_load_idx %gather3A_763[%add3A_759, %select_n3A_163] masked %and3A_144 : memref<64x256xf32, #tpu.memory_space<vmem>>[vector<16xi32>, vector<16xi32>], vector<16xf32>, vector<16xi1>
            %add3A_765 = arith.constant 54 : i32
            %add3A_766 = vector.broadcast %add3A_765 : i32 to vector<16xi32>
            %add3A_767 = arith.addi %broadcast_in_dim3A_11, %add3A_766 : vector<16xi32>
            tpu.vector_store_idx %arg12[%add3A_132, %add3A_767], %gather3A_764 masked %and3A_144 : memref<672x128xf32, #tpu.memory_space<vmem>>[vector<16xi32>, vector<16xi32>], vector<16xf32>, vector<16xi1>
            %add3A_768 = arith.constant 55 : i32
            %add3A_769 = vector.broadcast %add3A_768 : i32 to vector<16xi32>
            %add3A_770 = arith.addi %broadcast_in_dim3A_11, %add3A_769 : vector<16xi32>
            %gather3A_771 = arith.constant 0 : i32
            %gather3A_772 = arith.constant 0 : i32
            %gather3A_773 = tpu.memref_slice %arg10[%scan3A_57, %gather3A_771, %gather3A_772] : memref<2x64x256xf32, #tpu.memory_space<vmem>> -> memref<1x64x256xf32, #tpu.memory_space<vmem>>
            %gather3A_774 = tpu.memref_squeeze %gather3A_773 : memref<1x64x256xf32, #tpu.memory_space<vmem>> -> memref<64x256xf32, #tpu.memory_space<vmem>>
            %gather3A_775 = tpu.vector_load_idx %gather3A_774[%add3A_770, %select_n3A_163] masked %and3A_144 : memref<64x256xf32, #tpu.memory_space<vmem>>[vector<16xi32>, vector<16xi32>], vector<16xf32>, vector<16xi1>
            %add3A_776 = arith.constant 55 : i32
            %add3A_777 = vector.broadcast %add3A_776 : i32 to vector<16xi32>
            %add3A_778 = arith.addi %broadcast_in_dim3A_11, %add3A_777 : vector<16xi32>
            tpu.vector_store_idx %arg12[%add3A_132, %add3A_778], %gather3A_775 masked %and3A_144 : memref<672x128xf32, #tpu.memory_space<vmem>>[vector<16xi32>, vector<16xi32>], vector<16xf32>, vector<16xi1>
            %add3A_779 = arith.constant 56 : i32
            %add3A_780 = vector.broadcast %add3A_779 : i32 to vector<16xi32>
            %add3A_781 = arith.addi %broadcast_in_dim3A_11, %add3A_780 : vector<16xi32>
            %gather3A_782 = arith.constant 0 : i32
            %gather3A_783 = arith.constant 0 : i32
            %gather3A_784 = tpu.memref_slice %arg10[%scan3A_57, %gather3A_782, %gather3A_783] : memref<2x64x256xf32, #tpu.memory_space<vmem>> -> memref<1x64x256xf32, #tpu.memory_space<vmem>>
            %gather3A_785 = tpu.memref_squeeze %gather3A_784 : memref<1x64x256xf32, #tpu.memory_space<vmem>> -> memref<64x256xf32, #tpu.memory_space<vmem>>
            %gather3A_786 = tpu.vector_load_idx %gather3A_785[%add3A_781, %select_n3A_163] masked %and3A_144 : memref<64x256xf32, #tpu.memory_space<vmem>>[vector<16xi32>, vector<16xi32>], vector<16xf32>, vector<16xi1>
            %add3A_787 = arith.constant 56 : i32
            %add3A_788 = vector.broadcast %add3A_787 : i32 to vector<16xi32>
            %add3A_789 = arith.addi %broadcast_in_dim3A_11, %add3A_788 : vector<16xi32>
            tpu.vector_store_idx %arg12[%add3A_132, %add3A_789], %gather3A_786 masked %and3A_144 : memref<672x128xf32, #tpu.memory_space<vmem>>[vector<16xi32>, vector<16xi32>], vector<16xf32>, vector<16xi1>
            %add3A_790 = arith.constant 57 : i32
            %add3A_791 = vector.broadcast %add3A_790 : i32 to vector<16xi32>
            %add3A_792 = arith.addi %broadcast_in_dim3A_11, %add3A_791 : vector<16xi32>
            %gather3A_793 = arith.constant 0 : i32
            %gather3A_794 = arith.constant 0 : i32
            %gather3A_795 = tpu.memref_slice %arg10[%scan3A_57, %gather3A_793, %gather3A_794] : memref<2x64x256xf32, #tpu.memory_space<vmem>> -> memref<1x64x256xf32, #tpu.memory_space<vmem>>
            %gather3A_796 = tpu.memref_squeeze %gather3A_795 : memref<1x64x256xf32, #tpu.memory_space<vmem>> -> memref<64x256xf32, #tpu.memory_space<vmem>>
            %gather3A_797 = tpu.vector_load_idx %gather3A_796[%add3A_792, %select_n3A_163] masked %and3A_144 : memref<64x256xf32, #tpu.memory_space<vmem>>[vector<16xi32>, vector<16xi32>], vector<16xf32>, vector<16xi1>
            %add3A_798 = arith.constant 57 : i32
            %add3A_799 = vector.broadcast %add3A_798 : i32 to vector<16xi32>
            %add3A_800 = arith.addi %broadcast_in_dim3A_11, %add3A_799 : vector<16xi32>
            tpu.vector_store_idx %arg12[%add3A_132, %add3A_800], %gather3A_797 masked %and3A_144 : memref<672x128xf32, #tpu.memory_space<vmem>>[vector<16xi32>, vector<16xi32>], vector<16xf32>, vector<16xi1>
            %add3A_801 = arith.constant 58 : i32
            %add3A_802 = vector.broadcast %add3A_801 : i32 to vector<16xi32>
            %add3A_803 = arith.addi %broadcast_in_dim3A_11, %add3A_802 : vector<16xi32>
            %gather3A_804 = arith.constant 0 : i32
            %gather3A_805 = arith.constant 0 : i32
            %gather3A_806 = tpu.memref_slice %arg10[%scan3A_57, %gather3A_804, %gather3A_805] : memref<2x64x256xf32, #tpu.memory_space<vmem>> -> memref<1x64x256xf32, #tpu.memory_space<vmem>>
            %gather3A_807 = tpu.memref_squeeze %gather3A_806 : memref<1x64x256xf32, #tpu.memory_space<vmem>> -> memref<64x256xf32, #tpu.memory_space<vmem>>
            %gather3A_808 = tpu.vector_load_idx %gather3A_807[%add3A_803, %select_n3A_163] masked %and3A_144 : memref<64x256xf32, #tpu.memory_space<vmem>>[vector<16xi32>, vector<16xi32>], vector<16xf32>, vector<16xi1>
            %add3A_809 = arith.constant 58 : i32
            %add3A_810 = vector.broadcast %add3A_809 : i32 to vector<16xi32>
            %add3A_811 = arith.addi %broadcast_in_dim3A_11, %add3A_810 : vector<16xi32>
            tpu.vector_store_idx %arg12[%add3A_132, %add3A_811], %gather3A_808 masked %and3A_144 : memref<672x128xf32, #tpu.memory_space<vmem>>[vector<16xi32>, vector<16xi32>], vector<16xf32>, vector<16xi1>
            %add3A_812 = arith.constant 59 : i32
            %add3A_813 = vector.broadcast %add3A_812 : i32 to vector<16xi32>
            %add3A_814 = arith.addi %broadcast_in_dim3A_11, %add3A_813 : vector<16xi32>
            %gather3A_815 = arith.constant 0 : i32
            %gather3A_816 = arith.constant 0 : i32
            %gather3A_817 = tpu.memref_slice %arg10[%scan3A_57, %gather3A_815, %gather3A_816] : memref<2x64x256xf32, #tpu.memory_space<vmem>> -> memref<1x64x256xf32, #tpu.memory_space<vmem>>
            %gather3A_818 = tpu.memref_squeeze %gather3A_817 : memref<1x64x256xf32, #tpu.memory_space<vmem>> -> memref<64x256xf32, #tpu.memory_space<vmem>>
            %gather3A_819 = tpu.vector_load_idx %gather3A_818[%add3A_814, %select_n3A_163] masked %and3A_144 : memref<64x256xf32, #tpu.memory_space<vmem>>[vector<16xi32>, vector<16xi32>], vector<16xf32>, vector<16xi1>
            %add3A_820 = arith.constant 59 : i32
            %add3A_821 = vector.broadcast %add3A_820 : i32 to vector<16xi32>
            %add3A_822 = arith.addi %broadcast_in_dim3A_11, %add3A_821 : vector<16xi32>
            tpu.vector_store_idx %arg12[%add3A_132, %add3A_822], %gather3A_819 masked %and3A_144 : memref<672x128xf32, #tpu.memory_space<vmem>>[vector<16xi32>, vector<16xi32>], vector<16xf32>, vector<16xi1>
            %add3A_823 = arith.constant 60 : i32
            %add3A_824 = vector.broadcast %add3A_823 : i32 to vector<16xi32>
            %add3A_825 = arith.addi %broadcast_in_dim3A_11, %add3A_824 : vector<16xi32>
            %gather3A_826 = arith.constant 0 : i32
            %gather3A_827 = arith.constant 0 : i32
            %gather3A_828 = tpu.memref_slice %arg10[%scan3A_57, %gather3A_826, %gather3A_827] : memref<2x64x256xf32, #tpu.memory_space<vmem>> -> memref<1x64x256xf32, #tpu.memory_space<vmem>>
            %gather3A_829 = tpu.memref_squeeze %gather3A_828 : memref<1x64x256xf32, #tpu.memory_space<vmem>> -> memref<64x256xf32, #tpu.memory_space<vmem>>
            %gather3A_830 = tpu.vector_load_idx %gather3A_829[%add3A_825, %select_n3A_163] masked %and3A_144 : memref<64x256xf32, #tpu.memory_space<vmem>>[vector<16xi32>, vector<16xi32>], vector<16xf32>, vector<16xi1>
            %add3A_831 = arith.constant 60 : i32
            %add3A_832 = vector.broadcast %add3A_831 : i32 to vector<16xi32>
            %add3A_833 = arith.addi %broadcast_in_dim3A_11, %add3A_832 : vector<16xi32>
            tpu.vector_store_idx %arg12[%add3A_132, %add3A_833], %gather3A_830 masked %and3A_144 : memref<672x128xf32, #tpu.memory_space<vmem>>[vector<16xi32>, vector<16xi32>], vector<16xf32>, vector<16xi1>
            %add3A_834 = arith.constant 61 : i32
            %add3A_835 = vector.broadcast %add3A_834 : i32 to vector<16xi32>
            %add3A_836 = arith.addi %broadcast_in_dim3A_11, %add3A_835 : vector<16xi32>
            %gather3A_837 = arith.constant 0 : i32
            %gather3A_838 = arith.constant 0 : i32
            %gather3A_839 = tpu.memref_slice %arg10[%scan3A_57, %gather3A_837, %gather3A_838] : memref<2x64x256xf32, #tpu.memory_space<vmem>> -> memref<1x64x256xf32, #tpu.memory_space<vmem>>
            %gather3A_840 = tpu.memref_squeeze %gather3A_839 : memref<1x64x256xf32, #tpu.memory_space<vmem>> -> memref<64x256xf32, #tpu.memory_space<vmem>>
            %gather3A_841 = tpu.vector_load_idx %gather3A_840[%add3A_836, %select_n3A_163] masked %and3A_144 : memref<64x256xf32, #tpu.memory_space<vmem>>[vector<16xi32>, vector<16xi32>], vector<16xf32>, vector<16xi1>
            %add3A_842 = arith.constant 61 : i32
            %add3A_843 = vector.broadcast %add3A_842 : i32 to vector<16xi32>
            %add3A_844 = arith.addi %broadcast_in_dim3A_11, %add3A_843 : vector<16xi32>
            tpu.vector_store_idx %arg12[%add3A_132, %add3A_844], %gather3A_841 masked %and3A_144 : memref<672x128xf32, #tpu.memory_space<vmem>>[vector<16xi32>, vector<16xi32>], vector<16xf32>, vector<16xi1>
            %add3A_845 = arith.constant 62 : i32
            %add3A_846 = vector.broadcast %add3A_845 : i32 to vector<16xi32>
            %add3A_847 = arith.addi %broadcast_in_dim3A_11, %add3A_846 : vector<16xi32>
            %gather3A_848 = arith.constant 0 : i32
            %gather3A_849 = arith.constant 0 : i32
            %gather3A_850 = tpu.memref_slice %arg10[%scan3A_57, %gather3A_848, %gather3A_849] : memref<2x64x256xf32, #tpu.memory_space<vmem>> -> memref<1x64x256xf32, #tpu.memory_space<vmem>>
            %gather3A_851 = tpu.memref_squeeze %gather3A_850 : memref<1x64x256xf32, #tpu.memory_space<vmem>> -> memref<64x256xf32, #tpu.memory_space<vmem>>
            %gather3A_852 = tpu.vector_load_idx %gather3A_851[%add3A_847, %select_n3A_163] masked %and3A_144 : memref<64x256xf32, #tpu.memory_space<vmem>>[vector<16xi32>, vector<16xi32>], vector<16xf32>, vector<16xi1>
            %add3A_853 = arith.constant 62 : i32
            %add3A_854 = vector.broadcast %add3A_853 : i32 to vector<16xi32>
            %add3A_855 = arith.addi %broadcast_in_dim3A_11, %add3A_854 : vector<16xi32>
            tpu.vector_store_idx %arg12[%add3A_132, %add3A_855], %gather3A_852 masked %and3A_144 : memref<672x128xf32, #tpu.memory_space<vmem>>[vector<16xi32>, vector<16xi32>], vector<16xf32>, vector<16xi1>
            %add3A_856 = arith.constant 63 : i32
            %add3A_857 = vector.broadcast %add3A_856 : i32 to vector<16xi32>
            %add3A_858 = arith.addi %broadcast_in_dim3A_11, %add3A_857 : vector<16xi32>
            %gather3A_859 = arith.constant 0 : i32
            %gather3A_860 = arith.constant 0 : i32
            %gather3A_861 = tpu.memref_slice %arg10[%scan3A_57, %gather3A_859, %gather3A_860] : memref<2x64x256xf32, #tpu.memory_space<vmem>> -> memref<1x64x256xf32, #tpu.memory_space<vmem>>
            %gather3A_862 = tpu.memref_squeeze %gather3A_861 : memref<1x64x256xf32, #tpu.memory_space<vmem>> -> memref<64x256xf32, #tpu.memory_space<vmem>>
            %gather3A_863 = tpu.vector_load_idx %gather3A_862[%add3A_858, %select_n3A_163] masked %and3A_144 : memref<64x256xf32, #tpu.memory_space<vmem>>[vector<16xi32>, vector<16xi32>], vector<16xf32>, vector<16xi1>
            %add3A_864 = arith.constant 63 : i32
            %add3A_865 = vector.broadcast %add3A_864 : i32 to vector<16xi32>
            %add3A_866 = arith.addi %broadcast_in_dim3A_11, %add3A_865 : vector<16xi32>
            tpu.vector_store_idx %arg12[%add3A_132, %add3A_866], %gather3A_863 masked %and3A_144 : memref<672x128xf32, #tpu.memory_space<vmem>>[vector<16xi32>, vector<16xi32>], vector<16xf32>, vector<16xi1>
          } else {
          }
          %while3A_154 = arith.constant 0 : i32
          scf.yield %while3A_154 : i32
        }
      } else {
      }
      %add3A_91 = arith.constant 3 : i32
      %add3A_92 = arith.addi %mul3A_75, %add3A_91 : i32
      %lt3A_93 = arith.cmpi slt, %add3A_92, %add3A_4 : i32
      %convert_element_type3A_94 = arith.extui %lt3A_93 : i1 to i32
      %cond3A_95 = arith.constant 0 : i32
      %cond3A_96 = arith.cmpi ne, %convert_element_type3A_94, %cond3A_95 : i32
      scf.if %cond3A_96 {
        %mul3A_98 = arith.constant 256 : i32
        %mul3A_99 = arith.muli %add3A_92, %mul3A_98 : i32
        %add3A_100 = arith.addi %mul3A_6, %mul3A_99 : i32
        %dma_start3A_101 = arith.constant 0 : i32
        %dma_start3A_102 = arith.constant 0 : i32
        %dma_start3A_103 = tpu.memref_slice %arg10[%scan3A_57, %dma_start3A_101, %dma_start3A_102] : memref<2x64x256xf32, #tpu.memory_space<vmem>> -> memref<1x64x256xf32, #tpu.memory_space<vmem>>
        %dma_start3A_104 = tpu.memref_squeeze %dma_start3A_103 : memref<1x64x256xf32, #tpu.memory_space<vmem>> -> memref<64x256xf32, #tpu.memory_space<vmem>>
        %dma_start3A_105 = arith.constant 0 : i32
        %dma_start3A_106 = tpu.memref_slice %arg3[%dma_start3A_105, %add3A_100] : memref<64x1000000xf32, #tpu.memory_space<hbm>> -> memref<64x256xf32, #tpu.memory_space<hbm>>
        %dma_start3A_107 = arith.constant 0 : i32
        %dma_start3A_108 = arith.constant 0 : i32
        %dma_start3A_109 = tpu.memref_slice %arg10[%scan3A_57, %dma_start3A_107, %dma_start3A_108] : memref<2x64x256xf32, #tpu.memory_space<vmem>> -> memref<1x64x256xf32, #tpu.memory_space<vmem>>
        %dma_start3A_110 = tpu.memref_squeeze %dma_start3A_109 : memref<1x64x256xf32, #tpu.memory_space<vmem>> -> memref<64x256xf32, #tpu.memory_space<vmem>>
        %dma_start3A_111 = arith.constant 0 : i32
        %dma_start3A_112 = tpu.memref_slice %arg3[%dma_start3A_111, %add3A_100] : memref<64x1000000xf32, #tpu.memory_space<hbm>> -> memref<64x256xf32, #tpu.memory_space<hbm>>
        tpu.enqueue_dma source(%dma_start3A_112 : memref<64x256xf32, #tpu.memory_space<hbm>>) target(%dma_start3A_110 : memref<64x256xf32, #tpu.memory_space<vmem>>) target_semaphore(%arg14 : memref<!tpu.dma_semaphore, #tpu.memory_space<semaphore_mem>>)
      } else {
      }
      %scan3A_97 = arith.constant 0 : i32
      scf.yield %scan3A_97 : i32
    }
    %scan3A_64 = arith.constant 62 : i32
    %convert_element_type3A_65 = arith.extui %eq3A_1 : i1 to i32
    %cond3A_66 = arith.constant 0 : i32
    %cond3A_67 = arith.cmpi ne, %convert_element_type3A_65, %cond3A_66 : i32
    scf.if %cond3A_67 {
      "tpu.region"() ({
        %run_scoped3A = tpu.sem_alloc : memref<!tpu.dma_semaphore, #tpu.memory_space<semaphore_mem>>
        tpu.enqueue_dma source(%arg4 : memref<64x128xf32, #tpu.memory_space<hbm>>) target(%arg11 : memref<64x128xf32, #tpu.memory_space<vmem>>) target_semaphore(%run_scoped3A : memref<!tpu.dma_semaphore, #tpu.memory_space<semaphore_mem>>)
        tpu.wait_dma2 semaphore(%run_scoped3A : memref<!tpu.dma_semaphore, #tpu.memory_space<semaphore_mem>>) src(%arg4 : memref<64x128xf32, #tpu.memory_space<hbm>>) dst(%arg11 : memref<64x128xf32, #tpu.memory_space<vmem>>)
        tpu.yield
      }) : () -> ()
      %while3A = arith.constant 0 : i32
      %while3A_72 = arith.constant 0 : i32
      %while3A_73 = arith.subi %select_n3A_39, %while3A : i32
      %while3A_74 = arith.addi %while3A, %while3A_73 : i32
      %while3A_75 = arith.constant 1 : i32
      %while3A_76 = arith.divsi %while3A_73, %while3A_75 : i32
      %while3A_77 = arith.muli %while3A_76, %while3A_75 : i32
      %while3A_78 = arith.addi %while3A, %while3A_77 : i32
      %while3A_79 = arith.constant 1 : i32
      %while3A_80 = scf.for %while3A_83 = %while3A to %while3A_78 step %while3A_79 iter_args(%while3A_84 = %while3A_72) -> (i32)  : i32 {
        %mul3A_85 = arith.constant 16 : i32
        %mul3A_86 = arith.muli %while3A_83, %mul3A_85 : i32
        %add3A_87 = vector.broadcast %mul3A_86 : i32 to vector<16xi32>
        %add3A_88 = arith.addi %iota3A, %add3A_87 : vector<16xi32>
        %mul3A_89 = arith.constant 16 : i32
        %mul3A_90 = arith.muli %while3A_83, %mul3A_89 : i32
        %get3A = arith.index_cast %mul3A_90 : i32 to index
        %get3A_91 = tpu.vector_load %arg7[%get3A] {strides = array<i32>} : memref<672xi32, #tpu.memory_space<vmem>>, vector<16xi32>,
        %ge3A = arith.constant 999936 : i32
        %ge3A_92 = vector.broadcast %ge3A : i32 to vector<16xi32>
        %ge3A_93 = arith.cmpi sge, %get3A_91, %ge3A_92 : vector<16xi32>
        %lt3A = arith.constant 1000000 : i32
        %lt3A_94 = vector.broadcast %lt3A : i32 to vector<16xi32>
        %lt3A_95 = arith.cmpi slt, %get3A_91, %lt3A_94 : vector<16xi32>
        %and3A_96 = arith.andi %ge3A_93, %lt3A_95 : vector<16xi1>
        %lt3A_97 = vector.broadcast %scan3A_16 : i32 to vector<16xi32>
        %lt3A_98 = arith.cmpi slt, %add3A_88, %lt3A_97 : vector<16xi32>
        %and3A_99 = arith.andi %and3A_96, %lt3A_98 : vector<16xi1>
        %convert_element_type3A_100 = arith.extui %and3A_99 : vector<16xi1> to vector<16xi32>
        %reduce_sum3A = arith.constant true
        %reduce_sum3A_101 = vector.broadcast %reduce_sum3A : i1 to vector<16xi1>
        %reduce_sum3A_102 = tpu.scan <sum>, %convert_element_type3A_100 masked %reduce_sum3A_101 : vector<16xi32>, vector<16xi1> -> vector<16xi32>
        %reduce_sum3A_103 = vector.extract %reduce_sum3A_102[15] : i32 from vector<16xi32>
        %gt3A_104 = arith.constant 0 : i32
        %gt3A_105 = arith.cmpi sgt, %reduce_sum3A_103, %gt3A_104 : i32
        %convert_element_type3A_106 = arith.extui %gt3A_105 : i1 to i32
        %cond3A_107 = arith.constant 0 : i32
        %cond3A_108 = arith.cmpi ne, %convert_element_type3A_106, %cond3A_107 : i32
        scf.if %cond3A_108 {
          %mul3A_110 = arith.constant 16 : i32
          %mul3A_111 = arith.muli %while3A_83, %mul3A_110 : i32
          %get3A_112 = arith.index_cast %mul3A_111 : i32 to index
          %get3A_113 = tpu.vector_load %arg8[%get3A_112] {strides = array<i32>} : memref<672xi32, #tpu.memory_space<vmem>>, vector<16xi32>,
          %sub3A_114 = arith.constant 999936 : i32
          %sub3A_115 = vector.broadcast %sub3A_114 : i32 to vector<16xi32>
          %sub3A_116 = arith.subi %get3A_91, %sub3A_115 : vector<16xi32>
          %jit3A_117 = arith.constant 0 : i32
          %broadcast_in_dim3A_118 = vector.broadcast %jit3A_117 : i32 to vector<16xi32>
          %select_n3A_119 = arith.select %and3A_99, %sub3A_116, %broadcast_in_dim3A_118 : vector<16xi1>, vector<16xi32>
          tpu.vector_store_idx %arg9[%add3A_88], %get3A_113 masked %and3A_99 : memref<672xi32, #tpu.memory_space<vmem>>[vector<16xi32>], vector<16xi32>, vector<16xi1>
          %add3A_120 = arith.constant 0 : i32
          %add3A_121 = vector.broadcast %add3A_120 : i32 to vector<16xi32>
          %add3A_122 = arith.addi %broadcast_in_dim3A_11, %add3A_121 : vector<16xi32>
          %gather3A = tpu.vector_load_idx %arg11[%add3A_122, %select_n3A_119] masked %and3A_99 : memref<64x128xf32, #tpu.memory_space<vmem>>[vector<16xi32>, vector<16xi32>], vector<16xf32>, vector<16xi1>
          %add3A_123 = arith.constant 0 : i32
          %add3A_124 = vector.broadcast %add3A_123 : i32 to vector<16xi32>
          %add3A_125 = arith.addi %broadcast_in_dim3A_11, %add3A_124 : vector<16xi32>
          tpu.vector_store_idx %arg12[%add3A_88, %add3A_125], %gather3A masked %and3A_99 : memref<672x128xf32, #tpu.memory_space<vmem>>[vector<16xi32>, vector<16xi32>], vector<16xf32>, vector<16xi1>
          %add3A_126 = arith.constant 1 : i32
          %add3A_127 = vector.broadcast %add3A_126 : i32 to vector<16xi32>
          %add3A_128 = arith.addi %broadcast_in_dim3A_11, %add3A_127 : vector<16xi32>
          %gather3A_129 = tpu.vector_load_idx %arg11[%add3A_128, %select_n3A_119] masked %and3A_99 : memref<64x128xf32, #tpu.memory_space<vmem>>[vector<16xi32>, vector<16xi32>], vector<16xf32>, vector<16xi1>
          %add3A_130 = arith.constant 1 : i32
          %add3A_131 = vector.broadcast %add3A_130 : i32 to vector<16xi32>
          %add3A_132 = arith.addi %broadcast_in_dim3A_11, %add3A_131 : vector<16xi32>
          tpu.vector_store_idx %arg12[%add3A_88, %add3A_132], %gather3A_129 masked %and3A_99 : memref<672x128xf32, #tpu.memory_space<vmem>>[vector<16xi32>, vector<16xi32>], vector<16xf32>, vector<16xi1>
          %add3A_133 = arith.constant 2 : i32
          %add3A_134 = vector.broadcast %add3A_133 : i32 to vector<16xi32>
          %add3A_135 = arith.addi %broadcast_in_dim3A_11, %add3A_134 : vector<16xi32>
          %gather3A_136 = tpu.vector_load_idx %arg11[%add3A_135, %select_n3A_119] masked %and3A_99 : memref<64x128xf32, #tpu.memory_space<vmem>>[vector<16xi32>, vector<16xi32>], vector<16xf32>, vector<16xi1>
          %add3A_137 = arith.constant 2 : i32
          %add3A_138 = vector.broadcast %add3A_137 : i32 to vector<16xi32>
          %add3A_139 = arith.addi %broadcast_in_dim3A_11, %add3A_138 : vector<16xi32>
          tpu.vector_store_idx %arg12[%add3A_88, %add3A_139], %gather3A_136 masked %and3A_99 : memref<672x128xf32, #tpu.memory_space<vmem>>[vector<16xi32>, vector<16xi32>], vector<16xf32>, vector<16xi1>
          %add3A_140 = arith.constant 3 : i32
          %add3A_141 = vector.broadcast %add3A_140 : i32 to vector<16xi32>
          %add3A_142 = arith.addi %broadcast_in_dim3A_11, %add3A_141 : vector<16xi32>
          %gather3A_143 = tpu.vector_load_idx %arg11[%add3A_142, %select_n3A_119] masked %and3A_99 : memref<64x128xf32, #tpu.memory_space<vmem>>[vector<16xi32>, vector<16xi32>], vector<16xf32>, vector<16xi1>
          %add3A_144 = arith.constant 3 : i32
          %add3A_145 = vector.broadcast %add3A_144 : i32 to vector<16xi32>
          %add3A_146 = arith.addi %broadcast_in_dim3A_11, %add3A_145 : vector<16xi32>
          tpu.vector_store_idx %arg12[%add3A_88, %add3A_146], %gather3A_143 masked %and3A_99 : memref<672x128xf32, #tpu.memory_space<vmem>>[vector<16xi32>, vector<16xi32>], vector<16xf32>, vector<16xi1>
          %add3A_147 = arith.constant 4 : i32
          %add3A_148 = vector.broadcast %add3A_147 : i32 to vector<16xi32>
          %add3A_149 = arith.addi %broadcast_in_dim3A_11, %add3A_148 : vector<16xi32>
          %gather3A_150 = tpu.vector_load_idx %arg11[%add3A_149, %select_n3A_119] masked %and3A_99 : memref<64x128xf32, #tpu.memory_space<vmem>>[vector<16xi32>, vector<16xi32>], vector<16xf32>, vector<16xi1>
          %add3A_151 = arith.constant 4 : i32
          %add3A_152 = vector.broadcast %add3A_151 : i32 to vector<16xi32>
          %add3A_153 = arith.addi %broadcast_in_dim3A_11, %add3A_152 : vector<16xi32>
          tpu.vector_store_idx %arg12[%add3A_88, %add3A_153], %gather3A_150 masked %and3A_99 : memref<672x128xf32, #tpu.memory_space<vmem>>[vector<16xi32>, vector<16xi32>], vector<16xf32>, vector<16xi1>
          %add3A_154 = arith.constant 5 : i32
          %add3A_155 = vector.broadcast %add3A_154 : i32 to vector<16xi32>
          %add3A_156 = arith.addi %broadcast_in_dim3A_11, %add3A_155 : vector<16xi32>
          %gather3A_157 = tpu.vector_load_idx %arg11[%add3A_156, %select_n3A_119] masked %and3A_99 : memref<64x128xf32, #tpu.memory_space<vmem>>[vector<16xi32>, vector<16xi32>], vector<16xf32>, vector<16xi1>
          %add3A_158 = arith.constant 5 : i32
          %add3A_159 = vector.broadcast %add3A_158 : i32 to vector<16xi32>
          %add3A_160 = arith.addi %broadcast_in_dim3A_11, %add3A_159 : vector<16xi32>
          tpu.vector_store_idx %arg12[%add3A_88, %add3A_160], %gather3A_157 masked %and3A_99 : memref<672x128xf32, #tpu.memory_space<vmem>>[vector<16xi32>, vector<16xi32>], vector<16xf32>, vector<16xi1>
          %add3A_161 = arith.constant 6 : i32
          %add3A_162 = vector.broadcast %add3A_161 : i32 to vector<16xi32>
          %add3A_163 = arith.addi %broadcast_in_dim3A_11, %add3A_162 : vector<16xi32>
          %gather3A_164 = tpu.vector_load_idx %arg11[%add3A_163, %select_n3A_119] masked %and3A_99 : memref<64x128xf32, #tpu.memory_space<vmem>>[vector<16xi32>, vector<16xi32>], vector<16xf32>, vector<16xi1>
          %add3A_165 = arith.constant 6 : i32
          %add3A_166 = vector.broadcast %add3A_165 : i32 to vector<16xi32>
          %add3A_167 = arith.addi %broadcast_in_dim3A_11, %add3A_166 : vector<16xi32>
          tpu.vector_store_idx %arg12[%add3A_88, %add3A_167], %gather3A_164 masked %and3A_99 : memref<672x128xf32, #tpu.memory_space<vmem>>[vector<16xi32>, vector<16xi32>], vector<16xf32>, vector<16xi1>
          %add3A_168 = arith.constant 7 : i32
          %add3A_169 = vector.broadcast %add3A_168 : i32 to vector<16xi32>
          %add3A_170 = arith.addi %broadcast_in_dim3A_11, %add3A_169 : vector<16xi32>
          %gather3A_171 = tpu.vector_load_idx %arg11[%add3A_170, %select_n3A_119] masked %and3A_99 : memref<64x128xf32, #tpu.memory_space<vmem>>[vector<16xi32>, vector<16xi32>], vector<16xf32>, vector<16xi1>
          %add3A_172 = arith.constant 7 : i32
          %add3A_173 = vector.broadcast %add3A_172 : i32 to vector<16xi32>
          %add3A_174 = arith.addi %broadcast_in_dim3A_11, %add3A_173 : vector<16xi32>
          tpu.vector_store_idx %arg12[%add3A_88, %add3A_174], %gather3A_171 masked %and3A_99 : memref<672x128xf32, #tpu.memory_space<vmem>>[vector<16xi32>, vector<16xi32>], vector<16xf32>, vector<16xi1>
          %add3A_175 = arith.constant 8 : i32
          %add3A_176 = vector.broadcast %add3A_175 : i32 to vector<16xi32>
          %add3A_177 = arith.addi %broadcast_in_dim3A_11, %add3A_176 : vector<16xi32>
          %gather3A_178 = tpu.vector_load_idx %arg11[%add3A_177, %select_n3A_119] masked %and3A_99 : memref<64x128xf32, #tpu.memory_space<vmem>>[vector<16xi32>, vector<16xi32>], vector<16xf32>, vector<16xi1>
          %add3A_179 = arith.constant 8 : i32
          %add3A_180 = vector.broadcast %add3A_179 : i32 to vector<16xi32>
          %add3A_181 = arith.addi %broadcast_in_dim3A_11, %add3A_180 : vector<16xi32>
          tpu.vector_store_idx %arg12[%add3A_88, %add3A_181], %gather3A_178 masked %and3A_99 : memref<672x128xf32, #tpu.memory_space<vmem>>[vector<16xi32>, vector<16xi32>], vector<16xf32>, vector<16xi1>
          %add3A_182 = arith.constant 9 : i32
          %add3A_183 = vector.broadcast %add3A_182 : i32 to vector<16xi32>
          %add3A_184 = arith.addi %broadcast_in_dim3A_11, %add3A_183 : vector<16xi32>
          %gather3A_185 = tpu.vector_load_idx %arg11[%add3A_184, %select_n3A_119] masked %and3A_99 : memref<64x128xf32, #tpu.memory_space<vmem>>[vector<16xi32>, vector<16xi32>], vector<16xf32>, vector<16xi1>
          %add3A_186 = arith.constant 9 : i32
          %add3A_187 = vector.broadcast %add3A_186 : i32 to vector<16xi32>
          %add3A_188 = arith.addi %broadcast_in_dim3A_11, %add3A_187 : vector<16xi32>
          tpu.vector_store_idx %arg12[%add3A_88, %add3A_188], %gather3A_185 masked %and3A_99 : memref<672x128xf32, #tpu.memory_space<vmem>>[vector<16xi32>, vector<16xi32>], vector<16xf32>, vector<16xi1>
          %add3A_189 = arith.constant 10 : i32
          %add3A_190 = vector.broadcast %add3A_189 : i32 to vector<16xi32>
          %add3A_191 = arith.addi %broadcast_in_dim3A_11, %add3A_190 : vector<16xi32>
          %gather3A_192 = tpu.vector_load_idx %arg11[%add3A_191, %select_n3A_119] masked %and3A_99 : memref<64x128xf32, #tpu.memory_space<vmem>>[vector<16xi32>, vector<16xi32>], vector<16xf32>, vector<16xi1>
          %add3A_193 = arith.constant 10 : i32
          %add3A_194 = vector.broadcast %add3A_193 : i32 to vector<16xi32>
          %add3A_195 = arith.addi %broadcast_in_dim3A_11, %add3A_194 : vector<16xi32>
          tpu.vector_store_idx %arg12[%add3A_88, %add3A_195], %gather3A_192 masked %and3A_99 : memref<672x128xf32, #tpu.memory_space<vmem>>[vector<16xi32>, vector<16xi32>], vector<16xf32>, vector<16xi1>
          %add3A_196 = arith.constant 11 : i32
          %add3A_197 = vector.broadcast %add3A_196 : i32 to vector<16xi32>
          %add3A_198 = arith.addi %broadcast_in_dim3A_11, %add3A_197 : vector<16xi32>
          %gather3A_199 = tpu.vector_load_idx %arg11[%add3A_198, %select_n3A_119] masked %and3A_99 : memref<64x128xf32, #tpu.memory_space<vmem>>[vector<16xi32>, vector<16xi32>], vector<16xf32>, vector<16xi1>
          %add3A_200 = arith.constant 11 : i32
          %add3A_201 = vector.broadcast %add3A_200 : i32 to vector<16xi32>
          %add3A_202 = arith.addi %broadcast_in_dim3A_11, %add3A_201 : vector<16xi32>
          tpu.vector_store_idx %arg12[%add3A_88, %add3A_202], %gather3A_199 masked %and3A_99 : memref<672x128xf32, #tpu.memory_space<vmem>>[vector<16xi32>, vector<16xi32>], vector<16xf32>, vector<16xi1>
          %add3A_203 = arith.constant 12 : i32
          %add3A_204 = vector.broadcast %add3A_203 : i32 to vector<16xi32>
          %add3A_205 = arith.addi %broadcast_in_dim3A_11, %add3A_204 : vector<16xi32>
          %gather3A_206 = tpu.vector_load_idx %arg11[%add3A_205, %select_n3A_119] masked %and3A_99 : memref<64x128xf32, #tpu.memory_space<vmem>>[vector<16xi32>, vector<16xi32>], vector<16xf32>, vector<16xi1>
          %add3A_207 = arith.constant 12 : i32
          %add3A_208 = vector.broadcast %add3A_207 : i32 to vector<16xi32>
          %add3A_209 = arith.addi %broadcast_in_dim3A_11, %add3A_208 : vector<16xi32>
          tpu.vector_store_idx %arg12[%add3A_88, %add3A_209], %gather3A_206 masked %and3A_99 : memref<672x128xf32, #tpu.memory_space<vmem>>[vector<16xi32>, vector<16xi32>], vector<16xf32>, vector<16xi1>
          %add3A_210 = arith.constant 13 : i32
          %add3A_211 = vector.broadcast %add3A_210 : i32 to vector<16xi32>
          %add3A_212 = arith.addi %broadcast_in_dim3A_11, %add3A_211 : vector<16xi32>
          %gather3A_213 = tpu.vector_load_idx %arg11[%add3A_212, %select_n3A_119] masked %and3A_99 : memref<64x128xf32, #tpu.memory_space<vmem>>[vector<16xi32>, vector<16xi32>], vector<16xf32>, vector<16xi1>
          %add3A_214 = arith.constant 13 : i32
          %add3A_215 = vector.broadcast %add3A_214 : i32 to vector<16xi32>
          %add3A_216 = arith.addi %broadcast_in_dim3A_11, %add3A_215 : vector<16xi32>
          tpu.vector_store_idx %arg12[%add3A_88, %add3A_216], %gather3A_213 masked %and3A_99 : memref<672x128xf32, #tpu.memory_space<vmem>>[vector<16xi32>, vector<16xi32>], vector<16xf32>, vector<16xi1>
          %add3A_217 = arith.constant 14 : i32
          %add3A_218 = vector.broadcast %add3A_217 : i32 to vector<16xi32>
          %add3A_219 = arith.addi %broadcast_in_dim3A_11, %add3A_218 : vector<16xi32>
          %gather3A_220 = tpu.vector_load_idx %arg11[%add3A_219, %select_n3A_119] masked %and3A_99 : memref<64x128xf32, #tpu.memory_space<vmem>>[vector<16xi32>, vector<16xi32>], vector<16xf32>, vector<16xi1>
          %add3A_221 = arith.constant 14 : i32
          %add3A_222 = vector.broadcast %add3A_221 : i32 to vector<16xi32>
          %add3A_223 = arith.addi %broadcast_in_dim3A_11, %add3A_222 : vector<16xi32>
          tpu.vector_store_idx %arg12[%add3A_88, %add3A_223], %gather3A_220 masked %and3A_99 : memref<672x128xf32, #tpu.memory_space<vmem>>[vector<16xi32>, vector<16xi32>], vector<16xf32>, vector<16xi1>
          %add3A_224 = arith.constant 15 : i32
          %add3A_225 = vector.broadcast %add3A_224 : i32 to vector<16xi32>
          %add3A_226 = arith.addi %broadcast_in_dim3A_11, %add3A_225 : vector<16xi32>
          %gather3A_227 = tpu.vector_load_idx %arg11[%add3A_226, %select_n3A_119] masked %and3A_99 : memref<64x128xf32, #tpu.memory_space<vmem>>[vector<16xi32>, vector<16xi32>], vector<16xf32>, vector<16xi1>
          %add3A_228 = arith.constant 15 : i32
          %add3A_229 = vector.broadcast %add3A_228 : i32 to vector<16xi32>
          %add3A_230 = arith.addi %broadcast_in_dim3A_11, %add3A_229 : vector<16xi32>
          tpu.vector_store_idx %arg12[%add3A_88, %add3A_230], %gather3A_227 masked %and3A_99 : memref<672x128xf32, #tpu.memory_space<vmem>>[vector<16xi32>, vector<16xi32>], vector<16xf32>, vector<16xi1>
          %add3A_231 = arith.constant 16 : i32
          %add3A_232 = vector.broadcast %add3A_231 : i32 to vector<16xi32>
          %add3A_233 = arith.addi %broadcast_in_dim3A_11, %add3A_232 : vector<16xi32>
          %gather3A_234 = tpu.vector_load_idx %arg11[%add3A_233, %select_n3A_119] masked %and3A_99 : memref<64x128xf32, #tpu.memory_space<vmem>>[vector<16xi32>, vector<16xi32>], vector<16xf32>, vector<16xi1>
          %add3A_235 = arith.constant 16 : i32
          %add3A_236 = vector.broadcast %add3A_235 : i32 to vector<16xi32>
          %add3A_237 = arith.addi %broadcast_in_dim3A_11, %add3A_236 : vector<16xi32>
          tpu.vector_store_idx %arg12[%add3A_88, %add3A_237], %gather3A_234 masked %and3A_99 : memref<672x128xf32, #tpu.memory_space<vmem>>[vector<16xi32>, vector<16xi32>], vector<16xf32>, vector<16xi1>
          %add3A_238 = arith.constant 17 : i32
          %add3A_239 = vector.broadcast %add3A_238 : i32 to vector<16xi32>
          %add3A_240 = arith.addi %broadcast_in_dim3A_11, %add3A_239 : vector<16xi32>
          %gather3A_241 = tpu.vector_load_idx %arg11[%add3A_240, %select_n3A_119] masked %and3A_99 : memref<64x128xf32, #tpu.memory_space<vmem>>[vector<16xi32>, vector<16xi32>], vector<16xf32>, vector<16xi1>
          %add3A_242 = arith.constant 17 : i32
          %add3A_243 = vector.broadcast %add3A_242 : i32 to vector<16xi32>
          %add3A_244 = arith.addi %broadcast_in_dim3A_11, %add3A_243 : vector<16xi32>
          tpu.vector_store_idx %arg12[%add3A_88, %add3A_244], %gather3A_241 masked %and3A_99 : memref<672x128xf32, #tpu.memory_space<vmem>>[vector<16xi32>, vector<16xi32>], vector<16xf32>, vector<16xi1>
          %add3A_245 = arith.constant 18 : i32
          %add3A_246 = vector.broadcast %add3A_245 : i32 to vector<16xi32>
          %add3A_247 = arith.addi %broadcast_in_dim3A_11, %add3A_246 : vector<16xi32>
          %gather3A_248 = tpu.vector_load_idx %arg11[%add3A_247, %select_n3A_119] masked %and3A_99 : memref<64x128xf32, #tpu.memory_space<vmem>>[vector<16xi32>, vector<16xi32>], vector<16xf32>, vector<16xi1>
          %add3A_249 = arith.constant 18 : i32
          %add3A_250 = vector.broadcast %add3A_249 : i32 to vector<16xi32>
          %add3A_251 = arith.addi %broadcast_in_dim3A_11, %add3A_250 : vector<16xi32>
          tpu.vector_store_idx %arg12[%add3A_88, %add3A_251], %gather3A_248 masked %and3A_99 : memref<672x128xf32, #tpu.memory_space<vmem>>[vector<16xi32>, vector<16xi32>], vector<16xf32>, vector<16xi1>
          %add3A_252 = arith.constant 19 : i32
          %add3A_253 = vector.broadcast %add3A_252 : i32 to vector<16xi32>
          %add3A_254 = arith.addi %broadcast_in_dim3A_11, %add3A_253 : vector<16xi32>
          %gather3A_255 = tpu.vector_load_idx %arg11[%add3A_254, %select_n3A_119] masked %and3A_99 : memref<64x128xf32, #tpu.memory_space<vmem>>[vector<16xi32>, vector<16xi32>], vector<16xf32>, vector<16xi1>
          %add3A_256 = arith.constant 19 : i32
          %add3A_257 = vector.broadcast %add3A_256 : i32 to vector<16xi32>
          %add3A_258 = arith.addi %broadcast_in_dim3A_11, %add3A_257 : vector<16xi32>
          tpu.vector_store_idx %arg12[%add3A_88, %add3A_258], %gather3A_255 masked %and3A_99 : memref<672x128xf32, #tpu.memory_space<vmem>>[vector<16xi32>, vector<16xi32>], vector<16xf32>, vector<16xi1>
          %add3A_259 = arith.constant 20 : i32
          %add3A_260 = vector.broadcast %add3A_259 : i32 to vector<16xi32>
          %add3A_261 = arith.addi %broadcast_in_dim3A_11, %add3A_260 : vector<16xi32>
          %gather3A_262 = tpu.vector_load_idx %arg11[%add3A_261, %select_n3A_119] masked %and3A_99 : memref<64x128xf32, #tpu.memory_space<vmem>>[vector<16xi32>, vector<16xi32>], vector<16xf32>, vector<16xi1>
          %add3A_263 = arith.constant 20 : i32
          %add3A_264 = vector.broadcast %add3A_263 : i32 to vector<16xi32>
          %add3A_265 = arith.addi %broadcast_in_dim3A_11, %add3A_264 : vector<16xi32>
          tpu.vector_store_idx %arg12[%add3A_88, %add3A_265], %gather3A_262 masked %and3A_99 : memref<672x128xf32, #tpu.memory_space<vmem>>[vector<16xi32>, vector<16xi32>], vector<16xf32>, vector<16xi1>
          %add3A_266 = arith.constant 21 : i32
          %add3A_267 = vector.broadcast %add3A_266 : i32 to vector<16xi32>
          %add3A_268 = arith.addi %broadcast_in_dim3A_11, %add3A_267 : vector<16xi32>
          %gather3A_269 = tpu.vector_load_idx %arg11[%add3A_268, %select_n3A_119] masked %and3A_99 : memref<64x128xf32, #tpu.memory_space<vmem>>[vector<16xi32>, vector<16xi32>], vector<16xf32>, vector<16xi1>
          %add3A_270 = arith.constant 21 : i32
          %add3A_271 = vector.broadcast %add3A_270 : i32 to vector<16xi32>
          %add3A_272 = arith.addi %broadcast_in_dim3A_11, %add3A_271 : vector<16xi32>
          tpu.vector_store_idx %arg12[%add3A_88, %add3A_272], %gather3A_269 masked %and3A_99 : memref<672x128xf32, #tpu.memory_space<vmem>>[vector<16xi32>, vector<16xi32>], vector<16xf32>, vector<16xi1>
          %add3A_273 = arith.constant 22 : i32
          %add3A_274 = vector.broadcast %add3A_273 : i32 to vector<16xi32>
          %add3A_275 = arith.addi %broadcast_in_dim3A_11, %add3A_274 : vector<16xi32>
          %gather3A_276 = tpu.vector_load_idx %arg11[%add3A_275, %select_n3A_119] masked %and3A_99 : memref<64x128xf32, #tpu.memory_space<vmem>>[vector<16xi32>, vector<16xi32>], vector<16xf32>, vector<16xi1>
          %add3A_277 = arith.constant 22 : i32
          %add3A_278 = vector.broadcast %add3A_277 : i32 to vector<16xi32>
          %add3A_279 = arith.addi %broadcast_in_dim3A_11, %add3A_278 : vector<16xi32>
          tpu.vector_store_idx %arg12[%add3A_88, %add3A_279], %gather3A_276 masked %and3A_99 : memref<672x128xf32, #tpu.memory_space<vmem>>[vector<16xi32>, vector<16xi32>], vector<16xf32>, vector<16xi1>
          %add3A_280 = arith.constant 23 : i32
          %add3A_281 = vector.broadcast %add3A_280 : i32 to vector<16xi32>
          %add3A_282 = arith.addi %broadcast_in_dim3A_11, %add3A_281 : vector<16xi32>
          %gather3A_283 = tpu.vector_load_idx %arg11[%add3A_282, %select_n3A_119] masked %and3A_99 : memref<64x128xf32, #tpu.memory_space<vmem>>[vector<16xi32>, vector<16xi32>], vector<16xf32>, vector<16xi1>
          %add3A_284 = arith.constant 23 : i32
          %add3A_285 = vector.broadcast %add3A_284 : i32 to vector<16xi32>
          %add3A_286 = arith.addi %broadcast_in_dim3A_11, %add3A_285 : vector<16xi32>
          tpu.vector_store_idx %arg12[%add3A_88, %add3A_286], %gather3A_283 masked %and3A_99 : memref<672x128xf32, #tpu.memory_space<vmem>>[vector<16xi32>, vector<16xi32>], vector<16xf32>, vector<16xi1>
          %add3A_287 = arith.constant 24 : i32
          %add3A_288 = vector.broadcast %add3A_287 : i32 to vector<16xi32>
          %add3A_289 = arith.addi %broadcast_in_dim3A_11, %add3A_288 : vector<16xi32>
          %gather3A_290 = tpu.vector_load_idx %arg11[%add3A_289, %select_n3A_119] masked %and3A_99 : memref<64x128xf32, #tpu.memory_space<vmem>>[vector<16xi32>, vector<16xi32>], vector<16xf32>, vector<16xi1>
          %add3A_291 = arith.constant 24 : i32
          %add3A_292 = vector.broadcast %add3A_291 : i32 to vector<16xi32>
          %add3A_293 = arith.addi %broadcast_in_dim3A_11, %add3A_292 : vector<16xi32>
          tpu.vector_store_idx %arg12[%add3A_88, %add3A_293], %gather3A_290 masked %and3A_99 : memref<672x128xf32, #tpu.memory_space<vmem>>[vector<16xi32>, vector<16xi32>], vector<16xf32>, vector<16xi1>
          %add3A_294 = arith.constant 25 : i32
          %add3A_295 = vector.broadcast %add3A_294 : i32 to vector<16xi32>
          %add3A_296 = arith.addi %broadcast_in_dim3A_11, %add3A_295 : vector<16xi32>
          %gather3A_297 = tpu.vector_load_idx %arg11[%add3A_296, %select_n3A_119] masked %and3A_99 : memref<64x128xf32, #tpu.memory_space<vmem>>[vector<16xi32>, vector<16xi32>], vector<16xf32>, vector<16xi1>
          %add3A_298 = arith.constant 25 : i32
          %add3A_299 = vector.broadcast %add3A_298 : i32 to vector<16xi32>
          %add3A_300 = arith.addi %broadcast_in_dim3A_11, %add3A_299 : vector<16xi32>
          tpu.vector_store_idx %arg12[%add3A_88, %add3A_300], %gather3A_297 masked %and3A_99 : memref<672x128xf32, #tpu.memory_space<vmem>>[vector<16xi32>, vector<16xi32>], vector<16xf32>, vector<16xi1>
          %add3A_301 = arith.constant 26 : i32
          %add3A_302 = vector.broadcast %add3A_301 : i32 to vector<16xi32>
          %add3A_303 = arith.addi %broadcast_in_dim3A_11, %add3A_302 : vector<16xi32>
          %gather3A_304 = tpu.vector_load_idx %arg11[%add3A_303, %select_n3A_119] masked %and3A_99 : memref<64x128xf32, #tpu.memory_space<vmem>>[vector<16xi32>, vector<16xi32>], vector<16xf32>, vector<16xi1>
          %add3A_305 = arith.constant 26 : i32
          %add3A_306 = vector.broadcast %add3A_305 : i32 to vector<16xi32>
          %add3A_307 = arith.addi %broadcast_in_dim3A_11, %add3A_306 : vector<16xi32>
          tpu.vector_store_idx %arg12[%add3A_88, %add3A_307], %gather3A_304 masked %and3A_99 : memref<672x128xf32, #tpu.memory_space<vmem>>[vector<16xi32>, vector<16xi32>], vector<16xf32>, vector<16xi1>
          %add3A_308 = arith.constant 27 : i32
          %add3A_309 = vector.broadcast %add3A_308 : i32 to vector<16xi32>
          %add3A_310 = arith.addi %broadcast_in_dim3A_11, %add3A_309 : vector<16xi32>
          %gather3A_311 = tpu.vector_load_idx %arg11[%add3A_310, %select_n3A_119] masked %and3A_99 : memref<64x128xf32, #tpu.memory_space<vmem>>[vector<16xi32>, vector<16xi32>], vector<16xf32>, vector<16xi1>
          %add3A_312 = arith.constant 27 : i32
          %add3A_313 = vector.broadcast %add3A_312 : i32 to vector<16xi32>
          %add3A_314 = arith.addi %broadcast_in_dim3A_11, %add3A_313 : vector<16xi32>
          tpu.vector_store_idx %arg12[%add3A_88, %add3A_314], %gather3A_311 masked %and3A_99 : memref<672x128xf32, #tpu.memory_space<vmem>>[vector<16xi32>, vector<16xi32>], vector<16xf32>, vector<16xi1>
          %add3A_315 = arith.constant 28 : i32
          %add3A_316 = vector.broadcast %add3A_315 : i32 to vector<16xi32>
          %add3A_317 = arith.addi %broadcast_in_dim3A_11, %add3A_316 : vector<16xi32>
          %gather3A_318 = tpu.vector_load_idx %arg11[%add3A_317, %select_n3A_119] masked %and3A_99 : memref<64x128xf32, #tpu.memory_space<vmem>>[vector<16xi32>, vector<16xi32>], vector<16xf32>, vector<16xi1>
          %add3A_319 = arith.constant 28 : i32
          %add3A_320 = vector.broadcast %add3A_319 : i32 to vector<16xi32>
          %add3A_321 = arith.addi %broadcast_in_dim3A_11, %add3A_320 : vector<16xi32>
          tpu.vector_store_idx %arg12[%add3A_88, %add3A_321], %gather3A_318 masked %and3A_99 : memref<672x128xf32, #tpu.memory_space<vmem>>[vector<16xi32>, vector<16xi32>], vector<16xf32>, vector<16xi1>
          %add3A_322 = arith.constant 29 : i32
          %add3A_323 = vector.broadcast %add3A_322 : i32 to vector<16xi32>
          %add3A_324 = arith.addi %broadcast_in_dim3A_11, %add3A_323 : vector<16xi32>
          %gather3A_325 = tpu.vector_load_idx %arg11[%add3A_324, %select_n3A_119] masked %and3A_99 : memref<64x128xf32, #tpu.memory_space<vmem>>[vector<16xi32>, vector<16xi32>], vector<16xf32>, vector<16xi1>
          %add3A_326 = arith.constant 29 : i32
          %add3A_327 = vector.broadcast %add3A_326 : i32 to vector<16xi32>
          %add3A_328 = arith.addi %broadcast_in_dim3A_11, %add3A_327 : vector<16xi32>
          tpu.vector_store_idx %arg12[%add3A_88, %add3A_328], %gather3A_325 masked %and3A_99 : memref<672x128xf32, #tpu.memory_space<vmem>>[vector<16xi32>, vector<16xi32>], vector<16xf32>, vector<16xi1>
          %add3A_329 = arith.constant 30 : i32
          %add3A_330 = vector.broadcast %add3A_329 : i32 to vector<16xi32>
          %add3A_331 = arith.addi %broadcast_in_dim3A_11, %add3A_330 : vector<16xi32>
          %gather3A_332 = tpu.vector_load_idx %arg11[%add3A_331, %select_n3A_119] masked %and3A_99 : memref<64x128xf32, #tpu.memory_space<vmem>>[vector<16xi32>, vector<16xi32>], vector<16xf32>, vector<16xi1>
          %add3A_333 = arith.constant 30 : i32
          %add3A_334 = vector.broadcast %add3A_333 : i32 to vector<16xi32>
          %add3A_335 = arith.addi %broadcast_in_dim3A_11, %add3A_334 : vector<16xi32>
          tpu.vector_store_idx %arg12[%add3A_88, %add3A_335], %gather3A_332 masked %and3A_99 : memref<672x128xf32, #tpu.memory_space<vmem>>[vector<16xi32>, vector<16xi32>], vector<16xf32>, vector<16xi1>
          %add3A_336 = arith.constant 31 : i32
          %add3A_337 = vector.broadcast %add3A_336 : i32 to vector<16xi32>
          %add3A_338 = arith.addi %broadcast_in_dim3A_11, %add3A_337 : vector<16xi32>
          %gather3A_339 = tpu.vector_load_idx %arg11[%add3A_338, %select_n3A_119] masked %and3A_99 : memref<64x128xf32, #tpu.memory_space<vmem>>[vector<16xi32>, vector<16xi32>], vector<16xf32>, vector<16xi1>
          %add3A_340 = arith.constant 31 : i32
          %add3A_341 = vector.broadcast %add3A_340 : i32 to vector<16xi32>
          %add3A_342 = arith.addi %broadcast_in_dim3A_11, %add3A_341 : vector<16xi32>
          tpu.vector_store_idx %arg12[%add3A_88, %add3A_342], %gather3A_339 masked %and3A_99 : memref<672x128xf32, #tpu.memory_space<vmem>>[vector<16xi32>, vector<16xi32>], vector<16xf32>, vector<16xi1>
          %add3A_343 = arith.constant 32 : i32
          %add3A_344 = vector.broadcast %add3A_343 : i32 to vector<16xi32>
          %add3A_345 = arith.addi %broadcast_in_dim3A_11, %add3A_344 : vector<16xi32>
          %gather3A_346 = tpu.vector_load_idx %arg11[%add3A_345, %select_n3A_119] masked %and3A_99 : memref<64x128xf32, #tpu.memory_space<vmem>>[vector<16xi32>, vector<16xi32>], vector<16xf32>, vector<16xi1>
          %add3A_347 = arith.constant 32 : i32
          %add3A_348 = vector.broadcast %add3A_347 : i32 to vector<16xi32>
          %add3A_349 = arith.addi %broadcast_in_dim3A_11, %add3A_348 : vector<16xi32>
          tpu.vector_store_idx %arg12[%add3A_88, %add3A_349], %gather3A_346 masked %and3A_99 : memref<672x128xf32, #tpu.memory_space<vmem>>[vector<16xi32>, vector<16xi32>], vector<16xf32>, vector<16xi1>
          %add3A_350 = arith.constant 33 : i32
          %add3A_351 = vector.broadcast %add3A_350 : i32 to vector<16xi32>
          %add3A_352 = arith.addi %broadcast_in_dim3A_11, %add3A_351 : vector<16xi32>
          %gather3A_353 = tpu.vector_load_idx %arg11[%add3A_352, %select_n3A_119] masked %and3A_99 : memref<64x128xf32, #tpu.memory_space<vmem>>[vector<16xi32>, vector<16xi32>], vector<16xf32>, vector<16xi1>
          %add3A_354 = arith.constant 33 : i32
          %add3A_355 = vector.broadcast %add3A_354 : i32 to vector<16xi32>
          %add3A_356 = arith.addi %broadcast_in_dim3A_11, %add3A_355 : vector<16xi32>
          tpu.vector_store_idx %arg12[%add3A_88, %add3A_356], %gather3A_353 masked %and3A_99 : memref<672x128xf32, #tpu.memory_space<vmem>>[vector<16xi32>, vector<16xi32>], vector<16xf32>, vector<16xi1>
          %add3A_357 = arith.constant 34 : i32
          %add3A_358 = vector.broadcast %add3A_357 : i32 to vector<16xi32>
          %add3A_359 = arith.addi %broadcast_in_dim3A_11, %add3A_358 : vector<16xi32>
          %gather3A_360 = tpu.vector_load_idx %arg11[%add3A_359, %select_n3A_119] masked %and3A_99 : memref<64x128xf32, #tpu.memory_space<vmem>>[vector<16xi32>, vector<16xi32>], vector<16xf32>, vector<16xi1>
          %add3A_361 = arith.constant 34 : i32
          %add3A_362 = vector.broadcast %add3A_361 : i32 to vector<16xi32>
          %add3A_363 = arith.addi %broadcast_in_dim3A_11, %add3A_362 : vector<16xi32>
          tpu.vector_store_idx %arg12[%add3A_88, %add3A_363], %gather3A_360 masked %and3A_99 : memref<672x128xf32, #tpu.memory_space<vmem>>[vector<16xi32>, vector<16xi32>], vector<16xf32>, vector<16xi1>
          %add3A_364 = arith.constant 35 : i32
          %add3A_365 = vector.broadcast %add3A_364 : i32 to vector<16xi32>
          %add3A_366 = arith.addi %broadcast_in_dim3A_11, %add3A_365 : vector<16xi32>
          %gather3A_367 = tpu.vector_load_idx %arg11[%add3A_366, %select_n3A_119] masked %and3A_99 : memref<64x128xf32, #tpu.memory_space<vmem>>[vector<16xi32>, vector<16xi32>], vector<16xf32>, vector<16xi1>
          %add3A_368 = arith.constant 35 : i32
          %add3A_369 = vector.broadcast %add3A_368 : i32 to vector<16xi32>
          %add3A_370 = arith.addi %broadcast_in_dim3A_11, %add3A_369 : vector<16xi32>
          tpu.vector_store_idx %arg12[%add3A_88, %add3A_370], %gather3A_367 masked %and3A_99 : memref<672x128xf32, #tpu.memory_space<vmem>>[vector<16xi32>, vector<16xi32>], vector<16xf32>, vector<16xi1>
          %add3A_371 = arith.constant 36 : i32
          %add3A_372 = vector.broadcast %add3A_371 : i32 to vector<16xi32>
          %add3A_373 = arith.addi %broadcast_in_dim3A_11, %add3A_372 : vector<16xi32>
          %gather3A_374 = tpu.vector_load_idx %arg11[%add3A_373, %select_n3A_119] masked %and3A_99 : memref<64x128xf32, #tpu.memory_space<vmem>>[vector<16xi32>, vector<16xi32>], vector<16xf32>, vector<16xi1>
          %add3A_375 = arith.constant 36 : i32
          %add3A_376 = vector.broadcast %add3A_375 : i32 to vector<16xi32>
          %add3A_377 = arith.addi %broadcast_in_dim3A_11, %add3A_376 : vector<16xi32>
          tpu.vector_store_idx %arg12[%add3A_88, %add3A_377], %gather3A_374 masked %and3A_99 : memref<672x128xf32, #tpu.memory_space<vmem>>[vector<16xi32>, vector<16xi32>], vector<16xf32>, vector<16xi1>
          %add3A_378 = arith.constant 37 : i32
          %add3A_379 = vector.broadcast %add3A_378 : i32 to vector<16xi32>
          %add3A_380 = arith.addi %broadcast_in_dim3A_11, %add3A_379 : vector<16xi32>
          %gather3A_381 = tpu.vector_load_idx %arg11[%add3A_380, %select_n3A_119] masked %and3A_99 : memref<64x128xf32, #tpu.memory_space<vmem>>[vector<16xi32>, vector<16xi32>], vector<16xf32>, vector<16xi1>
          %add3A_382 = arith.constant 37 : i32
          %add3A_383 = vector.broadcast %add3A_382 : i32 to vector<16xi32>
          %add3A_384 = arith.addi %broadcast_in_dim3A_11, %add3A_383 : vector<16xi32>
          tpu.vector_store_idx %arg12[%add3A_88, %add3A_384], %gather3A_381 masked %and3A_99 : memref<672x128xf32, #tpu.memory_space<vmem>>[vector<16xi32>, vector<16xi32>], vector<16xf32>, vector<16xi1>
          %add3A_385 = arith.constant 38 : i32
          %add3A_386 = vector.broadcast %add3A_385 : i32 to vector<16xi32>
          %add3A_387 = arith.addi %broadcast_in_dim3A_11, %add3A_386 : vector<16xi32>
          %gather3A_388 = tpu.vector_load_idx %arg11[%add3A_387, %select_n3A_119] masked %and3A_99 : memref<64x128xf32, #tpu.memory_space<vmem>>[vector<16xi32>, vector<16xi32>], vector<16xf32>, vector<16xi1>
          %add3A_389 = arith.constant 38 : i32
          %add3A_390 = vector.broadcast %add3A_389 : i32 to vector<16xi32>
          %add3A_391 = arith.addi %broadcast_in_dim3A_11, %add3A_390 : vector<16xi32>
          tpu.vector_store_idx %arg12[%add3A_88, %add3A_391], %gather3A_388 masked %and3A_99 : memref<672x128xf32, #tpu.memory_space<vmem>>[vector<16xi32>, vector<16xi32>], vector<16xf32>, vector<16xi1>
          %add3A_392 = arith.constant 39 : i32
          %add3A_393 = vector.broadcast %add3A_392 : i32 to vector<16xi32>
          %add3A_394 = arith.addi %broadcast_in_dim3A_11, %add3A_393 : vector<16xi32>
          %gather3A_395 = tpu.vector_load_idx %arg11[%add3A_394, %select_n3A_119] masked %and3A_99 : memref<64x128xf32, #tpu.memory_space<vmem>>[vector<16xi32>, vector<16xi32>], vector<16xf32>, vector<16xi1>
          %add3A_396 = arith.constant 39 : i32
          %add3A_397 = vector.broadcast %add3A_396 : i32 to vector<16xi32>
          %add3A_398 = arith.addi %broadcast_in_dim3A_11, %add3A_397 : vector<16xi32>
          tpu.vector_store_idx %arg12[%add3A_88, %add3A_398], %gather3A_395 masked %and3A_99 : memref<672x128xf32, #tpu.memory_space<vmem>>[vector<16xi32>, vector<16xi32>], vector<16xf32>, vector<16xi1>
          %add3A_399 = arith.constant 40 : i32
          %add3A_400 = vector.broadcast %add3A_399 : i32 to vector<16xi32>
          %add3A_401 = arith.addi %broadcast_in_dim3A_11, %add3A_400 : vector<16xi32>
          %gather3A_402 = tpu.vector_load_idx %arg11[%add3A_401, %select_n3A_119] masked %and3A_99 : memref<64x128xf32, #tpu.memory_space<vmem>>[vector<16xi32>, vector<16xi32>], vector<16xf32>, vector<16xi1>
          %add3A_403 = arith.constant 40 : i32
          %add3A_404 = vector.broadcast %add3A_403 : i32 to vector<16xi32>
          %add3A_405 = arith.addi %broadcast_in_dim3A_11, %add3A_404 : vector<16xi32>
          tpu.vector_store_idx %arg12[%add3A_88, %add3A_405], %gather3A_402 masked %and3A_99 : memref<672x128xf32, #tpu.memory_space<vmem>>[vector<16xi32>, vector<16xi32>], vector<16xf32>, vector<16xi1>
          %add3A_406 = arith.constant 41 : i32
          %add3A_407 = vector.broadcast %add3A_406 : i32 to vector<16xi32>
          %add3A_408 = arith.addi %broadcast_in_dim3A_11, %add3A_407 : vector<16xi32>
          %gather3A_409 = tpu.vector_load_idx %arg11[%add3A_408, %select_n3A_119] masked %and3A_99 : memref<64x128xf32, #tpu.memory_space<vmem>>[vector<16xi32>, vector<16xi32>], vector<16xf32>, vector<16xi1>
          %add3A_410 = arith.constant 41 : i32
          %add3A_411 = vector.broadcast %add3A_410 : i32 to vector<16xi32>
          %add3A_412 = arith.addi %broadcast_in_dim3A_11, %add3A_411 : vector<16xi32>
          tpu.vector_store_idx %arg12[%add3A_88, %add3A_412], %gather3A_409 masked %and3A_99 : memref<672x128xf32, #tpu.memory_space<vmem>>[vector<16xi32>, vector<16xi32>], vector<16xf32>, vector<16xi1>
          %add3A_413 = arith.constant 42 : i32
          %add3A_414 = vector.broadcast %add3A_413 : i32 to vector<16xi32>
          %add3A_415 = arith.addi %broadcast_in_dim3A_11, %add3A_414 : vector<16xi32>
          %gather3A_416 = tpu.vector_load_idx %arg11[%add3A_415, %select_n3A_119] masked %and3A_99 : memref<64x128xf32, #tpu.memory_space<vmem>>[vector<16xi32>, vector<16xi32>], vector<16xf32>, vector<16xi1>
          %add3A_417 = arith.constant 42 : i32
          %add3A_418 = vector.broadcast %add3A_417 : i32 to vector<16xi32>
          %add3A_419 = arith.addi %broadcast_in_dim3A_11, %add3A_418 : vector<16xi32>
          tpu.vector_store_idx %arg12[%add3A_88, %add3A_419], %gather3A_416 masked %and3A_99 : memref<672x128xf32, #tpu.memory_space<vmem>>[vector<16xi32>, vector<16xi32>], vector<16xf32>, vector<16xi1>
          %add3A_420 = arith.constant 43 : i32
          %add3A_421 = vector.broadcast %add3A_420 : i32 to vector<16xi32>
          %add3A_422 = arith.addi %broadcast_in_dim3A_11, %add3A_421 : vector<16xi32>
          %gather3A_423 = tpu.vector_load_idx %arg11[%add3A_422, %select_n3A_119] masked %and3A_99 : memref<64x128xf32, #tpu.memory_space<vmem>>[vector<16xi32>, vector<16xi32>], vector<16xf32>, vector<16xi1>
          %add3A_424 = arith.constant 43 : i32
          %add3A_425 = vector.broadcast %add3A_424 : i32 to vector<16xi32>
          %add3A_426 = arith.addi %broadcast_in_dim3A_11, %add3A_425 : vector<16xi32>
          tpu.vector_store_idx %arg12[%add3A_88, %add3A_426], %gather3A_423 masked %and3A_99 : memref<672x128xf32, #tpu.memory_space<vmem>>[vector<16xi32>, vector<16xi32>], vector<16xf32>, vector<16xi1>
          %add3A_427 = arith.constant 44 : i32
          %add3A_428 = vector.broadcast %add3A_427 : i32 to vector<16xi32>
          %add3A_429 = arith.addi %broadcast_in_dim3A_11, %add3A_428 : vector<16xi32>
          %gather3A_430 = tpu.vector_load_idx %arg11[%add3A_429, %select_n3A_119] masked %and3A_99 : memref<64x128xf32, #tpu.memory_space<vmem>>[vector<16xi32>, vector<16xi32>], vector<16xf32>, vector<16xi1>
          %add3A_431 = arith.constant 44 : i32
          %add3A_432 = vector.broadcast %add3A_431 : i32 to vector<16xi32>
          %add3A_433 = arith.addi %broadcast_in_dim3A_11, %add3A_432 : vector<16xi32>
          tpu.vector_store_idx %arg12[%add3A_88, %add3A_433], %gather3A_430 masked %and3A_99 : memref<672x128xf32, #tpu.memory_space<vmem>>[vector<16xi32>, vector<16xi32>], vector<16xf32>, vector<16xi1>
          %add3A_434 = arith.constant 45 : i32
          %add3A_435 = vector.broadcast %add3A_434 : i32 to vector<16xi32>
          %add3A_436 = arith.addi %broadcast_in_dim3A_11, %add3A_435 : vector<16xi32>
          %gather3A_437 = tpu.vector_load_idx %arg11[%add3A_436, %select_n3A_119] masked %and3A_99 : memref<64x128xf32, #tpu.memory_space<vmem>>[vector<16xi32>, vector<16xi32>], vector<16xf32>, vector<16xi1>
          %add3A_438 = arith.constant 45 : i32
          %add3A_439 = vector.broadcast %add3A_438 : i32 to vector<16xi32>
          %add3A_440 = arith.addi %broadcast_in_dim3A_11, %add3A_439 : vector<16xi32>
          tpu.vector_store_idx %arg12[%add3A_88, %add3A_440], %gather3A_437 masked %and3A_99 : memref<672x128xf32, #tpu.memory_space<vmem>>[vector<16xi32>, vector<16xi32>], vector<16xf32>, vector<16xi1>
          %add3A_441 = arith.constant 46 : i32
          %add3A_442 = vector.broadcast %add3A_441 : i32 to vector<16xi32>
          %add3A_443 = arith.addi %broadcast_in_dim3A_11, %add3A_442 : vector<16xi32>
          %gather3A_444 = tpu.vector_load_idx %arg11[%add3A_443, %select_n3A_119] masked %and3A_99 : memref<64x128xf32, #tpu.memory_space<vmem>>[vector<16xi32>, vector<16xi32>], vector<16xf32>, vector<16xi1>
          %add3A_445 = arith.constant 46 : i32
          %add3A_446 = vector.broadcast %add3A_445 : i32 to vector<16xi32>
          %add3A_447 = arith.addi %broadcast_in_dim3A_11, %add3A_446 : vector<16xi32>
          tpu.vector_store_idx %arg12[%add3A_88, %add3A_447], %gather3A_444 masked %and3A_99 : memref<672x128xf32, #tpu.memory_space<vmem>>[vector<16xi32>, vector<16xi32>], vector<16xf32>, vector<16xi1>
          %add3A_448 = arith.constant 47 : i32
          %add3A_449 = vector.broadcast %add3A_448 : i32 to vector<16xi32>
          %add3A_450 = arith.addi %broadcast_in_dim3A_11, %add3A_449 : vector<16xi32>
          %gather3A_451 = tpu.vector_load_idx %arg11[%add3A_450, %select_n3A_119] masked %and3A_99 : memref<64x128xf32, #tpu.memory_space<vmem>>[vector<16xi32>, vector<16xi32>], vector<16xf32>, vector<16xi1>
          %add3A_452 = arith.constant 47 : i32
          %add3A_453 = vector.broadcast %add3A_452 : i32 to vector<16xi32>
          %add3A_454 = arith.addi %broadcast_in_dim3A_11, %add3A_453 : vector<16xi32>
          tpu.vector_store_idx %arg12[%add3A_88, %add3A_454], %gather3A_451 masked %and3A_99 : memref<672x128xf32, #tpu.memory_space<vmem>>[vector<16xi32>, vector<16xi32>], vector<16xf32>, vector<16xi1>
          %add3A_455 = arith.constant 48 : i32
          %add3A_456 = vector.broadcast %add3A_455 : i32 to vector<16xi32>
          %add3A_457 = arith.addi %broadcast_in_dim3A_11, %add3A_456 : vector<16xi32>
          %gather3A_458 = tpu.vector_load_idx %arg11[%add3A_457, %select_n3A_119] masked %and3A_99 : memref<64x128xf32, #tpu.memory_space<vmem>>[vector<16xi32>, vector<16xi32>], vector<16xf32>, vector<16xi1>
          %add3A_459 = arith.constant 48 : i32
          %add3A_460 = vector.broadcast %add3A_459 : i32 to vector<16xi32>
          %add3A_461 = arith.addi %broadcast_in_dim3A_11, %add3A_460 : vector<16xi32>
          tpu.vector_store_idx %arg12[%add3A_88, %add3A_461], %gather3A_458 masked %and3A_99 : memref<672x128xf32, #tpu.memory_space<vmem>>[vector<16xi32>, vector<16xi32>], vector<16xf32>, vector<16xi1>
          %add3A_462 = arith.constant 49 : i32
          %add3A_463 = vector.broadcast %add3A_462 : i32 to vector<16xi32>
          %add3A_464 = arith.addi %broadcast_in_dim3A_11, %add3A_463 : vector<16xi32>
          %gather3A_465 = tpu.vector_load_idx %arg11[%add3A_464, %select_n3A_119] masked %and3A_99 : memref<64x128xf32, #tpu.memory_space<vmem>>[vector<16xi32>, vector<16xi32>], vector<16xf32>, vector<16xi1>
          %add3A_466 = arith.constant 49 : i32
          %add3A_467 = vector.broadcast %add3A_466 : i32 to vector<16xi32>
          %add3A_468 = arith.addi %broadcast_in_dim3A_11, %add3A_467 : vector<16xi32>
          tpu.vector_store_idx %arg12[%add3A_88, %add3A_468], %gather3A_465 masked %and3A_99 : memref<672x128xf32, #tpu.memory_space<vmem>>[vector<16xi32>, vector<16xi32>], vector<16xf32>, vector<16xi1>
          %add3A_469 = arith.constant 50 : i32
          %add3A_470 = vector.broadcast %add3A_469 : i32 to vector<16xi32>
          %add3A_471 = arith.addi %broadcast_in_dim3A_11, %add3A_470 : vector<16xi32>
          %gather3A_472 = tpu.vector_load_idx %arg11[%add3A_471, %select_n3A_119] masked %and3A_99 : memref<64x128xf32, #tpu.memory_space<vmem>>[vector<16xi32>, vector<16xi32>], vector<16xf32>, vector<16xi1>
          %add3A_473 = arith.constant 50 : i32
          %add3A_474 = vector.broadcast %add3A_473 : i32 to vector<16xi32>
          %add3A_475 = arith.addi %broadcast_in_dim3A_11, %add3A_474 : vector<16xi32>
          tpu.vector_store_idx %arg12[%add3A_88, %add3A_475], %gather3A_472 masked %and3A_99 : memref<672x128xf32, #tpu.memory_space<vmem>>[vector<16xi32>, vector<16xi32>], vector<16xf32>, vector<16xi1>
          %add3A_476 = arith.constant 51 : i32
          %add3A_477 = vector.broadcast %add3A_476 : i32 to vector<16xi32>
          %add3A_478 = arith.addi %broadcast_in_dim3A_11, %add3A_477 : vector<16xi32>
          %gather3A_479 = tpu.vector_load_idx %arg11[%add3A_478, %select_n3A_119] masked %and3A_99 : memref<64x128xf32, #tpu.memory_space<vmem>>[vector<16xi32>, vector<16xi32>], vector<16xf32>, vector<16xi1>
          %add3A_480 = arith.constant 51 : i32
          %add3A_481 = vector.broadcast %add3A_480 : i32 to vector<16xi32>
          %add3A_482 = arith.addi %broadcast_in_dim3A_11, %add3A_481 : vector<16xi32>
          tpu.vector_store_idx %arg12[%add3A_88, %add3A_482], %gather3A_479 masked %and3A_99 : memref<672x128xf32, #tpu.memory_space<vmem>>[vector<16xi32>, vector<16xi32>], vector<16xf32>, vector<16xi1>
          %add3A_483 = arith.constant 52 : i32
          %add3A_484 = vector.broadcast %add3A_483 : i32 to vector<16xi32>
          %add3A_485 = arith.addi %broadcast_in_dim3A_11, %add3A_484 : vector<16xi32>
          %gather3A_486 = tpu.vector_load_idx %arg11[%add3A_485, %select_n3A_119] masked %and3A_99 : memref<64x128xf32, #tpu.memory_space<vmem>>[vector<16xi32>, vector<16xi32>], vector<16xf32>, vector<16xi1>
          %add3A_487 = arith.constant 52 : i32
          %add3A_488 = vector.broadcast %add3A_487 : i32 to vector<16xi32>
          %add3A_489 = arith.addi %broadcast_in_dim3A_11, %add3A_488 : vector<16xi32>
          tpu.vector_store_idx %arg12[%add3A_88, %add3A_489], %gather3A_486 masked %and3A_99 : memref<672x128xf32, #tpu.memory_space<vmem>>[vector<16xi32>, vector<16xi32>], vector<16xf32>, vector<16xi1>
          %add3A_490 = arith.constant 53 : i32
          %add3A_491 = vector.broadcast %add3A_490 : i32 to vector<16xi32>
          %add3A_492 = arith.addi %broadcast_in_dim3A_11, %add3A_491 : vector<16xi32>
          %gather3A_493 = tpu.vector_load_idx %arg11[%add3A_492, %select_n3A_119] masked %and3A_99 : memref<64x128xf32, #tpu.memory_space<vmem>>[vector<16xi32>, vector<16xi32>], vector<16xf32>, vector<16xi1>
          %add3A_494 = arith.constant 53 : i32
          %add3A_495 = vector.broadcast %add3A_494 : i32 to vector<16xi32>
          %add3A_496 = arith.addi %broadcast_in_dim3A_11, %add3A_495 : vector<16xi32>
          tpu.vector_store_idx %arg12[%add3A_88, %add3A_496], %gather3A_493 masked %and3A_99 : memref<672x128xf32, #tpu.memory_space<vmem>>[vector<16xi32>, vector<16xi32>], vector<16xf32>, vector<16xi1>
          %add3A_497 = arith.constant 54 : i32
          %add3A_498 = vector.broadcast %add3A_497 : i32 to vector<16xi32>
          %add3A_499 = arith.addi %broadcast_in_dim3A_11, %add3A_498 : vector<16xi32>
          %gather3A_500 = tpu.vector_load_idx %arg11[%add3A_499, %select_n3A_119] masked %and3A_99 : memref<64x128xf32, #tpu.memory_space<vmem>>[vector<16xi32>, vector<16xi32>], vector<16xf32>, vector<16xi1>
          %add3A_501 = arith.constant 54 : i32
          %add3A_502 = vector.broadcast %add3A_501 : i32 to vector<16xi32>
          %add3A_503 = arith.addi %broadcast_in_dim3A_11, %add3A_502 : vector<16xi32>
          tpu.vector_store_idx %arg12[%add3A_88, %add3A_503], %gather3A_500 masked %and3A_99 : memref<672x128xf32, #tpu.memory_space<vmem>>[vector<16xi32>, vector<16xi32>], vector<16xf32>, vector<16xi1>
          %add3A_504 = arith.constant 55 : i32
          %add3A_505 = vector.broadcast %add3A_504 : i32 to vector<16xi32>
          %add3A_506 = arith.addi %broadcast_in_dim3A_11, %add3A_505 : vector<16xi32>
          %gather3A_507 = tpu.vector_load_idx %arg11[%add3A_506, %select_n3A_119] masked %and3A_99 : memref<64x128xf32, #tpu.memory_space<vmem>>[vector<16xi32>, vector<16xi32>], vector<16xf32>, vector<16xi1>
          %add3A_508 = arith.constant 55 : i32
          %add3A_509 = vector.broadcast %add3A_508 : i32 to vector<16xi32>
          %add3A_510 = arith.addi %broadcast_in_dim3A_11, %add3A_509 : vector<16xi32>
          tpu.vector_store_idx %arg12[%add3A_88, %add3A_510], %gather3A_507 masked %and3A_99 : memref<672x128xf32, #tpu.memory_space<vmem>>[vector<16xi32>, vector<16xi32>], vector<16xf32>, vector<16xi1>
          %add3A_511 = arith.constant 56 : i32
          %add3A_512 = vector.broadcast %add3A_511 : i32 to vector<16xi32>
          %add3A_513 = arith.addi %broadcast_in_dim3A_11, %add3A_512 : vector<16xi32>
          %gather3A_514 = tpu.vector_load_idx %arg11[%add3A_513, %select_n3A_119] masked %and3A_99 : memref<64x128xf32, #tpu.memory_space<vmem>>[vector<16xi32>, vector<16xi32>], vector<16xf32>, vector<16xi1>
          %add3A_515 = arith.constant 56 : i32
          %add3A_516 = vector.broadcast %add3A_515 : i32 to vector<16xi32>
          %add3A_517 = arith.addi %broadcast_in_dim3A_11, %add3A_516 : vector<16xi32>
          tpu.vector_store_idx %arg12[%add3A_88, %add3A_517], %gather3A_514 masked %and3A_99 : memref<672x128xf32, #tpu.memory_space<vmem>>[vector<16xi32>, vector<16xi32>], vector<16xf32>, vector<16xi1>
          %add3A_518 = arith.constant 57 : i32
          %add3A_519 = vector.broadcast %add3A_518 : i32 to vector<16xi32>
          %add3A_520 = arith.addi %broadcast_in_dim3A_11, %add3A_519 : vector<16xi32>
          %gather3A_521 = tpu.vector_load_idx %arg11[%add3A_520, %select_n3A_119] masked %and3A_99 : memref<64x128xf32, #tpu.memory_space<vmem>>[vector<16xi32>, vector<16xi32>], vector<16xf32>, vector<16xi1>
          %add3A_522 = arith.constant 57 : i32
          %add3A_523 = vector.broadcast %add3A_522 : i32 to vector<16xi32>
          %add3A_524 = arith.addi %broadcast_in_dim3A_11, %add3A_523 : vector<16xi32>
          tpu.vector_store_idx %arg12[%add3A_88, %add3A_524], %gather3A_521 masked %and3A_99 : memref<672x128xf32, #tpu.memory_space<vmem>>[vector<16xi32>, vector<16xi32>], vector<16xf32>, vector<16xi1>
          %add3A_525 = arith.constant 58 : i32
          %add3A_526 = vector.broadcast %add3A_525 : i32 to vector<16xi32>
          %add3A_527 = arith.addi %broadcast_in_dim3A_11, %add3A_526 : vector<16xi32>
          %gather3A_528 = tpu.vector_load_idx %arg11[%add3A_527, %select_n3A_119] masked %and3A_99 : memref<64x128xf32, #tpu.memory_space<vmem>>[vector<16xi32>, vector<16xi32>], vector<16xf32>, vector<16xi1>
          %add3A_529 = arith.constant 58 : i32
          %add3A_530 = vector.broadcast %add3A_529 : i32 to vector<16xi32>
          %add3A_531 = arith.addi %broadcast_in_dim3A_11, %add3A_530 : vector<16xi32>
          tpu.vector_store_idx %arg12[%add3A_88, %add3A_531], %gather3A_528 masked %and3A_99 : memref<672x128xf32, #tpu.memory_space<vmem>>[vector<16xi32>, vector<16xi32>], vector<16xf32>, vector<16xi1>
          %add3A_532 = arith.constant 59 : i32
          %add3A_533 = vector.broadcast %add3A_532 : i32 to vector<16xi32>
          %add3A_534 = arith.addi %broadcast_in_dim3A_11, %add3A_533 : vector<16xi32>
          %gather3A_535 = tpu.vector_load_idx %arg11[%add3A_534, %select_n3A_119] masked %and3A_99 : memref<64x128xf32, #tpu.memory_space<vmem>>[vector<16xi32>, vector<16xi32>], vector<16xf32>, vector<16xi1>
          %add3A_536 = arith.constant 59 : i32
          %add3A_537 = vector.broadcast %add3A_536 : i32 to vector<16xi32>
          %add3A_538 = arith.addi %broadcast_in_dim3A_11, %add3A_537 : vector<16xi32>
          tpu.vector_store_idx %arg12[%add3A_88, %add3A_538], %gather3A_535 masked %and3A_99 : memref<672x128xf32, #tpu.memory_space<vmem>>[vector<16xi32>, vector<16xi32>], vector<16xf32>, vector<16xi1>
          %add3A_539 = arith.constant 60 : i32
          %add3A_540 = vector.broadcast %add3A_539 : i32 to vector<16xi32>
          %add3A_541 = arith.addi %broadcast_in_dim3A_11, %add3A_540 : vector<16xi32>
          %gather3A_542 = tpu.vector_load_idx %arg11[%add3A_541, %select_n3A_119] masked %and3A_99 : memref<64x128xf32, #tpu.memory_space<vmem>>[vector<16xi32>, vector<16xi32>], vector<16xf32>, vector<16xi1>
          %add3A_543 = arith.constant 60 : i32
          %add3A_544 = vector.broadcast %add3A_543 : i32 to vector<16xi32>
          %add3A_545 = arith.addi %broadcast_in_dim3A_11, %add3A_544 : vector<16xi32>
          tpu.vector_store_idx %arg12[%add3A_88, %add3A_545], %gather3A_542 masked %and3A_99 : memref<672x128xf32, #tpu.memory_space<vmem>>[vector<16xi32>, vector<16xi32>], vector<16xf32>, vector<16xi1>
          %add3A_546 = arith.constant 61 : i32
          %add3A_547 = vector.broadcast %add3A_546 : i32 to vector<16xi32>
          %add3A_548 = arith.addi %broadcast_in_dim3A_11, %add3A_547 : vector<16xi32>
          %gather3A_549 = tpu.vector_load_idx %arg11[%add3A_548, %select_n3A_119] masked %and3A_99 : memref<64x128xf32, #tpu.memory_space<vmem>>[vector<16xi32>, vector<16xi32>], vector<16xf32>, vector<16xi1>
          %add3A_550 = arith.constant 61 : i32
          %add3A_551 = vector.broadcast %add3A_550 : i32 to vector<16xi32>
          %add3A_552 = arith.addi %broadcast_in_dim3A_11, %add3A_551 : vector<16xi32>
          tpu.vector_store_idx %arg12[%add3A_88, %add3A_552], %gather3A_549 masked %and3A_99 : memref<672x128xf32, #tpu.memory_space<vmem>>[vector<16xi32>, vector<16xi32>], vector<16xf32>, vector<16xi1>
          %add3A_553 = arith.constant 62 : i32
          %add3A_554 = vector.broadcast %add3A_553 : i32 to vector<16xi32>
          %add3A_555 = arith.addi %broadcast_in_dim3A_11, %add3A_554 : vector<16xi32>
          %gather3A_556 = tpu.vector_load_idx %arg11[%add3A_555, %select_n3A_119] masked %and3A_99 : memref<64x128xf32, #tpu.memory_space<vmem>>[vector<16xi32>, vector<16xi32>], vector<16xf32>, vector<16xi1>
          %add3A_557 = arith.constant 62 : i32
          %add3A_558 = vector.broadcast %add3A_557 : i32 to vector<16xi32>
          %add3A_559 = arith.addi %broadcast_in_dim3A_11, %add3A_558 : vector<16xi32>
          tpu.vector_store_idx %arg12[%add3A_88, %add3A_559], %gather3A_556 masked %and3A_99 : memref<672x128xf32, #tpu.memory_space<vmem>>[vector<16xi32>, vector<16xi32>], vector<16xf32>, vector<16xi1>
          %add3A_560 = arith.constant 63 : i32
          %add3A_561 = vector.broadcast %add3A_560 : i32 to vector<16xi32>
          %add3A_562 = arith.addi %broadcast_in_dim3A_11, %add3A_561 : vector<16xi32>
          %gather3A_563 = tpu.vector_load_idx %arg11[%add3A_562, %select_n3A_119] masked %and3A_99 : memref<64x128xf32, #tpu.memory_space<vmem>>[vector<16xi32>, vector<16xi32>], vector<16xf32>, vector<16xi1>
          %add3A_564 = arith.constant 63 : i32
          %add3A_565 = vector.broadcast %add3A_564 : i32 to vector<16xi32>
          %add3A_566 = arith.addi %broadcast_in_dim3A_11, %add3A_565 : vector<16xi32>
          tpu.vector_store_idx %arg12[%add3A_88, %add3A_566], %gather3A_563 masked %and3A_99 : memref<672x128xf32, #tpu.memory_space<vmem>>[vector<16xi32>, vector<16xi32>], vector<16xf32>, vector<16xi1>
        } else {
        }
        %while3A_109 = arith.constant 0 : i32
        scf.yield %while3A_109 : i32
      }
      %while3A_81 = arith.constant 1 : i32
      %while3A_82 = scf.for %while3A_83 = %while3A_78 to %while3A_74 step %while3A_81 iter_args(%while3A_84 = %while3A_80) -> (i32)  : i32 {
        %mul3A_85 = arith.constant 16 : i32
        %mul3A_86 = arith.muli %while3A_83, %mul3A_85 : i32
        %add3A_87 = vector.broadcast %mul3A_86 : i32 to vector<16xi32>
        %add3A_88 = arith.addi %iota3A, %add3A_87 : vector<16xi32>
        %mul3A_89 = arith.constant 16 : i32
        %mul3A_90 = arith.muli %while3A_83, %mul3A_89 : i32
        %get3A = arith.index_cast %mul3A_90 : i32 to index
        %get3A_91 = tpu.vector_load %arg7[%get3A] {strides = array<i32>} : memref<672xi32, #tpu.memory_space<vmem>>, vector<16xi32>,
        %ge3A = arith.constant 999936 : i32
        %ge3A_92 = vector.broadcast %ge3A : i32 to vector<16xi32>
        %ge3A_93 = arith.cmpi sge, %get3A_91, %ge3A_92 : vector<16xi32>
        %lt3A = arith.constant 1000000 : i32
        %lt3A_94 = vector.broadcast %lt3A : i32 to vector<16xi32>
        %lt3A_95 = arith.cmpi slt, %get3A_91, %lt3A_94 : vector<16xi32>
        %and3A_96 = arith.andi %ge3A_93, %lt3A_95 : vector<16xi1>
        %lt3A_97 = vector.broadcast %scan3A_16 : i32 to vector<16xi32>
        %lt3A_98 = arith.cmpi slt, %add3A_88, %lt3A_97 : vector<16xi32>
        %and3A_99 = arith.andi %and3A_96, %lt3A_98 : vector<16xi1>
        %convert_element_type3A_100 = arith.extui %and3A_99 : vector<16xi1> to vector<16xi32>
        %reduce_sum3A = arith.constant true
        %reduce_sum3A_101 = vector.broadcast %reduce_sum3A : i1 to vector<16xi1>
        %reduce_sum3A_102 = tpu.scan <sum>, %convert_element_type3A_100 masked %reduce_sum3A_101 : vector<16xi32>, vector<16xi1> -> vector<16xi32>
        %reduce_sum3A_103 = vector.extract %reduce_sum3A_102[15] : i32 from vector<16xi32>
        %gt3A_104 = arith.constant 0 : i32
        %gt3A_105 = arith.cmpi sgt, %reduce_sum3A_103, %gt3A_104 : i32
        %convert_element_type3A_106 = arith.extui %gt3A_105 : i1 to i32
        %cond3A_107 = arith.constant 0 : i32
        %cond3A_108 = arith.cmpi ne, %convert_element_type3A_106, %cond3A_107 : i32
        scf.if %cond3A_108 {
          %mul3A_110 = arith.constant 16 : i32
          %mul3A_111 = arith.muli %while3A_83, %mul3A_110 : i32
          %get3A_112 = arith.index_cast %mul3A_111 : i32 to index
          %get3A_113 = tpu.vector_load %arg8[%get3A_112] {strides = array<i32>} : memref<672xi32, #tpu.memory_space<vmem>>, vector<16xi32>,
          %sub3A_114 = arith.constant 999936 : i32
          %sub3A_115 = vector.broadcast %sub3A_114 : i32 to vector<16xi32>
          %sub3A_116 = arith.subi %get3A_91, %sub3A_115 : vector<16xi32>
          %jit3A_117 = arith.constant 0 : i32
          %broadcast_in_dim3A_118 = vector.broadcast %jit3A_117 : i32 to vector<16xi32>
          %select_n3A_119 = arith.select %and3A_99, %sub3A_116, %broadcast_in_dim3A_118 : vector<16xi1>, vector<16xi32>
          tpu.vector_store_idx %arg9[%add3A_88], %get3A_113 masked %and3A_99 : memref<672xi32, #tpu.memory_space<vmem>>[vector<16xi32>], vector<16xi32>, vector<16xi1>
          %add3A_120 = arith.constant 0 : i32
          %add3A_121 = vector.broadcast %add3A_120 : i32 to vector<16xi32>
          %add3A_122 = arith.addi %broadcast_in_dim3A_11, %add3A_121 : vector<16xi32>
          %gather3A = tpu.vector_load_idx %arg11[%add3A_122, %select_n3A_119] masked %and3A_99 : memref<64x128xf32, #tpu.memory_space<vmem>>[vector<16xi32>, vector<16xi32>], vector<16xf32>, vector<16xi1>
          %add3A_123 = arith.constant 0 : i32
          %add3A_124 = vector.broadcast %add3A_123 : i32 to vector<16xi32>
          %add3A_125 = arith.addi %broadcast_in_dim3A_11, %add3A_124 : vector<16xi32>
          tpu.vector_store_idx %arg12[%add3A_88, %add3A_125], %gather3A masked %and3A_99 : memref<672x128xf32, #tpu.memory_space<vmem>>[vector<16xi32>, vector<16xi32>], vector<16xf32>, vector<16xi1>
          %add3A_126 = arith.constant 1 : i32
          %add3A_127 = vector.broadcast %add3A_126 : i32 to vector<16xi32>
          %add3A_128 = arith.addi %broadcast_in_dim3A_11, %add3A_127 : vector<16xi32>
          %gather3A_129 = tpu.vector_load_idx %arg11[%add3A_128, %select_n3A_119] masked %and3A_99 : memref<64x128xf32, #tpu.memory_space<vmem>>[vector<16xi32>, vector<16xi32>], vector<16xf32>, vector<16xi1>
          %add3A_130 = arith.constant 1 : i32
          %add3A_131 = vector.broadcast %add3A_130 : i32 to vector<16xi32>
          %add3A_132 = arith.addi %broadcast_in_dim3A_11, %add3A_131 : vector<16xi32>
          tpu.vector_store_idx %arg12[%add3A_88, %add3A_132], %gather3A_129 masked %and3A_99 : memref<672x128xf32, #tpu.memory_space<vmem>>[vector<16xi32>, vector<16xi32>], vector<16xf32>, vector<16xi1>
          %add3A_133 = arith.constant 2 : i32
          %add3A_134 = vector.broadcast %add3A_133 : i32 to vector<16xi32>
          %add3A_135 = arith.addi %broadcast_in_dim3A_11, %add3A_134 : vector<16xi32>
          %gather3A_136 = tpu.vector_load_idx %arg11[%add3A_135, %select_n3A_119] masked %and3A_99 : memref<64x128xf32, #tpu.memory_space<vmem>>[vector<16xi32>, vector<16xi32>], vector<16xf32>, vector<16xi1>
          %add3A_137 = arith.constant 2 : i32
          %add3A_138 = vector.broadcast %add3A_137 : i32 to vector<16xi32>
          %add3A_139 = arith.addi %broadcast_in_dim3A_11, %add3A_138 : vector<16xi32>
          tpu.vector_store_idx %arg12[%add3A_88, %add3A_139], %gather3A_136 masked %and3A_99 : memref<672x128xf32, #tpu.memory_space<vmem>>[vector<16xi32>, vector<16xi32>], vector<16xf32>, vector<16xi1>
          %add3A_140 = arith.constant 3 : i32
          %add3A_141 = vector.broadcast %add3A_140 : i32 to vector<16xi32>
          %add3A_142 = arith.addi %broadcast_in_dim3A_11, %add3A_141 : vector<16xi32>
          %gather3A_143 = tpu.vector_load_idx %arg11[%add3A_142, %select_n3A_119] masked %and3A_99 : memref<64x128xf32, #tpu.memory_space<vmem>>[vector<16xi32>, vector<16xi32>], vector<16xf32>, vector<16xi1>
          %add3A_144 = arith.constant 3 : i32
          %add3A_145 = vector.broadcast %add3A_144 : i32 to vector<16xi32>
          %add3A_146 = arith.addi %broadcast_in_dim3A_11, %add3A_145 : vector<16xi32>
          tpu.vector_store_idx %arg12[%add3A_88, %add3A_146], %gather3A_143 masked %and3A_99 : memref<672x128xf32, #tpu.memory_space<vmem>>[vector<16xi32>, vector<16xi32>], vector<16xf32>, vector<16xi1>
          %add3A_147 = arith.constant 4 : i32
          %add3A_148 = vector.broadcast %add3A_147 : i32 to vector<16xi32>
          %add3A_149 = arith.addi %broadcast_in_dim3A_11, %add3A_148 : vector<16xi32>
          %gather3A_150 = tpu.vector_load_idx %arg11[%add3A_149, %select_n3A_119] masked %and3A_99 : memref<64x128xf32, #tpu.memory_space<vmem>>[vector<16xi32>, vector<16xi32>], vector<16xf32>, vector<16xi1>
          %add3A_151 = arith.constant 4 : i32
          %add3A_152 = vector.broadcast %add3A_151 : i32 to vector<16xi32>
          %add3A_153 = arith.addi %broadcast_in_dim3A_11, %add3A_152 : vector<16xi32>
          tpu.vector_store_idx %arg12[%add3A_88, %add3A_153], %gather3A_150 masked %and3A_99 : memref<672x128xf32, #tpu.memory_space<vmem>>[vector<16xi32>, vector<16xi32>], vector<16xf32>, vector<16xi1>
          %add3A_154 = arith.constant 5 : i32
          %add3A_155 = vector.broadcast %add3A_154 : i32 to vector<16xi32>
          %add3A_156 = arith.addi %broadcast_in_dim3A_11, %add3A_155 : vector<16xi32>
          %gather3A_157 = tpu.vector_load_idx %arg11[%add3A_156, %select_n3A_119] masked %and3A_99 : memref<64x128xf32, #tpu.memory_space<vmem>>[vector<16xi32>, vector<16xi32>], vector<16xf32>, vector<16xi1>
          %add3A_158 = arith.constant 5 : i32
          %add3A_159 = vector.broadcast %add3A_158 : i32 to vector<16xi32>
          %add3A_160 = arith.addi %broadcast_in_dim3A_11, %add3A_159 : vector<16xi32>
          tpu.vector_store_idx %arg12[%add3A_88, %add3A_160], %gather3A_157 masked %and3A_99 : memref<672x128xf32, #tpu.memory_space<vmem>>[vector<16xi32>, vector<16xi32>], vector<16xf32>, vector<16xi1>
          %add3A_161 = arith.constant 6 : i32
          %add3A_162 = vector.broadcast %add3A_161 : i32 to vector<16xi32>
          %add3A_163 = arith.addi %broadcast_in_dim3A_11, %add3A_162 : vector<16xi32>
          %gather3A_164 = tpu.vector_load_idx %arg11[%add3A_163, %select_n3A_119] masked %and3A_99 : memref<64x128xf32, #tpu.memory_space<vmem>>[vector<16xi32>, vector<16xi32>], vector<16xf32>, vector<16xi1>
          %add3A_165 = arith.constant 6 : i32
          %add3A_166 = vector.broadcast %add3A_165 : i32 to vector<16xi32>
          %add3A_167 = arith.addi %broadcast_in_dim3A_11, %add3A_166 : vector<16xi32>
          tpu.vector_store_idx %arg12[%add3A_88, %add3A_167], %gather3A_164 masked %and3A_99 : memref<672x128xf32, #tpu.memory_space<vmem>>[vector<16xi32>, vector<16xi32>], vector<16xf32>, vector<16xi1>
          %add3A_168 = arith.constant 7 : i32
          %add3A_169 = vector.broadcast %add3A_168 : i32 to vector<16xi32>
          %add3A_170 = arith.addi %broadcast_in_dim3A_11, %add3A_169 : vector<16xi32>
          %gather3A_171 = tpu.vector_load_idx %arg11[%add3A_170, %select_n3A_119] masked %and3A_99 : memref<64x128xf32, #tpu.memory_space<vmem>>[vector<16xi32>, vector<16xi32>], vector<16xf32>, vector<16xi1>
          %add3A_172 = arith.constant 7 : i32
          %add3A_173 = vector.broadcast %add3A_172 : i32 to vector<16xi32>
          %add3A_174 = arith.addi %broadcast_in_dim3A_11, %add3A_173 : vector<16xi32>
          tpu.vector_store_idx %arg12[%add3A_88, %add3A_174], %gather3A_171 masked %and3A_99 : memref<672x128xf32, #tpu.memory_space<vmem>>[vector<16xi32>, vector<16xi32>], vector<16xf32>, vector<16xi1>
          %add3A_175 = arith.constant 8 : i32
          %add3A_176 = vector.broadcast %add3A_175 : i32 to vector<16xi32>
          %add3A_177 = arith.addi %broadcast_in_dim3A_11, %add3A_176 : vector<16xi32>
          %gather3A_178 = tpu.vector_load_idx %arg11[%add3A_177, %select_n3A_119] masked %and3A_99 : memref<64x128xf32, #tpu.memory_space<vmem>>[vector<16xi32>, vector<16xi32>], vector<16xf32>, vector<16xi1>
          %add3A_179 = arith.constant 8 : i32
          %add3A_180 = vector.broadcast %add3A_179 : i32 to vector<16xi32>
          %add3A_181 = arith.addi %broadcast_in_dim3A_11, %add3A_180 : vector<16xi32>
          tpu.vector_store_idx %arg12[%add3A_88, %add3A_181], %gather3A_178 masked %and3A_99 : memref<672x128xf32, #tpu.memory_space<vmem>>[vector<16xi32>, vector<16xi32>], vector<16xf32>, vector<16xi1>
          %add3A_182 = arith.constant 9 : i32
          %add3A_183 = vector.broadcast %add3A_182 : i32 to vector<16xi32>
          %add3A_184 = arith.addi %broadcast_in_dim3A_11, %add3A_183 : vector<16xi32>
          %gather3A_185 = tpu.vector_load_idx %arg11[%add3A_184, %select_n3A_119] masked %and3A_99 : memref<64x128xf32, #tpu.memory_space<vmem>>[vector<16xi32>, vector<16xi32>], vector<16xf32>, vector<16xi1>
          %add3A_186 = arith.constant 9 : i32
          %add3A_187 = vector.broadcast %add3A_186 : i32 to vector<16xi32>
          %add3A_188 = arith.addi %broadcast_in_dim3A_11, %add3A_187 : vector<16xi32>
          tpu.vector_store_idx %arg12[%add3A_88, %add3A_188], %gather3A_185 masked %and3A_99 : memref<672x128xf32, #tpu.memory_space<vmem>>[vector<16xi32>, vector<16xi32>], vector<16xf32>, vector<16xi1>
          %add3A_189 = arith.constant 10 : i32
          %add3A_190 = vector.broadcast %add3A_189 : i32 to vector<16xi32>
          %add3A_191 = arith.addi %broadcast_in_dim3A_11, %add3A_190 : vector<16xi32>
          %gather3A_192 = tpu.vector_load_idx %arg11[%add3A_191, %select_n3A_119] masked %and3A_99 : memref<64x128xf32, #tpu.memory_space<vmem>>[vector<16xi32>, vector<16xi32>], vector<16xf32>, vector<16xi1>
          %add3A_193 = arith.constant 10 : i32
          %add3A_194 = vector.broadcast %add3A_193 : i32 to vector<16xi32>
          %add3A_195 = arith.addi %broadcast_in_dim3A_11, %add3A_194 : vector<16xi32>
          tpu.vector_store_idx %arg12[%add3A_88, %add3A_195], %gather3A_192 masked %and3A_99 : memref<672x128xf32, #tpu.memory_space<vmem>>[vector<16xi32>, vector<16xi32>], vector<16xf32>, vector<16xi1>
          %add3A_196 = arith.constant 11 : i32
          %add3A_197 = vector.broadcast %add3A_196 : i32 to vector<16xi32>
          %add3A_198 = arith.addi %broadcast_in_dim3A_11, %add3A_197 : vector<16xi32>
          %gather3A_199 = tpu.vector_load_idx %arg11[%add3A_198, %select_n3A_119] masked %and3A_99 : memref<64x128xf32, #tpu.memory_space<vmem>>[vector<16xi32>, vector<16xi32>], vector<16xf32>, vector<16xi1>
          %add3A_200 = arith.constant 11 : i32
          %add3A_201 = vector.broadcast %add3A_200 : i32 to vector<16xi32>
          %add3A_202 = arith.addi %broadcast_in_dim3A_11, %add3A_201 : vector<16xi32>
          tpu.vector_store_idx %arg12[%add3A_88, %add3A_202], %gather3A_199 masked %and3A_99 : memref<672x128xf32, #tpu.memory_space<vmem>>[vector<16xi32>, vector<16xi32>], vector<16xf32>, vector<16xi1>
          %add3A_203 = arith.constant 12 : i32
          %add3A_204 = vector.broadcast %add3A_203 : i32 to vector<16xi32>
          %add3A_205 = arith.addi %broadcast_in_dim3A_11, %add3A_204 : vector<16xi32>
          %gather3A_206 = tpu.vector_load_idx %arg11[%add3A_205, %select_n3A_119] masked %and3A_99 : memref<64x128xf32, #tpu.memory_space<vmem>>[vector<16xi32>, vector<16xi32>], vector<16xf32>, vector<16xi1>
          %add3A_207 = arith.constant 12 : i32
          %add3A_208 = vector.broadcast %add3A_207 : i32 to vector<16xi32>
          %add3A_209 = arith.addi %broadcast_in_dim3A_11, %add3A_208 : vector<16xi32>
          tpu.vector_store_idx %arg12[%add3A_88, %add3A_209], %gather3A_206 masked %and3A_99 : memref<672x128xf32, #tpu.memory_space<vmem>>[vector<16xi32>, vector<16xi32>], vector<16xf32>, vector<16xi1>
          %add3A_210 = arith.constant 13 : i32
          %add3A_211 = vector.broadcast %add3A_210 : i32 to vector<16xi32>
          %add3A_212 = arith.addi %broadcast_in_dim3A_11, %add3A_211 : vector<16xi32>
          %gather3A_213 = tpu.vector_load_idx %arg11[%add3A_212, %select_n3A_119] masked %and3A_99 : memref<64x128xf32, #tpu.memory_space<vmem>>[vector<16xi32>, vector<16xi32>], vector<16xf32>, vector<16xi1>
          %add3A_214 = arith.constant 13 : i32
          %add3A_215 = vector.broadcast %add3A_214 : i32 to vector<16xi32>
          %add3A_216 = arith.addi %broadcast_in_dim3A_11, %add3A_215 : vector<16xi32>
          tpu.vector_store_idx %arg12[%add3A_88, %add3A_216], %gather3A_213 masked %and3A_99 : memref<672x128xf32, #tpu.memory_space<vmem>>[vector<16xi32>, vector<16xi32>], vector<16xf32>, vector<16xi1>
          %add3A_217 = arith.constant 14 : i32
          %add3A_218 = vector.broadcast %add3A_217 : i32 to vector<16xi32>
          %add3A_219 = arith.addi %broadcast_in_dim3A_11, %add3A_218 : vector<16xi32>
          %gather3A_220 = tpu.vector_load_idx %arg11[%add3A_219, %select_n3A_119] masked %and3A_99 : memref<64x128xf32, #tpu.memory_space<vmem>>[vector<16xi32>, vector<16xi32>], vector<16xf32>, vector<16xi1>
          %add3A_221 = arith.constant 14 : i32
          %add3A_222 = vector.broadcast %add3A_221 : i32 to vector<16xi32>
          %add3A_223 = arith.addi %broadcast_in_dim3A_11, %add3A_222 : vector<16xi32>
          tpu.vector_store_idx %arg12[%add3A_88, %add3A_223], %gather3A_220 masked %and3A_99 : memref<672x128xf32, #tpu.memory_space<vmem>>[vector<16xi32>, vector<16xi32>], vector<16xf32>, vector<16xi1>
          %add3A_224 = arith.constant 15 : i32
          %add3A_225 = vector.broadcast %add3A_224 : i32 to vector<16xi32>
          %add3A_226 = arith.addi %broadcast_in_dim3A_11, %add3A_225 : vector<16xi32>
          %gather3A_227 = tpu.vector_load_idx %arg11[%add3A_226, %select_n3A_119] masked %and3A_99 : memref<64x128xf32, #tpu.memory_space<vmem>>[vector<16xi32>, vector<16xi32>], vector<16xf32>, vector<16xi1>
          %add3A_228 = arith.constant 15 : i32
          %add3A_229 = vector.broadcast %add3A_228 : i32 to vector<16xi32>
          %add3A_230 = arith.addi %broadcast_in_dim3A_11, %add3A_229 : vector<16xi32>
          tpu.vector_store_idx %arg12[%add3A_88, %add3A_230], %gather3A_227 masked %and3A_99 : memref<672x128xf32, #tpu.memory_space<vmem>>[vector<16xi32>, vector<16xi32>], vector<16xf32>, vector<16xi1>
          %add3A_231 = arith.constant 16 : i32
          %add3A_232 = vector.broadcast %add3A_231 : i32 to vector<16xi32>
          %add3A_233 = arith.addi %broadcast_in_dim3A_11, %add3A_232 : vector<16xi32>
          %gather3A_234 = tpu.vector_load_idx %arg11[%add3A_233, %select_n3A_119] masked %and3A_99 : memref<64x128xf32, #tpu.memory_space<vmem>>[vector<16xi32>, vector<16xi32>], vector<16xf32>, vector<16xi1>
          %add3A_235 = arith.constant 16 : i32
          %add3A_236 = vector.broadcast %add3A_235 : i32 to vector<16xi32>
          %add3A_237 = arith.addi %broadcast_in_dim3A_11, %add3A_236 : vector<16xi32>
          tpu.vector_store_idx %arg12[%add3A_88, %add3A_237], %gather3A_234 masked %and3A_99 : memref<672x128xf32, #tpu.memory_space<vmem>>[vector<16xi32>, vector<16xi32>], vector<16xf32>, vector<16xi1>
          %add3A_238 = arith.constant 17 : i32
          %add3A_239 = vector.broadcast %add3A_238 : i32 to vector<16xi32>
          %add3A_240 = arith.addi %broadcast_in_dim3A_11, %add3A_239 : vector<16xi32>
          %gather3A_241 = tpu.vector_load_idx %arg11[%add3A_240, %select_n3A_119] masked %and3A_99 : memref<64x128xf32, #tpu.memory_space<vmem>>[vector<16xi32>, vector<16xi32>], vector<16xf32>, vector<16xi1>
          %add3A_242 = arith.constant 17 : i32
          %add3A_243 = vector.broadcast %add3A_242 : i32 to vector<16xi32>
          %add3A_244 = arith.addi %broadcast_in_dim3A_11, %add3A_243 : vector<16xi32>
          tpu.vector_store_idx %arg12[%add3A_88, %add3A_244], %gather3A_241 masked %and3A_99 : memref<672x128xf32, #tpu.memory_space<vmem>>[vector<16xi32>, vector<16xi32>], vector<16xf32>, vector<16xi1>
          %add3A_245 = arith.constant 18 : i32
          %add3A_246 = vector.broadcast %add3A_245 : i32 to vector<16xi32>
          %add3A_247 = arith.addi %broadcast_in_dim3A_11, %add3A_246 : vector<16xi32>
          %gather3A_248 = tpu.vector_load_idx %arg11[%add3A_247, %select_n3A_119] masked %and3A_99 : memref<64x128xf32, #tpu.memory_space<vmem>>[vector<16xi32>, vector<16xi32>], vector<16xf32>, vector<16xi1>
          %add3A_249 = arith.constant 18 : i32
          %add3A_250 = vector.broadcast %add3A_249 : i32 to vector<16xi32>
          %add3A_251 = arith.addi %broadcast_in_dim3A_11, %add3A_250 : vector<16xi32>
          tpu.vector_store_idx %arg12[%add3A_88, %add3A_251], %gather3A_248 masked %and3A_99 : memref<672x128xf32, #tpu.memory_space<vmem>>[vector<16xi32>, vector<16xi32>], vector<16xf32>, vector<16xi1>
          %add3A_252 = arith.constant 19 : i32
          %add3A_253 = vector.broadcast %add3A_252 : i32 to vector<16xi32>
          %add3A_254 = arith.addi %broadcast_in_dim3A_11, %add3A_253 : vector<16xi32>
          %gather3A_255 = tpu.vector_load_idx %arg11[%add3A_254, %select_n3A_119] masked %and3A_99 : memref<64x128xf32, #tpu.memory_space<vmem>>[vector<16xi32>, vector<16xi32>], vector<16xf32>, vector<16xi1>
          %add3A_256 = arith.constant 19 : i32
          %add3A_257 = vector.broadcast %add3A_256 : i32 to vector<16xi32>
          %add3A_258 = arith.addi %broadcast_in_dim3A_11, %add3A_257 : vector<16xi32>
          tpu.vector_store_idx %arg12[%add3A_88, %add3A_258], %gather3A_255 masked %and3A_99 : memref<672x128xf32, #tpu.memory_space<vmem>>[vector<16xi32>, vector<16xi32>], vector<16xf32>, vector<16xi1>
          %add3A_259 = arith.constant 20 : i32
          %add3A_260 = vector.broadcast %add3A_259 : i32 to vector<16xi32>
          %add3A_261 = arith.addi %broadcast_in_dim3A_11, %add3A_260 : vector<16xi32>
          %gather3A_262 = tpu.vector_load_idx %arg11[%add3A_261, %select_n3A_119] masked %and3A_99 : memref<64x128xf32, #tpu.memory_space<vmem>>[vector<16xi32>, vector<16xi32>], vector<16xf32>, vector<16xi1>
          %add3A_263 = arith.constant 20 : i32
          %add3A_264 = vector.broadcast %add3A_263 : i32 to vector<16xi32>
          %add3A_265 = arith.addi %broadcast_in_dim3A_11, %add3A_264 : vector<16xi32>
          tpu.vector_store_idx %arg12[%add3A_88, %add3A_265], %gather3A_262 masked %and3A_99 : memref<672x128xf32, #tpu.memory_space<vmem>>[vector<16xi32>, vector<16xi32>], vector<16xf32>, vector<16xi1>
          %add3A_266 = arith.constant 21 : i32
          %add3A_267 = vector.broadcast %add3A_266 : i32 to vector<16xi32>
          %add3A_268 = arith.addi %broadcast_in_dim3A_11, %add3A_267 : vector<16xi32>
          %gather3A_269 = tpu.vector_load_idx %arg11[%add3A_268, %select_n3A_119] masked %and3A_99 : memref<64x128xf32, #tpu.memory_space<vmem>>[vector<16xi32>, vector<16xi32>], vector<16xf32>, vector<16xi1>
          %add3A_270 = arith.constant 21 : i32
          %add3A_271 = vector.broadcast %add3A_270 : i32 to vector<16xi32>
          %add3A_272 = arith.addi %broadcast_in_dim3A_11, %add3A_271 : vector<16xi32>
          tpu.vector_store_idx %arg12[%add3A_88, %add3A_272], %gather3A_269 masked %and3A_99 : memref<672x128xf32, #tpu.memory_space<vmem>>[vector<16xi32>, vector<16xi32>], vector<16xf32>, vector<16xi1>
          %add3A_273 = arith.constant 22 : i32
          %add3A_274 = vector.broadcast %add3A_273 : i32 to vector<16xi32>
          %add3A_275 = arith.addi %broadcast_in_dim3A_11, %add3A_274 : vector<16xi32>
          %gather3A_276 = tpu.vector_load_idx %arg11[%add3A_275, %select_n3A_119] masked %and3A_99 : memref<64x128xf32, #tpu.memory_space<vmem>>[vector<16xi32>, vector<16xi32>], vector<16xf32>, vector<16xi1>
          %add3A_277 = arith.constant 22 : i32
          %add3A_278 = vector.broadcast %add3A_277 : i32 to vector<16xi32>
          %add3A_279 = arith.addi %broadcast_in_dim3A_11, %add3A_278 : vector<16xi32>
          tpu.vector_store_idx %arg12[%add3A_88, %add3A_279], %gather3A_276 masked %and3A_99 : memref<672x128xf32, #tpu.memory_space<vmem>>[vector<16xi32>, vector<16xi32>], vector<16xf32>, vector<16xi1>
          %add3A_280 = arith.constant 23 : i32
          %add3A_281 = vector.broadcast %add3A_280 : i32 to vector<16xi32>
          %add3A_282 = arith.addi %broadcast_in_dim3A_11, %add3A_281 : vector<16xi32>
          %gather3A_283 = tpu.vector_load_idx %arg11[%add3A_282, %select_n3A_119] masked %and3A_99 : memref<64x128xf32, #tpu.memory_space<vmem>>[vector<16xi32>, vector<16xi32>], vector<16xf32>, vector<16xi1>
          %add3A_284 = arith.constant 23 : i32
          %add3A_285 = vector.broadcast %add3A_284 : i32 to vector<16xi32>
          %add3A_286 = arith.addi %broadcast_in_dim3A_11, %add3A_285 : vector<16xi32>
          tpu.vector_store_idx %arg12[%add3A_88, %add3A_286], %gather3A_283 masked %and3A_99 : memref<672x128xf32, #tpu.memory_space<vmem>>[vector<16xi32>, vector<16xi32>], vector<16xf32>, vector<16xi1>
          %add3A_287 = arith.constant 24 : i32
          %add3A_288 = vector.broadcast %add3A_287 : i32 to vector<16xi32>
          %add3A_289 = arith.addi %broadcast_in_dim3A_11, %add3A_288 : vector<16xi32>
          %gather3A_290 = tpu.vector_load_idx %arg11[%add3A_289, %select_n3A_119] masked %and3A_99 : memref<64x128xf32, #tpu.memory_space<vmem>>[vector<16xi32>, vector<16xi32>], vector<16xf32>, vector<16xi1>
          %add3A_291 = arith.constant 24 : i32
          %add3A_292 = vector.broadcast %add3A_291 : i32 to vector<16xi32>
          %add3A_293 = arith.addi %broadcast_in_dim3A_11, %add3A_292 : vector<16xi32>
          tpu.vector_store_idx %arg12[%add3A_88, %add3A_293], %gather3A_290 masked %and3A_99 : memref<672x128xf32, #tpu.memory_space<vmem>>[vector<16xi32>, vector<16xi32>], vector<16xf32>, vector<16xi1>
          %add3A_294 = arith.constant 25 : i32
          %add3A_295 = vector.broadcast %add3A_294 : i32 to vector<16xi32>
          %add3A_296 = arith.addi %broadcast_in_dim3A_11, %add3A_295 : vector<16xi32>
          %gather3A_297 = tpu.vector_load_idx %arg11[%add3A_296, %select_n3A_119] masked %and3A_99 : memref<64x128xf32, #tpu.memory_space<vmem>>[vector<16xi32>, vector<16xi32>], vector<16xf32>, vector<16xi1>
          %add3A_298 = arith.constant 25 : i32
          %add3A_299 = vector.broadcast %add3A_298 : i32 to vector<16xi32>
          %add3A_300 = arith.addi %broadcast_in_dim3A_11, %add3A_299 : vector<16xi32>
          tpu.vector_store_idx %arg12[%add3A_88, %add3A_300], %gather3A_297 masked %and3A_99 : memref<672x128xf32, #tpu.memory_space<vmem>>[vector<16xi32>, vector<16xi32>], vector<16xf32>, vector<16xi1>
          %add3A_301 = arith.constant 26 : i32
          %add3A_302 = vector.broadcast %add3A_301 : i32 to vector<16xi32>
          %add3A_303 = arith.addi %broadcast_in_dim3A_11, %add3A_302 : vector<16xi32>
          %gather3A_304 = tpu.vector_load_idx %arg11[%add3A_303, %select_n3A_119] masked %and3A_99 : memref<64x128xf32, #tpu.memory_space<vmem>>[vector<16xi32>, vector<16xi32>], vector<16xf32>, vector<16xi1>
          %add3A_305 = arith.constant 26 : i32
          %add3A_306 = vector.broadcast %add3A_305 : i32 to vector<16xi32>
          %add3A_307 = arith.addi %broadcast_in_dim3A_11, %add3A_306 : vector<16xi32>
          tpu.vector_store_idx %arg12[%add3A_88, %add3A_307], %gather3A_304 masked %and3A_99 : memref<672x128xf32, #tpu.memory_space<vmem>>[vector<16xi32>, vector<16xi32>], vector<16xf32>, vector<16xi1>
          %add3A_308 = arith.constant 27 : i32
          %add3A_309 = vector.broadcast %add3A_308 : i32 to vector<16xi32>
          %add3A_310 = arith.addi %broadcast_in_dim3A_11, %add3A_309 : vector<16xi32>
          %gather3A_311 = tpu.vector_load_idx %arg11[%add3A_310, %select_n3A_119] masked %and3A_99 : memref<64x128xf32, #tpu.memory_space<vmem>>[vector<16xi32>, vector<16xi32>], vector<16xf32>, vector<16xi1>
          %add3A_312 = arith.constant 27 : i32
          %add3A_313 = vector.broadcast %add3A_312 : i32 to vector<16xi32>
          %add3A_314 = arith.addi %broadcast_in_dim3A_11, %add3A_313 : vector<16xi32>
          tpu.vector_store_idx %arg12[%add3A_88, %add3A_314], %gather3A_311 masked %and3A_99 : memref<672x128xf32, #tpu.memory_space<vmem>>[vector<16xi32>, vector<16xi32>], vector<16xf32>, vector<16xi1>
          %add3A_315 = arith.constant 28 : i32
          %add3A_316 = vector.broadcast %add3A_315 : i32 to vector<16xi32>
          %add3A_317 = arith.addi %broadcast_in_dim3A_11, %add3A_316 : vector<16xi32>
          %gather3A_318 = tpu.vector_load_idx %arg11[%add3A_317, %select_n3A_119] masked %and3A_99 : memref<64x128xf32, #tpu.memory_space<vmem>>[vector<16xi32>, vector<16xi32>], vector<16xf32>, vector<16xi1>
          %add3A_319 = arith.constant 28 : i32
          %add3A_320 = vector.broadcast %add3A_319 : i32 to vector<16xi32>
          %add3A_321 = arith.addi %broadcast_in_dim3A_11, %add3A_320 : vector<16xi32>
          tpu.vector_store_idx %arg12[%add3A_88, %add3A_321], %gather3A_318 masked %and3A_99 : memref<672x128xf32, #tpu.memory_space<vmem>>[vector<16xi32>, vector<16xi32>], vector<16xf32>, vector<16xi1>
          %add3A_322 = arith.constant 29 : i32
          %add3A_323 = vector.broadcast %add3A_322 : i32 to vector<16xi32>
          %add3A_324 = arith.addi %broadcast_in_dim3A_11, %add3A_323 : vector<16xi32>
          %gather3A_325 = tpu.vector_load_idx %arg11[%add3A_324, %select_n3A_119] masked %and3A_99 : memref<64x128xf32, #tpu.memory_space<vmem>>[vector<16xi32>, vector<16xi32>], vector<16xf32>, vector<16xi1>
          %add3A_326 = arith.constant 29 : i32
          %add3A_327 = vector.broadcast %add3A_326 : i32 to vector<16xi32>
          %add3A_328 = arith.addi %broadcast_in_dim3A_11, %add3A_327 : vector<16xi32>
          tpu.vector_store_idx %arg12[%add3A_88, %add3A_328], %gather3A_325 masked %and3A_99 : memref<672x128xf32, #tpu.memory_space<vmem>>[vector<16xi32>, vector<16xi32>], vector<16xf32>, vector<16xi1>
          %add3A_329 = arith.constant 30 : i32
          %add3A_330 = vector.broadcast %add3A_329 : i32 to vector<16xi32>
          %add3A_331 = arith.addi %broadcast_in_dim3A_11, %add3A_330 : vector<16xi32>
          %gather3A_332 = tpu.vector_load_idx %arg11[%add3A_331, %select_n3A_119] masked %and3A_99 : memref<64x128xf32, #tpu.memory_space<vmem>>[vector<16xi32>, vector<16xi32>], vector<16xf32>, vector<16xi1>
          %add3A_333 = arith.constant 30 : i32
          %add3A_334 = vector.broadcast %add3A_333 : i32 to vector<16xi32>
          %add3A_335 = arith.addi %broadcast_in_dim3A_11, %add3A_334 : vector<16xi32>
          tpu.vector_store_idx %arg12[%add3A_88, %add3A_335], %gather3A_332 masked %and3A_99 : memref<672x128xf32, #tpu.memory_space<vmem>>[vector<16xi32>, vector<16xi32>], vector<16xf32>, vector<16xi1>
          %add3A_336 = arith.constant 31 : i32
          %add3A_337 = vector.broadcast %add3A_336 : i32 to vector<16xi32>
          %add3A_338 = arith.addi %broadcast_in_dim3A_11, %add3A_337 : vector<16xi32>
          %gather3A_339 = tpu.vector_load_idx %arg11[%add3A_338, %select_n3A_119] masked %and3A_99 : memref<64x128xf32, #tpu.memory_space<vmem>>[vector<16xi32>, vector<16xi32>], vector<16xf32>, vector<16xi1>
          %add3A_340 = arith.constant 31 : i32
          %add3A_341 = vector.broadcast %add3A_340 : i32 to vector<16xi32>
          %add3A_342 = arith.addi %broadcast_in_dim3A_11, %add3A_341 : vector<16xi32>
          tpu.vector_store_idx %arg12[%add3A_88, %add3A_342], %gather3A_339 masked %and3A_99 : memref<672x128xf32, #tpu.memory_space<vmem>>[vector<16xi32>, vector<16xi32>], vector<16xf32>, vector<16xi1>
          %add3A_343 = arith.constant 32 : i32
          %add3A_344 = vector.broadcast %add3A_343 : i32 to vector<16xi32>
          %add3A_345 = arith.addi %broadcast_in_dim3A_11, %add3A_344 : vector<16xi32>
          %gather3A_346 = tpu.vector_load_idx %arg11[%add3A_345, %select_n3A_119] masked %and3A_99 : memref<64x128xf32, #tpu.memory_space<vmem>>[vector<16xi32>, vector<16xi32>], vector<16xf32>, vector<16xi1>
          %add3A_347 = arith.constant 32 : i32
          %add3A_348 = vector.broadcast %add3A_347 : i32 to vector<16xi32>
          %add3A_349 = arith.addi %broadcast_in_dim3A_11, %add3A_348 : vector<16xi32>
          tpu.vector_store_idx %arg12[%add3A_88, %add3A_349], %gather3A_346 masked %and3A_99 : memref<672x128xf32, #tpu.memory_space<vmem>>[vector<16xi32>, vector<16xi32>], vector<16xf32>, vector<16xi1>
          %add3A_350 = arith.constant 33 : i32
          %add3A_351 = vector.broadcast %add3A_350 : i32 to vector<16xi32>
          %add3A_352 = arith.addi %broadcast_in_dim3A_11, %add3A_351 : vector<16xi32>
          %gather3A_353 = tpu.vector_load_idx %arg11[%add3A_352, %select_n3A_119] masked %and3A_99 : memref<64x128xf32, #tpu.memory_space<vmem>>[vector<16xi32>, vector<16xi32>], vector<16xf32>, vector<16xi1>
          %add3A_354 = arith.constant 33 : i32
          %add3A_355 = vector.broadcast %add3A_354 : i32 to vector<16xi32>
          %add3A_356 = arith.addi %broadcast_in_dim3A_11, %add3A_355 : vector<16xi32>
          tpu.vector_store_idx %arg12[%add3A_88, %add3A_356], %gather3A_353 masked %and3A_99 : memref<672x128xf32, #tpu.memory_space<vmem>>[vector<16xi32>, vector<16xi32>], vector<16xf32>, vector<16xi1>
          %add3A_357 = arith.constant 34 : i32
          %add3A_358 = vector.broadcast %add3A_357 : i32 to vector<16xi32>
          %add3A_359 = arith.addi %broadcast_in_dim3A_11, %add3A_358 : vector<16xi32>
          %gather3A_360 = tpu.vector_load_idx %arg11[%add3A_359, %select_n3A_119] masked %and3A_99 : memref<64x128xf32, #tpu.memory_space<vmem>>[vector<16xi32>, vector<16xi32>], vector<16xf32>, vector<16xi1>
          %add3A_361 = arith.constant 34 : i32
          %add3A_362 = vector.broadcast %add3A_361 : i32 to vector<16xi32>
          %add3A_363 = arith.addi %broadcast_in_dim3A_11, %add3A_362 : vector<16xi32>
          tpu.vector_store_idx %arg12[%add3A_88, %add3A_363], %gather3A_360 masked %and3A_99 : memref<672x128xf32, #tpu.memory_space<vmem>>[vector<16xi32>, vector<16xi32>], vector<16xf32>, vector<16xi1>
          %add3A_364 = arith.constant 35 : i32
          %add3A_365 = vector.broadcast %add3A_364 : i32 to vector<16xi32>
          %add3A_366 = arith.addi %broadcast_in_dim3A_11, %add3A_365 : vector<16xi32>
          %gather3A_367 = tpu.vector_load_idx %arg11[%add3A_366, %select_n3A_119] masked %and3A_99 : memref<64x128xf32, #tpu.memory_space<vmem>>[vector<16xi32>, vector<16xi32>], vector<16xf32>, vector<16xi1>
          %add3A_368 = arith.constant 35 : i32
          %add3A_369 = vector.broadcast %add3A_368 : i32 to vector<16xi32>
          %add3A_370 = arith.addi %broadcast_in_dim3A_11, %add3A_369 : vector<16xi32>
          tpu.vector_store_idx %arg12[%add3A_88, %add3A_370], %gather3A_367 masked %and3A_99 : memref<672x128xf32, #tpu.memory_space<vmem>>[vector<16xi32>, vector<16xi32>], vector<16xf32>, vector<16xi1>
          %add3A_371 = arith.constant 36 : i32
          %add3A_372 = vector.broadcast %add3A_371 : i32 to vector<16xi32>
          %add3A_373 = arith.addi %broadcast_in_dim3A_11, %add3A_372 : vector<16xi32>
          %gather3A_374 = tpu.vector_load_idx %arg11[%add3A_373, %select_n3A_119] masked %and3A_99 : memref<64x128xf32, #tpu.memory_space<vmem>>[vector<16xi32>, vector<16xi32>], vector<16xf32>, vector<16xi1>
          %add3A_375 = arith.constant 36 : i32
          %add3A_376 = vector.broadcast %add3A_375 : i32 to vector<16xi32>
          %add3A_377 = arith.addi %broadcast_in_dim3A_11, %add3A_376 : vector<16xi32>
          tpu.vector_store_idx %arg12[%add3A_88, %add3A_377], %gather3A_374 masked %and3A_99 : memref<672x128xf32, #tpu.memory_space<vmem>>[vector<16xi32>, vector<16xi32>], vector<16xf32>, vector<16xi1>
          %add3A_378 = arith.constant 37 : i32
          %add3A_379 = vector.broadcast %add3A_378 : i32 to vector<16xi32>
          %add3A_380 = arith.addi %broadcast_in_dim3A_11, %add3A_379 : vector<16xi32>
          %gather3A_381 = tpu.vector_load_idx %arg11[%add3A_380, %select_n3A_119] masked %and3A_99 : memref<64x128xf32, #tpu.memory_space<vmem>>[vector<16xi32>, vector<16xi32>], vector<16xf32>, vector<16xi1>
          %add3A_382 = arith.constant 37 : i32
          %add3A_383 = vector.broadcast %add3A_382 : i32 to vector<16xi32>
          %add3A_384 = arith.addi %broadcast_in_dim3A_11, %add3A_383 : vector<16xi32>
          tpu.vector_store_idx %arg12[%add3A_88, %add3A_384], %gather3A_381 masked %and3A_99 : memref<672x128xf32, #tpu.memory_space<vmem>>[vector<16xi32>, vector<16xi32>], vector<16xf32>, vector<16xi1>
          %add3A_385 = arith.constant 38 : i32
          %add3A_386 = vector.broadcast %add3A_385 : i32 to vector<16xi32>
          %add3A_387 = arith.addi %broadcast_in_dim3A_11, %add3A_386 : vector<16xi32>
          %gather3A_388 = tpu.vector_load_idx %arg11[%add3A_387, %select_n3A_119] masked %and3A_99 : memref<64x128xf32, #tpu.memory_space<vmem>>[vector<16xi32>, vector<16xi32>], vector<16xf32>, vector<16xi1>
          %add3A_389 = arith.constant 38 : i32
          %add3A_390 = vector.broadcast %add3A_389 : i32 to vector<16xi32>
          %add3A_391 = arith.addi %broadcast_in_dim3A_11, %add3A_390 : vector<16xi32>
          tpu.vector_store_idx %arg12[%add3A_88, %add3A_391], %gather3A_388 masked %and3A_99 : memref<672x128xf32, #tpu.memory_space<vmem>>[vector<16xi32>, vector<16xi32>], vector<16xf32>, vector<16xi1>
          %add3A_392 = arith.constant 39 : i32
          %add3A_393 = vector.broadcast %add3A_392 : i32 to vector<16xi32>
          %add3A_394 = arith.addi %broadcast_in_dim3A_11, %add3A_393 : vector<16xi32>
          %gather3A_395 = tpu.vector_load_idx %arg11[%add3A_394, %select_n3A_119] masked %and3A_99 : memref<64x128xf32, #tpu.memory_space<vmem>>[vector<16xi32>, vector<16xi32>], vector<16xf32>, vector<16xi1>
          %add3A_396 = arith.constant 39 : i32
          %add3A_397 = vector.broadcast %add3A_396 : i32 to vector<16xi32>
          %add3A_398 = arith.addi %broadcast_in_dim3A_11, %add3A_397 : vector<16xi32>
          tpu.vector_store_idx %arg12[%add3A_88, %add3A_398], %gather3A_395 masked %and3A_99 : memref<672x128xf32, #tpu.memory_space<vmem>>[vector<16xi32>, vector<16xi32>], vector<16xf32>, vector<16xi1>
          %add3A_399 = arith.constant 40 : i32
          %add3A_400 = vector.broadcast %add3A_399 : i32 to vector<16xi32>
          %add3A_401 = arith.addi %broadcast_in_dim3A_11, %add3A_400 : vector<16xi32>
          %gather3A_402 = tpu.vector_load_idx %arg11[%add3A_401, %select_n3A_119] masked %and3A_99 : memref<64x128xf32, #tpu.memory_space<vmem>>[vector<16xi32>, vector<16xi32>], vector<16xf32>, vector<16xi1>
          %add3A_403 = arith.constant 40 : i32
          %add3A_404 = vector.broadcast %add3A_403 : i32 to vector<16xi32>
          %add3A_405 = arith.addi %broadcast_in_dim3A_11, %add3A_404 : vector<16xi32>
          tpu.vector_store_idx %arg12[%add3A_88, %add3A_405], %gather3A_402 masked %and3A_99 : memref<672x128xf32, #tpu.memory_space<vmem>>[vector<16xi32>, vector<16xi32>], vector<16xf32>, vector<16xi1>
          %add3A_406 = arith.constant 41 : i32
          %add3A_407 = vector.broadcast %add3A_406 : i32 to vector<16xi32>
          %add3A_408 = arith.addi %broadcast_in_dim3A_11, %add3A_407 : vector<16xi32>
          %gather3A_409 = tpu.vector_load_idx %arg11[%add3A_408, %select_n3A_119] masked %and3A_99 : memref<64x128xf32, #tpu.memory_space<vmem>>[vector<16xi32>, vector<16xi32>], vector<16xf32>, vector<16xi1>
          %add3A_410 = arith.constant 41 : i32
          %add3A_411 = vector.broadcast %add3A_410 : i32 to vector<16xi32>
          %add3A_412 = arith.addi %broadcast_in_dim3A_11, %add3A_411 : vector<16xi32>
          tpu.vector_store_idx %arg12[%add3A_88, %add3A_412], %gather3A_409 masked %and3A_99 : memref<672x128xf32, #tpu.memory_space<vmem>>[vector<16xi32>, vector<16xi32>], vector<16xf32>, vector<16xi1>
          %add3A_413 = arith.constant 42 : i32
          %add3A_414 = vector.broadcast %add3A_413 : i32 to vector<16xi32>
          %add3A_415 = arith.addi %broadcast_in_dim3A_11, %add3A_414 : vector<16xi32>
          %gather3A_416 = tpu.vector_load_idx %arg11[%add3A_415, %select_n3A_119] masked %and3A_99 : memref<64x128xf32, #tpu.memory_space<vmem>>[vector<16xi32>, vector<16xi32>], vector<16xf32>, vector<16xi1>
          %add3A_417 = arith.constant 42 : i32
          %add3A_418 = vector.broadcast %add3A_417 : i32 to vector<16xi32>
          %add3A_419 = arith.addi %broadcast_in_dim3A_11, %add3A_418 : vector<16xi32>
          tpu.vector_store_idx %arg12[%add3A_88, %add3A_419], %gather3A_416 masked %and3A_99 : memref<672x128xf32, #tpu.memory_space<vmem>>[vector<16xi32>, vector<16xi32>], vector<16xf32>, vector<16xi1>
          %add3A_420 = arith.constant 43 : i32
          %add3A_421 = vector.broadcast %add3A_420 : i32 to vector<16xi32>
          %add3A_422 = arith.addi %broadcast_in_dim3A_11, %add3A_421 : vector<16xi32>
          %gather3A_423 = tpu.vector_load_idx %arg11[%add3A_422, %select_n3A_119] masked %and3A_99 : memref<64x128xf32, #tpu.memory_space<vmem>>[vector<16xi32>, vector<16xi32>], vector<16xf32>, vector<16xi1>
          %add3A_424 = arith.constant 43 : i32
          %add3A_425 = vector.broadcast %add3A_424 : i32 to vector<16xi32>
          %add3A_426 = arith.addi %broadcast_in_dim3A_11, %add3A_425 : vector<16xi32>
          tpu.vector_store_idx %arg12[%add3A_88, %add3A_426], %gather3A_423 masked %and3A_99 : memref<672x128xf32, #tpu.memory_space<vmem>>[vector<16xi32>, vector<16xi32>], vector<16xf32>, vector<16xi1>
          %add3A_427 = arith.constant 44 : i32
          %add3A_428 = vector.broadcast %add3A_427 : i32 to vector<16xi32>
          %add3A_429 = arith.addi %broadcast_in_dim3A_11, %add3A_428 : vector<16xi32>
          %gather3A_430 = tpu.vector_load_idx %arg11[%add3A_429, %select_n3A_119] masked %and3A_99 : memref<64x128xf32, #tpu.memory_space<vmem>>[vector<16xi32>, vector<16xi32>], vector<16xf32>, vector<16xi1>
          %add3A_431 = arith.constant 44 : i32
          %add3A_432 = vector.broadcast %add3A_431 : i32 to vector<16xi32>
          %add3A_433 = arith.addi %broadcast_in_dim3A_11, %add3A_432 : vector<16xi32>
          tpu.vector_store_idx %arg12[%add3A_88, %add3A_433], %gather3A_430 masked %and3A_99 : memref<672x128xf32, #tpu.memory_space<vmem>>[vector<16xi32>, vector<16xi32>], vector<16xf32>, vector<16xi1>
          %add3A_434 = arith.constant 45 : i32
          %add3A_435 = vector.broadcast %add3A_434 : i32 to vector<16xi32>
          %add3A_436 = arith.addi %broadcast_in_dim3A_11, %add3A_435 : vector<16xi32>
          %gather3A_437 = tpu.vector_load_idx %arg11[%add3A_436, %select_n3A_119] masked %and3A_99 : memref<64x128xf32, #tpu.memory_space<vmem>>[vector<16xi32>, vector<16xi32>], vector<16xf32>, vector<16xi1>
          %add3A_438 = arith.constant 45 : i32
          %add3A_439 = vector.broadcast %add3A_438 : i32 to vector<16xi32>
          %add3A_440 = arith.addi %broadcast_in_dim3A_11, %add3A_439 : vector<16xi32>
          tpu.vector_store_idx %arg12[%add3A_88, %add3A_440], %gather3A_437 masked %and3A_99 : memref<672x128xf32, #tpu.memory_space<vmem>>[vector<16xi32>, vector<16xi32>], vector<16xf32>, vector<16xi1>
          %add3A_441 = arith.constant 46 : i32
          %add3A_442 = vector.broadcast %add3A_441 : i32 to vector<16xi32>
          %add3A_443 = arith.addi %broadcast_in_dim3A_11, %add3A_442 : vector<16xi32>
          %gather3A_444 = tpu.vector_load_idx %arg11[%add3A_443, %select_n3A_119] masked %and3A_99 : memref<64x128xf32, #tpu.memory_space<vmem>>[vector<16xi32>, vector<16xi32>], vector<16xf32>, vector<16xi1>
          %add3A_445 = arith.constant 46 : i32
          %add3A_446 = vector.broadcast %add3A_445 : i32 to vector<16xi32>
          %add3A_447 = arith.addi %broadcast_in_dim3A_11, %add3A_446 : vector<16xi32>
          tpu.vector_store_idx %arg12[%add3A_88, %add3A_447], %gather3A_444 masked %and3A_99 : memref<672x128xf32, #tpu.memory_space<vmem>>[vector<16xi32>, vector<16xi32>], vector<16xf32>, vector<16xi1>
          %add3A_448 = arith.constant 47 : i32
          %add3A_449 = vector.broadcast %add3A_448 : i32 to vector<16xi32>
          %add3A_450 = arith.addi %broadcast_in_dim3A_11, %add3A_449 : vector<16xi32>
          %gather3A_451 = tpu.vector_load_idx %arg11[%add3A_450, %select_n3A_119] masked %and3A_99 : memref<64x128xf32, #tpu.memory_space<vmem>>[vector<16xi32>, vector<16xi32>], vector<16xf32>, vector<16xi1>
          %add3A_452 = arith.constant 47 : i32
          %add3A_453 = vector.broadcast %add3A_452 : i32 to vector<16xi32>
          %add3A_454 = arith.addi %broadcast_in_dim3A_11, %add3A_453 : vector<16xi32>
          tpu.vector_store_idx %arg12[%add3A_88, %add3A_454], %gather3A_451 masked %and3A_99 : memref<672x128xf32, #tpu.memory_space<vmem>>[vector<16xi32>, vector<16xi32>], vector<16xf32>, vector<16xi1>
          %add3A_455 = arith.constant 48 : i32
          %add3A_456 = vector.broadcast %add3A_455 : i32 to vector<16xi32>
          %add3A_457 = arith.addi %broadcast_in_dim3A_11, %add3A_456 : vector<16xi32>
          %gather3A_458 = tpu.vector_load_idx %arg11[%add3A_457, %select_n3A_119] masked %and3A_99 : memref<64x128xf32, #tpu.memory_space<vmem>>[vector<16xi32>, vector<16xi32>], vector<16xf32>, vector<16xi1>
          %add3A_459 = arith.constant 48 : i32
          %add3A_460 = vector.broadcast %add3A_459 : i32 to vector<16xi32>
          %add3A_461 = arith.addi %broadcast_in_dim3A_11, %add3A_460 : vector<16xi32>
          tpu.vector_store_idx %arg12[%add3A_88, %add3A_461], %gather3A_458 masked %and3A_99 : memref<672x128xf32, #tpu.memory_space<vmem>>[vector<16xi32>, vector<16xi32>], vector<16xf32>, vector<16xi1>
          %add3A_462 = arith.constant 49 : i32
          %add3A_463 = vector.broadcast %add3A_462 : i32 to vector<16xi32>
          %add3A_464 = arith.addi %broadcast_in_dim3A_11, %add3A_463 : vector<16xi32>
          %gather3A_465 = tpu.vector_load_idx %arg11[%add3A_464, %select_n3A_119] masked %and3A_99 : memref<64x128xf32, #tpu.memory_space<vmem>>[vector<16xi32>, vector<16xi32>], vector<16xf32>, vector<16xi1>
          %add3A_466 = arith.constant 49 : i32
          %add3A_467 = vector.broadcast %add3A_466 : i32 to vector<16xi32>
          %add3A_468 = arith.addi %broadcast_in_dim3A_11, %add3A_467 : vector<16xi32>
          tpu.vector_store_idx %arg12[%add3A_88, %add3A_468], %gather3A_465 masked %and3A_99 : memref<672x128xf32, #tpu.memory_space<vmem>>[vector<16xi32>, vector<16xi32>], vector<16xf32>, vector<16xi1>
          %add3A_469 = arith.constant 50 : i32
          %add3A_470 = vector.broadcast %add3A_469 : i32 to vector<16xi32>
          %add3A_471 = arith.addi %broadcast_in_dim3A_11, %add3A_470 : vector<16xi32>
          %gather3A_472 = tpu.vector_load_idx %arg11[%add3A_471, %select_n3A_119] masked %and3A_99 : memref<64x128xf32, #tpu.memory_space<vmem>>[vector<16xi32>, vector<16xi32>], vector<16xf32>, vector<16xi1>
          %add3A_473 = arith.constant 50 : i32
          %add3A_474 = vector.broadcast %add3A_473 : i32 to vector<16xi32>
          %add3A_475 = arith.addi %broadcast_in_dim3A_11, %add3A_474 : vector<16xi32>
          tpu.vector_store_idx %arg12[%add3A_88, %add3A_475], %gather3A_472 masked %and3A_99 : memref<672x128xf32, #tpu.memory_space<vmem>>[vector<16xi32>, vector<16xi32>], vector<16xf32>, vector<16xi1>
          %add3A_476 = arith.constant 51 : i32
          %add3A_477 = vector.broadcast %add3A_476 : i32 to vector<16xi32>
          %add3A_478 = arith.addi %broadcast_in_dim3A_11, %add3A_477 : vector<16xi32>
          %gather3A_479 = tpu.vector_load_idx %arg11[%add3A_478, %select_n3A_119] masked %and3A_99 : memref<64x128xf32, #tpu.memory_space<vmem>>[vector<16xi32>, vector<16xi32>], vector<16xf32>, vector<16xi1>
          %add3A_480 = arith.constant 51 : i32
          %add3A_481 = vector.broadcast %add3A_480 : i32 to vector<16xi32>
          %add3A_482 = arith.addi %broadcast_in_dim3A_11, %add3A_481 : vector<16xi32>
          tpu.vector_store_idx %arg12[%add3A_88, %add3A_482], %gather3A_479 masked %and3A_99 : memref<672x128xf32, #tpu.memory_space<vmem>>[vector<16xi32>, vector<16xi32>], vector<16xf32>, vector<16xi1>
          %add3A_483 = arith.constant 52 : i32
          %add3A_484 = vector.broadcast %add3A_483 : i32 to vector<16xi32>
          %add3A_485 = arith.addi %broadcast_in_dim3A_11, %add3A_484 : vector<16xi32>
          %gather3A_486 = tpu.vector_load_idx %arg11[%add3A_485, %select_n3A_119] masked %and3A_99 : memref<64x128xf32, #tpu.memory_space<vmem>>[vector<16xi32>, vector<16xi32>], vector<16xf32>, vector<16xi1>
          %add3A_487 = arith.constant 52 : i32
          %add3A_488 = vector.broadcast %add3A_487 : i32 to vector<16xi32>
          %add3A_489 = arith.addi %broadcast_in_dim3A_11, %add3A_488 : vector<16xi32>
          tpu.vector_store_idx %arg12[%add3A_88, %add3A_489], %gather3A_486 masked %and3A_99 : memref<672x128xf32, #tpu.memory_space<vmem>>[vector<16xi32>, vector<16xi32>], vector<16xf32>, vector<16xi1>
          %add3A_490 = arith.constant 53 : i32
          %add3A_491 = vector.broadcast %add3A_490 : i32 to vector<16xi32>
          %add3A_492 = arith.addi %broadcast_in_dim3A_11, %add3A_491 : vector<16xi32>
          %gather3A_493 = tpu.vector_load_idx %arg11[%add3A_492, %select_n3A_119] masked %and3A_99 : memref<64x128xf32, #tpu.memory_space<vmem>>[vector<16xi32>, vector<16xi32>], vector<16xf32>, vector<16xi1>
          %add3A_494 = arith.constant 53 : i32
          %add3A_495 = vector.broadcast %add3A_494 : i32 to vector<16xi32>
          %add3A_496 = arith.addi %broadcast_in_dim3A_11, %add3A_495 : vector<16xi32>
          tpu.vector_store_idx %arg12[%add3A_88, %add3A_496], %gather3A_493 masked %and3A_99 : memref<672x128xf32, #tpu.memory_space<vmem>>[vector<16xi32>, vector<16xi32>], vector<16xf32>, vector<16xi1>
          %add3A_497 = arith.constant 54 : i32
          %add3A_498 = vector.broadcast %add3A_497 : i32 to vector<16xi32>
          %add3A_499 = arith.addi %broadcast_in_dim3A_11, %add3A_498 : vector<16xi32>
          %gather3A_500 = tpu.vector_load_idx %arg11[%add3A_499, %select_n3A_119] masked %and3A_99 : memref<64x128xf32, #tpu.memory_space<vmem>>[vector<16xi32>, vector<16xi32>], vector<16xf32>, vector<16xi1>
          %add3A_501 = arith.constant 54 : i32
          %add3A_502 = vector.broadcast %add3A_501 : i32 to vector<16xi32>
          %add3A_503 = arith.addi %broadcast_in_dim3A_11, %add3A_502 : vector<16xi32>
          tpu.vector_store_idx %arg12[%add3A_88, %add3A_503], %gather3A_500 masked %and3A_99 : memref<672x128xf32, #tpu.memory_space<vmem>>[vector<16xi32>, vector<16xi32>], vector<16xf32>, vector<16xi1>
          %add3A_504 = arith.constant 55 : i32
          %add3A_505 = vector.broadcast %add3A_504 : i32 to vector<16xi32>
          %add3A_506 = arith.addi %broadcast_in_dim3A_11, %add3A_505 : vector<16xi32>
          %gather3A_507 = tpu.vector_load_idx %arg11[%add3A_506, %select_n3A_119] masked %and3A_99 : memref<64x128xf32, #tpu.memory_space<vmem>>[vector<16xi32>, vector<16xi32>], vector<16xf32>, vector<16xi1>
          %add3A_508 = arith.constant 55 : i32
          %add3A_509 = vector.broadcast %add3A_508 : i32 to vector<16xi32>
          %add3A_510 = arith.addi %broadcast_in_dim3A_11, %add3A_509 : vector<16xi32>
          tpu.vector_store_idx %arg12[%add3A_88, %add3A_510], %gather3A_507 masked %and3A_99 : memref<672x128xf32, #tpu.memory_space<vmem>>[vector<16xi32>, vector<16xi32>], vector<16xf32>, vector<16xi1>
          %add3A_511 = arith.constant 56 : i32
          %add3A_512 = vector.broadcast %add3A_511 : i32 to vector<16xi32>
          %add3A_513 = arith.addi %broadcast_in_dim3A_11, %add3A_512 : vector<16xi32>
          %gather3A_514 = tpu.vector_load_idx %arg11[%add3A_513, %select_n3A_119] masked %and3A_99 : memref<64x128xf32, #tpu.memory_space<vmem>>[vector<16xi32>, vector<16xi32>], vector<16xf32>, vector<16xi1>
          %add3A_515 = arith.constant 56 : i32
          %add3A_516 = vector.broadcast %add3A_515 : i32 to vector<16xi32>
          %add3A_517 = arith.addi %broadcast_in_dim3A_11, %add3A_516 : vector<16xi32>
          tpu.vector_store_idx %arg12[%add3A_88, %add3A_517], %gather3A_514 masked %and3A_99 : memref<672x128xf32, #tpu.memory_space<vmem>>[vector<16xi32>, vector<16xi32>], vector<16xf32>, vector<16xi1>
          %add3A_518 = arith.constant 57 : i32
          %add3A_519 = vector.broadcast %add3A_518 : i32 to vector<16xi32>
          %add3A_520 = arith.addi %broadcast_in_dim3A_11, %add3A_519 : vector<16xi32>
          %gather3A_521 = tpu.vector_load_idx %arg11[%add3A_520, %select_n3A_119] masked %and3A_99 : memref<64x128xf32, #tpu.memory_space<vmem>>[vector<16xi32>, vector<16xi32>], vector<16xf32>, vector<16xi1>
          %add3A_522 = arith.constant 57 : i32
          %add3A_523 = vector.broadcast %add3A_522 : i32 to vector<16xi32>
          %add3A_524 = arith.addi %broadcast_in_dim3A_11, %add3A_523 : vector<16xi32>
          tpu.vector_store_idx %arg12[%add3A_88, %add3A_524], %gather3A_521 masked %and3A_99 : memref<672x128xf32, #tpu.memory_space<vmem>>[vector<16xi32>, vector<16xi32>], vector<16xf32>, vector<16xi1>
          %add3A_525 = arith.constant 58 : i32
          %add3A_526 = vector.broadcast %add3A_525 : i32 to vector<16xi32>
          %add3A_527 = arith.addi %broadcast_in_dim3A_11, %add3A_526 : vector<16xi32>
          %gather3A_528 = tpu.vector_load_idx %arg11[%add3A_527, %select_n3A_119] masked %and3A_99 : memref<64x128xf32, #tpu.memory_space<vmem>>[vector<16xi32>, vector<16xi32>], vector<16xf32>, vector<16xi1>
          %add3A_529 = arith.constant 58 : i32
          %add3A_530 = vector.broadcast %add3A_529 : i32 to vector<16xi32>
          %add3A_531 = arith.addi %broadcast_in_dim3A_11, %add3A_530 : vector<16xi32>
          tpu.vector_store_idx %arg12[%add3A_88, %add3A_531], %gather3A_528 masked %and3A_99 : memref<672x128xf32, #tpu.memory_space<vmem>>[vector<16xi32>, vector<16xi32>], vector<16xf32>, vector<16xi1>
          %add3A_532 = arith.constant 59 : i32
          %add3A_533 = vector.broadcast %add3A_532 : i32 to vector<16xi32>
          %add3A_534 = arith.addi %broadcast_in_dim3A_11, %add3A_533 : vector<16xi32>
          %gather3A_535 = tpu.vector_load_idx %arg11[%add3A_534, %select_n3A_119] masked %and3A_99 : memref<64x128xf32, #tpu.memory_space<vmem>>[vector<16xi32>, vector<16xi32>], vector<16xf32>, vector<16xi1>
          %add3A_536 = arith.constant 59 : i32
          %add3A_537 = vector.broadcast %add3A_536 : i32 to vector<16xi32>
          %add3A_538 = arith.addi %broadcast_in_dim3A_11, %add3A_537 : vector<16xi32>
          tpu.vector_store_idx %arg12[%add3A_88, %add3A_538], %gather3A_535 masked %and3A_99 : memref<672x128xf32, #tpu.memory_space<vmem>>[vector<16xi32>, vector<16xi32>], vector<16xf32>, vector<16xi1>
          %add3A_539 = arith.constant 60 : i32
          %add3A_540 = vector.broadcast %add3A_539 : i32 to vector<16xi32>
          %add3A_541 = arith.addi %broadcast_in_dim3A_11, %add3A_540 : vector<16xi32>
          %gather3A_542 = tpu.vector_load_idx %arg11[%add3A_541, %select_n3A_119] masked %and3A_99 : memref<64x128xf32, #tpu.memory_space<vmem>>[vector<16xi32>, vector<16xi32>], vector<16xf32>, vector<16xi1>
          %add3A_543 = arith.constant 60 : i32
          %add3A_544 = vector.broadcast %add3A_543 : i32 to vector<16xi32>
          %add3A_545 = arith.addi %broadcast_in_dim3A_11, %add3A_544 : vector<16xi32>
          tpu.vector_store_idx %arg12[%add3A_88, %add3A_545], %gather3A_542 masked %and3A_99 : memref<672x128xf32, #tpu.memory_space<vmem>>[vector<16xi32>, vector<16xi32>], vector<16xf32>, vector<16xi1>
          %add3A_546 = arith.constant 61 : i32
          %add3A_547 = vector.broadcast %add3A_546 : i32 to vector<16xi32>
          %add3A_548 = arith.addi %broadcast_in_dim3A_11, %add3A_547 : vector<16xi32>
          %gather3A_549 = tpu.vector_load_idx %arg11[%add3A_548, %select_n3A_119] masked %and3A_99 : memref<64x128xf32, #tpu.memory_space<vmem>>[vector<16xi32>, vector<16xi32>], vector<16xf32>, vector<16xi1>
          %add3A_550 = arith.constant 61 : i32
          %add3A_551 = vector.broadcast %add3A_550 : i32 to vector<16xi32>
          %add3A_552 = arith.addi %broadcast_in_dim3A_11, %add3A_551 : vector<16xi32>
          tpu.vector_store_idx %arg12[%add3A_88, %add3A_552], %gather3A_549 masked %and3A_99 : memref<672x128xf32, #tpu.memory_space<vmem>>[vector<16xi32>, vector<16xi32>], vector<16xf32>, vector<16xi1>
          %add3A_553 = arith.constant 62 : i32
          %add3A_554 = vector.broadcast %add3A_553 : i32 to vector<16xi32>
          %add3A_555 = arith.addi %broadcast_in_dim3A_11, %add3A_554 : vector<16xi32>
          %gather3A_556 = tpu.vector_load_idx %arg11[%add3A_555, %select_n3A_119] masked %and3A_99 : memref<64x128xf32, #tpu.memory_space<vmem>>[vector<16xi32>, vector<16xi32>], vector<16xf32>, vector<16xi1>
          %add3A_557 = arith.constant 62 : i32
          %add3A_558 = vector.broadcast %add3A_557 : i32 to vector<16xi32>
          %add3A_559 = arith.addi %broadcast_in_dim3A_11, %add3A_558 : vector<16xi32>
          tpu.vector_store_idx %arg12[%add3A_88, %add3A_559], %gather3A_556 masked %and3A_99 : memref<672x128xf32, #tpu.memory_space<vmem>>[vector<16xi32>, vector<16xi32>], vector<16xf32>, vector<16xi1>
          %add3A_560 = arith.constant 63 : i32
          %add3A_561 = vector.broadcast %add3A_560 : i32 to vector<16xi32>
          %add3A_562 = arith.addi %broadcast_in_dim3A_11, %add3A_561 : vector<16xi32>
          %gather3A_563 = tpu.vector_load_idx %arg11[%add3A_562, %select_n3A_119] masked %and3A_99 : memref<64x128xf32, #tpu.memory_space<vmem>>[vector<16xi32>, vector<16xi32>], vector<16xf32>, vector<16xi1>
          %add3A_564 = arith.constant 63 : i32
          %add3A_565 = vector.broadcast %add3A_564 : i32 to vector<16xi32>
          %add3A_566 = arith.addi %broadcast_in_dim3A_11, %add3A_565 : vector<16xi32>
          tpu.vector_store_idx %arg12[%add3A_88, %add3A_566], %gather3A_563 masked %and3A_99 : memref<672x128xf32, #tpu.memory_space<vmem>>[vector<16xi32>, vector<16xi32>], vector<16xf32>, vector<16xi1>
        } else {
        }
        %while3A_109 = arith.constant 0 : i32
        scf.yield %while3A_109 : i32
      }
    } else {
    }
    %dma_start3A = arith.constant 0 : i32
    %dma_start3A_68 = arith.constant 0 : i32
    %dma_start3A_69 = tpu.memref_slice %arg5[%dma_start3A, %dma_start3A_68] : memref<16392x128xf32, #tpu.memory_space<hbm>> -> memref<16392x128xf32, #tpu.memory_space<hbm>>
    tpu.enqueue_indirect_dma source(%arg12 : memref<672x128xf32, #tpu.memory_space<vmem>>) target(%dma_start3A_69 : memref<16392x128xf32, #tpu.memory_space<hbm>>) offsets(%arg9 : memref<672xi32, #tpu.memory_space<vmem>>) semaphore(%arg15 : memref<!tpu.dma_semaphore, #tpu.memory_space<semaphore_mem>>)
    %dma_wait3A = arith.constant 0 : i32
    %dma_wait3A_70 = arith.constant 0 : i32
    %dma_wait3A_71 = tpu.memref_slice %arg5[%dma_wait3A, %dma_wait3A_70] : memref<16392x128xf32, #tpu.memory_space<hbm>> -> memref<16392x128xf32, #tpu.memory_space<hbm>>
    tpu.wait_indirect_dma semaphore(%arg15 : memref<!tpu.dma_semaphore, #tpu.memory_space<semaphore_mem>>) src(%arg12 : memref<672x128xf32, #tpu.memory_space<vmem>>) dst(%dma_wait3A_71 : memref<16392x128xf32, #tpu.memory_space<hbm>>)
    return
  }
}

module attributes {stable_mosaic.version = 14 : i64} {
  func.func @_tc_finish(%arg0: i32, %arg1: memref<1024x128xf32, #tpu.memory_space<vmem>>, %arg2: memref<1024x1xi32, #tpu.memory_space<vmem>>, %arg3: memref<2x2xf32, #tpu.memory_space<vmem>>, %arg4: memref<1024x66xf32, #tpu.memory_space<vmem>>) attributes {dimension_semantics = [#tpu.dimension_semantics<arbitrary>], iteration_bounds = array<i64: 16>, scalar_prefetch = 0 : i64, scratch_operands = 0 : i64, tpu.core_type = #tpu.core_type<tc>, window_params = [{transform_indices = @transform_0, window_bounds = array<i64: 1024, 128>}, {transform_indices = @transform_1, window_bounds = array<i64: 1024, 1>}, {pipeline_mode = #tpu.pipeline_mode<synchronous>, transform_indices = @transform_2, window_bounds = array<i64: 2, 2>}, {transform_indices = @transform_3, window_bounds = array<i64: 1024, 66>}]} {
    %get3A = arith.constant 0 : index
    %get3A_0 = arith.constant 0 : index
    %get3A_1 = vector.load %arg1[%get3A, %get3A_0] : memref<1024x128xf32, #tpu.memory_space<vmem>>, vector<1024x64xf32>
    %get3A_2 = arith.constant 0 : index
    %get3A_3 = arith.constant 0 : index
    %get3A_4 = vector.load %arg2[%get3A_2, %get3A_3] : memref<1024x1xi32, #tpu.memory_space<vmem>>, vector<1024x1xi32>
    %eq3A = arith.constant 0 : i32
    %eq3A_5 = vector.broadcast %eq3A : i32 to vector<1024x1xi32>
    %eq3A_6 = arith.cmpi eq, %get3A_4, %eq3A_5 : vector<1024x1xi32>
    %get3A_7 = arith.constant 0 : index
    %get3A_8 = arith.constant 0 : index
    %get3A_9 = vector.load %arg3[%get3A_7, %get3A_8] : memref<2x2xf32, #tpu.memory_space<vmem>>, vector<1x2xf32>
    %get3A_10 = arith.constant 1 : index
    %get3A_11 = arith.constant 0 : index
    %get3A_12 = vector.load %arg3[%get3A_10, %get3A_11] : memref<2x2xf32, #tpu.memory_space<vmem>>, vector<1x2xf32>
    %broadcast_in_dim3A = vector.shape_cast %eq3A_6 : vector<1024x1xi1> to vector<1024x1xi1>
    %broadcast_in_dim3A_13 = vector.broadcast %broadcast_in_dim3A : vector<1024x1xi1> to vector<1024x2xi1>
    %broadcast_in_dim3A_14 = vector.shape_cast %get3A_9 : vector<1x2xf32> to vector<1x2xf32>
    %broadcast_in_dim3A_15 = vector.broadcast %broadcast_in_dim3A_14 : vector<1x2xf32> to vector<1024x2xf32>
    %broadcast_in_dim3A_16 = vector.shape_cast %get3A_12 : vector<1x2xf32> to vector<1x2xf32>
    %broadcast_in_dim3A_17 = vector.broadcast %broadcast_in_dim3A_16 : vector<1x2xf32> to vector<1024x2xf32>
    %select_n3A = arith.select %broadcast_in_dim3A_13, %broadcast_in_dim3A_15, %broadcast_in_dim3A_17 : vector<1024x2xi1>, vector<1024x2xf32>
    %concatenate3A = tpu.concatenate %get3A_1, %select_n3A in 1 : vector<1024x64xf32>, vector<1024x2xf32> -> vector<1024x66xf32>
    %swap3A = arith.constant 0 : index
    %swap3A_18 = arith.constant 0 : index
    %swap3A_19 = vector.load %arg4[%swap3A, %swap3A_18] : memref<1024x66xf32, #tpu.memory_space<vmem>>, vector<1024x66xf32>
    tpu.vector_store %arg4[%swap3A, %swap3A_18], %concatenate3A {strides = array<i32>} : memref<1024x66xf32, #tpu.memory_space<vmem>>, vector<1024x66xf32>,
    return
  }
  func.func @transform_0(%arg0: i32) -> (i32, i32) {
    %c0_i32 = arith.constant 0 : i32
    %c0_i32_0 = arith.constant 0 : i32
    return %arg0, %c0_i32 : i32, i32
  }
  func.func @transform_1(%arg0: i32) -> (i32, i32) {
    %c0_i32 = arith.constant 0 : i32
    %c0_i32_0 = arith.constant 0 : i32
    return %arg0, %c0_i32 : i32, i32
  }
  func.func @transform_2(%arg0: i32) -> (i32, i32) {
    %c0_i32 = arith.constant 0 : i32
    %c0_i32_0 = arith.constant 0 : i32
    %c0_i32_1 = arith.constant 0 : i32
    return %c0_i32, %c0_i32_0 : i32, i32
  }
  func.func @transform_3(%arg0: i32) -> (i32, i32) {
    %c0_i32 = arith.constant 0 : i32
    %c0_i32_0 = arith.constant 0 : i32
    return %arg0, %c0_i32 : i32, i32
  }
}

</mosaic_0001>

<sc_bundles>
// kernel: kernel.4.cloned.1.call-start
scs
__scs_entry_jumppad:
0x0: {  	(pc) =	sbr.rel $0x88, $3  }
0x1: {  	(tag) =	ssettag $0x0;
	lr =	simm.s32 $0x1  }
0x2: {  	[smem:$0x3F9D] =	sst lr;
	_ =	strace $0xD0000000  }
0x3: {  	_ = 	snop  }
0x4: {  	_ = 	snop  }
0x5: {  	_ = 	snop  }
0x6: {  	_ = 	snop  }
0x7: {  	_ = 	snop  }
__scs_overlays_trampoline_lowered:
0x8: {  	[smem:$0x3FAC] =	sst s0  }
0x9: {  	[smem:$0x3FAD] =	sst s1  }
0xa: {  	[smem:$0x3FAE] =	sst s2  }
0xb: {  	[smem:$0x3FAF] =	sst s3  }
0xc: {  	[smem:$0x3FB0] =	sst s4  }
0xd: {  	[smem:$0x3FB1] =	sst s5  }
0xe: {  	[smem:$0x3FB2] =	sst s6  }
0xf: {  	[smem:$0x3FB3] =	sst s7  }
0x10: {  	[smem:$0x3FB4] =	sst s8  }
0x11: {  	[smem:$0x3FB5] =	sst s9;
	s0 =	simm.s32 @!p0 $0x0  }
0x12: {  	s1 =	sld [smem:$0x3F9B];
	s0 =	simm.s32 @p0 $0x1  }
0x13: {  	[smem:$0x3FB6] =	sst s0;
	s0 =	simm.s32 @!p1 $0x0  }
0x14: {  	s2 =	sld [smem:$0x3F9A];
	s0 =	simm.s32 @p1 $0x1  }
0x15: {  	[smem:$0x3FB7] =	sst s0;
	s0 =	simm.s32 @!p2 $0x0  }
0x16: {  	s3 =	sld [smem:$0x3FDB];
	s0 =	simm.s32 @p2 $0x1  }
0x17: {  	s4 =	simm.s32 $0x1BF5;
	[smem:$0x3FB9] =	sst s0  }
0x18: {  	s0 =	sld [smem:$0x3F9C];
	_ =	swait.ge [sflag:s4], $0x0  }
0x19: {  	s7 =	sld [smem:$0x3F9D]  }
0x1a: {  	s8 =	sadd.s32 $0xFFFFE003, lr  }
0x1b: {  	s9 =	sadd.s32 $0xFFFFFEF7, lr;
	s5 =	simm.s32 $0xFFFFFFFF;
	p2 =	slt.u32 s8, $0xFFFFF086  }
0x1c: {  	p1 =	slt.u32 s9, $0xF7A;
	s5 =	simm.s32 @!p2 $0x0  }
0x1d: {  	s5 =	simm.s32 @p1 $0x1;
	p0 =	seq.s32 s7, s2  }
0x1e: {  	s7 =	smul.u32 @!p0 $0xF7A, s2;
	p2 =	seq.s32 @!p0 s5, $0x0  }
0x1f: {  	s9 =	smul.u32 $0xF7A, s1;
	s8 =	simm.s32 @!p0 $0x1BF5;
	p2 =	por !p2, p0  }
0x20: {  	[sflag:s8] =	ssyncset.s32 @!p0 $0xFFFFF086;
	s6 =	sadd.s32 @!p0 s3, s7;
	s7 =	simm.s32 @!p0 $0x108  }
0x21: {  	s3 =	sadd.s32 s3, s9;
	s6 =	sadd.s32 @!p0 $0x88, s6;
	s7 =	simm.s32 @p2 $0x1082  }
0x22: {  	[simem:s7], [sflag:s8] =	dma.local @!p0 [hbm:s6], $0xF7A  }
0x23: {  	s9 =	sor.u32 $0xD0000000, s2;
	s6 =	simm.s32 $0x108;
	_ =	swait.ge @!p0 [sflag:s8], $0x0  }
0x24: {  	s3 =	sadd.s32 $0x88, s3;
	s6 =	simm.s32 @!p1 $0x1082;
	[sflag:s4] =	ssyncset.s32 $0xFFFFF086  }
0x25: {  	[simem:s6], [sflag:s4] =	dma.local [hbm:s3], $0xF7A  }
0x26: {  	[smem:$0x3F9D] =	sst s1;
	(tag) =	ssettag s2;
	_ =	strace s9  }
0x27: {  	s1 =	sld [smem:$0x3FAD]  }
0x28: {  	s2 =	sld [smem:$0x3FAE]  }
0x29: {  	s4 =	sld [smem:$0x3FB0]  }
0x2a: {  	p0 =	seq.s32 s5, $0x0;
	s5 =	sld [smem:$0x3FB1]  }
0x2b: {  	s6 =	sld [smem:$0x3FB2]  }
0x2c: {  	s7 =	sld [smem:$0x3FB3]  }
0x2d: {  	s3 =	simm.s32 $0x108;
	s8 =	sld [smem:$0x3FB4]  }
0x2e: {  	s3 =	simm.s32 @!p0 $0x1082;
	s9 =	sld [smem:$0x3FB5]  }
0x2f: {  	lr =	sadd.s32 s0, s3;
	s0 =	sld [smem:$0x3FAC]  }
0x30: {  	s3 =	sld [smem:$0x3FAF]  }
0x31: {  	[smem:$0x3FB8] =	sst s10  }
0x32: {  	s10 =	sld [smem:$0x3FB6];
	_ =	sdelay $0x3  }
0x33: {  	p0 =	seq.s32 s10, $0x1;
	s10 =	sld [smem:$0x3FB8];
	_ =	sdelay $0x3  }
0x34: {  	[smem:$0x3FB8] =	sst s10  }
0x35: {  	s10 =	sld [smem:$0x3FB7];
	_ =	sdelay $0x3  }
0x36: {  	p1 =	seq.s32 s10, $0x1;
	s10 =	sld [smem:$0x3FB8];
	_ =	sdelay $0x3  }
0x37: {  	[smem:$0x3FB8] =	sst s10  }
0x38: {  	s10 =	sld [smem:$0x3FB9]  }
0x39: {  	_ = 	snop;
	(pc) =	sbr.ind lr, $3  }
0x3a: {  	_ = 	snop  }
0x3b: {  	_ = 	snop  }
0x3c: {  	p2 =	seq.s32 s10, $0x1;
	s10 =	sld [smem:$0x3FB8]  }
0x3d: {  	_ =	shalt  }
0x3e: {  	_ =	shalt  }
0x3f: {  	_ =	shalt  }
0x40: {  	_ =	shalt  }
0x41: {  	_ =	shalt  }
0x42: {  	_ =	shalt  }
0x43: {  	_ =	shalt  }
0x44: {  	_ =	shalt  }
0x45: {  	_ =	shalt  }
0x46: {  	_ =	shalt  }
0x47: {  	_ =	shalt  }
0x48: {  	_ =	shalt  }
0x49: {  	_ =	shalt  }
0x4a: {  	_ =	shalt  }
0x4b: {  	_ =	shalt  }
0x4c: {  	_ =	shalt  }
0x4d: {  	_ =	shalt  }
0x4e: {  	_ =	shalt  }
0x4f: {  	_ =	shalt  }
0x50: {  	_ =	shalt  }
0x51: {  	_ =	shalt  }
0x52: {  	_ =	shalt  }
0x53: {  	_ =	shalt  }
0x54: {  	_ =	shalt  }
0x55: {  	_ =	shalt  }
0x56: {  	_ =	shalt  }
0x57: {  	_ =	shalt  }
0x58: {  	_ =	shalt  }
0x59: {  	_ =	shalt  }
0x5a: {  	_ =	shalt  }
0x5b: {  	_ =	shalt  }
0x5c: {  	_ =	shalt  }
0x5d: {  	_ =	shalt  }
0x5e: {  	_ =	shalt  }
0x5f: {  	_ =	shalt  }
0x60: {  	_ =	shalt  }
0x61: {  	_ =	shalt  }
0x62: {  	_ =	shalt  }
0x63: {  	_ =	shalt  }
0x64: {  	_ =	shalt  }
0x65: {  	_ =	shalt  }
0x66: {  	_ =	shalt  }
0x67: {  	_ =	shalt  }
0x68: {  	_ =	shalt  }
0x69: {  	_ =	shalt  }
0x6a: {  	_ =	shalt  }
0x6b: {  	_ =	shalt  }
0x6c: {  	_ =	shalt  }
0x6d: {  	_ =	shalt  }
0x6e: {  	_ =	shalt  }
0x6f: {  	_ =	shalt  }
0x70: {  	_ =	shalt  }
0x71: {  	_ =	shalt  }
0x72: {  	_ =	shalt  }
0x73: {  	_ =	shalt  }
0x74: {  	_ =	shalt  }
0x75: {  	_ =	shalt  }
0x76: {  	_ =	shalt  }
0x77: {  	_ =	shalt  }
0x78: {  	_ =	shalt  }
0x79: {  	_ =	shalt  }
0x7a: {  	_ =	shalt  }
0x7b: {  	_ =	shalt  }
0x7c: {  	_ =	shalt  }
0x7d: {  	_ =	shalt  }
0x7e: {  	_ =	shalt  }
0x7f: {  	_ =	shalt  }
0x80: {  	_ =	shalt  }
0x81: {  	_ =	shalt  }
0x82: {  	_ =	shalt  }
0x83: {  	_ =	shalt  }
0x84: {  	_ =	shalt  }
0x85: {  	_ =	shalt  }
0x86: {  	_ =	shalt  }
0x87: {  	_ =	shalt  }
.Lfunc_end0:
.L_simem_size_0:
called_computation_lowered:
.L_overlay_start_0:
0x88: {  	s2 =	sld [smem:$0x3FD9]  }
0x89: {  	s3 =	sld [smem:$0x3FFE];
	_ =	sdelay $0x1  }
0x8a: {  	s1 =	srdreg.scid  }
0x8b: {  	s0 =	sand.u32 $0x1, s1  }
0x8c: {  	s17 =	sshll.u32 s0, $0xA;
	s2 =	sadd.s32 s3, s2  }
0x8d: {  	s2 =	sadd.s32 s2, s17  }
0x8e: {  	[smem:$0x3FC4] =	sst s2  }
0x8f: {  	_ = 	snop  }
0x90: {  	s2 =	sld [smem:$0x3FC9]  }
0x91: {  	s18 =	sld [smem:$0x3FC7]  }
0x92: {  	s4 =	sld [smem:$0x3FD0];
	(tm) =	ssettm $0x1  }
0x93: {  	s5 =	sld [smem:$0x3FFB];
	_ =	sdelay $0x3  }
0x94: {  	_ =	strace s5  }
0x95: {  	s5 =	sld [smem:$0x3FFC];
	_ =	sdelay $0x3  }
0x96: {  	_ =	strace s5  }
0x97: {  	s5 =	sld [smem:$0x3FFD];
	_ =	sdelay $0x3  }
0x98: {  	_ =	strace s5  }
0x99: {  	_ =	strace $0x8FFFFFFF  }
0x9a: {  	s19 =	sld [smem:$0x3FDB];
	_ =	sdelay $0x1  }
0x9b: {  	s6 =	simm.s32 $_scs_section_size  }
0x9c: {  	s7 =	simm.s32 $_size__tile_overlayer_lowered;
	s8 =	simm.s32 $_tile_overlayer_lowered  }
0x9d: {  	s22 =	simm.s32 $0x1BFF;
	s21 =	sshll.u32 s8, $0x1;
	s5 =	sadd.s32 s6, s19  }
0x9e: {  	s9 =	simm.s32 $0x0;
	s20 =	sshll.u32 s7, $0x1;
	s7 =	sadd.s32 s21, s5  }
0x9f: {  	[timem:s9], [sflag:s22] =	dma.local [hbm:s7], s20  }
0xa0: {  	_ =	swait.ge [sflag:s22], s20  }
0xa1: {  	s6 =	ssub.s32 $0x0, s20;
	[sflag:s22] =	ssyncset.done $0x0  }
0xa2: {  	[sflag:s22] =	ssyncadd.s32 s6;
	_ =	sdelay $0x1  }
0xa3: {  	s23 =	simm.s32 $0x1B8B  }
0xa4: {  	_ =	swait.ge [sflag:s23], $0x1  }
0xa5: {  	[sflag:s23] =	ssyncset.done $0x0  }
0xa6: {  	s25 =	simm.s32 $0x1B8E;
	s24 =	sld [smem:$0x3FFE];
	[sflag:s23] =	ssyncadd.s32 $0xFFFFFFFF  }
0xa7: {  	s26 =	simm.s32 $execute0_lowered;
	[smem:$0x3FD2] =	sst s25  }
0xa8: {  	s7 =	sshll.u32 s26, $0x1;
	_ =	strace $0x80000046;
	[dreg:$0x1] =	wrdreg $0xFFFFFFFF  }
0xa9: {  	s28 =	simm.s32 $_size_execute0_lowered;
	s5 =	sadd.s32 s5, s7;
	[dreg:$0x0] =	wrdreg $0x0  }
0xaa: {  	s7 =	sshll.u32 s28, $0x1;
	[dreg:$0x2] =	wrdreg s5  }
0xab: {  	[dreg:$0x3] =	wrdreg s7  }
0xac: {  	[dreg:$0x4] =	wrdreg $0xC0  }
0xad: {  	_ =	task [dreg:s9], $0x5FFFF  }
0xae: {  	[dreg:$0x1] =	wrdreg $0xFFFFFFFF  }
0xaf: {  	[dreg:$0x0] =	wrdreg $0x60  }
0xb0: {  	[dreg:$0x2] =	wrdreg s2  }
0xb1: {  	[dreg:$0x3] =	wrdreg s18  }
0xb2: {  	[dreg:$0x4] =	wrdreg s4  }
0xb3: {  	[dreg:$0x5] =	wrdreg s24  }
0xb4: {  	[dreg:$0x6] =	wrdreg $0x9  }
0xb5: {  	_ =	task.clear_ibuf [dreg:s9], $0x7FFFF;
	_ =	strace $0x90000046  }
0xb6: {  	s29 =	simm.s32 $0x9;
	_ =	strace $0x80000048  }
0xb7: {  	_ =	swait.ge [sflag:s29], $0x1  }
0xb8: {  	[sflag:s29] =	ssyncadd.s32 $0xFFFFFFFF  }
0xb9: {  	_ =	strace $0x90000048  }
0xba: {  	_ =	sfence  }
0xbb: {  	s30 =	sld [smem:$0x0];
	_ =	sdelay $0x2  }
0xbc: {  	s31 =	sshll.u32 s1, $0xD;
	s1 =	sshrl.u32 s1, $0x2  }
0xbd: {  	s3 =	sand.u32 $0x4000, s31;
	s1 =	sadd.s32 s1, s30  }
0xbe: {  	s0 =	sor.u32 s3, s0;
	s1 =	sshll.u32 s1, $0x11  }
0xbf: {  	s0 =	sor.u32 s1, s0  }
0xc0: {  	s0 =	sadd.s32 $0x8F2B, s0  }
0xc1: {  	[sflag:s0] =	ssyncadd.remote.s32 $0x1  }
0xc2: {  	_ =	sfence.sel $0xFFFF  }
0xc3: {  	[dreg:$0x0] =	wrdreg $0xFFFFFFFF;
	(pc) =	sbr.abs _section_cstart, $3  }
0xc4: {  	[dreg:$0x1] =	wrdreg $0xFFFFFFFF  }
0xc5: {  	_ =	task.clear_ibuf [dreg:s9], $0x2FFFF;
	_ =	strace $0x9FFFFFFF  }
0xc6: {  	(tm) =	ssettm $0x7FFFFFFF  }
0xc7: {  	_ =	shalt  }
tec
execute0_lowered:
.L_overlay_start_1:
0x0: {  	(tag) =	ssettag $0x1  }
0x1: {  	s1 =	rddreg [dreg:$0x0]  }
0x2: {  	s2 =	rddreg [dreg:$0x1]  }
0x3: {  	s3 =	rddreg [dreg:$0x2]  }
0x4: {  	s6 =	rddreg [dreg:$0x3]  }
0x5: {  	s0 =	rddreg [dreg:$0x4];
	s5 =	simm.s32 $0x0  }
0x6: {  	s7 =	srdreg.scid;
	s4 =	stileid.u32;
	s13 =	simm.s32 $0x4  }
0x7: {  	s14 =	simm.s32 $0x800;
	s15 =	simm.s32 $0x7A1400;
	s16 =	simm.s32 $0xD00  }
0x8: {  	s17 =	simm.s32 $0x4D00;
	s19 =	simm.s32 $0xAD00;
	s21 =	simm.s32 $0x2A0  }
0x9: {  	s22 =	simm.s32 $0x3;
	s7 =	sand.u32 $0x1, s7;
	s8 =	sshll.u32 s4, $0x1  }
0xa: {  	[smem:$0x7FF] =	sst s5;
	s6 =	sadd.s32 $0x800, s6;
	s20 =	sor.u32 s7, s8  }
0xb: {  	_ =	strace $0x80000047;
	s9 =	ssub.s32 $0x2, s7;
	s7 =	smul.u32 $0x7A00, s20  }
.Ltmp0:
0xc: {  	s8 =	simm.s32 $0x7C;
	s31 =	sshrl.u32 s9, $0x1;
	(pc) =	sbr.rel .LBB2_1-.Ltmp0, $4  }
0xd: {  	p0 =	seq.s32 s20, $0x1F;
	s11 =	smul.u32 $0x3D000, s20;
	s12 =	ssub.s32 s9, s31  }
0xe: {  	s8 =	simm.s32 @!p0 $0x7A;
	s18 =	sadd.s32 $0x7A00, s7;
	s9 =	sadd.s32 s2, s7  }
0xf: {  	v2 =	vlaneseq.u32;
	v3 =	vimm.s32 $0x0;
	s12 =	smax.u32 s12, $0x1;
	s18 =	simm.s32 @p0 $0xF4240;
	s10 =	sadd.s32 $0x100, s9  }
0x10: {  	v4 =	vimm.s32 $0x4000;
	v0 =	vmov s7;
	p0 =	sne.s32 s20, $0x1F;
	s20 =	simm.s32 $0x8D00;
	v1 =	vmov s18;
	s18 =	simm.s32 $0xA00  }
.LBB2_22:
0x11: {  	s5 =	sadd.s32 $0x1, s5  }
0x12: {  	p1 =	sne.s32 s5, s12  }
.Ltmp1:
0x13: {  	_ = 	snop;
	(pc) =	sbr.rel @!p1 .LBB2_23-.Ltmp1, $4  }
0x14: {  	[hbm4b:s6+s21] =	stream.indirect.scatter [tilespmem:s19], [sflag:$0x3], $0x80, s18, s21, $0xb8;
	[tilespmem:$0x1FD00] =	vst v63  }
0x15: {  	_ =	swait.ge [sflag:s22], $0x15000  }
0x16: {  	[sflag:s22] =	ssyncset.done $0x0  }
0x17: {  	[sflag:s22] =	ssyncadd.s32 $0xFFFEB000  }
.LBB2_1:
0x18: {  	s23 =	simm.s32 $0x0;
	s24 =	simm.s32 $0x0;
	s25 =	simm.s32 $0x0  }
.LBB2_2:
0x19: {  	s26 =	sshll.u32 s25, $0x7  }
0x1a: {  	s28 =	simm.s32 $0x0;
	s26 =	sadd.s32 s1, s26  }
0x1b: {  	[tilespmem:s28], [sflag:$0x4] =	stream.linear.gather [hbm4b:s26+s28], $0x400, $0x38;
	[tilespmem:$0x1FD00] =	vst v63  }
0x1c: {  	_ =	swait.ge [sflag:s13], $0x400  }
0x1d: {  	[sflag:s13] =	ssyncset.done $0x0  }
0x1e: {  	s31 =	simm.s32 $0x0;
	[sflag:s13] =	ssyncadd.s32 $0xFFFFFC00  }
0x1f: {  	v5 =	vld [tilespmem:s31+$0x0];
	_ =	sdelay $0x4  }
0x20: {  	vm0 =	vge.s32 v5, v0;
	vm1 =	vlt.s32 v5, v1  }
0x21: {  	vm0 =	vmand vm0, vm1  }
0x22: {  	v6 =	vsel vm0, $0x1, v3  }
0x23: {  	(xrf0) =	vadd.scan.msk.s32 $0xffff, v6;
	_ =	sdelay $0x5  }
0x24: {  	p1 =	slt.s32 s24, $0x290;
	s26 =	smov.u32 s24;
	v6, _, _ =	vpop (xrf0)  }
0x25: {  	s26 =	simm.s32 @!p1 $0x290;
	(v2sf) =	vpush v6, $0xF  }
0x26: {  	[tilespmem:s26+$0x400] =	vst.msk vm0, v5;
	v5 =	vor.u32 s23, v2  }
0x27: {  	s29 =	simm.s32 $0x10;
	s28 =	simm.s32 $0x80;
	[tilespmem:s26+$0x700] =	vst.msk vm0, v5;
	s26 =	smov.u32 s23  }
.LBB2_3:
0x28: {  	p1 =	sne.s32 s28, $0xFC0;
	v5 =	vld [tilespmem:s29+$0x0];
	_ =	sdelay $0x4  }
0x29: {  	vm0 =	vge.s32 v5, v0;
	vm1 =	vlt.s32 v5, v1  }
0x2a: {  	vm0 =	vmand vm0, vm1  }
0x2b: {  	v6 =	vsel vm0, $0x1, v3  }
0x2c: {  	(xrf0) =	vadd.scan.msk.s32 $0xffff, v6;
	_ =	sdelay $0x3  }
0x2d: {  	s29 =	spop (v2sf)  }
.Ltmp2:
0x2e: {  	s24 =	sadd.s32 s24, s29;
	(pc) =	sbr.rel @p1 .LBB2_3-.Ltmp2, $4  }
0x2f: {  	p2 =	slt.s32 s24, $0x290;
	v6, _, _ =	vpop (xrf0);
	s30 =	smov.u32 s24  }
0x30: {  	s26 =	sadd.s32 $0x10, s26;
	s30 =	simm.s32 @!p2 $0x290;
	(v2sf) =	vpush v6, $0xF  }
0x31: {  	[tilespmem:s30+$0x400] =	vst.msk vm0, v5;
	v5 =	vor.u32 s26, v2  }
0x32: {  	s29 =	sshra.s32 s28, $0x2;
	s28 =	sadd.s32 $0x40, s28;
	[tilespmem:s30+$0x700] =	vst.msk vm0, v5  }
0x33: {  	v5 =	vld [tilespmem:s29+$0x0];
	_ =	sdelay $0x4  }
0x34: {  	vm0 =	vge.s32 v5, v0;
	vm1 =	vlt.s32 v5, v1  }
0x35: {  	vm0 =	vmand vm0, vm1  }
0x36: {  	v6 =	vsel vm0, $0x1, v3  }
0x37: {  	(xrf0) =	vadd.scan.msk.s32 $0xffff, v6;
	_ =	sdelay $0x5  }
0x38: {  	v6, _, _ =	vpop (xrf0)  }
0x39: {  	(v2sf) =	vpush v6, $0xF;
	_ =	sdelay $0x7  }
0x3a: {  	s28 =	spop (v2sf)  }
0x3b: {  	s24 =	sadd.s32 s24, s28  }
0x3c: {  	s25 =	sadd.s32 $0x1, s25;
	p1 =	slt.s32 s24, $0x290;
	s28 =	smov.u32 s24  }
0x3d: {  	s28 =	simm.s32 @!p1 $0x290;
	p1 =	sne.s32 s25, $0x10  }
.Ltmp3:
0x3e: {  	_ = 	snop;
	(pc) =	sbr.rel @p1 .LBB2_2-.Ltmp3, $4  }
0x3f: {  	_ = 	snop  }
0x40: {  	s26 =	sadd.s32 $0x10, s26  }
0x41: {  	[tilespmem:s28+$0x400] =	vst.msk vm0, v5;
	v5 =	vor.u32 s26, v2;
	s31 =	spop (v2sf)  }
0x42: {  	s23 =	sadd.s32 $0x400, s23;
	[tilespmem:s28+$0x700] =	vst.msk vm0, v5;
	s24 =	sadd.s32 s24, s31  }
0x43: {  	[tilespmem:$0xA00] =	vst v4  }
0x44: {  	[tilespmem:$0xA10] =	vst v4  }
0x45: {  	[tilespmem:$0xA20] =	vst v4  }
0x46: {  	[tilespmem:$0xA30] =	vst v4  }
0x47: {  	[tilespmem:$0xA40] =	vst v4  }
0x48: {  	[tilespmem:$0xA50] =	vst v4  }
0x49: {  	[tilespmem:$0xA60] =	vst v4  }
0x4a: {  	[tilespmem:$0xA70] =	vst v4  }
0x4b: {  	[tilespmem:$0xA80] =	vst v4  }
0x4c: {  	[tilespmem:$0xA90] =	vst v4  }
0x4d: {  	[tilespmem:$0xAA0] =	vst v4  }
0x4e: {  	[tilespmem:$0xAB0] =	vst v4  }
0x4f: {  	[tilespmem:$0xAC0] =	vst v4  }
0x50: {  	[tilespmem:$0xAD0] =	vst v4  }
0x51: {  	[tilespmem:$0xAE0] =	vst v4  }
0x52: {  	[tilespmem:$0xAF0] =	vst v4  }
0x53: {  	[tilespmem:$0xB00] =	vst v4  }
0x54: {  	[tilespmem:$0xB10] =	vst v4  }
0x55: {  	[tilespmem:$0xB20] =	vst v4  }
0x56: {  	[tilespmem:$0xB30] =	vst v4  }
0x57: {  	[tilespmem:$0xB40] =	vst v4  }
0x58: {  	[tilespmem:$0xB50] =	vst v4  }
0x59: {  	[tilespmem:$0xB60] =	vst v4  }
0x5a: {  	[tilespmem:$0xB70] =	vst v4  }
0x5b: {  	[tilespmem:$0xB80] =	vst v4  }
0x5c: {  	[tilespmem:$0xB90] =	vst v4  }
0x5d: {  	[tilespmem:$0xBA0] =	vst v4  }
0x5e: {  	[tilespmem:$0xBB0] =	vst v4  }
0x5f: {  	[tilespmem:$0xBC0] =	vst v4  }
0x60: {  	[tilespmem:$0xBD0] =	vst v4  }
0x61: {  	[tilespmem:$0xBE0] =	vst v4  }
0x62: {  	[tilespmem:$0xBF0] =	vst v4  }
0x63: {  	[tilespmem:$0xC00] =	vst v4  }
0x64: {  	[tilespmem:$0xC10] =	vst v4  }
0x65: {  	[tilespmem:$0xC20] =	vst v4  }
0x66: {  	[tilespmem:$0xC30] =	vst v4  }
0x67: {  	[tilespmem:$0xC40] =	vst v4  }
0x68: {  	[tilespmem:$0xC50] =	vst v4  }
0x69: {  	[tilespmem:$0xC60] =	vst v4  }
0x6a: {  	[tilespmem:$0xC70] =	vst v4  }
0x6b: {  	s23 =	sadd.s32 $0xF, s24;
	[tilespmem:$0xC80] =	vst v4  }
0x6c: {  	[tilespmem:$0xC90] =	vst v4;
	s25 =	sand.u32 $0xF, s23  }
0x6d: {  	[tilespmem:s16], [sflag:$0x1] =	stream.strided.gather [hbm4b:s9+s14], $0x4000, s15, s14, $0x38;
	[tilespmem:$0x1FD00] =	vst v63  }
0x6e: {  	s31 =	sshra.s32 s23, $0x1F;
	p2 =	slt.s32 s23, $0x1;
	p1 =	sne.s32 s25, $0x0  }
.Ltmp4:
0x6f: {  	s25 =	sshrl.u32 s31, $0x1C;
	p1 =	por !p2, !p1;
	(pc) =	sbr.rel .LBB2_6-.Ltmp4, $4  }
0x70: {  	[tilespmem:s17], [sflag:$0x2] =	stream.strided.gather [hbm4b:s10+s14], $0x4000, s15, s14, $0x38;
	[tilespmem:$0x1FD00] =	vst v63  }
0x71: {  	s23 =	sadd.s32 s25, s23;
	s25 =	simm.s32 $0x1;
	p1 =	por !p1, !p1  }
0x72: {  	s23 =	sshra.s32 s23, $0x4;
	s25 =	simm.s32 @!p1 $0x0  }
0x73: {  	v5 =	vmov s24;
	s24 =	simm.s32 $0x0;
	s23 =	ssub.s32 s23, s25  }
.LBB2_16:
0x74: {  	s25 =	sadd.s32 $0x3, s25  }
0x75: {  	p1 =	sge.u32 s25, s8  }
0x76: {  	s25 =	sshll.u32 @!p1 s25, $0xB  }
0x77: {  	s25 =	sadd.s32 @!p1 s11, s25  }
0x78: {  	s24 =	sadd.s32 $0x1, s24;
	s26 =	simm.s32 @!p1 $0x800;
	s25 =	sshrl.u32 @!p1 s25, $0x3  }
0x79: {  	s28 =	simm.s32 @!p1 $0x7A1400;
	s29 =	simm.s32 @!p1 $0x4D00;
	s25 =	sadd.s32 @!p1 s2, s25  }
0x7a: {  	[tilespmem:s29], [sflag:$0x2] =	stream.strided.gather @!p1 [hbm4b:s25+s26], $0x4000, s28, s26, $0x38;
	[tilespmem:$0x1FD00] =	vst v63  }
0x7b: {  	p1 =	sne.s32 s24, $0x3E  }
.Ltmp5:
0x7c: {  	_ = 	snop;
	(pc) =	sbr.rel @!p1 .LBB2_17-.Ltmp5, $1  }
0x7d: {  	_ =	sdelay $0x3  }
.LBB2_6:
0x7e: {  	s25 =	sshll.u32 s24, $0x1  }
0x7f: {  	p1 =	sge.u32 s25, s8  }
0x80: {  	p2 =	slt.s32 @!p1 s23, $0x1  }
0x81: {  	p2 =	por p1, p2  }
.Ltmp6:
0x82: {  	_ = 	snop;
	(pc) =	sbr.rel @p2 .LBB2_11-.Ltmp6, $4  }
0x83: {  	s26 =	simm.s32 @!p1 $0x1  }
0x84: {  	_ =	swait.ge @!p1 [sflag:s26], $0x4000  }
0x85: {  	[sflag:s26] =	ssyncset.done @!p1 $0x0  }
0x86: {  	[sflag:s26] =	ssyncadd.s32 @!p1 $0xFFFFC000  }
.Ltmp7:
0x87: {  	(pc) =	sbr.rel .LBB2_8-.Ltmp7, $4  }
0x88: {  	s26 =	sshll.u32 s24, $0x9  }
0x89: {  	s26 =	sadd.s32 s7, s26  }
0x8a: {  	s29 =	simm.s32 $0x0;
	s28 =	sor.u32 $0x100, s26  }
0x8b: {  	s30 =	smov.u32 s23;
	v6 =	vmov s26;
	s26 =	simm.s32 $0x400;
	v7 =	vmov s28;
	s28 =	simm.s32 $0x700  }
.LBB2_10:
0x8c: {  	s30 =	sadd.s32 $0xFFFFFFFF, s30  }
0x8d: {  	p1 =	sne.s32 s30, $0x0  }
.Ltmp8:
0x8e: {  	_ = 	snop;
	(pc) =	sbr.rel @!p1 .LBB2_11-.Ltmp8, $2  }
0x8f: {  	_ =	sdelay $0x2  }
0x90: {  	s26 =	sadd.s32 $0x10, s26;
	s28 =	sadd.s32 $0x10, s28;
	s29 =	sadd.s32 $0x10, s29  }
.LBB2_8:
0x91: {  	v8 =	vld [tilespmem:s26+$0x0];
	_ =	sdelay $0x3  }
0x92: {  	v9 =	vor.u32 s29, v2  }
0x93: {  	vm1 =	vlt.s32 v9, v5;
	vm0 =	vlt.s32 v8, v7  }
0x94: {  	vm2 =	vge.s32 v8, v6;
	vm0 =	vmand vm0, vm1  }
0x95: {  	vm0 =	vmand vm0, vm2  }
0x96: {  	v10 =	vsel vm0, $0x1, v3  }
0x97: {  	(xrf0) =	vadd.scan.msk.s32 $0xffff, v10;
	_ =	sdelay $0x5  }
0x98: {  	v10, _, _ =	vpop (xrf0)  }
0x99: {  	(v2sf) =	vpush v10, $0xF;
	_ =	sdelay $0xe  }
0x9a: {  	s31 =	spop (v2sf)  }
0x9b: {  	p1 =	slt.s32 s31, $0x1  }
.Ltmp9:
0x9c: {  	_ = 	snop;
	(pc) =	sbr.rel @p1 .LBB2_10-.Ltmp9, $1  }
0x9d: {  	_ =	sdelay $0x3  }
0x9e: {  	v8 =	vsub.s32 v8, v6  }
0x9f: {  	v8 =	vnsel vm0, $0x0, v8  }
0xa0: {  	v10 =	vshll.u32 v8, $0x3  }
0xa1: {  	v11 =	vld [tilespmem:s28+$0x0];
	v8 =	vand.u32 $0x7F, v8;
	v10 =	vand.u32 $0xFFFFFC00, v10  }
0xa2: {  	v8 =	vor.u32 v8, v10;
	_ =	sdelay $0x3  }
0xa3: {  	[tilespmem:v9+s18+$0x0] =	vst.idx.msk vm0, v11  }
0xa4: {  	v9 =	vshll.u32 v9, $0x7;
	v10 =	vld.idx.msk [tilespmem:v8+s16+$0x0], vm0  }
0xa5: {  	v37 =	vor.u32 $0x80, v8;
	_ =	sdelay $0x3  }
0xa6: {  	[tilespmem:v9+s19+$0x0] =	vst.idx.msk vm0, v10  }
0xa7: {  	v38 =	vor.u32 $0x1, v9;
	v10 =	vld.idx.msk [tilespmem:v37+s16+$0x0], vm0  }
0xa8: {  	v12 =	vor.u32 $0x100, v8;
	_ =	sdelay $0x3  }
0xa9: {  	[tilespmem:v38+s19+$0x0] =	vst.idx.msk vm0, v10  }
0xaa: {  	v39 =	vor.u32 $0x2, v9;
	v10 =	vld.idx.msk [tilespmem:v12+s16+$0x0], vm0  }
0xab: {  	v40 =	vor.u32 $0x180, v8;
	_ =	sdelay $0x3  }
0xac: {  	[tilespmem:v39+s19+$0x0] =	vst.idx.msk vm0, v10  }
0xad: {  	v41 =	vor.u32 $0x3, v9;
	v10 =	vld.idx.msk [tilespmem:v40+s16+$0x0], vm0  }
0xae: {  	v42 =	vor.u32 $0x200, v8;
	_ =	sdelay $0x3  }
0xaf: {  	[tilespmem:v41+s19+$0x0] =	vst.idx.msk vm0, v10  }
0xb0: {  	v43 =	vor.u32 $0x4, v9;
	v10 =	vld.idx.msk [tilespmem:v42+s16+$0x0], vm0  }
0xb1: {  	v44 =	vor.u32 $0x280, v8;
	_ =	sdelay $0x3  }
0xb2: {  	[tilespmem:v43+s19+$0x0] =	vst.idx.msk vm0, v10  }
0xb3: {  	v45 =	vor.u32 $0x5, v9;
	v10 =	vld.idx.msk [tilespmem:v44+s16+$0x0], vm0  }
0xb4: {  	v46 =	vor.u32 $0x300, v8;
	_ =	sdelay $0x3  }
0xb5: {  	[tilespmem:v45+s19+$0x0] =	vst.idx.msk vm0, v10  }
0xb6: {  	v47 =	vor.u32 $0x6, v9;
	v10 =	vld.idx.msk [tilespmem:v46+s16+$0x0], vm0  }
0xb7: {  	v48 =	vor.u32 $0x380, v8;
	_ =	sdelay $0x3  }
0xb8: {  	[tilespmem:v47+s19+$0x0] =	vst.idx.msk vm0, v10  }
0xb9: {  	v49 =	vor.u32 $0x7, v9;
	v10 =	vld.idx.msk [tilespmem:v48+s16+$0x0], vm0  }
0xba: {  	v50 =	vadd.s32 $0x800, v8;
	_ =	sdelay $0x3  }
0xbb: {  	[tilespmem:v49+s19+$0x0] =	vst.idx.msk vm0, v10  }
0xbc: {  	v51 =	vor.u32 $0x8, v9;
	v10 =	vld.idx.msk [tilespmem:v50+s16+$0x0], vm0  }
0xbd: {  	v52 =	vadd.s32 $0x880, v8;
	_ =	sdelay $0x3  }
0xbe: {  	[tilespmem:v51+s19+$0x0] =	vst.idx.msk vm0, v10  }
0xbf: {  	v53 =	vor.u32 $0x9, v9;
	v10 =	vld.idx.msk [tilespmem:v52+s16+$0x0], vm0  }
0xc0: {  	v54 =	vadd.s32 $0x900, v8;
	_ =	sdelay $0x3  }
0xc1: {  	[tilespmem:v53+s19+$0x0] =	vst.idx.msk vm0, v10  }
0xc2: {  	v55 =	vor.u32 $0xA, v9;
	v10 =	vld.idx.msk [tilespmem:v54+s16+$0x0], vm0  }
0xc3: {  	v56 =	vadd.s32 $0x980, v8;
	_ =	sdelay $0x3  }
0xc4: {  	[tilespmem:v55+s19+$0x0] =	vst.idx.msk vm0, v10  }
0xc5: {  	v57 =	vor.u32 $0xB, v9;
	v10 =	vld.idx.msk [tilespmem:v56+s16+$0x0], vm0  }
0xc6: {  	v58 =	vadd.s32 $0xA00, v8;
	_ =	sdelay $0x3  }
0xc7: {  	[tilespmem:v57+s19+$0x0] =	vst.idx.msk vm0, v10  }
0xc8: {  	v59 =	vor.u32 $0xC, v9;
	v10 =	vld.idx.msk [tilespmem:v58+s16+$0x0], vm0  }
0xc9: {  	v60 =	vadd.s32 $0xA80, v8;
	_ =	sdelay $0x3  }
0xca: {  	[tilespmem:v59+s19+$0x0] =	vst.idx.msk vm0, v10  }
0xcb: {  	v61 =	vor.u32 $0xD, v9;
	v10 =	vld.idx.msk [tilespmem:v60+s16+$0x0], vm0  }
0xcc: {  	v62 =	vadd.s32 $0xB00, v8;
	_ =	sdelay $0x3  }
0xcd: {  	[tilespmem:v61+s19+$0x0] =	vst.idx.msk vm0, v10  }
0xce: {  	v63 =	vor.u32 $0xE, v9;
	v10 =	vld.idx.msk [tilespmem:v62+s16+$0x0], vm0  }
0xcf: {  	v16 =	vadd.s32 $0xB80, v8;
	_ =	sdelay $0x3  }
0xd0: {  	[tilespmem:v63+s19+$0x0] =	vst.idx.msk vm0, v10  }
0xd1: {  	v17 =	vor.u32 $0xF, v9;
	v10 =	vld.idx.msk [tilespmem:v16+s16+$0x0], vm0  }
0xd2: {  	v18 =	vadd.s32 $0x1000, v8;
	_ =	sdelay $0x3  }
0xd3: {  	[tilespmem:v17+s19+$0x0] =	vst.idx.msk vm0, v10  }
0xd4: {  	v19 =	vor.u32 $0x10, v9;
	v10 =	vld.idx.msk [tilespmem:v18+s16+$0x0], vm0  }
0xd5: {  	v20 =	vadd.s32 $0x1080, v8;
	_ =	sdelay $0x3  }
0xd6: {  	[tilespmem:v19+s19+$0x0] =	vst.idx.msk vm0, v10  }
0xd7: {  	v21 =	vor.u32 $0x11, v9;
	v10 =	vld.idx.msk [tilespmem:v20+s16+$0x0], vm0  }
0xd8: {  	v22 =	vadd.s32 $0x1100, v8;
	_ =	sdelay $0x3  }
0xd9: {  	[tilespmem:v21+s19+$0x0] =	vst.idx.msk vm0, v10  }
0xda: {  	v23 =	vor.u32 $0x12, v9;
	v10 =	vld.idx.msk [tilespmem:v22+s16+$0x0], vm0  }
0xdb: {  	v24 =	vadd.s32 $0x1180, v8;
	_ =	sdelay $0x3  }
0xdc: {  	[tilespmem:v23+s19+$0x0] =	vst.idx.msk vm0, v10  }
0xdd: {  	v25 =	vor.u32 $0x13, v9;
	v10 =	vld.idx.msk [tilespmem:v24+s16+$0x0], vm0  }
0xde: {  	v26 =	vadd.s32 $0x1200, v8;
	_ =	sdelay $0x3  }
0xdf: {  	[tilespmem:v25+s19+$0x0] =	vst.idx.msk vm0, v10  }
0xe0: {  	v27 =	vor.u32 $0x14, v9;
	v10 =	vld.idx.msk [tilespmem:v26+s16+$0x0], vm0  }
0xe1: {  	v28 =	vadd.s32 $0x1280, v8;
	_ =	sdelay $0x3  }
0xe2: {  	[tilespmem:v27+s19+$0x0] =	vst.idx.msk vm0, v10  }
0xe3: {  	v29 =	vor.u32 $0x15, v9;
	v10 =	vld.idx.msk [tilespmem:v28+s16+$0x0], vm0  }
0xe4: {  	v30 =	vadd.s32 $0x1300, v8;
	_ =	sdelay $0x3  }
0xe5: {  	[tilespmem:v29+s19+$0x0] =	vst.idx.msk vm0, v10  }
0xe6: {  	v31 =	vor.u32 $0x16, v9;
	v10 =	vld.idx.msk [tilespmem:v30+s16+$0x0], vm0  }
0xe7: {  	v32 =	vadd.s32 $0x1380, v8;
	_ =	sdelay $0x3  }
0xe8: {  	[tilespmem:v31+s19+$0x0] =	vst.idx.msk vm0, v10  }
0xe9: {  	v33 =	vor.u32 $0x17, v9;
	v10 =	vld.idx.msk [tilespmem:v32+s16+$0x0], vm0  }
0xea: {  	v34 =	vadd.s32 $0x1800, v8;
	_ =	sdelay $0x3  }
0xeb: {  	[tilespmem:v33+s19+$0x0] =	vst.idx.msk vm0, v10  }
0xec: {  	v35 =	vor.u32 $0x18, v9;
	v10 =	vld.idx.msk [tilespmem:v34+s16+$0x0], vm0  }
0xed: {  	v36 =	vadd.s32 $0x1880, v8;
	_ =	sdelay $0x3  }
0xee: {  	[tilespmem:v35+s19+$0x0] =	vst.idx.msk vm0, v10  }
0xef: {  	v37 =	vor.u32 $0x19, v9;
	v10 =	vld.idx.msk [tilespmem:v36+s16+$0x0], vm0  }
0xf0: {  	v38 =	vadd.s32 $0x1900, v8;
	_ =	sdelay $0x3  }
0xf1: {  	[tilespmem:v37+s19+$0x0] =	vst.idx.msk vm0, v10  }
0xf2: {  	v39 =	vor.u32 $0x1A, v9;
	v10 =	vld.idx.msk [tilespmem:v38+s16+$0x0], vm0  }
0xf3: {  	v40 =	vadd.s32 $0x1980, v8;
	_ =	sdelay $0x3  }
0xf4: {  	[tilespmem:v39+s19+$0x0] =	vst.idx.msk vm0, v10  }
0xf5: {  	v41 =	vor.u32 $0x1B, v9;
	v10 =	vld.idx.msk [tilespmem:v40+s16+$0x0], vm0  }
0xf6: {  	v42 =	vadd.s32 $0x1A00, v8;
	_ =	sdelay $0x3  }
0xf7: {  	[tilespmem:v41+s19+$0x0] =	vst.idx.msk vm0, v10  }
0xf8: {  	v43 =	vor.u32 $0x1C, v9;
	v10 =	vld.idx.msk [tilespmem:v42+s16+$0x0], vm0  }
0xf9: {  	v44 =	vadd.s32 $0x1A80, v8;
	_ =	sdelay $0x3  }
0xfa: {  	[tilespmem:v43+s19+$0x0] =	vst.idx.msk vm0, v10  }
0xfb: {  	v45 =	vor.u32 $0x1D, v9;
	v10 =	vld.idx.msk [tilespmem:v44+s16+$0x0], vm0  }
0xfc: {  	v46 =	vadd.s32 $0x1B00, v8;
	_ =	sdelay $0x3  }
0xfd: {  	[tilespmem:v45+s19+$0x0] =	vst.idx.msk vm0, v10  }
0xfe: {  	v47 =	vor.u32 $0x1E, v9;
	v10 =	vld.idx.msk [tilespmem:v46+s16+$0x0], vm0  }
0xff: {  	v48 =	vadd.s32 $0x1B80, v8;
	_ =	sdelay $0x3  }
0x100: {  	[tilespmem:v47+s19+$0x0] =	vst.idx.msk vm0, v10  }
0x101: {  	v49 =	vor.u32 $0x1F, v9;
	v10 =	vld.idx.msk [tilespmem:v48+s16+$0x0], vm0  }
0x102: {  	v50 =	vadd.s32 $0x2000, v8;
	_ =	sdelay $0x3  }
0x103: {  	[tilespmem:v49+s19+$0x0] =	vst.idx.msk vm0, v10  }
0x104: {  	v51 =	vor.u32 $0x20, v9;
	v10 =	vld.idx.msk [tilespmem:v50+s16+$0x0], vm0  }
0x105: {  	v52 =	vadd.s32 $0x2080, v8;
	_ =	sdelay $0x3  }
0x106: {  	[tilespmem:v51+s19+$0x0] =	vst.idx.msk vm0, v10  }
0x107: {  	v53 =	vor.u32 $0x21, v9;
	v10 =	vld.idx.msk [tilespmem:v52+s16+$0x0], vm0  }
0x108: {  	v54 =	vadd.s32 $0x2100, v8;
	_ =	sdelay $0x3  }
0x109: {  	[tilespmem:v53+s19+$0x0] =	vst.idx.msk vm0, v10  }
0x10a: {  	v55 =	vor.u32 $0x22, v9;
	v10 =	vld.idx.msk [tilespmem:v54+s16+$0x0], vm0  }
0x10b: {  	v56 =	vadd.s32 $0x2180, v8;
	_ =	sdelay $0x3  }
0x10c: {  	[tilespmem:v55+s19+$0x0] =	vst.idx.msk vm0, v10  }
0x10d: {  	v57 =	vor.u32 $0x23, v9;
	v10 =	vld.idx.msk [tilespmem:v56+s16+$0x0], vm0  }
0x10e: {  	v58 =	vadd.s32 $0x2200, v8;
	_ =	sdelay $0x3  }
0x10f: {  	[tilespmem:v57+s19+$0x0] =	vst.idx.msk vm0, v10  }
0x110: {  	v59 =	vor.u32 $0x24, v9;
	v10 =	vld.idx.msk [tilespmem:v58+s16+$0x0], vm0  }
0x111: {  	v60 =	vadd.s32 $0x2280, v8;
	_ =	sdelay $0x3  }
0x112: {  	[tilespmem:v59+s19+$0x0] =	vst.idx.msk vm0, v10  }
0x113: {  	v61 =	vor.u32 $0x25, v9;
	v10 =	vld.idx.msk [tilespmem:v60+s16+$0x0], vm0  }
0x114: {  	v62 =	vadd.s32 $0x2300, v8;
	_ =	sdelay $0x3  }
0x115: {  	[tilespmem:v61+s19+$0x0] =	vst.idx.msk vm0, v10  }
0x116: {  	v63 =	vor.u32 $0x26, v9;
	v10 =	vld.idx.msk [tilespmem:v62+s16+$0x0], vm0  }
0x117: {  	v16 =	vadd.s32 $0x2380, v8;
	_ =	sdelay $0x3  }
0x118: {  	[tilespmem:v63+s19+$0x0] =	vst.idx.msk vm0, v10  }
0x119: {  	v17 =	vor.u32 $0x27, v9;
	v10 =	vld.idx.msk [tilespmem:v16+s16+$0x0], vm0  }
0x11a: {  	v18 =	vadd.s32 $0x2800, v8;
	_ =	sdelay $0x3  }
0x11b: {  	[tilespmem:v17+s19+$0x0] =	vst.idx.msk vm0, v10  }
0x11c: {  	v19 =	vor.u32 $0x28, v9;
	v10 =	vld.idx.msk [tilespmem:v18+s16+$0x0], vm0  }
0x11d: {  	v20 =	vadd.s32 $0x2880, v8;
	_ =	sdelay $0x3  }
0x11e: {  	[tilespmem:v19+s19+$0x0] =	vst.idx.msk vm0, v10  }
0x11f: {  	v21 =	vor.u32 $0x29, v9;
	v10 =	vld.idx.msk [tilespmem:v20+s16+$0x0], vm0  }
0x120: {  	v22 =	vadd.s32 $0x2900, v8;
	_ =	sdelay $0x3  }
0x121: {  	[tilespmem:v21+s19+$0x0] =	vst.idx.msk vm0, v10  }
0x122: {  	v23 =	vor.u32 $0x2A, v9;
	v10 =	vld.idx.msk [tilespmem:v22+s16+$0x0], vm0  }
0x123: {  	v24 =	vadd.s32 $0x2980, v8;
	_ =	sdelay $0x3  }
0x124: {  	[tilespmem:v23+s19+$0x0] =	vst.idx.msk vm0, v10  }
0x125: {  	v25 =	vor.u32 $0x2B, v9;
	v10 =	vld.idx.msk [tilespmem:v24+s16+$0x0], vm0  }
0x126: {  	v26 =	vadd.s32 $0x2A00, v8;
	_ =	sdelay $0x3  }
0x127: {  	[tilespmem:v25+s19+$0x0] =	vst.idx.msk vm0, v10  }
0x128: {  	v27 =	vor.u32 $0x2C, v9;
	v10 =	vld.idx.msk [tilespmem:v26+s16+$0x0], vm0  }
0x129: {  	v28 =	vadd.s32 $0x2A80, v8;
	_ =	sdelay $0x3  }
0x12a: {  	[tilespmem:v27+s19+$0x0] =	vst.idx.msk vm0, v10  }
0x12b: {  	v29 =	vor.u32 $0x2D, v9;
	v10 =	vld.idx.msk [tilespmem:v28+s16+$0x0], vm0  }
0x12c: {  	v30 =	vadd.s32 $0x2B00, v8;
	_ =	sdelay $0x3  }
0x12d: {  	[tilespmem:v29+s19+$0x0] =	vst.idx.msk vm0, v10  }
0x12e: {  	v31 =	vor.u32 $0x2E, v9;
	v10 =	vld.idx.msk [tilespmem:v30+s16+$0x0], vm0  }
0x12f: {  	v32 =	vadd.s32 $0x2B80, v8;
	_ =	sdelay $0x3  }
0x130: {  	[tilespmem:v31+s19+$0x0] =	vst.idx.msk vm0, v10  }
0x131: {  	v33 =	vor.u32 $0x2F, v9;
	v10 =	vld.idx.msk [tilespmem:v32+s16+$0x0], vm0  }
0x132: {  	v34 =	vadd.s32 $0x3000, v8;
	_ =	sdelay $0x3  }
0x133: {  	[tilespmem:v33+s19+$0x0] =	vst.idx.msk vm0, v10  }
0x134: {  	v35 =	vor.u32 $0x30, v9;
	v10 =	vld.idx.msk [tilespmem:v34+s16+$0x0], vm0  }
0x135: {  	v36 =	vadd.s32 $0x3080, v8;
	_ =	sdelay $0x3  }
0x136: {  	[tilespmem:v35+s19+$0x0] =	vst.idx.msk vm0, v10  }
0x137: {  	v37 =	vor.u32 $0x31, v9;
	v10 =	vld.idx.msk [tilespmem:v36+s16+$0x0], vm0  }
0x138: {  	v38 =	vadd.s32 $0x3100, v8;
	_ =	sdelay $0x3  }
0x139: {  	[tilespmem:v37+s19+$0x0] =	vst.idx.msk vm0, v10  }
0x13a: {  	v39 =	vor.u32 $0x32, v9;
	v10 =	vld.idx.msk [tilespmem:v38+s16+$0x0], vm0  }
0x13b: {  	v40 =	vadd.s32 $0x3180, v8;
	_ =	sdelay $0x3  }
0x13c: {  	[tilespmem:v39+s19+$0x0] =	vst.idx.msk vm0, v10  }
0x13d: {  	v41 =	vor.u32 $0x33, v9;
	v10 =	vld.idx.msk [tilespmem:v40+s16+$0x0], vm0  }
0x13e: {  	v42 =	vadd.s32 $0x3200, v8;
	_ =	sdelay $0x3  }
0x13f: {  	[tilespmem:v41+s19+$0x0] =	vst.idx.msk vm0, v10  }
0x140: {  	v43 =	vor.u32 $0x34, v9;
	v10 =	vld.idx.msk [tilespmem:v42+s16+$0x0], vm0  }
0x141: {  	v44 =	vadd.s32 $0x3280, v8;
	_ =	sdelay $0x3  }
0x142: {  	[tilespmem:v43+s19+$0x0] =	vst.idx.msk vm0, v10  }
0x143: {  	v45 =	vor.u32 $0x35, v9;
	v10 =	vld.idx.msk [tilespmem:v44+s16+$0x0], vm0  }
0x144: {  	v46 =	vadd.s32 $0x3300, v8;
	_ =	sdelay $0x3  }
0x145: {  	[tilespmem:v45+s19+$0x0] =	vst.idx.msk vm0, v10  }
0x146: {  	v47 =	vor.u32 $0x36, v9;
	v10 =	vld.idx.msk [tilespmem:v46+s16+$0x0], vm0  }
0x147: {  	v48 =	vadd.s32 $0x3380, v8;
	_ =	sdelay $0x3  }
0x148: {  	[tilespmem:v47+s19+$0x0] =	vst.idx.msk vm0, v10  }
0x149: {  	v49 =	vor.u32 $0x37, v9;
	v10 =	vld.idx.msk [tilespmem:v48+s16+$0x0], vm0  }
0x14a: {  	v50 =	vadd.s32 $0x3800, v8;
	_ =	sdelay $0x3  }
0x14b: {  	[tilespmem:v49+s19+$0x0] =	vst.idx.msk vm0, v10  }
0x14c: {  	v51 =	vor.u32 $0x38, v9;
	v10 =	vld.idx.msk [tilespmem:v50+s16+$0x0], vm0  }
0x14d: {  	v52 =	vadd.s32 $0x3880, v8;
	_ =	sdelay $0x3  }
0x14e: {  	[tilespmem:v51+s19+$0x0] =	vst.idx.msk vm0, v10  }
0x14f: {  	v53 =	vor.u32 $0x39, v9;
	v10 =	vld.idx.msk [tilespmem:v52+s16+$0x0], vm0  }
0x150: {  	v54 =	vadd.s32 $0x3900, v8;
	_ =	sdelay $0x3  }
0x151: {  	[tilespmem:v53+s19+$0x0] =	vst.idx.msk vm0, v10  }
0x152: {  	v55 =	vor.u32 $0x3A, v9;
	v10 =	vld.idx.msk [tilespmem:v54+s16+$0x0], vm0  }
0x153: {  	v56 =	vadd.s32 $0x3980, v8;
	_ =	sdelay $0x3  }
0x154: {  	[tilespmem:v55+s19+$0x0] =	vst.idx.msk vm0, v10  }
0x155: {  	v57 =	vor.u32 $0x3B, v9;
	v10 =	vld.idx.msk [tilespmem:v56+s16+$0x0], vm0  }
0x156: {  	v58 =	vadd.s32 $0x3A00, v8;
	_ =	sdelay $0x3  }
0x157: {  	[tilespmem:v57+s19+$0x0] =	vst.idx.msk vm0, v10  }
0x158: {  	v59 =	vor.u32 $0x3C, v9;
	v10 =	vld.idx.msk [tilespmem:v58+s16+$0x0], vm0  }
0x159: {  	v60 =	vadd.s32 $0x3A80, v8;
	_ =	sdelay $0x3  }
0x15a: {  	[tilespmem:v59+s19+$0x0] =	vst.idx.msk vm0, v10  }
0x15b: {  	v61 =	vor.u32 $0x3D, v9;
	v10 =	vld.idx.msk [tilespmem:v60+s16+$0x0], vm0  }
0x15c: {  	v62 =	vadd.s32 $0x3B00, v8;
	_ =	sdelay $0x3  }
0x15d: {  	[tilespmem:v61+s19+$0x0] =	vst.idx.msk vm0, v10  }
0x15e: {  	v63 =	vor.u32 $0x3E, v9;
	v10 =	vld.idx.msk [tilespmem:v62+s16+$0x0], vm0  }
0x15f: {  	v8 =	vadd.s32 $0x3B80, v8;
	_ =	sdelay $0x3  }
0x160: {  	[tilespmem:v63+s19+$0x0] =	vst.idx.msk vm0, v10  }
0x161: {  	v9 =	vor.u32 $0x3F, v9;
	v8 =	vld.idx.msk [tilespmem:v8+s16+$0x0], vm0  }
.Ltmp10:
0x162: {  	_ = 	snop;
	(pc) =	sbr.rel .LBB2_10-.Ltmp10, $2  }
0x163: {  	_ =	sdelay $0x2  }
0x164: {  	[tilespmem:v9+s19+$0x0] =	vst.idx.msk vm0, v8  }
.LBB2_11:
0x165: {  	s26 =	sadd.s32 $0x2, s25  }
0x166: {  	p1 =	sge.u32 s26, s8  }
0x167: {  	s26 =	sshll.u32 @!p1 s26, $0xB  }
0x168: {  	s26 =	sadd.s32 @!p1 s11, s26  }
0x169: {  	s28 =	simm.s32 @!p1 $0x800;
	s26 =	sshrl.u32 @!p1 s26, $0x3  }
0x16a: {  	s29 =	simm.s32 @!p1 $0x7A1400;
	s30 =	simm.s32 @!p1 $0xD00;
	s26 =	sadd.s32 @!p1 s2, s26  }
0x16b: {  	[tilespmem:s30], [sflag:$0x1] =	stream.strided.gather @!p1 [hbm4b:s26+s28], $0x4000, s29, s28, $0x38;
	[tilespmem:$0x1FD00] =	vst v63  }
0x16c: {  	s26 =	sor.u32 $0x1, s25  }
0x16d: {  	p1 =	sge.u32 s26, s8  }
0x16e: {  	p2 =	slt.s32 @!p1 s23, $0x1  }
0x16f: {  	p2 =	por p1, p2  }
.Ltmp11:
0x170: {  	_ = 	snop;
	(pc) =	sbr.rel @p2 .LBB2_16-.Ltmp11, $4  }
0x171: {  	s28 =	simm.s32 @!p1 $0x2  }
0x172: {  	_ =	swait.ge @!p1 [sflag:s28], $0x4000  }
0x173: {  	[sflag:s28] =	ssyncset.done @!p1 $0x0  }
0x174: {  	[sflag:s28] =	ssyncadd.s32 @!p1 $0xFFFFC000  }
.Ltmp12:
0x175: {  	(pc) =	sbr.rel .LBB2_13-.Ltmp12, $4  }
0x176: {  	s26 =	sshll.u32 s26, $0x8  }
0x177: {  	s26 =	sadd.s32 s7, s26  }
0x178: {  	s29 =	simm.s32 $0x0;
	s28 =	sadd.s32 $0x100, s26  }
0x179: {  	s30 =	smov.u32 s23;
	v6 =	vmov s26;
	s26 =	simm.s32 $0x400;
	v7 =	vmov s28;
	s28 =	simm.s32 $0x700  }
.LBB2_15:
0x17a: {  	s30 =	sadd.s32 $0xFFFFFFFF, s30  }
0x17b: {  	p1 =	sne.s32 s30, $0x0  }
.Ltmp13:
0x17c: {  	_ = 	snop;
	(pc) =	sbr.rel @!p1 .LBB2_16-.Ltmp13, $2  }
0x17d: {  	_ =	sdelay $0x2  }
0x17e: {  	s26 =	sadd.s32 $0x10, s26;
	s28 =	sadd.s32 $0x10, s28;
	s29 =	sadd.s32 $0x10, s29  }
.LBB2_13:
0x17f: {  	v8 =	vld [tilespmem:s26+$0x0];
	_ =	sdelay $0x3  }
0x180: {  	v9 =	vor.u32 s29, v2  }
0x181: {  	vm1 =	vlt.s32 v9, v5;
	vm0 =	vlt.s32 v8, v7  }
0x182: {  	vm2 =	vge.s32 v8, v6;
	vm0 =	vmand vm0, vm1  }
0x183: {  	vm0 =	vmand vm0, vm2  }
0x184: {  	v10 =	vsel vm0, $0x1, v3  }
0x185: {  	(xrf0) =	vadd.scan.msk.s32 $0xffff, v10;
	_ =	sdelay $0x5  }
0x186: {  	v10, _, _ =	vpop (xrf0)  }
0x187: {  	(v2sf) =	vpush v10, $0xF;
	_ =	sdelay $0xe  }
0x188: {  	s31 =	spop (v2sf)  }
0x189: {  	p1 =	slt.s32 s31, $0x1  }
.Ltmp14:
0x18a: {  	_ = 	snop;
	(pc) =	sbr.rel @p1 .LBB2_15-.Ltmp14, $1  }
0x18b: {  	_ =	sdelay $0x3  }
0x18c: {  	v8 =	vsub.s32 v8, v6  }
0x18d: {  	v8 =	vnsel vm0, $0x0, v8  }
0x18e: {  	v10 =	vshll.u32 v8, $0x3  }
0x18f: {  	v11 =	vld [tilespmem:s28+$0x0];
	v8 =	vand.u32 $0x7F, v8;
	v10 =	vand.u32 $0xFFFFFC00, v10  }
0x190: {  	v8 =	vor.u32 v8, v10;
	_ =	sdelay $0x3  }
0x191: {  	[tilespmem:v9+s18+$0x0] =	vst.idx.msk vm0, v11  }
0x192: {  	v9 =	vshll.u32 v9, $0x7;
	v10 =	vld.idx.msk [tilespmem:v8+s17+$0x0], vm0  }
0x193: {  	v37 =	vor.u32 $0x80, v8;
	_ =	sdelay $0x3  }
0x194: {  	[tilespmem:v9+s19+$0x0] =	vst.idx.msk vm0, v10  }
0x195: {  	v38 =	vor.u32 $0x1, v9;
	v10 =	vld.idx.msk [tilespmem:v37+s17+$0x0], vm0  }
0x196: {  	v12 =	vor.u32 $0x100, v8;
	_ =	sdelay $0x3  }
0x197: {  	[tilespmem:v38+s19+$0x0] =	vst.idx.msk vm0, v10  }
0x198: {  	v39 =	vor.u32 $0x2, v9;
	v10 =	vld.idx.msk [tilespmem:v12+s17+$0x0], vm0  }
0x199: {  	v40 =	vor.u32 $0x180, v8;
	_ =	sdelay $0x3  }
0x19a: {  	[tilespmem:v39+s19+$0x0] =	vst.idx.msk vm0, v10  }
0x19b: {  	v41 =	vor.u32 $0x3, v9;
	v10 =	vld.idx.msk [tilespmem:v40+s17+$0x0], vm0  }
0x19c: {  	v42 =	vor.u32 $0x200, v8;
	_ =	sdelay $0x3  }
0x19d: {  	[tilespmem:v41+s19+$0x0] =	vst.idx.msk vm0, v10  }
0x19e: {  	v43 =	vor.u32 $0x4, v9;
	v10 =	vld.idx.msk [tilespmem:v42+s17+$0x0], vm0  }
0x19f: {  	v44 =	vor.u32 $0x280, v8;
	_ =	sdelay $0x3  }
0x1a0: {  	[tilespmem:v43+s19+$0x0] =	vst.idx.msk vm0, v10  }
0x1a1: {  	v45 =	vor.u32 $0x5, v9;
	v10 =	vld.idx.msk [tilespmem:v44+s17+$0x0], vm0  }
0x1a2: {  	v46 =	vor.u32 $0x300, v8;
	_ =	sdelay $0x3  }
0x1a3: {  	[tilespmem:v45+s19+$0x0] =	vst.idx.msk vm0, v10  }
0x1a4: {  	v47 =	vor.u32 $0x6, v9;
	v10 =	vld.idx.msk [tilespmem:v46+s17+$0x0], vm0  }
0x1a5: {  	v48 =	vor.u32 $0x380, v8;
	_ =	sdelay $0x3  }
0x1a6: {  	[tilespmem:v47+s19+$0x0] =	vst.idx.msk vm0, v10  }
0x1a7: {  	v49 =	vor.u32 $0x7, v9;
	v10 =	vld.idx.msk [tilespmem:v48+s17+$0x0], vm0  }
0x1a8: {  	v50 =	vadd.s32 $0x800, v8;
	_ =	sdelay $0x3  }
0x1a9: {  	[tilespmem:v49+s19+$0x0] =	vst.idx.msk vm0, v10  }
0x1aa: {  	v51 =	vor.u32 $0x8, v9;
	v10 =	vld.idx.msk [tilespmem:v50+s17+$0x0], vm0  }
0x1ab: {  	v52 =	vadd.s32 $0x880, v8;
	_ =	sdelay $0x3  }
0x1ac: {  	[tilespmem:v51+s19+$0x0] =	vst.idx.msk vm0, v10  }
0x1ad: {  	v53 =	vor.u32 $0x9, v9;
	v10 =	vld.idx.msk [tilespmem:v52+s17+$0x0], vm0  }
0x1ae: {  	v54 =	vadd.s32 $0x900, v8;
	_ =	sdelay $0x3  }
0x1af: {  	[tilespmem:v53+s19+$0x0] =	vst.idx.msk vm0, v10  }
0x1b0: {  	v55 =	vor.u32 $0xA, v9;
	v10 =	vld.idx.msk [tilespmem:v54+s17+$0x0], vm0  }
0x1b1: {  	v56 =	vadd.s32 $0x980, v8;
	_ =	sdelay $0x3  }
0x1b2: {  	[tilespmem:v55+s19+$0x0] =	vst.idx.msk vm0, v10  }
0x1b3: {  	v57 =	vor.u32 $0xB, v9;
	v10 =	vld.idx.msk [tilespmem:v56+s17+$0x0], vm0  }
0x1b4: {  	v58 =	vadd.s32 $0xA00, v8;
	_ =	sdelay $0x3  }
0x1b5: {  	[tilespmem:v57+s19+$0x0] =	vst.idx.msk vm0, v10  }
0x1b6: {  	v59 =	vor.u32 $0xC, v9;
	v10 =	vld.idx.msk [tilespmem:v58+s17+$0x0], vm0  }
0x1b7: {  	v60 =	vadd.s32 $0xA80, v8;
	_ =	sdelay $0x3  }
0x1b8: {  	[tilespmem:v59+s19+$0x0] =	vst.idx.msk vm0, v10  }
0x1b9: {  	v61 =	vor.u32 $0xD, v9;
	v10 =	vld.idx.msk [tilespmem:v60+s17+$0x0], vm0  }
0x1ba: {  	v62 =	vadd.s32 $0xB00, v8;
	_ =	sdelay $0x3  }
0x1bb: {  	[tilespmem:v61+s19+$0x0] =	vst.idx.msk vm0, v10  }
0x1bc: {  	v63 =	vor.u32 $0xE, v9;
	v10 =	vld.idx.msk [tilespmem:v62+s17+$0x0], vm0  }
0x1bd: {  	v16 =	vadd.s32 $0xB80, v8;
	_ =	sdelay $0x3  }
0x1be: {  	[tilespmem:v63+s19+$0x0] =	vst.idx.msk vm0, v10  }
0x1bf: {  	v17 =	vor.u32 $0xF, v9;
	v10 =	vld.idx.msk [tilespmem:v16+s17+$0x0], vm0  }
0x1c0: {  	v18 =	vadd.s32 $0x1000, v8;
	_ =	sdelay $0x3  }
0x1c1: {  	[tilespmem:v17+s19+$0x0] =	vst.idx.msk vm0, v10  }
0x1c2: {  	v19 =	vor.u32 $0x10, v9;
	v10 =	vld.idx.msk [tilespmem:v18+s17+$0x0], vm0  }
0x1c3: {  	v20 =	vadd.s32 $0x1080, v8;
	_ =	sdelay $0x3  }
0x1c4: {  	[tilespmem:v19+s19+$0x0] =	vst.idx.msk vm0, v10  }
0x1c5: {  	v21 =	vor.u32 $0x11, v9;
	v10 =	vld.idx.msk [tilespmem:v20+s17+$0x0], vm0  }
0x1c6: {  	v22 =	vadd.s32 $0x1100, v8;
	_ =	sdelay $0x3  }
0x1c7: {  	[tilespmem:v21+s19+$0x0] =	vst.idx.msk vm0, v10  }
0x1c8: {  	v23 =	vor.u32 $0x12, v9;
	v10 =	vld.idx.msk [tilespmem:v22+s17+$0x0], vm0  }
0x1c9: {  	v24 =	vadd.s32 $0x1180, v8;
	_ =	sdelay $0x3  }
0x1ca: {  	[tilespmem:v23+s19+$0x0] =	vst.idx.msk vm0, v10  }
0x1cb: {  	v25 =	vor.u32 $0x13, v9;
	v10 =	vld.idx.msk [tilespmem:v24+s17+$0x0], vm0  }
0x1cc: {  	v26 =	vadd.s32 $0x1200, v8;
	_ =	sdelay $0x3  }
0x1cd: {  	[tilespmem:v25+s19+$0x0] =	vst.idx.msk vm0, v10  }
0x1ce: {  	v27 =	vor.u32 $0x14, v9;
	v10 =	vld.idx.msk [tilespmem:v26+s17+$0x0], vm0  }
0x1cf: {  	v28 =	vadd.s32 $0x1280, v8;
	_ =	sdelay $0x3  }
0x1d0: {  	[tilespmem:v27+s19+$0x0] =	vst.idx.msk vm0, v10  }
0x1d1: {  	v29 =	vor.u32 $0x15, v9;
	v10 =	vld.idx.msk [tilespmem:v28+s17+$0x0], vm0  }
0x1d2: {  	v30 =	vadd.s32 $0x1300, v8;
	_ =	sdelay $0x3  }
0x1d3: {  	[tilespmem:v29+s19+$0x0] =	vst.idx.msk vm0, v10  }
0x1d4: {  	v31 =	vor.u32 $0x16, v9;
	v10 =	vld.idx.msk [tilespmem:v30+s17+$0x0], vm0  }
0x1d5: {  	v32 =	vadd.s32 $0x1380, v8;
	_ =	sdelay $0x3  }
0x1d6: {  	[tilespmem:v31+s19+$0x0] =	vst.idx.msk vm0, v10  }
0x1d7: {  	v33 =	vor.u32 $0x17, v9;
	v10 =	vld.idx.msk [tilespmem:v32+s17+$0x0], vm0  }
0x1d8: {  	v34 =	vadd.s32 $0x1800, v8;
	_ =	sdelay $0x3  }
0x1d9: {  	[tilespmem:v33+s19+$0x0] =	vst.idx.msk vm0, v10  }
0x1da: {  	v35 =	vor.u32 $0x18, v9;
	v10 =	vld.idx.msk [tilespmem:v34+s17+$0x0], vm0  }
0x1db: {  	v36 =	vadd.s32 $0x1880, v8;
	_ =	sdelay $0x3  }
0x1dc: {  	[tilespmem:v35+s19+$0x0] =	vst.idx.msk vm0, v10  }
0x1dd: {  	v37 =	vor.u32 $0x19, v9;
	v10 =	vld.idx.msk [tilespmem:v36+s17+$0x0], vm0  }
0x1de: {  	v38 =	vadd.s32 $0x1900, v8;
	_ =	sdelay $0x3  }
0x1df: {  	[tilespmem:v37+s19+$0x0] =	vst.idx.msk vm0, v10  }
0x1e0: {  	v39 =	vor.u32 $0x1A, v9;
	v10 =	vld.idx.msk [tilespmem:v38+s17+$0x0], vm0  }
0x1e1: {  	v40 =	vadd.s32 $0x1980, v8;
	_ =	sdelay $0x3  }
0x1e2: {  	[tilespmem:v39+s19+$0x0] =	vst.idx.msk vm0, v10  }
0x1e3: {  	v41 =	vor.u32 $0x1B, v9;
	v10 =	vld.idx.msk [tilespmem:v40+s17+$0x0], vm0  }
0x1e4: {  	v42 =	vadd.s32 $0x1A00, v8;
	_ =	sdelay $0x3  }
0x1e5: {  	[tilespmem:v41+s19+$0x0] =	vst.idx.msk vm0, v10  }
0x1e6: {  	v43 =	vor.u32 $0x1C, v9;
	v10 =	vld.idx.msk [tilespmem:v42+s17+$0x0], vm0  }
0x1e7: {  	v44 =	vadd.s32 $0x1A80, v8;
	_ =	sdelay $0x3  }
0x1e8: {  	[tilespmem:v43+s19+$0x0] =	vst.idx.msk vm0, v10  }
0x1e9: {  	v45 =	vor.u32 $0x1D, v9;
	v10 =	vld.idx.msk [tilespmem:v44+s17+$0x0], vm0  }
0x1ea: {  	v46 =	vadd.s32 $0x1B00, v8;
	_ =	sdelay $0x3  }
0x1eb: {  	[tilespmem:v45+s19+$0x0] =	vst.idx.msk vm0, v10  }
0x1ec: {  	v47 =	vor.u32 $0x1E, v9;
	v10 =	vld.idx.msk [tilespmem:v46+s17+$0x0], vm0  }
0x1ed: {  	v48 =	vadd.s32 $0x1B80, v8;
	_ =	sdelay $0x3  }
0x1ee: {  	[tilespmem:v47+s19+$0x0] =	vst.idx.msk vm0, v10  }
0x1ef: {  	v49 =	vor.u32 $0x1F, v9;
	v10 =	vld.idx.msk [tilespmem:v48+s17+$0x0], vm0  }
0x1f0: {  	v50 =	vadd.s32 $0x2000, v8;
	_ =	sdelay $0x3  }
0x1f1: {  	[tilespmem:v49+s19+$0x0] =	vst.idx.msk vm0, v10  }
0x1f2: {  	v51 =	vor.u32 $0x20, v9;
	v10 =	vld.idx.msk [tilespmem:v50+s17+$0x0], vm0  }
0x1f3: {  	v52 =	vadd.s32 $0x2080, v8;
	_ =	sdelay $0x3  }
0x1f4: {  	[tilespmem:v51+s19+$0x0] =	vst.idx.msk vm0, v10  }
0x1f5: {  	v53 =	vor.u32 $0x21, v9;
	v10 =	vld.idx.msk [tilespmem:v52+s17+$0x0], vm0  }
0x1f6: {  	v54 =	vadd.s32 $0x2100, v8;
	_ =	sdelay $0x3  }
0x1f7: {  	[tilespmem:v53+s19+$0x0] =	vst.idx.msk vm0, v10  }
0x1f8: {  	v55 =	vor.u32 $0x22, v9;
	v10 =	vld.idx.msk [tilespmem:v54+s17+$0x0], vm0  }
0x1f9: {  	v56 =	vadd.s32 $0x2180, v8;
	_ =	sdelay $0x3  }
0x1fa: {  	[tilespmem:v55+s19+$0x0] =	vst.idx.msk vm0, v10  }
0x1fb: {  	v57 =	vor.u32 $0x23, v9;
	v10 =	vld.idx.msk [tilespmem:v56+s17+$0x0], vm0  }
0x1fc: {  	v58 =	vadd.s32 $0x2200, v8;
	_ =	sdelay $0x3  }
0x1fd: {  	[tilespmem:v57+s19+$0x0] =	vst.idx.msk vm0, v10  }
0x1fe: {  	v59 =	vor.u32 $0x24, v9;
	v10 =	vld.idx.msk [tilespmem:v58+s17+$0x0], vm0  }
0x1ff: {  	v60 =	vadd.s32 $0x2280, v8;
	_ =	sdelay $0x3  }
0x200: {  	[tilespmem:v59+s19+$0x0] =	vst.idx.msk vm0, v10  }
0x201: {  	v61 =	vor.u32 $0x25, v9;
	v10 =	vld.idx.msk [tilespmem:v60+s17+$0x0], vm0  }
0x202: {  	v62 =	vadd.s32 $0x2300, v8;
	_ =	sdelay $0x3  }
0x203: {  	[tilespmem:v61+s19+$0x0] =	vst.idx.msk vm0, v10  }
0x204: {  	v63 =	vor.u32 $0x26, v9;
	v10 =	vld.idx.msk [tilespmem:v62+s17+$0x0], vm0  }
0x205: {  	v16 =	vadd.s32 $0x2380, v8;
	_ =	sdelay $0x3  }
0x206: {  	[tilespmem:v63+s19+$0x0] =	vst.idx.msk vm0, v10  }
0x207: {  	v17 =	vor.u32 $0x27, v9;
	v10 =	vld.idx.msk [tilespmem:v16+s17+$0x0], vm0  }
0x208: {  	v18 =	vadd.s32 $0x2800, v8;
	_ =	sdelay $0x3  }
0x209: {  	[tilespmem:v17+s19+$0x0] =	vst.idx.msk vm0, v10  }
0x20a: {  	v19 =	vor.u32 $0x28, v9;
	v10 =	vld.idx.msk [tilespmem:v18+s17+$0x0], vm0  }
0x20b: {  	v20 =	vadd.s32 $0x2880, v8;
	_ =	sdelay $0x3  }
0x20c: {  	[tilespmem:v19+s19+$0x0] =	vst.idx.msk vm0, v10  }
0x20d: {  	v21 =	vor.u32 $0x29, v9;
	v10 =	vld.idx.msk [tilespmem:v20+s17+$0x0], vm0  }
0x20e: {  	v22 =	vadd.s32 $0x2900, v8;
	_ =	sdelay $0x3  }
0x20f: {  	[tilespmem:v21+s19+$0x0] =	vst.idx.msk vm0, v10  }
0x210: {  	v23 =	vor.u32 $0x2A, v9;
	v10 =	vld.idx.msk [tilespmem:v22+s17+$0x0], vm0  }
0x211: {  	v24 =	vadd.s32 $0x2980, v8;
	_ =	sdelay $0x3  }
0x212: {  	[tilespmem:v23+s19+$0x0] =	vst.idx.msk vm0, v10  }
0x213: {  	v25 =	vor.u32 $0x2B, v9;
	v10 =	vld.idx.msk [tilespmem:v24+s17+$0x0], vm0  }
0x214: {  	v26 =	vadd.s32 $0x2A00, v8;
	_ =	sdelay $0x3  }
0x215: {  	[tilespmem:v25+s19+$0x0] =	vst.idx.msk vm0, v10  }
0x216: {  	v27 =	vor.u32 $0x2C, v9;
	v10 =	vld.idx.msk [tilespmem:v26+s17+$0x0], vm0  }
0x217: {  	v28 =	vadd.s32 $0x2A80, v8;
	_ =	sdelay $0x3  }
0x218: {  	[tilespmem:v27+s19+$0x0] =	vst.idx.msk vm0, v10  }
0x219: {  	v29 =	vor.u32 $0x2D, v9;
	v10 =	vld.idx.msk [tilespmem:v28+s17+$0x0], vm0  }
0x21a: {  	v30 =	vadd.s32 $0x2B00, v8;
	_ =	sdelay $0x3  }
0x21b: {  	[tilespmem:v29+s19+$0x0] =	vst.idx.msk vm0, v10  }
0x21c: {  	v31 =	vor.u32 $0x2E, v9;
	v10 =	vld.idx.msk [tilespmem:v30+s17+$0x0], vm0  }
0x21d: {  	v32 =	vadd.s32 $0x2B80, v8;
	_ =	sdelay $0x3  }
0x21e: {  	[tilespmem:v31+s19+$0x0] =	vst.idx.msk vm0, v10  }
0x21f: {  	v33 =	vor.u32 $0x2F, v9;
	v10 =	vld.idx.msk [tilespmem:v32+s17+$0x0], vm0  }
0x220: {  	v34 =	vadd.s32 $0x3000, v8;
	_ =	sdelay $0x3  }
0x221: {  	[tilespmem:v33+s19+$0x0] =	vst.idx.msk vm0, v10  }
0x222: {  	v35 =	vor.u32 $0x30, v9;
	v10 =	vld.idx.msk [tilespmem:v34+s17+$0x0], vm0  }
0x223: {  	v36 =	vadd.s32 $0x3080, v8;
	_ =	sdelay $0x3  }
0x224: {  	[tilespmem:v35+s19+$0x0] =	vst.idx.msk vm0, v10  }
0x225: {  	v37 =	vor.u32 $0x31, v9;
	v10 =	vld.idx.msk [tilespmem:v36+s17+$0x0], vm0  }
0x226: {  	v38 =	vadd.s32 $0x3100, v8;
	_ =	sdelay $0x3  }
0x227: {  	[tilespmem:v37+s19+$0x0] =	vst.idx.msk vm0, v10  }
0x228: {  	v39 =	vor.u32 $0x32, v9;
	v10 =	vld.idx.msk [tilespmem:v38+s17+$0x0], vm0  }
0x229: {  	v40 =	vadd.s32 $0x3180, v8;
	_ =	sdelay $0x3  }
0x22a: {  	[tilespmem:v39+s19+$0x0] =	vst.idx.msk vm0, v10  }
0x22b: {  	v41 =	vor.u32 $0x33, v9;
	v10 =	vld.idx.msk [tilespmem:v40+s17+$0x0], vm0  }
0x22c: {  	v42 =	vadd.s32 $0x3200, v8;
	_ =	sdelay $0x3  }
0x22d: {  	[tilespmem:v41+s19+$0x0] =	vst.idx.msk vm0, v10  }
0x22e: {  	v43 =	vor.u32 $0x34, v9;
	v10 =	vld.idx.msk [tilespmem:v42+s17+$0x0], vm0  }
0x22f: {  	v44 =	vadd.s32 $0x3280, v8;
	_ =	sdelay $0x3  }
0x230: {  	[tilespmem:v43+s19+$0x0] =	vst.idx.msk vm0, v10  }
0x231: {  	v45 =	vor.u32 $0x35, v9;
	v10 =	vld.idx.msk [tilespmem:v44+s17+$0x0], vm0  }
0x232: {  	v46 =	vadd.s32 $0x3300, v8;
	_ =	sdelay $0x3  }
0x233: {  	[tilespmem:v45+s19+$0x0] =	vst.idx.msk vm0, v10  }
0x234: {  	v47 =	vor.u32 $0x36, v9;
	v10 =	vld.idx.msk [tilespmem:v46+s17+$0x0], vm0  }
0x235: {  	v48 =	vadd.s32 $0x3380, v8;
	_ =	sdelay $0x3  }
0x236: {  	[tilespmem:v47+s19+$0x0] =	vst.idx.msk vm0, v10  }
0x237: {  	v49 =	vor.u32 $0x37, v9;
	v10 =	vld.idx.msk [tilespmem:v48+s17+$0x0], vm0  }
0x238: {  	v50 =	vadd.s32 $0x3800, v8;
	_ =	sdelay $0x3  }
0x239: {  	[tilespmem:v49+s19+$0x0] =	vst.idx.msk vm0, v10  }
0x23a: {  	v51 =	vor.u32 $0x38, v9;
	v10 =	vld.idx.msk [tilespmem:v50+s17+$0x0], vm0  }
0x23b: {  	v52 =	vadd.s32 $0x3880, v8;
	_ =	sdelay $0x3  }
0x23c: {  	[tilespmem:v51+s19+$0x0] =	vst.idx.msk vm0, v10  }
0x23d: {  	v53 =	vor.u32 $0x39, v9;
	v10 =	vld.idx.msk [tilespmem:v52+s17+$0x0], vm0  }
0x23e: {  	v54 =	vadd.s32 $0x3900, v8;
	_ =	sdelay $0x3  }
0x23f: {  	[tilespmem:v53+s19+$0x0] =	vst.idx.msk vm0, v10  }
0x240: {  	v55 =	vor.u32 $0x3A, v9;
	v10 =	vld.idx.msk [tilespmem:v54+s17+$0x0], vm0  }
0x241: {  	v56 =	vadd.s32 $0x3980, v8;
	_ =	sdelay $0x3  }
0x242: {  	[tilespmem:v55+s19+$0x0] =	vst.idx.msk vm0, v10  }
0x243: {  	v57 =	vor.u32 $0x3B, v9;
	v10 =	vld.idx.msk [tilespmem:v56+s17+$0x0], vm0  }
0x244: {  	v58 =	vadd.s32 $0x3A00, v8;
	_ =	sdelay $0x3  }
0x245: {  	[tilespmem:v57+s19+$0x0] =	vst.idx.msk vm0, v10  }
0x246: {  	v59 =	vor.u32 $0x3C, v9;
	v10 =	vld.idx.msk [tilespmem:v58+s17+$0x0], vm0  }
0x247: {  	v60 =	vadd.s32 $0x3A80, v8;
	_ =	sdelay $0x3  }
0x248: {  	[tilespmem:v59+s19+$0x0] =	vst.idx.msk vm0, v10  }
0x249: {  	v61 =	vor.u32 $0x3D, v9;
	v10 =	vld.idx.msk [tilespmem:v60+s17+$0x0], vm0  }
0x24a: {  	v62 =	vadd.s32 $0x3B00, v8;
	_ =	sdelay $0x3  }
0x24b: {  	[tilespmem:v61+s19+$0x0] =	vst.idx.msk vm0, v10  }
0x24c: {  	v63 =	vor.u32 $0x3E, v9;
	v10 =	vld.idx.msk [tilespmem:v62+s17+$0x0], vm0  }
0x24d: {  	v8 =	vadd.s32 $0x3B80, v8;
	_ =	sdelay $0x3  }
0x24e: {  	[tilespmem:v63+s19+$0x0] =	vst.idx.msk vm0, v10  }
0x24f: {  	v9 =	vor.u32 $0x3F, v9;
	v8 =	vld.idx.msk [tilespmem:v8+s17+$0x0], vm0  }
.Ltmp15:
0x250: {  	_ = 	snop;
	(pc) =	sbr.rel .LBB2_15-.Ltmp15, $2  }
0x251: {  	_ =	sdelay $0x2  }
0x252: {  	[tilespmem:v9+s19+$0x0] =	vst.idx.msk vm0, v8  }
.LBB2_17:
0x253: {  	s24 =	simm.s32 @!p0 $0x0;
	s25 =	simm.s32 @!p0 $0x8D00;
	p1 =	slt.s32 @!p0 s23, $0x1  }
0x254: {  	[tilespmem:s25], [sflag:$0x4] =	stream.linear.gather @!p0 [hbm4b:s3+s24], $0x2000, $0x38;
	[tilespmem:$0x1FD00] =	vst v63  }
0x255: {  	p1 =	por p0, p1  }
.Ltmp16:
0x256: {  	_ = 	snop;
	(pc) =	sbr.rel @p1 .LBB2_22-.Ltmp16, $4  }
0x257: {  	s25 =	simm.s32 @!p0 $0x4  }
0x258: {  	_ =	swait.ge @!p0 [sflag:s25], $0x2000  }
0x259: {  	[sflag:s25] =	ssyncset.done @!p0 $0x0  }
0x25a: {  	[sflag:s25] =	ssyncadd.s32 @!p0 $0xFFFFE000  }
.Ltmp17:
0x25b: {  	(pc) =	sbr.rel .LBB2_19-.Ltmp17, $2  }
0x25c: {  	_ =	sdelay $0x2  }
0x25d: {  	s25 =	simm.s32 @!p0 $0x400;
	s26 =	simm.s32 @!p0 $0x700  }
.LBB2_21:
0x25e: {  	s23 =	sadd.s32 $0xFFFFFFFF, s23  }
0x25f: {  	p1 =	sne.s32 s23, $0x0  }
.Ltmp18:
0x260: {  	_ = 	snop;
	(pc) =	sbr.rel @!p1 .LBB2_22-.Ltmp18, $2  }
0x261: {  	_ =	sdelay $0x2  }
0x262: {  	s25 =	sadd.s32 $0x10, s25;
	s26 =	sadd.s32 $0x10, s26;
	s24 =	sadd.s32 $0x10, s24  }
.LBB2_19:
0x263: {  	v6 =	vld [tilespmem:s25+$0x0];
	_ =	sdelay $0x4  }
0x264: {  	v7 =	vor.u32 s24, v2;
	v8 =	vand.u32 $0xFFFFFFC0, v6  }
0x265: {  	vm1 =	vlt.s32 v7, v5;
	vm0 =	veq.s32 v8, $0xF4200  }
0x266: {  	vm0 =	vmand vm1, vm0  }
0x267: {  	v8 =	vsel vm0, $0x1, v3  }
0x268: {  	(xrf0) =	vadd.scan.msk.s32 $0xffff, v8;
	_ =	sdelay $0x5  }
0x269: {  	v8, _, _ =	vpop (xrf0)  }
0x26a: {  	(v2sf) =	vpush v8, $0xF;
	_ =	sdelay $0xe  }
0x26b: {  	s28 =	spop (v2sf)  }
0x26c: {  	p1 =	slt.s32 s28, $0x1  }
.Ltmp19:
0x26d: {  	_ = 	snop;
	(pc) =	sbr.rel @p1 .LBB2_21-.Ltmp19, $1  }
0x26e: {  	_ =	sdelay $0x3  }
0x26f: {  	v8 =	vld [tilespmem:s26+$0x0];
	v6 =	vadd.s32 $0xFFF0BE00, v6  }
0x270: {  	v6 =	vnsel vm0, $0x0, v6;
	_ =	sdelay $0x3  }
0x271: {  	[tilespmem:v7+s18+$0x0] =	vst.idx.msk vm0, v8  }
0x272: {  	v7 =	vshll.u32 v7, $0x7;
	v8 =	vld.idx.msk [tilespmem:v6+s20+$0x0], vm0  }
0x273: {  	v9 =	vadd.s32 $0x80, v6;
	_ =	sdelay $0x3  }
0x274: {  	[tilespmem:v7+s19+$0x0] =	vst.idx.msk vm0, v8  }
0x275: {  	v46 =	vor.u32 $0x1, v7;
	v8 =	vld.idx.msk [tilespmem:v9+s20+$0x0], vm0  }
0x276: {  	v10 =	vadd.s32 $0x100, v6;
	_ =	sdelay $0x3  }
0x277: {  	[tilespmem:v46+s19+$0x0] =	vst.idx.msk vm0, v8  }
0x278: {  	v47 =	vor.u32 $0x2, v7;
	v8 =	vld.idx.msk [tilespmem:v10+s20+$0x0], vm0  }
0x279: {  	v48 =	vadd.s32 $0x180, v6;
	_ =	sdelay $0x3  }
0x27a: {  	[tilespmem:v47+s19+$0x0] =	vst.idx.msk vm0, v8  }
0x27b: {  	v49 =	vor.u32 $0x3, v7;
	v8 =	vld.idx.msk [tilespmem:v48+s20+$0x0], vm0  }
0x27c: {  	v50 =	vadd.s32 $0x200, v6;
	_ =	sdelay $0x3  }
0x27d: {  	[tilespmem:v49+s19+$0x0] =	vst.idx.msk vm0, v8  }
0x27e: {  	v51 =	vor.u32 $0x4, v7;
	v8 =	vld.idx.msk [tilespmem:v50+s20+$0x0], vm0  }
0x27f: {  	v52 =	vadd.s32 $0x280, v6;
	_ =	sdelay $0x3  }
0x280: {  	[tilespmem:v51+s19+$0x0] =	vst.idx.msk vm0, v8  }
0x281: {  	v53 =	vor.u32 $0x5, v7;
	v8 =	vld.idx.msk [tilespmem:v52+s20+$0x0], vm0  }
0x282: {  	v54 =	vadd.s32 $0x300, v6;
	_ =	sdelay $0x3  }
0x283: {  	[tilespmem:v53+s19+$0x0] =	vst.idx.msk vm0, v8  }
0x284: {  	v55 =	vor.u32 $0x6, v7;
	v8 =	vld.idx.msk [tilespmem:v54+s20+$0x0], vm0  }
0x285: {  	v56 =	vadd.s32 $0x380, v6;
	_ =	sdelay $0x3  }
0x286: {  	[tilespmem:v55+s19+$0x0] =	vst.idx.msk vm0, v8  }
0x287: {  	v57 =	vor.u32 $0x7, v7;
	v8 =	vld.idx.msk [tilespmem:v56+s20+$0x0], vm0  }
0x288: {  	v58 =	vadd.s32 $0x400, v6;
	_ =	sdelay $0x3  }
0x289: {  	[tilespmem:v57+s19+$0x0] =	vst.idx.msk vm0, v8  }
0x28a: {  	v59 =	vor.u32 $0x8, v7;
	v8 =	vld.idx.msk [tilespmem:v58+s20+$0x0], vm0  }
0x28b: {  	v60 =	vadd.s32 $0x480, v6;
	_ =	sdelay $0x3  }
0x28c: {  	[tilespmem:v59+s19+$0x0] =	vst.idx.msk vm0, v8  }
0x28d: {  	v61 =	vor.u32 $0x9, v7;
	v8 =	vld.idx.msk [tilespmem:v60+s20+$0x0], vm0  }
0x28e: {  	v62 =	vadd.s32 $0x500, v6;
	_ =	sdelay $0x3  }
0x28f: {  	[tilespmem:v61+s19+$0x0] =	vst.idx.msk vm0, v8  }
0x290: {  	v63 =	vor.u32 $0xA, v7;
	v8 =	vld.idx.msk [tilespmem:v62+s20+$0x0], vm0  }
0x291: {  	v12 =	vadd.s32 $0x580, v6;
	_ =	sdelay $0x3  }
0x292: {  	[tilespmem:v63+s19+$0x0] =	vst.idx.msk vm0, v8  }
0x293: {  	v13 =	vor.u32 $0xB, v7;
	v8 =	vld.idx.msk [tilespmem:v12+s20+$0x0], vm0  }
0x294: {  	v14 =	vadd.s32 $0x600, v6;
	_ =	sdelay $0x3  }
0x295: {  	[tilespmem:v13+s19+$0x0] =	vst.idx.msk vm0, v8  }
0x296: {  	v15 =	vor.u32 $0xC, v7;
	v8 =	vld.idx.msk [tilespmem:v14+s20+$0x0], vm0  }
0x297: {  	v16 =	vadd.s32 $0x680, v6;
	_ =	sdelay $0x3  }
0x298: {  	[tilespmem:v15+s19+$0x0] =	vst.idx.msk vm0, v8  }
0x299: {  	v17 =	vor.u32 $0xD, v7;
	v8 =	vld.idx.msk [tilespmem:v16+s20+$0x0], vm0  }
0x29a: {  	v18 =	vadd.s32 $0x700, v6;
	_ =	sdelay $0x3  }
0x29b: {  	[tilespmem:v17+s19+$0x0] =	vst.idx.msk vm0, v8  }
0x29c: {  	v19 =	vor.u32 $0xE, v7;
	v8 =	vld.idx.msk [tilespmem:v18+s20+$0x0], vm0  }
0x29d: {  	v20 =	vadd.s32 $0x780, v6;
	_ =	sdelay $0x3  }
0x29e: {  	[tilespmem:v19+s19+$0x0] =	vst.idx.msk vm0, v8  }
0x29f: {  	v21 =	vor.u32 $0xF, v7;
	v8 =	vld.idx.msk [tilespmem:v20+s20+$0x0], vm0  }
0x2a0: {  	v22 =	vadd.s32 $0x800, v6;
	_ =	sdelay $0x3  }
0x2a1: {  	[tilespmem:v21+s19+$0x0] =	vst.idx.msk vm0, v8  }
0x2a2: {  	v23 =	vor.u32 $0x10, v7;
	v8 =	vld.idx.msk [tilespmem:v22+s20+$0x0], vm0  }
0x2a3: {  	v24 =	vadd.s32 $0x880, v6;
	_ =	sdelay $0x3  }
0x2a4: {  	[tilespmem:v23+s19+$0x0] =	vst.idx.msk vm0, v8  }
0x2a5: {  	v25 =	vor.u32 $0x11, v7;
	v8 =	vld.idx.msk [tilespmem:v24+s20+$0x0], vm0  }
0x2a6: {  	v26 =	vadd.s32 $0x900, v6;
	_ =	sdelay $0x3  }
0x2a7: {  	[tilespmem:v25+s19+$0x0] =	vst.idx.msk vm0, v8  }
0x2a8: {  	v27 =	vor.u32 $0x12, v7;
	v8 =	vld.idx.msk [tilespmem:v26+s20+$0x0], vm0  }
0x2a9: {  	v28 =	vadd.s32 $0x980, v6;
	_ =	sdelay $0x3  }
0x2aa: {  	[tilespmem:v27+s19+$0x0] =	vst.idx.msk vm0, v8  }
0x2ab: {  	v29 =	vor.u32 $0x13, v7;
	v8 =	vld.idx.msk [tilespmem:v28+s20+$0x0], vm0  }
0x2ac: {  	v30 =	vadd.s32 $0xA00, v6;
	_ =	sdelay $0x3  }
0x2ad: {  	[tilespmem:v29+s19+$0x0] =	vst.idx.msk vm0, v8  }
0x2ae: {  	v31 =	vor.u32 $0x14, v7;
	v8 =	vld.idx.msk [tilespmem:v30+s20+$0x0], vm0  }
0x2af: {  	v32 =	vadd.s32 $0xA80, v6;
	_ =	sdelay $0x3  }
0x2b0: {  	[tilespmem:v31+s19+$0x0] =	vst.idx.msk vm0, v8  }
0x2b1: {  	v33 =	vor.u32 $0x15, v7;
	v8 =	vld.idx.msk [tilespmem:v32+s20+$0x0], vm0  }
0x2b2: {  	v34 =	vadd.s32 $0xB00, v6;
	_ =	sdelay $0x3  }
0x2b3: {  	[tilespmem:v33+s19+$0x0] =	vst.idx.msk vm0, v8  }
0x2b4: {  	v35 =	vor.u32 $0x16, v7;
	v8 =	vld.idx.msk [tilespmem:v34+s20+$0x0], vm0  }
0x2b5: {  	v36 =	vadd.s32 $0xB80, v6;
	_ =	sdelay $0x3  }
0x2b6: {  	[tilespmem:v35+s19+$0x0] =	vst.idx.msk vm0, v8  }
0x2b7: {  	v37 =	vor.u32 $0x17, v7;
	v8 =	vld.idx.msk [tilespmem:v36+s20+$0x0], vm0  }
0x2b8: {  	v38 =	vadd.s32 $0xC00, v6;
	_ =	sdelay $0x3  }
0x2b9: {  	[tilespmem:v37+s19+$0x0] =	vst.idx.msk vm0, v8  }
0x2ba: {  	v39 =	vor.u32 $0x18, v7;
	v8 =	vld.idx.msk [tilespmem:v38+s20+$0x0], vm0  }
0x2bb: {  	v40 =	vadd.s32 $0xC80, v6;
	_ =	sdelay $0x3  }
0x2bc: {  	[tilespmem:v39+s19+$0x0] =	vst.idx.msk vm0, v8  }
0x2bd: {  	v41 =	vor.u32 $0x19, v7;
	v8 =	vld.idx.msk [tilespmem:v40+s20+$0x0], vm0  }
0x2be: {  	v42 =	vadd.s32 $0xD00, v6;
	_ =	sdelay $0x3  }
0x2bf: {  	[tilespmem:v41+s19+$0x0] =	vst.idx.msk vm0, v8  }
0x2c0: {  	v43 =	vor.u32 $0x1A, v7;
	v8 =	vld.idx.msk [tilespmem:v42+s20+$0x0], vm0  }
0x2c1: {  	v44 =	vadd.s32 $0xD80, v6;
	_ =	sdelay $0x3  }
0x2c2: {  	[tilespmem:v43+s19+$0x0] =	vst.idx.msk vm0, v8  }
0x2c3: {  	v45 =	vor.u32 $0x1B, v7;
	v8 =	vld.idx.msk [tilespmem:v44+s20+$0x0], vm0  }
0x2c4: {  	v46 =	vadd.s32 $0xE00, v6;
	_ =	sdelay $0x3  }
0x2c5: {  	[tilespmem:v45+s19+$0x0] =	vst.idx.msk vm0, v8  }
0x2c6: {  	v47 =	vor.u32 $0x1C, v7;
	v8 =	vld.idx.msk [tilespmem:v46+s20+$0x0], vm0  }
0x2c7: {  	v48 =	vadd.s32 $0xE80, v6;
	_ =	sdelay $0x3  }
0x2c8: {  	[tilespmem:v47+s19+$0x0] =	vst.idx.msk vm0, v8  }
0x2c9: {  	v49 =	vor.u32 $0x1D, v7;
	v8 =	vld.idx.msk [tilespmem:v48+s20+$0x0], vm0  }
0x2ca: {  	v50 =	vadd.s32 $0xF00, v6;
	_ =	sdelay $0x3  }
0x2cb: {  	[tilespmem:v49+s19+$0x0] =	vst.idx.msk vm0, v8  }
0x2cc: {  	v51 =	vor.u32 $0x1E, v7;
	v8 =	vld.idx.msk [tilespmem:v50+s20+$0x0], vm0  }
0x2cd: {  	v52 =	vadd.s32 $0xF80, v6;
	_ =	sdelay $0x3  }
0x2ce: {  	[tilespmem:v51+s19+$0x0] =	vst.idx.msk vm0, v8  }
0x2cf: {  	v53 =	vor.u32 $0x1F, v7;
	v8 =	vld.idx.msk [tilespmem:v52+s20+$0x0], vm0  }
0x2d0: {  	v54 =	vadd.s32 $0x1000, v6;
	_ =	sdelay $0x3  }
0x2d1: {  	[tilespmem:v53+s19+$0x0] =	vst.idx.msk vm0, v8  }
0x2d2: {  	v55 =	vor.u32 $0x20, v7;
	v8 =	vld.idx.msk [tilespmem:v54+s20+$0x0], vm0  }
0x2d3: {  	v56 =	vadd.s32 $0x1080, v6;
	_ =	sdelay $0x3  }
0x2d4: {  	[tilespmem:v55+s19+$0x0] =	vst.idx.msk vm0, v8  }
0x2d5: {  	v57 =	vor.u32 $0x21, v7;
	v8 =	vld.idx.msk [tilespmem:v56+s20+$0x0], vm0  }
0x2d6: {  	v58 =	vadd.s32 $0x1100, v6;
	_ =	sdelay $0x3  }
0x2d7: {  	[tilespmem:v57+s19+$0x0] =	vst.idx.msk vm0, v8  }
0x2d8: {  	v59 =	vor.u32 $0x22, v7;
	v8 =	vld.idx.msk [tilespmem:v58+s20+$0x0], vm0  }
0x2d9: {  	v60 =	vadd.s32 $0x1180, v6;
	_ =	sdelay $0x3  }
0x2da: {  	[tilespmem:v59+s19+$0x0] =	vst.idx.msk vm0, v8  }
0x2db: {  	v61 =	vor.u32 $0x23, v7;
	v8 =	vld.idx.msk [tilespmem:v60+s20+$0x0], vm0  }
0x2dc: {  	v62 =	vadd.s32 $0x1200, v6;
	_ =	sdelay $0x3  }
0x2dd: {  	[tilespmem:v61+s19+$0x0] =	vst.idx.msk vm0, v8  }
0x2de: {  	v63 =	vor.u32 $0x24, v7;
	v8 =	vld.idx.msk [tilespmem:v62+s20+$0x0], vm0  }
0x2df: {  	v12 =	vadd.s32 $0x1280, v6;
	_ =	sdelay $0x3  }
0x2e0: {  	[tilespmem:v63+s19+$0x0] =	vst.idx.msk vm0, v8  }
0x2e1: {  	v13 =	vor.u32 $0x25, v7;
	v8 =	vld.idx.msk [tilespmem:v12+s20+$0x0], vm0  }
0x2e2: {  	v14 =	vadd.s32 $0x1300, v6;
	_ =	sdelay $0x3  }
0x2e3: {  	[tilespmem:v13+s19+$0x0] =	vst.idx.msk vm0, v8  }
0x2e4: {  	v15 =	vor.u32 $0x26, v7;
	v8 =	vld.idx.msk [tilespmem:v14+s20+$0x0], vm0  }
0x2e5: {  	v16 =	vadd.s32 $0x1380, v6;
	_ =	sdelay $0x3  }
0x2e6: {  	[tilespmem:v15+s19+$0x0] =	vst.idx.msk vm0, v8  }
0x2e7: {  	v17 =	vor.u32 $0x27, v7;
	v8 =	vld.idx.msk [tilespmem:v16+s20+$0x0], vm0  }
0x2e8: {  	v18 =	vadd.s32 $0x1400, v6;
	_ =	sdelay $0x3  }
0x2e9: {  	[tilespmem:v17+s19+$0x0] =	vst.idx.msk vm0, v8  }
0x2ea: {  	v19 =	vor.u32 $0x28, v7;
	v8 =	vld.idx.msk [tilespmem:v18+s20+$0x0], vm0  }
0x2eb: {  	v20 =	vadd.s32 $0x1480, v6;
	_ =	sdelay $0x3  }
0x2ec: {  	[tilespmem:v19+s19+$0x0] =	vst.idx.msk vm0, v8  }
0x2ed: {  	v21 =	vor.u32 $0x29, v7;
	v8 =	vld.idx.msk [tilespmem:v20+s20+$0x0], vm0  }
0x2ee: {  	v22 =	vadd.s32 $0x1500, v6;
	_ =	sdelay $0x3  }
0x2ef: {  	[tilespmem:v21+s19+$0x0] =	vst.idx.msk vm0, v8  }
0x2f0: {  	v23 =	vor.u32 $0x2A, v7;
	v8 =	vld.idx.msk [tilespmem:v22+s20+$0x0], vm0  }
0x2f1: {  	v24 =	vadd.s32 $0x1580, v6;
	_ =	sdelay $0x3  }
0x2f2: {  	[tilespmem:v23+s19+$0x0] =	vst.idx.msk vm0, v8  }
0x2f3: {  	v25 =	vor.u32 $0x2B, v7;
	v8 =	vld.idx.msk [tilespmem:v24+s20+$0x0], vm0  }
0x2f4: {  	v26 =	vadd.s32 $0x1600, v6;
	_ =	sdelay $0x3  }
0x2f5: {  	[tilespmem:v25+s19+$0x0] =	vst.idx.msk vm0, v8  }
0x2f6: {  	v27 =	vor.u32 $0x2C, v7;
	v8 =	vld.idx.msk [tilespmem:v26+s20+$0x0], vm0  }
0x2f7: {  	v28 =	vadd.s32 $0x1680, v6;
	_ =	sdelay $0x3  }
0x2f8: {  	[tilespmem:v27+s19+$0x0] =	vst.idx.msk vm0, v8  }
0x2f9: {  	v29 =	vor.u32 $0x2D, v7;
	v8 =	vld.idx.msk [tilespmem:v28+s20+$0x0], vm0  }
0x2fa: {  	v30 =	vadd.s32 $0x1700, v6;
	_ =	sdelay $0x3  }
0x2fb: {  	[tilespmem:v29+s19+$0x0] =	vst.idx.msk vm0, v8  }
0x2fc: {  	v31 =	vor.u32 $0x2E, v7;
	v8 =	vld.idx.msk [tilespmem:v30+s20+$0x0], vm0  }
0x2fd: {  	v32 =	vadd.s32 $0x1780, v6;
	_ =	sdelay $0x3  }
0x2fe: {  	[tilespmem:v31+s19+$0x0] =	vst.idx.msk vm0, v8  }
0x2ff: {  	v33 =	vor.u32 $0x2F, v7;
	v8 =	vld.idx.msk [tilespmem:v32+s20+$0x0], vm0  }
0x300: {  	v34 =	vadd.s32 $0x1800, v6;
	_ =	sdelay $0x3  }
0x301: {  	[tilespmem:v33+s19+$0x0] =	vst.idx.msk vm0, v8  }
0x302: {  	v35 =	vor.u32 $0x30, v7;
	v8 =	vld.idx.msk [tilespmem:v34+s20+$0x0], vm0  }
0x303: {  	v36 =	vadd.s32 $0x1880, v6;
	_ =	sdelay $0x3  }
0x304: {  	[tilespmem:v35+s19+$0x0] =	vst.idx.msk vm0, v8  }
0x305: {  	v37 =	vor.u32 $0x31, v7;
	v8 =	vld.idx.msk [tilespmem:v36+s20+$0x0], vm0  }
0x306: {  	v38 =	vadd.s32 $0x1900, v6;
	_ =	sdelay $0x3  }
0x307: {  	[tilespmem:v37+s19+$0x0] =	vst.idx.msk vm0, v8  }
0x308: {  	v39 =	vor.u32 $0x32, v7;
	v8 =	vld.idx.msk [tilespmem:v38+s20+$0x0], vm0  }
0x309: {  	v40 =	vadd.s32 $0x1980, v6;
	_ =	sdelay $0x3  }
0x30a: {  	[tilespmem:v39+s19+$0x0] =	vst.idx.msk vm0, v8  }
0x30b: {  	v41 =	vor.u32 $0x33, v7;
	v8 =	vld.idx.msk [tilespmem:v40+s20+$0x0], vm0  }
0x30c: {  	v42 =	vadd.s32 $0x1A00, v6;
	_ =	sdelay $0x3  }
0x30d: {  	[tilespmem:v41+s19+$0x0] =	vst.idx.msk vm0, v8  }
0x30e: {  	v43 =	vor.u32 $0x34, v7;
	v8 =	vld.idx.msk [tilespmem:v42+s20+$0x0], vm0  }
0x30f: {  	v44 =	vadd.s32 $0x1A80, v6;
	_ =	sdelay $0x3  }
0x310: {  	[tilespmem:v43+s19+$0x0] =	vst.idx.msk vm0, v8  }
0x311: {  	v45 =	vor.u32 $0x35, v7;
	v8 =	vld.idx.msk [tilespmem:v44+s20+$0x0], vm0  }
0x312: {  	v46 =	vadd.s32 $0x1B00, v6;
	_ =	sdelay $0x3  }
0x313: {  	[tilespmem:v45+s19+$0x0] =	vst.idx.msk vm0, v8  }
0x314: {  	v47 =	vor.u32 $0x36, v7;
	v8 =	vld.idx.msk [tilespmem:v46+s20+$0x0], vm0  }
0x315: {  	v48 =	vadd.s32 $0x1B80, v6;
	_ =	sdelay $0x3  }
0x316: {  	[tilespmem:v47+s19+$0x0] =	vst.idx.msk vm0, v8  }
0x317: {  	v49 =	vor.u32 $0x37, v7;
	v8 =	vld.idx.msk [tilespmem:v48+s20+$0x0], vm0  }
0x318: {  	v50 =	vadd.s32 $0x1C00, v6;
	_ =	sdelay $0x3  }
0x319: {  	[tilespmem:v49+s19+$0x0] =	vst.idx.msk vm0, v8  }
0x31a: {  	v51 =	vor.u32 $0x38, v7;
	v8 =	vld.idx.msk [tilespmem:v50+s20+$0x0], vm0  }
0x31b: {  	v52 =	vadd.s32 $0x1C80, v6;
	_ =	sdelay $0x3  }
0x31c: {  	[tilespmem:v51+s19+$0x0] =	vst.idx.msk vm0, v8  }
0x31d: {  	v53 =	vor.u32 $0x39, v7;
	v8 =	vld.idx.msk [tilespmem:v52+s20+$0x0], vm0  }
0x31e: {  	v54 =	vadd.s32 $0x1D00, v6;
	_ =	sdelay $0x3  }
0x31f: {  	[tilespmem:v53+s19+$0x0] =	vst.idx.msk vm0, v8  }
0x320: {  	v55 =	vor.u32 $0x3A, v7;
	v8 =	vld.idx.msk [tilespmem:v54+s20+$0x0], vm0  }
0x321: {  	v56 =	vadd.s32 $0x1D80, v6;
	_ =	sdelay $0x3  }
0x322: {  	[tilespmem:v55+s19+$0x0] =	vst.idx.msk vm0, v8  }
0x323: {  	v57 =	vor.u32 $0x3B, v7;
	v8 =	vld.idx.msk [tilespmem:v56+s20+$0x0], vm0  }
0x324: {  	v58 =	vadd.s32 $0x1E00, v6;
	_ =	sdelay $0x3  }
0x325: {  	[tilespmem:v57+s19+$0x0] =	vst.idx.msk vm0, v8  }
0x326: {  	v59 =	vor.u32 $0x3C, v7;
	v8 =	vld.idx.msk [tilespmem:v58+s20+$0x0], vm0  }
0x327: {  	v60 =	vadd.s32 $0x1E80, v6;
	_ =	sdelay $0x3  }
0x328: {  	[tilespmem:v59+s19+$0x0] =	vst.idx.msk vm0, v8  }
0x329: {  	v61 =	vor.u32 $0x3D, v7;
	v8 =	vld.idx.msk [tilespmem:v60+s20+$0x0], vm0  }
0x32a: {  	v62 =	vadd.s32 $0x1F00, v6;
	_ =	sdelay $0x3  }
0x32b: {  	[tilespmem:v61+s19+$0x0] =	vst.idx.msk vm0, v8  }
0x32c: {  	v63 =	vor.u32 $0x3E, v7;
	v8 =	vld.idx.msk [tilespmem:v62+s20+$0x0], vm0  }
0x32d: {  	v6 =	vadd.s32 $0x1F80, v6;
	_ =	sdelay $0x3  }
0x32e: {  	[tilespmem:v63+s19+$0x0] =	vst.idx.msk vm0, v8  }
0x32f: {  	v7 =	vor.u32 $0x3F, v7;
	v6 =	vld.idx.msk [tilespmem:v6+s20+$0x0], vm0  }
.Ltmp20:
0x330: {  	_ = 	snop;
	(pc) =	sbr.rel .LBB2_21-.Ltmp20, $2  }
0x331: {  	_ =	sdelay $0x2  }
0x332: {  	[tilespmem:v7+s19+$0x0] =	vst.idx.msk vm0, v6  }
.LBB2_23:
0x333: {  	_ =	sfence.sel $0x180000  }
0x334: {  	[bflag:$0x0] =	sbarrier.arrive $0xFFFF  }
0x335: {  	p0 =	sne.s32 s4, $0x0;
	_ =	strace $0x90000047  }
0x336: {  	s0 =	sadd.s32 @!p0 $0x100000, s0;
	[bflag:$0x2] =	sbarrier.arrive $0xFFFF  }
0x337: {  	[sflag:s0] =	ssyncadd.tile.s32 @!p0 $0x1;
	_ =	shalt  }
.Lfunc_end2:
_tile_overlayer_lowered:
.L_overlay_start_2:
0x338: {  	(tag) =	ssettag $0x2  }
0x339: {  	s0 =	rddreg [dreg:$0x0];
	s2 =	stileid.u32  }
0x33a: {  	s1 =	rddreg [dreg:$0x1];
	p0 =	sne.s32 s2, $0x0  }
0x33b: {  	s3 =	rddreg [dreg:$0x2];
	[bflag:$0x3] =	sbarrier.arrive $0xFFFF;
	s2 =	simm.s32 @!p0 $0x1C04  }
0x33c: {  	[timem:s3], [sflag:s2] =	dma.local @!p0 [hbm:s0], s1  }
0x33d: {  	s0 =	simm.s32 @!p0 $0x4  }
0x33e: {  	_ =	swait.ge @!p0 [sflag:s0], s1  }
0x33f: {  	s1 =	ssub.s32 @!p0 $0x0, s1;
	[sflag:s0] =	ssyncset.done @!p0 $0x0  }
0x340: {  	[sflag:s0] =	ssyncadd.s32 @!p0 s1  }
0x341: {  	[bflag:$0x3] =	sbarrier.arrive $0xFFFF  }
0x342: {  	_ =	shalt  }

</sc_bundles>
